<compile_context>
chip_gen: v7x
topology: tpu7x:2x2x1
jax: 0.10.2.dev20260603
libtpu: 0.0.44.dev20260713+nightly
codegen_flags: <defaults>
</compile_context>

<pallas_src>
import functools
import jax
import jax.numpy as jnp
from jax import lax
from jax.experimental import pallas as pl
from jax.experimental.pallas import tpu as pltpu
from jax.experimental.pallas import tpu_sc as plsc

N = 10000
E = 320000
DH = 128
NC = 2
NS = 16
K = 128
EPT = 20480
EP = NS * EPT
NCHUNK_AGG = EPT // K
SB = 32
NSB_AGG = NCHUNK_AGG // SB
SB_DEG = 16
NCHUNK_DEG = (EP // (NS * NC)) // K
NSB_DEG = NCHUNK_DEG // SB_DEG
NPAD = 10240
ROWS_PT = NPAD // NS

_mesh = plsc.VectorSubcoreMesh(core_axis_name="c", subcore_axis_name="s")



DW = DH


def _deg_body(dst_hbm, out_hbm, dst_v, buf, acc, ssem):
    c = lax.axis_index("c")
    s = lax.axis_index("s")
    zeros16 = jnp.zeros((16,), jnp.float32)
    ones16 = jnp.ones((16,), jnp.float32)

    def fillrow(r, carry):
        for k in range(DW // 16):
            buf[0, r, pl.ds(k * 16, 16)] = zeros16
            buf[1, r, pl.ds(k * 16, 16)] = ones16
        return carry
    lax.fori_loop(0, K, fillrow, 0)

    row0 = s * ROWS_PT
    for q in range(ROWS_PT // K):
        pltpu.sync_copy(buf.at[0], acc.at[pl.ds(row0 + q * K, K)])
    plsc.subcore_barrier()

    wid = s * NC + c

    def sblock(sb, carry):
        pltpu.sync_copy(dst_hbm.at[wid, sb], dst_v)

        def step(j, carry2):
            pltpu.async_copy(buf.at[1], acc.at[dst_v.at[j]], ssem, add=True)
            pltpu.make_async_copy(buf.at[1], acc.at[dst_v.at[j]], ssem).wait()
            return carry2
        lax.fori_loop(0, SB_DEG, step, 0)
        return carry
    lax.fori_loop(0, NSB_DEG, sblock, 0)

    plsc.subcore_barrier()
    pltpu.sync_copy(acc.at[pl.ds(row0, ROWS_PT)],
                    out_hbm.at[pl.ds(c * NPAD + row0, ROWS_PT)])


_deg_call = functools.partial(
    pl.kernel,
    out_type=jax.ShapeDtypeStruct((NC * NPAD, DW), jnp.float32),
    mesh=_mesh,
    scratch_types=[
        pltpu.VMEM((SB_DEG, K), jnp.int32),
        pltpu.VMEM((2, K, DW), jnp.float32),
        pltpu.VMEM_SHARED((NPAD, DW), jnp.float32),
        pltpu.SemaphoreType.DMA,
    ],
)(_deg_body)


def _agg_body(src_hbm, dst_hbm, g_hbm, out_hbm, src_v, dst_v, buf, acc,
              gsem0, gsem1, ssem0, ssem1):
    c = lax.axis_index("c")
    s = lax.axis_index("s")
    gsems = (gsem0, gsem1)
    ssems = (ssem0, ssem1)
    zeros16 = jnp.zeros((16,), jnp.float32)

    def zrow(r, carry):
        for k in range(DH // 16):
            buf[0, r, pl.ds(k * 16, 16)] = zeros16
        return carry
    lax.fori_loop(0, K, zrow, 0)

    row0 = s * ROWS_PT
    for q in range(ROWS_PT // K):
        pltpu.sync_copy(buf.at[0], acc.at[pl.ds(row0 + q * K, K)])

    off = c * NPAD
    plsc.subcore_barrier()

    def gather(j, b, sem):
        pltpu.async_copy(g_hbm.at[src_v.at[j]], buf.at[b], sem)

    def gwait(j, b, sem):
        pltpu.make_async_copy(g_hbm.at[src_v.at[j]], buf.at[b], sem).wait()

    def sissue(j, b, sem):
        pltpu.async_copy(buf.at[b], acc.at[dst_v.at[j]], sem, add=True)

    def swait(j, b, sem):
        pltpu.make_async_copy(buf.at[b], acc.at[dst_v.at[j]], sem).wait()

    def sblock(sb, carry):
        pltpu.sync_copy(src_hbm.at[s, sb], src_v)
        pltpu.sync_copy(dst_hbm.at[s, sb], dst_v)

        def addoff(r, carry2):
            for k in range(K // 16):
                sl = pl.ds(k * 16, 16)
                src_v[r, sl] = src_v[r, sl] + off
            return carry2
        lax.fori_loop(0, SB, addoff, 0)

        gather(0, 0, gsems[0])
        gather(1, 1, gsems[1])

        def pair(i, carry2):
            j0 = i * 2
            gwait(j0, 0, gsems[0])
            sissue(j0, 0, ssems[0])
            gwait(j0 + 1, 1, gsems[1])
            sissue(j0 + 1, 1, ssems[1])
            swait(j0, 0, ssems[0])
            gather(jnp.minimum(j0 + 2, SB - 1), 0, gsems[0])
            swait(j0 + 1, 1, ssems[1])
            gather(jnp.minimum(j0 + 3, SB - 1), 1, gsems[1])
            return carry2
        lax.fori_loop(0, SB // 2, pair, 0)

        gwait(SB - 1, 0, gsems[0])
        gwait(SB - 1, 1, gsems[1])
        return carry
    lax.fori_loop(0, NSB_AGG, sblock, 0)

    plsc.subcore_barrier()
    pltpu.sync_copy(acc.at[pl.ds(row0, ROWS_PT)],
                    out_hbm.at[pl.ds(c * NPAD + row0, ROWS_PT)])


_agg_call = functools.partial(
    pl.kernel,
    out_type=jax.ShapeDtypeStruct((NC * NPAD, DH), jnp.float32),
    mesh=_mesh,
    scratch_types=[
        pltpu.VMEM((SB, K), jnp.int32),
        pltpu.VMEM((SB, K), jnp.int32),
        pltpu.VMEM((2, K, DH), jnp.float32),
        pltpu.VMEM_SHARED((NPAD, DH), jnp.float32),
        pltpu.SemaphoreType.DMA,
        pltpu.SemaphoreType.DMA,
        pltpu.SemaphoreType.DMA,
        pltpu.SemaphoreType.DMA,
    ],
)(_agg_body)



R = 400
NB = N // R


def _dinv_block(deg_ref):
    d = deg_ref[0, :, 0:1] + deg_ref[1, :, 0:1] + 1.0
    return jnp.where(d > 0, lax.rsqrt(jnp.maximum(d, 1e-12)), 0.0)


def _mm1_body(deg_ref, x_ref, w_ref, o_ref):
    dinv = _dinv_block(deg_ref)
    h = jnp.dot(x_ref[...], w_ref[...], preferred_element_type=jnp.float32)
    g = h * dinv
    o_ref[0] = g[:, :DH]
    o_ref[1] = g[:, DH:]


def _layer_body(deg_ref, agg_ref, g_ref, b_ref, w_ref, o_ref):
    dinv = _dinv_block(deg_ref)
    x0 = jnp.maximum((agg_ref[0] + g_ref[0]) * dinv + b_ref[0, :DH], 0.0)
    x1 = jnp.maximum((agg_ref[1] + g_ref[1]) * dinv + b_ref[0, DH:], 0.0)
    x = jnp.concatenate([x0, x1], axis=1)
    h = jnp.dot(x, w_ref[...], preferred_element_type=jnp.float32)
    g = h * dinv
    o_ref[0] = g[:, :DH]
    o_ref[1] = g[:, DH:]


def _final_body(deg_ref, agg_ref, g_ref, b_ref, o_ref):
    dinv = _dinv_block(deg_ref)
    x0 = (agg_ref[0] + g_ref[0]) * dinv + b_ref[0, :DH]
    x1 = (agg_ref[1] + g_ref[1]) * dinv + b_ref[0, DH:]
    o_ref[...] = jnp.concatenate([x0, x1], axis=1)


_deg_spec = pl.BlockSpec((2, R, DH), lambda j: (0, j, 0))
_half_spec = pl.BlockSpec((2, R, DH), lambda j: (0, j, 0))
_b_spec = pl.BlockSpec((1, 2 * DH), lambda j: (0, 0))


def _mm1(deg2, x, W1):
    return pl.pallas_call(
        _mm1_body,
        grid=(NB,),
        in_specs=[
            _deg_spec,
            pl.BlockSpec((R, 128), lambda j: (j, 0)),
            pl.BlockSpec((128, 2 * DH), lambda j: (0, 0)),
        ],
        out_specs=_half_spec,
        out_shape=jax.ShapeDtypeStruct((2, NPAD, DH), jnp.float32),
    )(deg2, x, W1)


def _layer(deg2, agg, g, b, W):
    return pl.pallas_call(
        _layer_body,
        grid=(NB,),
        in_specs=[
            _deg_spec,
            _half_spec,
            _half_spec,
            _b_spec,
            pl.BlockSpec((2 * DH, 2 * DH), lambda j: (0, 0)),
        ],
        out_specs=_half_spec,
        out_shape=jax.ShapeDtypeStruct((2, NPAD, DH), jnp.float32),
    )(deg2, agg, g, b, W)


def _final(deg2, agg, g, b):
    return pl.pallas_call(
        _final_body,
        grid=(NB,),
        in_specs=[_deg_spec, _half_spec, _half_spec, _b_spec],
        out_specs=pl.BlockSpec((R, 2 * DH), lambda j: (j, 0)),
        out_shape=jax.ShapeDtypeStruct((N, 2 * DH), jnp.float32),
    )(deg2, agg, g, b)



def kernel(x, edge_index, W1, b1, W2, b2, W3, b3):
    npad_e = EP - E
    pad_src = jnp.arange(npad_e, dtype=jnp.int32) % N
    pad_dst = N + jnp.arange(npad_e, dtype=jnp.int32) % (NPAD - N)
    src_p = jnp.concatenate([edge_index[0], pad_src])
    dst_p = jnp.concatenate([edge_index[1], pad_dst])
    src_r = src_p.reshape(NS, NSB_AGG, SB, K)
    dst_r = dst_p.reshape(NS, NSB_AGG, SB, K)
    b1r = b1.reshape(1, 2 * DH)
    b2r = b2.reshape(1, 2 * DH)
    b3r = b3.reshape(1, 2 * DH)

    dst_d = dst_p.reshape(NS * NC, NSB_DEG, SB_DEG, K)
    deg2 = _deg_call(dst_d).reshape(2, NPAD, DH)

    g1 = _mm1(deg2, x, W1)
    agg1 = _agg_call(src_r, dst_r, g1.reshape(NC * NPAD, DH)).reshape(2, NPAD, DH)
    g2 = _layer(deg2, agg1, g1, b1r, W2)
    agg2 = _agg_call(src_r, dst_r, g2.reshape(NC * NPAD, DH)).reshape(2, NPAD, DH)
    g3 = _layer(deg2, agg2, g2, b2r, W3)
    agg3 = _agg_call(src_r, dst_r, g3.reshape(NC * NPAD, DH)).reshape(2, NPAD, DH)
    return _final(deg2, agg3, g3, b3r)

# --- scband reference (transcript-rebuilt; emitter-appended) ---
"""Pipeline reference for scband-gcn-40029095199334 (READ-ONLY COPY).

The authoritative reference and input builder live on the scoring server;
editing this copy changes nothing except your own understanding.
"""

import jax, jax.numpy as jnp
import numpy as np

N_NODES = 10000
N_EDGES = 320000
D_IN = 128
D_HID = 256


def setup_inputs(seed: int = 0) -> dict:
    key = jax.random.key(seed)
    ks = jax.random.split(key, 10)
    x = jax.random.normal(ks[0], (N_NODES, D_IN), dtype=jnp.float32)
    edge_index = jax.random.randint(ks[1], (2, N_EDGES), 0, N_NODES, dtype=jnp.int64 if jax.config.jax_enable_x64 else jnp.int32).astype(jnp.int32)
    W1 = jax.random.normal(ks[2], (D_IN, D_HID), dtype=jnp.float32) * (1.0 / np.sqrt(D_IN))
    b1 = jnp.zeros((D_HID,), dtype=jnp.float32)
    W2 = jax.random.normal(ks[3], (D_HID, D_HID), dtype=jnp.float32) * (1.0 / np.sqrt(D_HID))
    b2 = jnp.zeros((D_HID,), dtype=jnp.float32)
    W3 = jax.random.normal(ks[4], (D_HID, D_HID), dtype=jnp.float32) * (1.0 / np.sqrt(D_HID))
    b3 = jnp.zeros((D_HID,), dtype=jnp.float32)
    return {"x": x, "edge_index": edge_index, "W1": W1, "b1": b1, "W2": W2, "b2": b2, "W3": W3, "b3": b3}


def _gcn_conv(x, W, b, src, dst, n):
    # GCNConv: linear transform, add self-loops, symmetric normalization, scatter-add aggregate
    h = x @ W
    loop = jnp.arange(n, dtype=src.dtype)
    src2 = jnp.concatenate([src, loop])
    dst2 = jnp.concatenate([dst, loop])
    deg = jax.ops.segment_sum(jnp.ones_like(dst2, dtype=h.dtype), dst2, num_segments=n)
    dinv = jnp.where(deg > 0, jax.lax.rsqrt(jnp.maximum(deg, 1e-12)), 0.0)
    norm = dinv[src2] * dinv[dst2]
    msg = h[src2] * norm[:, None]
    out = jax.ops.segment_sum(msg, dst2, num_segments=n)
    return out + b


def reference(x, edge_index, W1, b1, W2, b2, W3, b3):
    # dropout is a no-op in eval mode
    src = edge_index[0]
    dst = edge_index[1]
    n = x.shape[0]
    h = jax.nn.relu(_gcn_conv(x, W1, b1, src, dst, n))
    h = jax.nn.relu(_gcn_conv(h, W2, b2, src, dst, n))
    h = _gcn_conv(h, W3, b3, src, dst, n)
    return h

if __name__ == "__main__":
    import jax
    _d = setup_inputs()
    print(jax.jit(kernel)(*tuple(_d.values())))

</pallas_src>

<mosaic_0001>
#map = affine_map<(d0, d1) -> (0, 0, 0, 0)>
#map1 = affine_map<(d0, d1) -> (0, 0)>
module attributes {stable_mosaic.version = 14 : i64} {
  func.func @_deg_body(%arg0: i32, %arg1: i32, %arg2: memref<32x5x16x128xi32, #tpu.memory_space<hbm>>, %arg3: memref<20480x128xf32, #tpu.memory_space<hbm>>, %arg4: memref<16x128xi32, #tpu.memory_space<vmem>>, %arg5: memref<2x128x128xf32, #tpu.memory_space<vmem>>, %arg6: memref<10240x128xf32, #tpu.memory_space<vmem_shared>>, %arg7: memref<!tpu.dma_semaphore, #tpu.memory_space<semaphore_mem>>) attributes {dimension_semantics = [#tpu.dimension_semantics<core_parallel>, #tpu.dimension_semantics<subcore_parallel>], iteration_bounds = array<i64: 2, 16>, scalar_prefetch = 0 : i64, scratch_operands = 4 : i64, tpu.core_type = #tpu.core_type<sc_vector_subcore>, window_params = [{transform_indices = #map}, {transform_indices = #map1}]} {
    %broadcast_in_dim3A = arith.constant 0.000000e+00 : f32
    %broadcast_in_dim3A_0 = vector.broadcast %broadcast_in_dim3A : f32 to vector<16xf32>
    %broadcast_in_dim3A_1 = arith.constant 1.000000e+00 : f32
    %broadcast_in_dim3A_2 = vector.broadcast %broadcast_in_dim3A_1 : f32 to vector<16xf32>
    %scan3A = arith.constant 0 : i32
    %scan3A_3 = arith.constant 0 : i32
    %scan3A_4 = arith.constant 128 : i32
    %scan3A_5 = arith.addi %scan3A_3, %scan3A_4 : i32
    %scan3A_6 = arith.constant 1 : i32
    scf.for %scan3A_35 = %scan3A_3 to %scan3A_5 step %scan3A_6  : i32 {
      %swap3A = arith.constant 0 : i32
      %swap3A_36 = arith.index_cast %swap3A : i32 to index
      %swap3A_37 = arith.index_cast %scan3A_35 : i32 to index
      %swap3A_38 = arith.constant 0 : index
      %swap3A_39 = tpu.vector_load %arg5[%swap3A_36, %swap3A_37, %swap3A_38] {strides = array<i32>} : memref<2x128x128xf32, #tpu.memory_space<vmem>>, vector<1x1x16xf32>,
      %swap3A_40 = vector.shape_cast %swap3A_39 : vector<1x1x16xf32> to vector<16xf32>
      %swap3A_41 = vector.shape_cast %broadcast_in_dim3A_0 : vector<16xf32> to vector<1x1x16xf32>
      tpu.vector_store %arg5[%swap3A_36, %swap3A_37, %swap3A_38], %swap3A_41 {strides = array<i32>} : memref<2x128x128xf32, #tpu.memory_space<vmem>>, vector<1x1x16xf32>,
      %swap3A_42 = arith.constant 1 : i32
      %swap3A_43 = arith.index_cast %swap3A_42 : i32 to index
      %swap3A_44 = arith.index_cast %scan3A_35 : i32 to index
      %swap3A_45 = arith.constant 0 : index
      %swap3A_46 = tpu.vector_load %arg5[%swap3A_43, %swap3A_44, %swap3A_45] {strides = array<i32>} : memref<2x128x128xf32, #tpu.memory_space<vmem>>, vector<1x1x16xf32>,
      %swap3A_47 = vector.shape_cast %swap3A_46 : vector<1x1x16xf32> to vector<16xf32>
      %swap3A_48 = vector.shape_cast %broadcast_in_dim3A_2 : vector<16xf32> to vector<1x1x16xf32>
      tpu.vector_store %arg5[%swap3A_43, %swap3A_44, %swap3A_45], %swap3A_48 {strides = array<i32>} : memref<2x128x128xf32, #tpu.memory_space<vmem>>, vector<1x1x16xf32>,
      %swap3A_49 = arith.constant 0 : i32
      %swap3A_50 = arith.index_cast %swap3A_49 : i32 to index
      %swap3A_51 = arith.index_cast %scan3A_35 : i32 to index
      %swap3A_52 = arith.constant 16 : index
      %swap3A_53 = tpu.vector_load %arg5[%swap3A_50, %swap3A_51, %swap3A_52] {strides = array<i32>} : memref<2x128x128xf32, #tpu.memory_space<vmem>>, vector<1x1x16xf32>,
      %swap3A_54 = vector.shape_cast %swap3A_53 : vector<1x1x16xf32> to vector<16xf32>
      %swap3A_55 = vector.shape_cast %broadcast_in_dim3A_0 : vector<16xf32> to vector<1x1x16xf32>
      tpu.vector_store %arg5[%swap3A_50, %swap3A_51, %swap3A_52], %swap3A_55 {strides = array<i32>} : memref<2x128x128xf32, #tpu.memory_space<vmem>>, vector<1x1x16xf32>,
      %swap3A_56 = arith.constant 1 : i32
      %swap3A_57 = arith.index_cast %swap3A_56 : i32 to index
      %swap3A_58 = arith.index_cast %scan3A_35 : i32 to index
      %swap3A_59 = arith.constant 16 : index
      %swap3A_60 = tpu.vector_load %arg5[%swap3A_57, %swap3A_58, %swap3A_59] {strides = array<i32>} : memref<2x128x128xf32, #tpu.memory_space<vmem>>, vector<1x1x16xf32>,
      %swap3A_61 = vector.shape_cast %swap3A_60 : vector<1x1x16xf32> to vector<16xf32>
      %swap3A_62 = vector.shape_cast %broadcast_in_dim3A_2 : vector<16xf32> to vector<1x1x16xf32>
      tpu.vector_store %arg5[%swap3A_57, %swap3A_58, %swap3A_59], %swap3A_62 {strides = array<i32>} : memref<2x128x128xf32, #tpu.memory_space<vmem>>, vector<1x1x16xf32>,
      %swap3A_63 = arith.constant 0 : i32
      %swap3A_64 = arith.index_cast %swap3A_63 : i32 to index
      %swap3A_65 = arith.index_cast %scan3A_35 : i32 to index
      %swap3A_66 = arith.constant 32 : index
      %swap3A_67 = tpu.vector_load %arg5[%swap3A_64, %swap3A_65, %swap3A_66] {strides = array<i32>} : memref<2x128x128xf32, #tpu.memory_space<vmem>>, vector<1x1x16xf32>,
      %swap3A_68 = vector.shape_cast %swap3A_67 : vector<1x1x16xf32> to vector<16xf32>
      %swap3A_69 = vector.shape_cast %broadcast_in_dim3A_0 : vector<16xf32> to vector<1x1x16xf32>
      tpu.vector_store %arg5[%swap3A_64, %swap3A_65, %swap3A_66], %swap3A_69 {strides = array<i32>} : memref<2x128x128xf32, #tpu.memory_space<vmem>>, vector<1x1x16xf32>,
      %swap3A_70 = arith.constant 1 : i32
      %swap3A_71 = arith.index_cast %swap3A_70 : i32 to index
      %swap3A_72 = arith.index_cast %scan3A_35 : i32 to index
      %swap3A_73 = arith.constant 32 : index
      %swap3A_74 = tpu.vector_load %arg5[%swap3A_71, %swap3A_72, %swap3A_73] {strides = array<i32>} : memref<2x128x128xf32, #tpu.memory_space<vmem>>, vector<1x1x16xf32>,
      %swap3A_75 = vector.shape_cast %swap3A_74 : vector<1x1x16xf32> to vector<16xf32>
      %swap3A_76 = vector.shape_cast %broadcast_in_dim3A_2 : vector<16xf32> to vector<1x1x16xf32>
      tpu.vector_store %arg5[%swap3A_71, %swap3A_72, %swap3A_73], %swap3A_76 {strides = array<i32>} : memref<2x128x128xf32, #tpu.memory_space<vmem>>, vector<1x1x16xf32>,
      %swap3A_77 = arith.constant 0 : i32
      %swap3A_78 = arith.index_cast %swap3A_77 : i32 to index
      %swap3A_79 = arith.index_cast %scan3A_35 : i32 to index
      %swap3A_80 = arith.constant 48 : index
      %swap3A_81 = tpu.vector_load %arg5[%swap3A_78, %swap3A_79, %swap3A_80] {strides = array<i32>} : memref<2x128x128xf32, #tpu.memory_space<vmem>>, vector<1x1x16xf32>,
      %swap3A_82 = vector.shape_cast %swap3A_81 : vector<1x1x16xf32> to vector<16xf32>
      %swap3A_83 = vector.shape_cast %broadcast_in_dim3A_0 : vector<16xf32> to vector<1x1x16xf32>
      tpu.vector_store %arg5[%swap3A_78, %swap3A_79, %swap3A_80], %swap3A_83 {strides = array<i32>} : memref<2x128x128xf32, #tpu.memory_space<vmem>>, vector<1x1x16xf32>,
      %swap3A_84 = arith.constant 1 : i32
      %swap3A_85 = arith.index_cast %swap3A_84 : i32 to index
      %swap3A_86 = arith.index_cast %scan3A_35 : i32 to index
      %swap3A_87 = arith.constant 48 : index
      %swap3A_88 = tpu.vector_load %arg5[%swap3A_85, %swap3A_86, %swap3A_87] {strides = array<i32>} : memref<2x128x128xf32, #tpu.memory_space<vmem>>, vector<1x1x16xf32>,
      %swap3A_89 = vector.shape_cast %swap3A_88 : vector<1x1x16xf32> to vector<16xf32>
      %swap3A_90 = vector.shape_cast %broadcast_in_dim3A_2 : vector<16xf32> to vector<1x1x16xf32>
      tpu.vector_store %arg5[%swap3A_85, %swap3A_86, %swap3A_87], %swap3A_90 {strides = array<i32>} : memref<2x128x128xf32, #tpu.memory_space<vmem>>, vector<1x1x16xf32>,
      %swap3A_91 = arith.constant 0 : i32
      %swap3A_92 = arith.index_cast %swap3A_91 : i32 to index
      %swap3A_93 = arith.index_cast %scan3A_35 : i32 to index
      %swap3A_94 = arith.constant 64 : index
      %swap3A_95 = tpu.vector_load %arg5[%swap3A_92, %swap3A_93, %swap3A_94] {strides = array<i32>} : memref<2x128x128xf32, #tpu.memory_space<vmem>>, vector<1x1x16xf32>,
      %swap3A_96 = vector.shape_cast %swap3A_95 : vector<1x1x16xf32> to vector<16xf32>
      %swap3A_97 = vector.shape_cast %broadcast_in_dim3A_0 : vector<16xf32> to vector<1x1x16xf32>
      tpu.vector_store %arg5[%swap3A_92, %swap3A_93, %swap3A_94], %swap3A_97 {strides = array<i32>} : memref<2x128x128xf32, #tpu.memory_space<vmem>>, vector<1x1x16xf32>,
      %swap3A_98 = arith.constant 1 : i32
      %swap3A_99 = arith.index_cast %swap3A_98 : i32 to index
      %swap3A_100 = arith.index_cast %scan3A_35 : i32 to index
      %swap3A_101 = arith.constant 64 : index
      %swap3A_102 = tpu.vector_load %arg5[%swap3A_99, %swap3A_100, %swap3A_101] {strides = array<i32>} : memref<2x128x128xf32, #tpu.memory_space<vmem>>, vector<1x1x16xf32>,
      %swap3A_103 = vector.shape_cast %swap3A_102 : vector<1x1x16xf32> to vector<16xf32>
      %swap3A_104 = vector.shape_cast %broadcast_in_dim3A_2 : vector<16xf32> to vector<1x1x16xf32>
      tpu.vector_store %arg5[%swap3A_99, %swap3A_100, %swap3A_101], %swap3A_104 {strides = array<i32>} : memref<2x128x128xf32, #tpu.memory_space<vmem>>, vector<1x1x16xf32>,
      %swap3A_105 = arith.constant 0 : i32
      %swap3A_106 = arith.index_cast %swap3A_105 : i32 to index
      %swap3A_107 = arith.index_cast %scan3A_35 : i32 to index
      %swap3A_108 = arith.constant 80 : index
      %swap3A_109 = tpu.vector_load %arg5[%swap3A_106, %swap3A_107, %swap3A_108] {strides = array<i32>} : memref<2x128x128xf32, #tpu.memory_space<vmem>>, vector<1x1x16xf32>,
      %swap3A_110 = vector.shape_cast %swap3A_109 : vector<1x1x16xf32> to vector<16xf32>
      %swap3A_111 = vector.shape_cast %broadcast_in_dim3A_0 : vector<16xf32> to vector<1x1x16xf32>
      tpu.vector_store %arg5[%swap3A_106, %swap3A_107, %swap3A_108], %swap3A_111 {strides = array<i32>} : memref<2x128x128xf32, #tpu.memory_space<vmem>>, vector<1x1x16xf32>,
      %swap3A_112 = arith.constant 1 : i32
      %swap3A_113 = arith.index_cast %swap3A_112 : i32 to index
      %swap3A_114 = arith.index_cast %scan3A_35 : i32 to index
      %swap3A_115 = arith.constant 80 : index
      %swap3A_116 = tpu.vector_load %arg5[%swap3A_113, %swap3A_114, %swap3A_115] {strides = array<i32>} : memref<2x128x128xf32, #tpu.memory_space<vmem>>, vector<1x1x16xf32>,
      %swap3A_117 = vector.shape_cast %swap3A_116 : vector<1x1x16xf32> to vector<16xf32>
      %swap3A_118 = vector.shape_cast %broadcast_in_dim3A_2 : vector<16xf32> to vector<1x1x16xf32>
      tpu.vector_store %arg5[%swap3A_113, %swap3A_114, %swap3A_115], %swap3A_118 {strides = array<i32>} : memref<2x128x128xf32, #tpu.memory_space<vmem>>, vector<1x1x16xf32>,
      %swap3A_119 = arith.constant 0 : i32
      %swap3A_120 = arith.index_cast %swap3A_119 : i32 to index
      %swap3A_121 = arith.index_cast %scan3A_35 : i32 to index
      %swap3A_122 = arith.constant 96 : index
      %swap3A_123 = tpu.vector_load %arg5[%swap3A_120, %swap3A_121, %swap3A_122] {strides = array<i32>} : memref<2x128x128xf32, #tpu.memory_space<vmem>>, vector<1x1x16xf32>,
      %swap3A_124 = vector.shape_cast %swap3A_123 : vector<1x1x16xf32> to vector<16xf32>
      %swap3A_125 = vector.shape_cast %broadcast_in_dim3A_0 : vector<16xf32> to vector<1x1x16xf32>
      tpu.vector_store %arg5[%swap3A_120, %swap3A_121, %swap3A_122], %swap3A_125 {strides = array<i32>} : memref<2x128x128xf32, #tpu.memory_space<vmem>>, vector<1x1x16xf32>,
      %swap3A_126 = arith.constant 1 : i32
      %swap3A_127 = arith.index_cast %swap3A_126 : i32 to index
      %swap3A_128 = arith.index_cast %scan3A_35 : i32 to index
      %swap3A_129 = arith.constant 96 : index
      %swap3A_130 = tpu.vector_load %arg5[%swap3A_127, %swap3A_128, %swap3A_129] {strides = array<i32>} : memref<2x128x128xf32, #tpu.memory_space<vmem>>, vector<1x1x16xf32>,
      %swap3A_131 = vector.shape_cast %swap3A_130 : vector<1x1x16xf32> to vector<16xf32>
      %swap3A_132 = vector.shape_cast %broadcast_in_dim3A_2 : vector<16xf32> to vector<1x1x16xf32>
      tpu.vector_store %arg5[%swap3A_127, %swap3A_128, %swap3A_129], %swap3A_132 {strides = array<i32>} : memref<2x128x128xf32, #tpu.memory_space<vmem>>, vector<1x1x16xf32>,
      %swap3A_133 = arith.constant 0 : i32
      %swap3A_134 = arith.index_cast %swap3A_133 : i32 to index
      %swap3A_135 = arith.index_cast %scan3A_35 : i32 to index
      %swap3A_136 = arith.constant 112 : index
      %swap3A_137 = tpu.vector_load %arg5[%swap3A_134, %swap3A_135, %swap3A_136] {strides = array<i32>} : memref<2x128x128xf32, #tpu.memory_space<vmem>>, vector<1x1x16xf32>,
      %swap3A_138 = vector.shape_cast %swap3A_137 : vector<1x1x16xf32> to vector<16xf32>
      %swap3A_139 = vector.shape_cast %broadcast_in_dim3A_0 : vector<16xf32> to vector<1x1x16xf32>
      tpu.vector_store %arg5[%swap3A_134, %swap3A_135, %swap3A_136], %swap3A_139 {strides = array<i32>} : memref<2x128x128xf32, #tpu.memory_space<vmem>>, vector<1x1x16xf32>,
      %swap3A_140 = arith.constant 1 : i32
      %swap3A_141 = arith.index_cast %swap3A_140 : i32 to index
      %swap3A_142 = arith.index_cast %scan3A_35 : i32 to index
      %swap3A_143 = arith.constant 112 : index
      %swap3A_144 = tpu.vector_load %arg5[%swap3A_141, %swap3A_142, %swap3A_143] {strides = array<i32>} : memref<2x128x128xf32, #tpu.memory_space<vmem>>, vector<1x1x16xf32>,
      %swap3A_145 = vector.shape_cast %swap3A_144 : vector<1x1x16xf32> to vector<16xf32>
      %swap3A_146 = vector.shape_cast %broadcast_in_dim3A_2 : vector<16xf32> to vector<1x1x16xf32>
      tpu.vector_store %arg5[%swap3A_141, %swap3A_142, %swap3A_143], %swap3A_146 {strides = array<i32>} : memref<2x128x128xf32, #tpu.memory_space<vmem>>, vector<1x1x16xf32>,
    }
    %scan3A_7 = arith.constant 128 : i32
    %mul3A = arith.constant 640 : i32
    %mul3A_8 = arith.muli %arg1, %mul3A : i32
    %add3A = arith.constant 0 : i32
    %add3A_9 = arith.addi %mul3A_8, %add3A : i32
    %run_scoped3A = arith.constant 0 : i32
    "tpu.region"() ({
      %run_scoped3A_35 = tpu.sem_alloc : memref<!tpu.dma_semaphore, #tpu.memory_space<semaphore_mem>>
      %dma_start3A = arith.constant 0 : i32
      %dma_start3A_36 = arith.constant 0 : i32
      %dma_start3A_37 = tpu.memref_slice %arg5[%run_scoped3A, %dma_start3A, %dma_start3A_36] : memref<2x128x128xf32, #tpu.memory_space<vmem>> -> memref<1x128x128xf32, #tpu.memory_space<vmem>>
      %dma_start3A_38 = tpu.memref_squeeze %dma_start3A_37 : memref<1x128x128xf32, #tpu.memory_space<vmem>> -> memref<128x128xf32, #tpu.memory_space<vmem>>
      %dma_start3A_39 = arith.constant 0 : i32
      %dma_start3A_40 = tpu.memref_slice %arg6[%add3A_9, %dma_start3A_39] : memref<10240x128xf32, #tpu.memory_space<vmem_shared>> -> memref<128x128xf32, #tpu.memory_space<vmem_shared>>
      %dma_start3A_41 = arith.constant 0 : i32
      %dma_start3A_42 = tpu.memref_slice %arg6[%add3A_9, %dma_start3A_41] : memref<10240x128xf32, #tpu.memory_space<vmem_shared>> -> memref<128x128xf32, #tpu.memory_space<vmem_shared>>
      %dma_start3A_43 = arith.constant 0 : i32
      %dma_start3A_44 = arith.constant 0 : i32
      %dma_start3A_45 = tpu.memref_slice %arg5[%run_scoped3A, %dma_start3A_43, %dma_start3A_44] : memref<2x128x128xf32, #tpu.memory_space<vmem>> -> memref<1x128x128xf32, #tpu.memory_space<vmem>>
      %dma_start3A_46 = tpu.memref_squeeze %dma_start3A_45 : memref<1x128x128xf32, #tpu.memory_space<vmem>> -> memref<128x128xf32, #tpu.memory_space<vmem>>
      tpu.enqueue_dma source(%dma_start3A_46 : memref<128x128xf32, #tpu.memory_space<vmem>>) target(%dma_start3A_42 : memref<128x128xf32, #tpu.memory_space<vmem_shared>>) target_semaphore(%run_scoped3A_35 : memref<!tpu.dma_semaphore, #tpu.memory_space<semaphore_mem>>)
      %dma_wait3A = arith.constant 0 : i32
      %dma_wait3A_47 = arith.constant 0 : i32
      %dma_wait3A_48 = tpu.memref_slice %arg5[%run_scoped3A, %dma_wait3A, %dma_wait3A_47] : memref<2x128x128xf32, #tpu.memory_space<vmem>> -> memref<1x128x128xf32, #tpu.memory_space<vmem>>
      %dma_wait3A_49 = tpu.memref_squeeze %dma_wait3A_48 : memref<1x128x128xf32, #tpu.memory_space<vmem>> -> memref<128x128xf32, #tpu.memory_space<vmem>>
      %dma_wait3A_50 = arith.constant 0 : i32
      %dma_wait3A_51 = tpu.memref_slice %arg6[%add3A_9, %dma_wait3A_50] : memref<10240x128xf32, #tpu.memory_space<vmem_shared>> -> memref<128x128xf32, #tpu.memory_space<vmem_shared>>
      %dma_wait3A_52 = arith.constant 0 : i32
      %dma_wait3A_53 = tpu.memref_slice %arg6[%add3A_9, %dma_wait3A_52] : memref<10240x128xf32, #tpu.memory_space<vmem_shared>> -> memref<128x128xf32, #tpu.memory_space<vmem_shared>>
      %dma_wait3A_54 = arith.constant 0 : i32
      %dma_wait3A_55 = arith.constant 0 : i32
      %dma_wait3A_56 = tpu.memref_slice %arg5[%run_scoped3A, %dma_wait3A_54, %dma_wait3A_55] : memref<2x128x128xf32, #tpu.memory_space<vmem>> -> memref<1x128x128xf32, #tpu.memory_space<vmem>>
      %dma_wait3A_57 = tpu.memref_squeeze %dma_wait3A_56 : memref<1x128x128xf32, #tpu.memory_space<vmem>> -> memref<128x128xf32, #tpu.memory_space<vmem>>
      tpu.wait_dma2 semaphore(%run_scoped3A_35 : memref<!tpu.dma_semaphore, #tpu.memory_space<semaphore_mem>>) src(%dma_wait3A_57 : memref<128x128xf32, #tpu.memory_space<vmem>>) dst(%dma_wait3A_53 : memref<128x128xf32, #tpu.memory_space<vmem_shared>>)
      tpu.yield
    }) : () -> ()
    %add3A_10 = arith.constant 128 : i32
    %add3A_11 = arith.addi %mul3A_8, %add3A_10 : i32
    %run_scoped3A_12 = arith.constant 0 : i32
    "tpu.region"() ({
      %run_scoped3A_35 = tpu.sem_alloc : memref<!tpu.dma_semaphore, #tpu.memory_space<semaphore_mem>>
      %dma_start3A = arith.constant 0 : i32
      %dma_start3A_36 = arith.constant 0 : i32
      %dma_start3A_37 = tpu.memref_slice %arg5[%run_scoped3A_12, %dma_start3A, %dma_start3A_36] : memref<2x128x128xf32, #tpu.memory_space<vmem>> -> memref<1x128x128xf32, #tpu.memory_space<vmem>>
      %dma_start3A_38 = tpu.memref_squeeze %dma_start3A_37 : memref<1x128x128xf32, #tpu.memory_space<vmem>> -> memref<128x128xf32, #tpu.memory_space<vmem>>
      %dma_start3A_39 = arith.constant 0 : i32
      %dma_start3A_40 = tpu.memref_slice %arg6[%add3A_11, %dma_start3A_39] : memref<10240x128xf32, #tpu.memory_space<vmem_shared>> -> memref<128x128xf32, #tpu.memory_space<vmem_shared>>
      %dma_start3A_41 = arith.constant 0 : i32
      %dma_start3A_42 = tpu.memref_slice %arg6[%add3A_11, %dma_start3A_41] : memref<10240x128xf32, #tpu.memory_space<vmem_shared>> -> memref<128x128xf32, #tpu.memory_space<vmem_shared>>
      %dma_start3A_43 = arith.constant 0 : i32
      %dma_start3A_44 = arith.constant 0 : i32
      %dma_start3A_45 = tpu.memref_slice %arg5[%run_scoped3A_12, %dma_start3A_43, %dma_start3A_44] : memref<2x128x128xf32, #tpu.memory_space<vmem>> -> memref<1x128x128xf32, #tpu.memory_space<vmem>>
      %dma_start3A_46 = tpu.memref_squeeze %dma_start3A_45 : memref<1x128x128xf32, #tpu.memory_space<vmem>> -> memref<128x128xf32, #tpu.memory_space<vmem>>
      tpu.enqueue_dma source(%dma_start3A_46 : memref<128x128xf32, #tpu.memory_space<vmem>>) target(%dma_start3A_42 : memref<128x128xf32, #tpu.memory_space<vmem_shared>>) target_semaphore(%run_scoped3A_35 : memref<!tpu.dma_semaphore, #tpu.memory_space<semaphore_mem>>)
      %dma_wait3A = arith.constant 0 : i32
      %dma_wait3A_47 = arith.constant 0 : i32
      %dma_wait3A_48 = tpu.memref_slice %arg5[%run_scoped3A_12, %dma_wait3A, %dma_wait3A_47] : memref<2x128x128xf32, #tpu.memory_space<vmem>> -> memref<1x128x128xf32, #tpu.memory_space<vmem>>
      %dma_wait3A_49 = tpu.memref_squeeze %dma_wait3A_48 : memref<1x128x128xf32, #tpu.memory_space<vmem>> -> memref<128x128xf32, #tpu.memory_space<vmem>>
      %dma_wait3A_50 = arith.constant 0 : i32
      %dma_wait3A_51 = tpu.memref_slice %arg6[%add3A_11, %dma_wait3A_50] : memref<10240x128xf32, #tpu.memory_space<vmem_shared>> -> memref<128x128xf32, #tpu.memory_space<vmem_shared>>
      %dma_wait3A_52 = arith.constant 0 : i32
      %dma_wait3A_53 = tpu.memref_slice %arg6[%add3A_11, %dma_wait3A_52] : memref<10240x128xf32, #tpu.memory_space<vmem_shared>> -> memref<128x128xf32, #tpu.memory_space<vmem_shared>>
      %dma_wait3A_54 = arith.constant 0 : i32
      %dma_wait3A_55 = arith.constant 0 : i32
      %dma_wait3A_56 = tpu.memref_slice %arg5[%run_scoped3A_12, %dma_wait3A_54, %dma_wait3A_55] : memref<2x128x128xf32, #tpu.memory_space<vmem>> -> memref<1x128x128xf32, #tpu.memory_space<vmem>>
      %dma_wait3A_57 = tpu.memref_squeeze %dma_wait3A_56 : memref<1x128x128xf32, #tpu.memory_space<vmem>> -> memref<128x128xf32, #tpu.memory_space<vmem>>
      tpu.wait_dma2 semaphore(%run_scoped3A_35 : memref<!tpu.dma_semaphore, #tpu.memory_space<semaphore_mem>>) src(%dma_wait3A_57 : memref<128x128xf32, #tpu.memory_space<vmem>>) dst(%dma_wait3A_53 : memref<128x128xf32, #tpu.memory_space<vmem_shared>>)
      tpu.yield
    }) : () -> ()
    %add3A_13 = arith.constant 256 : i32
    %add3A_14 = arith.addi %mul3A_8, %add3A_13 : i32
    %run_scoped3A_15 = arith.constant 0 : i32
    "tpu.region"() ({
      %run_scoped3A_35 = tpu.sem_alloc : memref<!tpu.dma_semaphore, #tpu.memory_space<semaphore_mem>>
      %dma_start3A = arith.constant 0 : i32
      %dma_start3A_36 = arith.constant 0 : i32
      %dma_start3A_37 = tpu.memref_slice %arg5[%run_scoped3A_15, %dma_start3A, %dma_start3A_36] : memref<2x128x128xf32, #tpu.memory_space<vmem>> -> memref<1x128x128xf32, #tpu.memory_space<vmem>>
      %dma_start3A_38 = tpu.memref_squeeze %dma_start3A_37 : memref<1x128x128xf32, #tpu.memory_space<vmem>> -> memref<128x128xf32, #tpu.memory_space<vmem>>
      %dma_start3A_39 = arith.constant 0 : i32
      %dma_start3A_40 = tpu.memref_slice %arg6[%add3A_14, %dma_start3A_39] : memref<10240x128xf32, #tpu.memory_space<vmem_shared>> -> memref<128x128xf32, #tpu.memory_space<vmem_shared>>
      %dma_start3A_41 = arith.constant 0 : i32
      %dma_start3A_42 = tpu.memref_slice %arg6[%add3A_14, %dma_start3A_41] : memref<10240x128xf32, #tpu.memory_space<vmem_shared>> -> memref<128x128xf32, #tpu.memory_space<vmem_shared>>
      %dma_start3A_43 = arith.constant 0 : i32
      %dma_start3A_44 = arith.constant 0 : i32
      %dma_start3A_45 = tpu.memref_slice %arg5[%run_scoped3A_15, %dma_start3A_43, %dma_start3A_44] : memref<2x128x128xf32, #tpu.memory_space<vmem>> -> memref<1x128x128xf32, #tpu.memory_space<vmem>>
      %dma_start3A_46 = tpu.memref_squeeze %dma_start3A_45 : memref<1x128x128xf32, #tpu.memory_space<vmem>> -> memref<128x128xf32, #tpu.memory_space<vmem>>
      tpu.enqueue_dma source(%dma_start3A_46 : memref<128x128xf32, #tpu.memory_space<vmem>>) target(%dma_start3A_42 : memref<128x128xf32, #tpu.memory_space<vmem_shared>>) target_semaphore(%run_scoped3A_35 : memref<!tpu.dma_semaphore, #tpu.memory_space<semaphore_mem>>)
      %dma_wait3A = arith.constant 0 : i32
      %dma_wait3A_47 = arith.constant 0 : i32
      %dma_wait3A_48 = tpu.memref_slice %arg5[%run_scoped3A_15, %dma_wait3A, %dma_wait3A_47] : memref<2x128x128xf32, #tpu.memory_space<vmem>> -> memref<1x128x128xf32, #tpu.memory_space<vmem>>
      %dma_wait3A_49 = tpu.memref_squeeze %dma_wait3A_48 : memref<1x128x128xf32, #tpu.memory_space<vmem>> -> memref<128x128xf32, #tpu.memory_space<vmem>>
      %dma_wait3A_50 = arith.constant 0 : i32
      %dma_wait3A_51 = tpu.memref_slice %arg6[%add3A_14, %dma_wait3A_50] : memref<10240x128xf32, #tpu.memory_space<vmem_shared>> -> memref<128x128xf32, #tpu.memory_space<vmem_shared>>
      %dma_wait3A_52 = arith.constant 0 : i32
      %dma_wait3A_53 = tpu.memref_slice %arg6[%add3A_14, %dma_wait3A_52] : memref<10240x128xf32, #tpu.memory_space<vmem_shared>> -> memref<128x128xf32, #tpu.memory_space<vmem_shared>>
      %dma_wait3A_54 = arith.constant 0 : i32
      %dma_wait3A_55 = arith.constant 0 : i32
      %dma_wait3A_56 = tpu.memref_slice %arg5[%run_scoped3A_15, %dma_wait3A_54, %dma_wait3A_55] : memref<2x128x128xf32, #tpu.memory_space<vmem>> -> memref<1x128x128xf32, #tpu.memory_space<vmem>>
      %dma_wait3A_57 = tpu.memref_squeeze %dma_wait3A_56 : memref<1x128x128xf32, #tpu.memory_space<vmem>> -> memref<128x128xf32, #tpu.memory_space<vmem>>
      tpu.wait_dma2 semaphore(%run_scoped3A_35 : memref<!tpu.dma_semaphore, #tpu.memory_space<semaphore_mem>>) src(%dma_wait3A_57 : memref<128x128xf32, #tpu.memory_space<vmem>>) dst(%dma_wait3A_53 : memref<128x128xf32, #tpu.memory_space<vmem_shared>>)
      tpu.yield
    }) : () -> ()
    %add3A_16 = arith.constant 384 : i32
    %add3A_17 = arith.addi %mul3A_8, %add3A_16 : i32
    %run_scoped3A_18 = arith.constant 0 : i32
    "tpu.region"() ({
      %run_scoped3A_35 = tpu.sem_alloc : memref<!tpu.dma_semaphore, #tpu.memory_space<semaphore_mem>>
      %dma_start3A = arith.constant 0 : i32
      %dma_start3A_36 = arith.constant 0 : i32
      %dma_start3A_37 = tpu.memref_slice %arg5[%run_scoped3A_18, %dma_start3A, %dma_start3A_36] : memref<2x128x128xf32, #tpu.memory_space<vmem>> -> memref<1x128x128xf32, #tpu.memory_space<vmem>>
      %dma_start3A_38 = tpu.memref_squeeze %dma_start3A_37 : memref<1x128x128xf32, #tpu.memory_space<vmem>> -> memref<128x128xf32, #tpu.memory_space<vmem>>
      %dma_start3A_39 = arith.constant 0 : i32
      %dma_start3A_40 = tpu.memref_slice %arg6[%add3A_17, %dma_start3A_39] : memref<10240x128xf32, #tpu.memory_space<vmem_shared>> -> memref<128x128xf32, #tpu.memory_space<vmem_shared>>
      %dma_start3A_41 = arith.constant 0 : i32
      %dma_start3A_42 = tpu.memref_slice %arg6[%add3A_17, %dma_start3A_41] : memref<10240x128xf32, #tpu.memory_space<vmem_shared>> -> memref<128x128xf32, #tpu.memory_space<vmem_shared>>
      %dma_start3A_43 = arith.constant 0 : i32
      %dma_start3A_44 = arith.constant 0 : i32
      %dma_start3A_45 = tpu.memref_slice %arg5[%run_scoped3A_18, %dma_start3A_43, %dma_start3A_44] : memref<2x128x128xf32, #tpu.memory_space<vmem>> -> memref<1x128x128xf32, #tpu.memory_space<vmem>>
      %dma_start3A_46 = tpu.memref_squeeze %dma_start3A_45 : memref<1x128x128xf32, #tpu.memory_space<vmem>> -> memref<128x128xf32, #tpu.memory_space<vmem>>
      tpu.enqueue_dma source(%dma_start3A_46 : memref<128x128xf32, #tpu.memory_space<vmem>>) target(%dma_start3A_42 : memref<128x128xf32, #tpu.memory_space<vmem_shared>>) target_semaphore(%run_scoped3A_35 : memref<!tpu.dma_semaphore, #tpu.memory_space<semaphore_mem>>)
      %dma_wait3A = arith.constant 0 : i32
      %dma_wait3A_47 = arith.constant 0 : i32
      %dma_wait3A_48 = tpu.memref_slice %arg5[%run_scoped3A_18, %dma_wait3A, %dma_wait3A_47] : memref<2x128x128xf32, #tpu.memory_space<vmem>> -> memref<1x128x128xf32, #tpu.memory_space<vmem>>
      %dma_wait3A_49 = tpu.memref_squeeze %dma_wait3A_48 : memref<1x128x128xf32, #tpu.memory_space<vmem>> -> memref<128x128xf32, #tpu.memory_space<vmem>>
      %dma_wait3A_50 = arith.constant 0 : i32
      %dma_wait3A_51 = tpu.memref_slice %arg6[%add3A_17, %dma_wait3A_50] : memref<10240x128xf32, #tpu.memory_space<vmem_shared>> -> memref<128x128xf32, #tpu.memory_space<vmem_shared>>
      %dma_wait3A_52 = arith.constant 0 : i32
      %dma_wait3A_53 = tpu.memref_slice %arg6[%add3A_17, %dma_wait3A_52] : memref<10240x128xf32, #tpu.memory_space<vmem_shared>> -> memref<128x128xf32, #tpu.memory_space<vmem_shared>>
      %dma_wait3A_54 = arith.constant 0 : i32
      %dma_wait3A_55 = arith.constant 0 : i32
      %dma_wait3A_56 = tpu.memref_slice %arg5[%run_scoped3A_18, %dma_wait3A_54, %dma_wait3A_55] : memref<2x128x128xf32, #tpu.memory_space<vmem>> -> memref<1x128x128xf32, #tpu.memory_space<vmem>>
      %dma_wait3A_57 = tpu.memref_squeeze %dma_wait3A_56 : memref<1x128x128xf32, #tpu.memory_space<vmem>> -> memref<128x128xf32, #tpu.memory_space<vmem>>
      tpu.wait_dma2 semaphore(%run_scoped3A_35 : memref<!tpu.dma_semaphore, #tpu.memory_space<semaphore_mem>>) src(%dma_wait3A_57 : memref<128x128xf32, #tpu.memory_space<vmem>>) dst(%dma_wait3A_53 : memref<128x128xf32, #tpu.memory_space<vmem_shared>>)
      tpu.yield
    }) : () -> ()
    %add3A_19 = arith.constant 512 : i32
    %add3A_20 = arith.addi %mul3A_8, %add3A_19 : i32
    %run_scoped3A_21 = arith.constant 0 : i32
    "tpu.region"() ({
      %run_scoped3A_35 = tpu.sem_alloc : memref<!tpu.dma_semaphore, #tpu.memory_space<semaphore_mem>>
      %dma_start3A = arith.constant 0 : i32
      %dma_start3A_36 = arith.constant 0 : i32
      %dma_start3A_37 = tpu.memref_slice %arg5[%run_scoped3A_21, %dma_start3A, %dma_start3A_36] : memref<2x128x128xf32, #tpu.memory_space<vmem>> -> memref<1x128x128xf32, #tpu.memory_space<vmem>>
      %dma_start3A_38 = tpu.memref_squeeze %dma_start3A_37 : memref<1x128x128xf32, #tpu.memory_space<vmem>> -> memref<128x128xf32, #tpu.memory_space<vmem>>
      %dma_start3A_39 = arith.constant 0 : i32
      %dma_start3A_40 = tpu.memref_slice %arg6[%add3A_20, %dma_start3A_39] : memref<10240x128xf32, #tpu.memory_space<vmem_shared>> -> memref<128x128xf32, #tpu.memory_space<vmem_shared>>
      %dma_start3A_41 = arith.constant 0 : i32
      %dma_start3A_42 = tpu.memref_slice %arg6[%add3A_20, %dma_start3A_41] : memref<10240x128xf32, #tpu.memory_space<vmem_shared>> -> memref<128x128xf32, #tpu.memory_space<vmem_shared>>
      %dma_start3A_43 = arith.constant 0 : i32
      %dma_start3A_44 = arith.constant 0 : i32
      %dma_start3A_45 = tpu.memref_slice %arg5[%run_scoped3A_21, %dma_start3A_43, %dma_start3A_44] : memref<2x128x128xf32, #tpu.memory_space<vmem>> -> memref<1x128x128xf32, #tpu.memory_space<vmem>>
      %dma_start3A_46 = tpu.memref_squeeze %dma_start3A_45 : memref<1x128x128xf32, #tpu.memory_space<vmem>> -> memref<128x128xf32, #tpu.memory_space<vmem>>
      tpu.enqueue_dma source(%dma_start3A_46 : memref<128x128xf32, #tpu.memory_space<vmem>>) target(%dma_start3A_42 : memref<128x128xf32, #tpu.memory_space<vmem_shared>>) target_semaphore(%run_scoped3A_35 : memref<!tpu.dma_semaphore, #tpu.memory_space<semaphore_mem>>)
      %dma_wait3A = arith.constant 0 : i32
      %dma_wait3A_47 = arith.constant 0 : i32
      %dma_wait3A_48 = tpu.memref_slice %arg5[%run_scoped3A_21, %dma_wait3A, %dma_wait3A_47] : memref<2x128x128xf32, #tpu.memory_space<vmem>> -> memref<1x128x128xf32, #tpu.memory_space<vmem>>
      %dma_wait3A_49 = tpu.memref_squeeze %dma_wait3A_48 : memref<1x128x128xf32, #tpu.memory_space<vmem>> -> memref<128x128xf32, #tpu.memory_space<vmem>>
      %dma_wait3A_50 = arith.constant 0 : i32
      %dma_wait3A_51 = tpu.memref_slice %arg6[%add3A_20, %dma_wait3A_50] : memref<10240x128xf32, #tpu.memory_space<vmem_shared>> -> memref<128x128xf32, #tpu.memory_space<vmem_shared>>
      %dma_wait3A_52 = arith.constant 0 : i32
      %dma_wait3A_53 = tpu.memref_slice %arg6[%add3A_20, %dma_wait3A_52] : memref<10240x128xf32, #tpu.memory_space<vmem_shared>> -> memref<128x128xf32, #tpu.memory_space<vmem_shared>>
      %dma_wait3A_54 = arith.constant 0 : i32
      %dma_wait3A_55 = arith.constant 0 : i32
      %dma_wait3A_56 = tpu.memref_slice %arg5[%run_scoped3A_21, %dma_wait3A_54, %dma_wait3A_55] : memref<2x128x128xf32, #tpu.memory_space<vmem>> -> memref<1x128x128xf32, #tpu.memory_space<vmem>>
      %dma_wait3A_57 = tpu.memref_squeeze %dma_wait3A_56 : memref<1x128x128xf32, #tpu.memory_space<vmem>> -> memref<128x128xf32, #tpu.memory_space<vmem>>
      tpu.wait_dma2 semaphore(%run_scoped3A_35 : memref<!tpu.dma_semaphore, #tpu.memory_space<semaphore_mem>>) src(%dma_wait3A_57 : memref<128x128xf32, #tpu.memory_space<vmem>>) dst(%dma_wait3A_53 : memref<128x128xf32, #tpu.memory_space<vmem_shared>>)
      tpu.yield
    }) : () -> ()
    %barrier3A = arith.constant 0 : index
    tpu.barrier barrier_id(%barrier3A)
    %mul3A_22 = arith.constant 2 : i32
    %mul3A_23 = arith.muli %arg1, %mul3A_22 : i32
    %add3A_24 = arith.addi %mul3A_23, %arg0 : i32
    %scan3A_25 = arith.constant 0 : i32
    %scan3A_26 = arith.constant 0 : i32
    %scan3A_27 = arith.constant 5 : i32
    %scan3A_28 = arith.addi %scan3A_26, %scan3A_27 : i32
    %scan3A_29 = arith.constant 1 : i32
    scf.for %scan3A_35 = %scan3A_26 to %scan3A_28 step %scan3A_29  : i32 {
      "tpu.region"() ({
        %run_scoped3A_42 = tpu.sem_alloc : memref<!tpu.dma_semaphore, #tpu.memory_space<semaphore_mem>>
        %dma_start3A = arith.constant 0 : i32
        %dma_start3A_43 = arith.constant 0 : i32
        %dma_start3A_44 = tpu.memref_slice %arg2[%add3A_24, %scan3A_35, %dma_start3A, %dma_start3A_43] : memref<32x5x16x128xi32, #tpu.memory_space<hbm>> -> memref<1x1x16x128xi32, #tpu.memory_space<hbm>>
        %dma_start3A_45 = tpu.memref_squeeze %dma_start3A_44 : memref<1x1x16x128xi32, #tpu.memory_space<hbm>> -> memref<16x128xi32, #tpu.memory_space<hbm>>
        %dma_start3A_46 = arith.constant 0 : i32
        %dma_start3A_47 = arith.constant 0 : i32
        %dma_start3A_48 = tpu.memref_slice %arg2[%add3A_24, %scan3A_35, %dma_start3A_46, %dma_start3A_47] : memref<32x5x16x128xi32, #tpu.memory_space<hbm>> -> memref<1x1x16x128xi32, #tpu.memory_space<hbm>>
        %dma_start3A_49 = tpu.memref_squeeze %dma_start3A_48 : memref<1x1x16x128xi32, #tpu.memory_space<hbm>> -> memref<16x128xi32, #tpu.memory_space<hbm>>
        tpu.enqueue_dma source(%dma_start3A_49 : memref<16x128xi32, #tpu.memory_space<hbm>>) target(%arg4 : memref<16x128xi32, #tpu.memory_space<vmem>>) target_semaphore(%run_scoped3A_42 : memref<!tpu.dma_semaphore, #tpu.memory_space<semaphore_mem>>)
        %dma_wait3A = arith.constant 0 : i32
        %dma_wait3A_50 = arith.constant 0 : i32
        %dma_wait3A_51 = tpu.memref_slice %arg2[%add3A_24, %scan3A_35, %dma_wait3A, %dma_wait3A_50] : memref<32x5x16x128xi32, #tpu.memory_space<hbm>> -> memref<1x1x16x128xi32, #tpu.memory_space<hbm>>
        %dma_wait3A_52 = tpu.memref_squeeze %dma_wait3A_51 : memref<1x1x16x128xi32, #tpu.memory_space<hbm>> -> memref<16x128xi32, #tpu.memory_space<hbm>>
        %dma_wait3A_53 = arith.constant 0 : i32
        %dma_wait3A_54 = arith.constant 0 : i32
        %dma_wait3A_55 = tpu.memref_slice %arg2[%add3A_24, %scan3A_35, %dma_wait3A_53, %dma_wait3A_54] : memref<32x5x16x128xi32, #tpu.memory_space<hbm>> -> memref<1x1x16x128xi32, #tpu.memory_space<hbm>>
        %dma_wait3A_56 = tpu.memref_squeeze %dma_wait3A_55 : memref<1x1x16x128xi32, #tpu.memory_space<hbm>> -> memref<16x128xi32, #tpu.memory_space<hbm>>
        tpu.wait_dma2 semaphore(%run_scoped3A_42 : memref<!tpu.dma_semaphore, #tpu.memory_space<semaphore_mem>>) src(%dma_wait3A_56 : memref<16x128xi32, #tpu.memory_space<hbm>>) dst(%arg4 : memref<16x128xi32, #tpu.memory_space<vmem>>)
        tpu.yield
      }) : () -> ()
      %scan3A_36 = arith.constant 0 : i32
      %scan3A_37 = arith.constant 0 : i32
      %scan3A_38 = arith.constant 16 : i32
      %scan3A_39 = arith.addi %scan3A_37, %scan3A_38 : i32
      %scan3A_40 = arith.constant 1 : i32
      scf.for %scan3A_42 = %scan3A_37 to %scan3A_39 step %scan3A_40  : i32 {
        %dma_start3A = arith.constant 1 : i32
        %dma_start3A_43 = arith.constant 0 : i32
        %dma_start3A_44 = arith.constant 0 : i32
        %dma_start3A_45 = tpu.memref_slice %arg5[%dma_start3A, %dma_start3A_43, %dma_start3A_44] : memref<2x128x128xf32, #tpu.memory_space<vmem>> -> memref<1x128x128xf32, #tpu.memory_space<vmem>>
        %dma_start3A_46 = tpu.memref_squeeze %dma_start3A_45 : memref<1x128x128xf32, #tpu.memory_space<vmem>> -> memref<128x128xf32, #tpu.memory_space<vmem>>
        %dma_start3A_47 = arith.constant 0 : i32
        %dma_start3A_48 = tpu.memref_slice %arg4[%scan3A_42, %dma_start3A_47] : memref<16x128xi32, #tpu.memory_space<vmem>> -> memref<1x128xi32, #tpu.memory_space<vmem>>
        %dma_start3A_49 = tpu.memref_squeeze %dma_start3A_48 : memref<1x128xi32, #tpu.memory_space<vmem>> -> memref<128xi32, #tpu.memory_space<vmem>>
        %dma_start3A_50 = arith.constant 0 : i32
        %dma_start3A_51 = arith.constant 0 : i32
        %dma_start3A_52 = tpu.memref_slice %arg6[%dma_start3A_50, %dma_start3A_51] : memref<10240x128xf32, #tpu.memory_space<vmem_shared>> -> memref<10240x128xf32, #tpu.memory_space<vmem_shared>>
        tpu.enqueue_indirect_dma source(%dma_start3A_46 : memref<128x128xf32, #tpu.memory_space<vmem>>) target(%dma_start3A_52 : memref<10240x128xf32, #tpu.memory_space<vmem_shared>>) offsets(%dma_start3A_49 : memref<128xi32, #tpu.memory_space<vmem>>) semaphore(%arg7 : memref<!tpu.dma_semaphore, #tpu.memory_space<semaphore_mem>>) {add = true}
        %dma_wait3A = arith.constant 1 : i32
        %dma_wait3A_53 = arith.constant 0 : i32
        %dma_wait3A_54 = arith.constant 0 : i32
        %dma_wait3A_55 = tpu.memref_slice %arg5[%dma_wait3A, %dma_wait3A_53, %dma_wait3A_54] : memref<2x128x128xf32, #tpu.memory_space<vmem>> -> memref<1x128x128xf32, #tpu.memory_space<vmem>>
        %dma_wait3A_56 = tpu.memref_squeeze %dma_wait3A_55 : memref<1x128x128xf32, #tpu.memory_space<vmem>> -> memref<128x128xf32, #tpu.memory_space<vmem>>
        %dma_wait3A_57 = arith.constant 0 : i32
        %dma_wait3A_58 = tpu.memref_slice %arg4[%scan3A_42, %dma_wait3A_57] : memref<16x128xi32, #tpu.memory_space<vmem>> -> memref<1x128xi32, #tpu.memory_space<vmem>>
        %dma_wait3A_59 = tpu.memref_squeeze %dma_wait3A_58 : memref<1x128xi32, #tpu.memory_space<vmem>> -> memref<128xi32, #tpu.memory_space<vmem>>
        %dma_wait3A_60 = arith.constant 0 : i32
        %dma_wait3A_61 = arith.constant 0 : i32
        %dma_wait3A_62 = tpu.memref_slice %arg6[%dma_wait3A_60, %dma_wait3A_61] : memref<10240x128xf32, #tpu.memory_space<vmem_shared>> -> memref<10240x128xf32, #tpu.memory_space<vmem_shared>>
        tpu.wait_indirect_dma semaphore(%arg7 : memref<!tpu.dma_semaphore, #tpu.memory_space<semaphore_mem>>) src(%dma_wait3A_56 : memref<128x128xf32, #tpu.memory_space<vmem>>) dst(%dma_wait3A_62 : memref<10240x128xf32, #tpu.memory_space<vmem_shared>>)
      }
      %scan3A_41 = arith.constant 16 : i32
    }
    %scan3A_30 = arith.constant 5 : i32
    %barrier3A_31 = arith.constant 0 : index
    tpu.barrier barrier_id(%barrier3A_31)
    %mul3A_32 = arith.constant 10240 : i32
    %mul3A_33 = arith.muli %arg0, %mul3A_32 : i32
    %add3A_34 = arith.addi %mul3A_33, %mul3A_8 : i32
    "tpu.region"() ({
      %run_scoped3A_35 = tpu.sem_alloc : memref<!tpu.dma_semaphore, #tpu.memory_space<semaphore_mem>>
      %dma_start3A = arith.constant 0 : i32
      %dma_start3A_36 = tpu.memref_slice %arg3[%add3A_34, %dma_start3A] : memref<20480x128xf32, #tpu.memory_space<hbm>> -> memref<640x128xf32, #tpu.memory_space<hbm>>
      %dma_start3A_37 = arith.constant 0 : i32
      %dma_start3A_38 = tpu.memref_slice %arg6[%mul3A_8, %dma_start3A_37] : memref<10240x128xf32, #tpu.memory_space<vmem_shared>> -> memref<640x128xf32, #tpu.memory_space<vmem_shared>>
      tpu.enqueue_dma source(%dma_start3A_38 : memref<640x128xf32, #tpu.memory_space<vmem_shared>>) target(%dma_start3A_36 : memref<640x128xf32, #tpu.memory_space<hbm>>) target_semaphore(%run_scoped3A_35 : memref<!tpu.dma_semaphore, #tpu.memory_space<semaphore_mem>>)
      %dma_wait3A = arith.constant 0 : i32
      %dma_wait3A_39 = tpu.memref_slice %arg3[%add3A_34, %dma_wait3A] : memref<20480x128xf32, #tpu.memory_space<hbm>> -> memref<640x128xf32, #tpu.memory_space<hbm>>
      %dma_wait3A_40 = arith.constant 0 : i32
      %dma_wait3A_41 = tpu.memref_slice %arg6[%mul3A_8, %dma_wait3A_40] : memref<10240x128xf32, #tpu.memory_space<vmem_shared>> -> memref<640x128xf32, #tpu.memory_space<vmem_shared>>
      tpu.wait_dma2 semaphore(%run_scoped3A_35 : memref<!tpu.dma_semaphore, #tpu.memory_space<semaphore_mem>>) src(%dma_wait3A_41 : memref<640x128xf32, #tpu.memory_space<vmem_shared>>) dst(%dma_wait3A_39 : memref<640x128xf32, #tpu.memory_space<hbm>>)
      tpu.yield
    }) : () -> ()
    return
  }
}

#map = affine_map<(d0, d1) -> (0, 0, 0, 0)>
#map1 = affine_map<(d0, d1) -> (0, 0)>
module attributes {stable_mosaic.version = 14 : i64} {
  func.func @_agg_body(%arg0: i32, %arg1: i32, %arg2: memref<16x5x32x128xi32, #tpu.memory_space<hbm>>, %arg3: memref<16x5x32x128xi32, #tpu.memory_space<hbm>>, %arg4: memref<20480x128xf32, #tpu.memory_space<hbm>>, %arg5: memref<20480x128xf32, #tpu.memory_space<hbm>>, %arg6: memref<32x128xi32, #tpu.memory_space<vmem>>, %arg7: memref<32x128xi32, #tpu.memory_space<vmem>>, %arg8: memref<2x128x128xf32, #tpu.memory_space<vmem>>, %arg9: memref<10240x128xf32, #tpu.memory_space<vmem_shared>>, %arg10: memref<!tpu.dma_semaphore, #tpu.memory_space<semaphore_mem>>, %arg11: memref<!tpu.dma_semaphore, #tpu.memory_space<semaphore_mem>>, %arg12: memref<!tpu.dma_semaphore, #tpu.memory_space<semaphore_mem>>, %arg13: memref<!tpu.dma_semaphore, #tpu.memory_space<semaphore_mem>>) attributes {dimension_semantics = [#tpu.dimension_semantics<core_parallel>, #tpu.dimension_semantics<subcore_parallel>], iteration_bounds = array<i64: 2, 16>, scalar_prefetch = 0 : i64, scratch_operands = 8 : i64, tpu.core_type = #tpu.core_type<sc_vector_subcore>, window_params = [{transform_indices = #map}, {transform_indices = #map}, {transform_indices = #map1}, {transform_indices = #map1}]} {
    %broadcast_in_dim3A = arith.constant 0.000000e+00 : f32
    %broadcast_in_dim3A_0 = vector.broadcast %broadcast_in_dim3A : f32 to vector<16xf32>
    %scan3A = arith.constant 0 : i32
    %scan3A_1 = arith.constant 0 : i32
    %scan3A_2 = arith.constant 128 : i32
    %scan3A_3 = arith.addi %scan3A_1, %scan3A_2 : i32
    %scan3A_4 = arith.constant 1 : i32
    scf.for %scan3A_32 = %scan3A_1 to %scan3A_3 step %scan3A_4  : i32 {
      %swap3A = arith.constant 0 : i32
      %swap3A_33 = arith.index_cast %swap3A : i32 to index
      %swap3A_34 = arith.index_cast %scan3A_32 : i32 to index
      %swap3A_35 = arith.constant 0 : index
      %swap3A_36 = tpu.vector_load %arg8[%swap3A_33, %swap3A_34, %swap3A_35] {strides = array<i32>} : memref<2x128x128xf32, #tpu.memory_space<vmem>>, vector<1x1x16xf32>,
      %swap3A_37 = vector.shape_cast %swap3A_36 : vector<1x1x16xf32> to vector<16xf32>
      %swap3A_38 = vector.shape_cast %broadcast_in_dim3A_0 : vector<16xf32> to vector<1x1x16xf32>
      tpu.vector_store %arg8[%swap3A_33, %swap3A_34, %swap3A_35], %swap3A_38 {strides = array<i32>} : memref<2x128x128xf32, #tpu.memory_space<vmem>>, vector<1x1x16xf32>,
      %swap3A_39 = arith.constant 0 : i32
      %swap3A_40 = arith.index_cast %swap3A_39 : i32 to index
      %swap3A_41 = arith.index_cast %scan3A_32 : i32 to index
      %swap3A_42 = arith.constant 16 : index
      %swap3A_43 = tpu.vector_load %arg8[%swap3A_40, %swap3A_41, %swap3A_42] {strides = array<i32>} : memref<2x128x128xf32, #tpu.memory_space<vmem>>, vector<1x1x16xf32>,
      %swap3A_44 = vector.shape_cast %swap3A_43 : vector<1x1x16xf32> to vector<16xf32>
      %swap3A_45 = vector.shape_cast %broadcast_in_dim3A_0 : vector<16xf32> to vector<1x1x16xf32>
      tpu.vector_store %arg8[%swap3A_40, %swap3A_41, %swap3A_42], %swap3A_45 {strides = array<i32>} : memref<2x128x128xf32, #tpu.memory_space<vmem>>, vector<1x1x16xf32>,
      %swap3A_46 = arith.constant 0 : i32
      %swap3A_47 = arith.index_cast %swap3A_46 : i32 to index
      %swap3A_48 = arith.index_cast %scan3A_32 : i32 to index
      %swap3A_49 = arith.constant 32 : index
      %swap3A_50 = tpu.vector_load %arg8[%swap3A_47, %swap3A_48, %swap3A_49] {strides = array<i32>} : memref<2x128x128xf32, #tpu.memory_space<vmem>>, vector<1x1x16xf32>,
      %swap3A_51 = vector.shape_cast %swap3A_50 : vector<1x1x16xf32> to vector<16xf32>
      %swap3A_52 = vector.shape_cast %broadcast_in_dim3A_0 : vector<16xf32> to vector<1x1x16xf32>
      tpu.vector_store %arg8[%swap3A_47, %swap3A_48, %swap3A_49], %swap3A_52 {strides = array<i32>} : memref<2x128x128xf32, #tpu.memory_space<vmem>>, vector<1x1x16xf32>,
      %swap3A_53 = arith.constant 0 : i32
      %swap3A_54 = arith.index_cast %swap3A_53 : i32 to index
      %swap3A_55 = arith.index_cast %scan3A_32 : i32 to index
      %swap3A_56 = arith.constant 48 : index
      %swap3A_57 = tpu.vector_load %arg8[%swap3A_54, %swap3A_55, %swap3A_56] {strides = array<i32>} : memref<2x128x128xf32, #tpu.memory_space<vmem>>, vector<1x1x16xf32>,
      %swap3A_58 = vector.shape_cast %swap3A_57 : vector<1x1x16xf32> to vector<16xf32>
      %swap3A_59 = vector.shape_cast %broadcast_in_dim3A_0 : vector<16xf32> to vector<1x1x16xf32>
      tpu.vector_store %arg8[%swap3A_54, %swap3A_55, %swap3A_56], %swap3A_59 {strides = array<i32>} : memref<2x128x128xf32, #tpu.memory_space<vmem>>, vector<1x1x16xf32>,
      %swap3A_60 = arith.constant 0 : i32
      %swap3A_61 = arith.index_cast %swap3A_60 : i32 to index
      %swap3A_62 = arith.index_cast %scan3A_32 : i32 to index
      %swap3A_63 = arith.constant 64 : index
      %swap3A_64 = tpu.vector_load %arg8[%swap3A_61, %swap3A_62, %swap3A_63] {strides = array<i32>} : memref<2x128x128xf32, #tpu.memory_space<vmem>>, vector<1x1x16xf32>,
      %swap3A_65 = vector.shape_cast %swap3A_64 : vector<1x1x16xf32> to vector<16xf32>
      %swap3A_66 = vector.shape_cast %broadcast_in_dim3A_0 : vector<16xf32> to vector<1x1x16xf32>
      tpu.vector_store %arg8[%swap3A_61, %swap3A_62, %swap3A_63], %swap3A_66 {strides = array<i32>} : memref<2x128x128xf32, #tpu.memory_space<vmem>>, vector<1x1x16xf32>,
      %swap3A_67 = arith.constant 0 : i32
      %swap3A_68 = arith.index_cast %swap3A_67 : i32 to index
      %swap3A_69 = arith.index_cast %scan3A_32 : i32 to index
      %swap3A_70 = arith.constant 80 : index
      %swap3A_71 = tpu.vector_load %arg8[%swap3A_68, %swap3A_69, %swap3A_70] {strides = array<i32>} : memref<2x128x128xf32, #tpu.memory_space<vmem>>, vector<1x1x16xf32>,
      %swap3A_72 = vector.shape_cast %swap3A_71 : vector<1x1x16xf32> to vector<16xf32>
      %swap3A_73 = vector.shape_cast %broadcast_in_dim3A_0 : vector<16xf32> to vector<1x1x16xf32>
      tpu.vector_store %arg8[%swap3A_68, %swap3A_69, %swap3A_70], %swap3A_73 {strides = array<i32>} : memref<2x128x128xf32, #tpu.memory_space<vmem>>, vector<1x1x16xf32>,
      %swap3A_74 = arith.constant 0 : i32
      %swap3A_75 = arith.index_cast %swap3A_74 : i32 to index
      %swap3A_76 = arith.index_cast %scan3A_32 : i32 to index
      %swap3A_77 = arith.constant 96 : index
      %swap3A_78 = tpu.vector_load %arg8[%swap3A_75, %swap3A_76, %swap3A_77] {strides = array<i32>} : memref<2x128x128xf32, #tpu.memory_space<vmem>>, vector<1x1x16xf32>,
      %swap3A_79 = vector.shape_cast %swap3A_78 : vector<1x1x16xf32> to vector<16xf32>
      %swap3A_80 = vector.shape_cast %broadcast_in_dim3A_0 : vector<16xf32> to vector<1x1x16xf32>
      tpu.vector_store %arg8[%swap3A_75, %swap3A_76, %swap3A_77], %swap3A_80 {strides = array<i32>} : memref<2x128x128xf32, #tpu.memory_space<vmem>>, vector<1x1x16xf32>,
      %swap3A_81 = arith.constant 0 : i32
      %swap3A_82 = arith.index_cast %swap3A_81 : i32 to index
      %swap3A_83 = arith.index_cast %scan3A_32 : i32 to index
      %swap3A_84 = arith.constant 112 : index
      %swap3A_85 = tpu.vector_load %arg8[%swap3A_82, %swap3A_83, %swap3A_84] {strides = array<i32>} : memref<2x128x128xf32, #tpu.memory_space<vmem>>, vector<1x1x16xf32>,
      %swap3A_86 = vector.shape_cast %swap3A_85 : vector<1x1x16xf32> to vector<16xf32>
      %swap3A_87 = vector.shape_cast %broadcast_in_dim3A_0 : vector<16xf32> to vector<1x1x16xf32>
      tpu.vector_store %arg8[%swap3A_82, %swap3A_83, %swap3A_84], %swap3A_87 {strides = array<i32>} : memref<2x128x128xf32, #tpu.memory_space<vmem>>, vector<1x1x16xf32>,
    }
    %scan3A_5 = arith.constant 128 : i32
    %mul3A = arith.constant 640 : i32
    %mul3A_6 = arith.muli %arg1, %mul3A : i32
    %add3A = arith.constant 0 : i32
    %add3A_7 = arith.addi %mul3A_6, %add3A : i32
    %run_scoped3A = arith.constant 0 : i32
    "tpu.region"() ({
      %run_scoped3A_32 = tpu.sem_alloc : memref<!tpu.dma_semaphore, #tpu.memory_space<semaphore_mem>>
      %dma_start3A = arith.constant 0 : i32
      %dma_start3A_33 = arith.constant 0 : i32
      %dma_start3A_34 = tpu.memref_slice %arg8[%run_scoped3A, %dma_start3A, %dma_start3A_33] : memref<2x128x128xf32, #tpu.memory_space<vmem>> -> memref<1x128x128xf32, #tpu.memory_space<vmem>>
      %dma_start3A_35 = tpu.memref_squeeze %dma_start3A_34 : memref<1x128x128xf32, #tpu.memory_space<vmem>> -> memref<128x128xf32, #tpu.memory_space<vmem>>
      %dma_start3A_36 = arith.constant 0 : i32
      %dma_start3A_37 = tpu.memref_slice %arg9[%add3A_7, %dma_start3A_36] : memref<10240x128xf32, #tpu.memory_space<vmem_shared>> -> memref<128x128xf32, #tpu.memory_space<vmem_shared>>
      %dma_start3A_38 = arith.constant 0 : i32
      %dma_start3A_39 = tpu.memref_slice %arg9[%add3A_7, %dma_start3A_38] : memref<10240x128xf32, #tpu.memory_space<vmem_shared>> -> memref<128x128xf32, #tpu.memory_space<vmem_shared>>
      %dma_start3A_40 = arith.constant 0 : i32
      %dma_start3A_41 = arith.constant 0 : i32
      %dma_start3A_42 = tpu.memref_slice %arg8[%run_scoped3A, %dma_start3A_40, %dma_start3A_41] : memref<2x128x128xf32, #tpu.memory_space<vmem>> -> memref<1x128x128xf32, #tpu.memory_space<vmem>>
      %dma_start3A_43 = tpu.memref_squeeze %dma_start3A_42 : memref<1x128x128xf32, #tpu.memory_space<vmem>> -> memref<128x128xf32, #tpu.memory_space<vmem>>
      tpu.enqueue_dma source(%dma_start3A_43 : memref<128x128xf32, #tpu.memory_space<vmem>>) target(%dma_start3A_39 : memref<128x128xf32, #tpu.memory_space<vmem_shared>>) target_semaphore(%run_scoped3A_32 : memref<!tpu.dma_semaphore, #tpu.memory_space<semaphore_mem>>)
      %dma_wait3A = arith.constant 0 : i32
      %dma_wait3A_44 = arith.constant 0 : i32
      %dma_wait3A_45 = tpu.memref_slice %arg8[%run_scoped3A, %dma_wait3A, %dma_wait3A_44] : memref<2x128x128xf32, #tpu.memory_space<vmem>> -> memref<1x128x128xf32, #tpu.memory_space<vmem>>
      %dma_wait3A_46 = tpu.memref_squeeze %dma_wait3A_45 : memref<1x128x128xf32, #tpu.memory_space<vmem>> -> memref<128x128xf32, #tpu.memory_space<vmem>>
      %dma_wait3A_47 = arith.constant 0 : i32
      %dma_wait3A_48 = tpu.memref_slice %arg9[%add3A_7, %dma_wait3A_47] : memref<10240x128xf32, #tpu.memory_space<vmem_shared>> -> memref<128x128xf32, #tpu.memory_space<vmem_shared>>
      %dma_wait3A_49 = arith.constant 0 : i32
      %dma_wait3A_50 = tpu.memref_slice %arg9[%add3A_7, %dma_wait3A_49] : memref<10240x128xf32, #tpu.memory_space<vmem_shared>> -> memref<128x128xf32, #tpu.memory_space<vmem_shared>>
      %dma_wait3A_51 = arith.constant 0 : i32
      %dma_wait3A_52 = arith.constant 0 : i32
      %dma_wait3A_53 = tpu.memref_slice %arg8[%run_scoped3A, %dma_wait3A_51, %dma_wait3A_52] : memref<2x128x128xf32, #tpu.memory_space<vmem>> -> memref<1x128x128xf32, #tpu.memory_space<vmem>>
      %dma_wait3A_54 = tpu.memref_squeeze %dma_wait3A_53 : memref<1x128x128xf32, #tpu.memory_space<vmem>> -> memref<128x128xf32, #tpu.memory_space<vmem>>
      tpu.wait_dma2 semaphore(%run_scoped3A_32 : memref<!tpu.dma_semaphore, #tpu.memory_space<semaphore_mem>>) src(%dma_wait3A_54 : memref<128x128xf32, #tpu.memory_space<vmem>>) dst(%dma_wait3A_50 : memref<128x128xf32, #tpu.memory_space<vmem_shared>>)
      tpu.yield
    }) : () -> ()
    %add3A_8 = arith.constant 128 : i32
    %add3A_9 = arith.addi %mul3A_6, %add3A_8 : i32
    %run_scoped3A_10 = arith.constant 0 : i32
    "tpu.region"() ({
      %run_scoped3A_32 = tpu.sem_alloc : memref<!tpu.dma_semaphore, #tpu.memory_space<semaphore_mem>>
      %dma_start3A = arith.constant 0 : i32
      %dma_start3A_33 = arith.constant 0 : i32
      %dma_start3A_34 = tpu.memref_slice %arg8[%run_scoped3A_10, %dma_start3A, %dma_start3A_33] : memref<2x128x128xf32, #tpu.memory_space<vmem>> -> memref<1x128x128xf32, #tpu.memory_space<vmem>>
      %dma_start3A_35 = tpu.memref_squeeze %dma_start3A_34 : memref<1x128x128xf32, #tpu.memory_space<vmem>> -> memref<128x128xf32, #tpu.memory_space<vmem>>
      %dma_start3A_36 = arith.constant 0 : i32
      %dma_start3A_37 = tpu.memref_slice %arg9[%add3A_9, %dma_start3A_36] : memref<10240x128xf32, #tpu.memory_space<vmem_shared>> -> memref<128x128xf32, #tpu.memory_space<vmem_shared>>
      %dma_start3A_38 = arith.constant 0 : i32
      %dma_start3A_39 = tpu.memref_slice %arg9[%add3A_9, %dma_start3A_38] : memref<10240x128xf32, #tpu.memory_space<vmem_shared>> -> memref<128x128xf32, #tpu.memory_space<vmem_shared>>
      %dma_start3A_40 = arith.constant 0 : i32
      %dma_start3A_41 = arith.constant 0 : i32
      %dma_start3A_42 = tpu.memref_slice %arg8[%run_scoped3A_10, %dma_start3A_40, %dma_start3A_41] : memref<2x128x128xf32, #tpu.memory_space<vmem>> -> memref<1x128x128xf32, #tpu.memory_space<vmem>>
      %dma_start3A_43 = tpu.memref_squeeze %dma_start3A_42 : memref<1x128x128xf32, #tpu.memory_space<vmem>> -> memref<128x128xf32, #tpu.memory_space<vmem>>
      tpu.enqueue_dma source(%dma_start3A_43 : memref<128x128xf32, #tpu.memory_space<vmem>>) target(%dma_start3A_39 : memref<128x128xf32, #tpu.memory_space<vmem_shared>>) target_semaphore(%run_scoped3A_32 : memref<!tpu.dma_semaphore, #tpu.memory_space<semaphore_mem>>)
      %dma_wait3A = arith.constant 0 : i32
      %dma_wait3A_44 = arith.constant 0 : i32
      %dma_wait3A_45 = tpu.memref_slice %arg8[%run_scoped3A_10, %dma_wait3A, %dma_wait3A_44] : memref<2x128x128xf32, #tpu.memory_space<vmem>> -> memref<1x128x128xf32, #tpu.memory_space<vmem>>
      %dma_wait3A_46 = tpu.memref_squeeze %dma_wait3A_45 : memref<1x128x128xf32, #tpu.memory_space<vmem>> -> memref<128x128xf32, #tpu.memory_space<vmem>>
      %dma_wait3A_47 = arith.constant 0 : i32
      %dma_wait3A_48 = tpu.memref_slice %arg9[%add3A_9, %dma_wait3A_47] : memref<10240x128xf32, #tpu.memory_space<vmem_shared>> -> memref<128x128xf32, #tpu.memory_space<vmem_shared>>
      %dma_wait3A_49 = arith.constant 0 : i32
      %dma_wait3A_50 = tpu.memref_slice %arg9[%add3A_9, %dma_wait3A_49] : memref<10240x128xf32, #tpu.memory_space<vmem_shared>> -> memref<128x128xf32, #tpu.memory_space<vmem_shared>>
      %dma_wait3A_51 = arith.constant 0 : i32
      %dma_wait3A_52 = arith.constant 0 : i32
      %dma_wait3A_53 = tpu.memref_slice %arg8[%run_scoped3A_10, %dma_wait3A_51, %dma_wait3A_52] : memref<2x128x128xf32, #tpu.memory_space<vmem>> -> memref<1x128x128xf32, #tpu.memory_space<vmem>>
      %dma_wait3A_54 = tpu.memref_squeeze %dma_wait3A_53 : memref<1x128x128xf32, #tpu.memory_space<vmem>> -> memref<128x128xf32, #tpu.memory_space<vmem>>
      tpu.wait_dma2 semaphore(%run_scoped3A_32 : memref<!tpu.dma_semaphore, #tpu.memory_space<semaphore_mem>>) src(%dma_wait3A_54 : memref<128x128xf32, #tpu.memory_space<vmem>>) dst(%dma_wait3A_50 : memref<128x128xf32, #tpu.memory_space<vmem_shared>>)
      tpu.yield
    }) : () -> ()
    %add3A_11 = arith.constant 256 : i32
    %add3A_12 = arith.addi %mul3A_6, %add3A_11 : i32
    %run_scoped3A_13 = arith.constant 0 : i32
    "tpu.region"() ({
      %run_scoped3A_32 = tpu.sem_alloc : memref<!tpu.dma_semaphore, #tpu.memory_space<semaphore_mem>>
      %dma_start3A = arith.constant 0 : i32
      %dma_start3A_33 = arith.constant 0 : i32
      %dma_start3A_34 = tpu.memref_slice %arg8[%run_scoped3A_13, %dma_start3A, %dma_start3A_33] : memref<2x128x128xf32, #tpu.memory_space<vmem>> -> memref<1x128x128xf32, #tpu.memory_space<vmem>>
      %dma_start3A_35 = tpu.memref_squeeze %dma_start3A_34 : memref<1x128x128xf32, #tpu.memory_space<vmem>> -> memref<128x128xf32, #tpu.memory_space<vmem>>
      %dma_start3A_36 = arith.constant 0 : i32
      %dma_start3A_37 = tpu.memref_slice %arg9[%add3A_12, %dma_start3A_36] : memref<10240x128xf32, #tpu.memory_space<vmem_shared>> -> memref<128x128xf32, #tpu.memory_space<vmem_shared>>
      %dma_start3A_38 = arith.constant 0 : i32
      %dma_start3A_39 = tpu.memref_slice %arg9[%add3A_12, %dma_start3A_38] : memref<10240x128xf32, #tpu.memory_space<vmem_shared>> -> memref<128x128xf32, #tpu.memory_space<vmem_shared>>
      %dma_start3A_40 = arith.constant 0 : i32
      %dma_start3A_41 = arith.constant 0 : i32
      %dma_start3A_42 = tpu.memref_slice %arg8[%run_scoped3A_13, %dma_start3A_40, %dma_start3A_41] : memref<2x128x128xf32, #tpu.memory_space<vmem>> -> memref<1x128x128xf32, #tpu.memory_space<vmem>>
      %dma_start3A_43 = tpu.memref_squeeze %dma_start3A_42 : memref<1x128x128xf32, #tpu.memory_space<vmem>> -> memref<128x128xf32, #tpu.memory_space<vmem>>
      tpu.enqueue_dma source(%dma_start3A_43 : memref<128x128xf32, #tpu.memory_space<vmem>>) target(%dma_start3A_39 : memref<128x128xf32, #tpu.memory_space<vmem_shared>>) target_semaphore(%run_scoped3A_32 : memref<!tpu.dma_semaphore, #tpu.memory_space<semaphore_mem>>)
      %dma_wait3A = arith.constant 0 : i32
      %dma_wait3A_44 = arith.constant 0 : i32
      %dma_wait3A_45 = tpu.memref_slice %arg8[%run_scoped3A_13, %dma_wait3A, %dma_wait3A_44] : memref<2x128x128xf32, #tpu.memory_space<vmem>> -> memref<1x128x128xf32, #tpu.memory_space<vmem>>
      %dma_wait3A_46 = tpu.memref_squeeze %dma_wait3A_45 : memref<1x128x128xf32, #tpu.memory_space<vmem>> -> memref<128x128xf32, #tpu.memory_space<vmem>>
      %dma_wait3A_47 = arith.constant 0 : i32
      %dma_wait3A_48 = tpu.memref_slice %arg9[%add3A_12, %dma_wait3A_47] : memref<10240x128xf32, #tpu.memory_space<vmem_shared>> -> memref<128x128xf32, #tpu.memory_space<vmem_shared>>
      %dma_wait3A_49 = arith.constant 0 : i32
      %dma_wait3A_50 = tpu.memref_slice %arg9[%add3A_12, %dma_wait3A_49] : memref<10240x128xf32, #tpu.memory_space<vmem_shared>> -> memref<128x128xf32, #tpu.memory_space<vmem_shared>>
      %dma_wait3A_51 = arith.constant 0 : i32
      %dma_wait3A_52 = arith.constant 0 : i32
      %dma_wait3A_53 = tpu.memref_slice %arg8[%run_scoped3A_13, %dma_wait3A_51, %dma_wait3A_52] : memref<2x128x128xf32, #tpu.memory_space<vmem>> -> memref<1x128x128xf32, #tpu.memory_space<vmem>>
      %dma_wait3A_54 = tpu.memref_squeeze %dma_wait3A_53 : memref<1x128x128xf32, #tpu.memory_space<vmem>> -> memref<128x128xf32, #tpu.memory_space<vmem>>
      tpu.wait_dma2 semaphore(%run_scoped3A_32 : memref<!tpu.dma_semaphore, #tpu.memory_space<semaphore_mem>>) src(%dma_wait3A_54 : memref<128x128xf32, #tpu.memory_space<vmem>>) dst(%dma_wait3A_50 : memref<128x128xf32, #tpu.memory_space<vmem_shared>>)
      tpu.yield
    }) : () -> ()
    %add3A_14 = arith.constant 384 : i32
    %add3A_15 = arith.addi %mul3A_6, %add3A_14 : i32
    %run_scoped3A_16 = arith.constant 0 : i32
    "tpu.region"() ({
      %run_scoped3A_32 = tpu.sem_alloc : memref<!tpu.dma_semaphore, #tpu.memory_space<semaphore_mem>>
      %dma_start3A = arith.constant 0 : i32
      %dma_start3A_33 = arith.constant 0 : i32
      %dma_start3A_34 = tpu.memref_slice %arg8[%run_scoped3A_16, %dma_start3A, %dma_start3A_33] : memref<2x128x128xf32, #tpu.memory_space<vmem>> -> memref<1x128x128xf32, #tpu.memory_space<vmem>>
      %dma_start3A_35 = tpu.memref_squeeze %dma_start3A_34 : memref<1x128x128xf32, #tpu.memory_space<vmem>> -> memref<128x128xf32, #tpu.memory_space<vmem>>
      %dma_start3A_36 = arith.constant 0 : i32
      %dma_start3A_37 = tpu.memref_slice %arg9[%add3A_15, %dma_start3A_36] : memref<10240x128xf32, #tpu.memory_space<vmem_shared>> -> memref<128x128xf32, #tpu.memory_space<vmem_shared>>
      %dma_start3A_38 = arith.constant 0 : i32
      %dma_start3A_39 = tpu.memref_slice %arg9[%add3A_15, %dma_start3A_38] : memref<10240x128xf32, #tpu.memory_space<vmem_shared>> -> memref<128x128xf32, #tpu.memory_space<vmem_shared>>
      %dma_start3A_40 = arith.constant 0 : i32
      %dma_start3A_41 = arith.constant 0 : i32
      %dma_start3A_42 = tpu.memref_slice %arg8[%run_scoped3A_16, %dma_start3A_40, %dma_start3A_41] : memref<2x128x128xf32, #tpu.memory_space<vmem>> -> memref<1x128x128xf32, #tpu.memory_space<vmem>>
      %dma_start3A_43 = tpu.memref_squeeze %dma_start3A_42 : memref<1x128x128xf32, #tpu.memory_space<vmem>> -> memref<128x128xf32, #tpu.memory_space<vmem>>
      tpu.enqueue_dma source(%dma_start3A_43 : memref<128x128xf32, #tpu.memory_space<vmem>>) target(%dma_start3A_39 : memref<128x128xf32, #tpu.memory_space<vmem_shared>>) target_semaphore(%run_scoped3A_32 : memref<!tpu.dma_semaphore, #tpu.memory_space<semaphore_mem>>)
      %dma_wait3A = arith.constant 0 : i32
      %dma_wait3A_44 = arith.constant 0 : i32
      %dma_wait3A_45 = tpu.memref_slice %arg8[%run_scoped3A_16, %dma_wait3A, %dma_wait3A_44] : memref<2x128x128xf32, #tpu.memory_space<vmem>> -> memref<1x128x128xf32, #tpu.memory_space<vmem>>
      %dma_wait3A_46 = tpu.memref_squeeze %dma_wait3A_45 : memref<1x128x128xf32, #tpu.memory_space<vmem>> -> memref<128x128xf32, #tpu.memory_space<vmem>>
      %dma_wait3A_47 = arith.constant 0 : i32
      %dma_wait3A_48 = tpu.memref_slice %arg9[%add3A_15, %dma_wait3A_47] : memref<10240x128xf32, #tpu.memory_space<vmem_shared>> -> memref<128x128xf32, #tpu.memory_space<vmem_shared>>
      %dma_wait3A_49 = arith.constant 0 : i32
      %dma_wait3A_50 = tpu.memref_slice %arg9[%add3A_15, %dma_wait3A_49] : memref<10240x128xf32, #tpu.memory_space<vmem_shared>> -> memref<128x128xf32, #tpu.memory_space<vmem_shared>>
      %dma_wait3A_51 = arith.constant 0 : i32
      %dma_wait3A_52 = arith.constant 0 : i32
      %dma_wait3A_53 = tpu.memref_slice %arg8[%run_scoped3A_16, %dma_wait3A_51, %dma_wait3A_52] : memref<2x128x128xf32, #tpu.memory_space<vmem>> -> memref<1x128x128xf32, #tpu.memory_space<vmem>>
      %dma_wait3A_54 = tpu.memref_squeeze %dma_wait3A_53 : memref<1x128x128xf32, #tpu.memory_space<vmem>> -> memref<128x128xf32, #tpu.memory_space<vmem>>
      tpu.wait_dma2 semaphore(%run_scoped3A_32 : memref<!tpu.dma_semaphore, #tpu.memory_space<semaphore_mem>>) src(%dma_wait3A_54 : memref<128x128xf32, #tpu.memory_space<vmem>>) dst(%dma_wait3A_50 : memref<128x128xf32, #tpu.memory_space<vmem_shared>>)
      tpu.yield
    }) : () -> ()
    %add3A_17 = arith.constant 512 : i32
    %add3A_18 = arith.addi %mul3A_6, %add3A_17 : i32
    %run_scoped3A_19 = arith.constant 0 : i32
    "tpu.region"() ({
      %run_scoped3A_32 = tpu.sem_alloc : memref<!tpu.dma_semaphore, #tpu.memory_space<semaphore_mem>>
      %dma_start3A = arith.constant 0 : i32
      %dma_start3A_33 = arith.constant 0 : i32
      %dma_start3A_34 = tpu.memref_slice %arg8[%run_scoped3A_19, %dma_start3A, %dma_start3A_33] : memref<2x128x128xf32, #tpu.memory_space<vmem>> -> memref<1x128x128xf32, #tpu.memory_space<vmem>>
      %dma_start3A_35 = tpu.memref_squeeze %dma_start3A_34 : memref<1x128x128xf32, #tpu.memory_space<vmem>> -> memref<128x128xf32, #tpu.memory_space<vmem>>
      %dma_start3A_36 = arith.constant 0 : i32
      %dma_start3A_37 = tpu.memref_slice %arg9[%add3A_18, %dma_start3A_36] : memref<10240x128xf32, #tpu.memory_space<vmem_shared>> -> memref<128x128xf32, #tpu.memory_space<vmem_shared>>
      %dma_start3A_38 = arith.constant 0 : i32
      %dma_start3A_39 = tpu.memref_slice %arg9[%add3A_18, %dma_start3A_38] : memref<10240x128xf32, #tpu.memory_space<vmem_shared>> -> memref<128x128xf32, #tpu.memory_space<vmem_shared>>
      %dma_start3A_40 = arith.constant 0 : i32
      %dma_start3A_41 = arith.constant 0 : i32
      %dma_start3A_42 = tpu.memref_slice %arg8[%run_scoped3A_19, %dma_start3A_40, %dma_start3A_41] : memref<2x128x128xf32, #tpu.memory_space<vmem>> -> memref<1x128x128xf32, #tpu.memory_space<vmem>>
      %dma_start3A_43 = tpu.memref_squeeze %dma_start3A_42 : memref<1x128x128xf32, #tpu.memory_space<vmem>> -> memref<128x128xf32, #tpu.memory_space<vmem>>
      tpu.enqueue_dma source(%dma_start3A_43 : memref<128x128xf32, #tpu.memory_space<vmem>>) target(%dma_start3A_39 : memref<128x128xf32, #tpu.memory_space<vmem_shared>>) target_semaphore(%run_scoped3A_32 : memref<!tpu.dma_semaphore, #tpu.memory_space<semaphore_mem>>)
      %dma_wait3A = arith.constant 0 : i32
      %dma_wait3A_44 = arith.constant 0 : i32
      %dma_wait3A_45 = tpu.memref_slice %arg8[%run_scoped3A_19, %dma_wait3A, %dma_wait3A_44] : memref<2x128x128xf32, #tpu.memory_space<vmem>> -> memref<1x128x128xf32, #tpu.memory_space<vmem>>
      %dma_wait3A_46 = tpu.memref_squeeze %dma_wait3A_45 : memref<1x128x128xf32, #tpu.memory_space<vmem>> -> memref<128x128xf32, #tpu.memory_space<vmem>>
      %dma_wait3A_47 = arith.constant 0 : i32
      %dma_wait3A_48 = tpu.memref_slice %arg9[%add3A_18, %dma_wait3A_47] : memref<10240x128xf32, #tpu.memory_space<vmem_shared>> -> memref<128x128xf32, #tpu.memory_space<vmem_shared>>
      %dma_wait3A_49 = arith.constant 0 : i32
      %dma_wait3A_50 = tpu.memref_slice %arg9[%add3A_18, %dma_wait3A_49] : memref<10240x128xf32, #tpu.memory_space<vmem_shared>> -> memref<128x128xf32, #tpu.memory_space<vmem_shared>>
      %dma_wait3A_51 = arith.constant 0 : i32
      %dma_wait3A_52 = arith.constant 0 : i32
      %dma_wait3A_53 = tpu.memref_slice %arg8[%run_scoped3A_19, %dma_wait3A_51, %dma_wait3A_52] : memref<2x128x128xf32, #tpu.memory_space<vmem>> -> memref<1x128x128xf32, #tpu.memory_space<vmem>>
      %dma_wait3A_54 = tpu.memref_squeeze %dma_wait3A_53 : memref<1x128x128xf32, #tpu.memory_space<vmem>> -> memref<128x128xf32, #tpu.memory_space<vmem>>
      tpu.wait_dma2 semaphore(%run_scoped3A_32 : memref<!tpu.dma_semaphore, #tpu.memory_space<semaphore_mem>>) src(%dma_wait3A_54 : memref<128x128xf32, #tpu.memory_space<vmem>>) dst(%dma_wait3A_50 : memref<128x128xf32, #tpu.memory_space<vmem_shared>>)
      tpu.yield
    }) : () -> ()
    %mul3A_20 = arith.constant 10240 : i32
    %mul3A_21 = arith.muli %arg0, %mul3A_20 : i32
    %barrier3A = arith.constant 0 : index
    tpu.barrier barrier_id(%barrier3A)
    %scan3A_22 = arith.constant 0 : i32
    %scan3A_23 = arith.constant 0 : i32
    %scan3A_24 = arith.constant 5 : i32
    %scan3A_25 = arith.addi %scan3A_23, %scan3A_24 : i32
    %scan3A_26 = arith.constant 1 : i32
    scf.for %scan3A_32 = %scan3A_23 to %scan3A_25 step %scan3A_26  : i32 {
      "tpu.region"() ({
        %run_scoped3A_91 = tpu.sem_alloc : memref<!tpu.dma_semaphore, #tpu.memory_space<semaphore_mem>>
        %dma_start3A_92 = arith.constant 0 : i32
        %dma_start3A_93 = arith.constant 0 : i32
        %dma_start3A_94 = tpu.memref_slice %arg2[%arg1, %scan3A_32, %dma_start3A_92, %dma_start3A_93] : memref<16x5x32x128xi32, #tpu.memory_space<hbm>> -> memref<1x1x32x128xi32, #tpu.memory_space<hbm>>
        %dma_start3A_95 = tpu.memref_squeeze %dma_start3A_94 : memref<1x1x32x128xi32, #tpu.memory_space<hbm>> -> memref<32x128xi32, #tpu.memory_space<hbm>>
        %dma_start3A_96 = arith.constant 0 : i32
        %dma_start3A_97 = arith.constant 0 : i32
        %dma_start3A_98 = tpu.memref_slice %arg2[%arg1, %scan3A_32, %dma_start3A_96, %dma_start3A_97] : memref<16x5x32x128xi32, #tpu.memory_space<hbm>> -> memref<1x1x32x128xi32, #tpu.memory_space<hbm>>
        %dma_start3A_99 = tpu.memref_squeeze %dma_start3A_98 : memref<1x1x32x128xi32, #tpu.memory_space<hbm>> -> memref<32x128xi32, #tpu.memory_space<hbm>>
        tpu.enqueue_dma source(%dma_start3A_99 : memref<32x128xi32, #tpu.memory_space<hbm>>) target(%arg6 : memref<32x128xi32, #tpu.memory_space<vmem>>) target_semaphore(%run_scoped3A_91 : memref<!tpu.dma_semaphore, #tpu.memory_space<semaphore_mem>>)
        %dma_wait3A_100 = arith.constant 0 : i32
        %dma_wait3A_101 = arith.constant 0 : i32
        %dma_wait3A_102 = tpu.memref_slice %arg2[%arg1, %scan3A_32, %dma_wait3A_100, %dma_wait3A_101] : memref<16x5x32x128xi32, #tpu.memory_space<hbm>> -> memref<1x1x32x128xi32, #tpu.memory_space<hbm>>
        %dma_wait3A_103 = tpu.memref_squeeze %dma_wait3A_102 : memref<1x1x32x128xi32, #tpu.memory_space<hbm>> -> memref<32x128xi32, #tpu.memory_space<hbm>>
        %dma_wait3A_104 = arith.constant 0 : i32
        %dma_wait3A_105 = arith.constant 0 : i32
        %dma_wait3A_106 = tpu.memref_slice %arg2[%arg1, %scan3A_32, %dma_wait3A_104, %dma_wait3A_105] : memref<16x5x32x128xi32, #tpu.memory_space<hbm>> -> memref<1x1x32x128xi32, #tpu.memory_space<hbm>>
        %dma_wait3A_107 = tpu.memref_squeeze %dma_wait3A_106 : memref<1x1x32x128xi32, #tpu.memory_space<hbm>> -> memref<32x128xi32, #tpu.memory_space<hbm>>
        tpu.wait_dma2 semaphore(%run_scoped3A_91 : memref<!tpu.dma_semaphore, #tpu.memory_space<semaphore_mem>>) src(%dma_wait3A_107 : memref<32x128xi32, #tpu.memory_space<hbm>>) dst(%arg6 : memref<32x128xi32, #tpu.memory_space<vmem>>)
        tpu.yield
      }) : () -> ()
      "tpu.region"() ({
        %run_scoped3A_91 = tpu.sem_alloc : memref<!tpu.dma_semaphore, #tpu.memory_space<semaphore_mem>>
        %dma_start3A_92 = arith.constant 0 : i32
        %dma_start3A_93 = arith.constant 0 : i32
        %dma_start3A_94 = tpu.memref_slice %arg3[%arg1, %scan3A_32, %dma_start3A_92, %dma_start3A_93] : memref<16x5x32x128xi32, #tpu.memory_space<hbm>> -> memref<1x1x32x128xi32, #tpu.memory_space<hbm>>
        %dma_start3A_95 = tpu.memref_squeeze %dma_start3A_94 : memref<1x1x32x128xi32, #tpu.memory_space<hbm>> -> memref<32x128xi32, #tpu.memory_space<hbm>>
        %dma_start3A_96 = arith.constant 0 : i32
        %dma_start3A_97 = arith.constant 0 : i32
        %dma_start3A_98 = tpu.memref_slice %arg3[%arg1, %scan3A_32, %dma_start3A_96, %dma_start3A_97] : memref<16x5x32x128xi32, #tpu.memory_space<hbm>> -> memref<1x1x32x128xi32, #tpu.memory_space<hbm>>
        %dma_start3A_99 = tpu.memref_squeeze %dma_start3A_98 : memref<1x1x32x128xi32, #tpu.memory_space<hbm>> -> memref<32x128xi32, #tpu.memory_space<hbm>>
        tpu.enqueue_dma source(%dma_start3A_99 : memref<32x128xi32, #tpu.memory_space<hbm>>) target(%arg7 : memref<32x128xi32, #tpu.memory_space<vmem>>) target_semaphore(%run_scoped3A_91 : memref<!tpu.dma_semaphore, #tpu.memory_space<semaphore_mem>>)
        %dma_wait3A_100 = arith.constant 0 : i32
        %dma_wait3A_101 = arith.constant 0 : i32
        %dma_wait3A_102 = tpu.memref_slice %arg3[%arg1, %scan3A_32, %dma_wait3A_100, %dma_wait3A_101] : memref<16x5x32x128xi32, #tpu.memory_space<hbm>> -> memref<1x1x32x128xi32, #tpu.memory_space<hbm>>
        %dma_wait3A_103 = tpu.memref_squeeze %dma_wait3A_102 : memref<1x1x32x128xi32, #tpu.memory_space<hbm>> -> memref<32x128xi32, #tpu.memory_space<hbm>>
        %dma_wait3A_104 = arith.constant 0 : i32
        %dma_wait3A_105 = arith.constant 0 : i32
        %dma_wait3A_106 = tpu.memref_slice %arg3[%arg1, %scan3A_32, %dma_wait3A_104, %dma_wait3A_105] : memref<16x5x32x128xi32, #tpu.memory_space<hbm>> -> memref<1x1x32x128xi32, #tpu.memory_space<hbm>>
        %dma_wait3A_107 = tpu.memref_squeeze %dma_wait3A_106 : memref<1x1x32x128xi32, #tpu.memory_space<hbm>> -> memref<32x128xi32, #tpu.memory_space<hbm>>
        tpu.wait_dma2 semaphore(%run_scoped3A_91 : memref<!tpu.dma_semaphore, #tpu.memory_space<semaphore_mem>>) src(%dma_wait3A_107 : memref<32x128xi32, #tpu.memory_space<hbm>>) dst(%arg7 : memref<32x128xi32, #tpu.memory_space<vmem>>)
        tpu.yield
      }) : () -> ()
      %scan3A_33 = arith.constant 0 : i32
      %scan3A_34 = arith.constant 0 : i32
      %scan3A_35 = arith.constant 32 : i32
      %scan3A_36 = arith.addi %scan3A_34, %scan3A_35 : i32
      %scan3A_37 = arith.constant 1 : i32
      scf.for %scan3A_91 = %scan3A_34 to %scan3A_36 step %scan3A_37  : i32 {
        %get3A = arith.index_cast %scan3A_91 : i32 to index
        %get3A_92 = arith.constant 0 : index
        %get3A_93 = tpu.vector_load %arg6[%get3A, %get3A_92] {strides = array<i32>} : memref<32x128xi32, #tpu.memory_space<vmem>>, vector<1x16xi32>,
        %get3A_94 = vector.shape_cast %get3A_93 : vector<1x16xi32> to vector<16xi32>
        %add3A_95 = vector.broadcast %mul3A_21 : i32 to vector<16xi32>
        %add3A_96 = arith.addi %get3A_94, %add3A_95 : vector<16xi32>
        %swap3A = arith.index_cast %scan3A_91 : i32 to index
        %swap3A_97 = arith.constant 0 : index
        %swap3A_98 = tpu.vector_load %arg6[%swap3A, %swap3A_97] {strides = array<i32>} : memref<32x128xi32, #tpu.memory_space<vmem>>, vector<1x16xi32>,
        %swap3A_99 = vector.shape_cast %swap3A_98 : vector<1x16xi32> to vector<16xi32>
        %swap3A_100 = vector.shape_cast %add3A_96 : vector<16xi32> to vector<1x16xi32>
        tpu.vector_store %arg6[%swap3A, %swap3A_97], %swap3A_100 {strides = array<i32>} : memref<32x128xi32, #tpu.memory_space<vmem>>, vector<1x16xi32>,
        %get3A_101 = arith.index_cast %scan3A_91 : i32 to index
        %get3A_102 = arith.constant 16 : index
        %get3A_103 = tpu.vector_load %arg6[%get3A_101, %get3A_102] {strides = array<i32>} : memref<32x128xi32, #tpu.memory_space<vmem>>, vector<1x16xi32>,
        %get3A_104 = vector.shape_cast %get3A_103 : vector<1x16xi32> to vector<16xi32>
        %add3A_105 = vector.broadcast %mul3A_21 : i32 to vector<16xi32>
        %add3A_106 = arith.addi %get3A_104, %add3A_105 : vector<16xi32>
        %swap3A_107 = arith.index_cast %scan3A_91 : i32 to index
        %swap3A_108 = arith.constant 16 : index
        %swap3A_109 = tpu.vector_load %arg6[%swap3A_107, %swap3A_108] {strides = array<i32>} : memref<32x128xi32, #tpu.memory_space<vmem>>, vector<1x16xi32>,
        %swap3A_110 = vector.shape_cast %swap3A_109 : vector<1x16xi32> to vector<16xi32>
        %swap3A_111 = vector.shape_cast %add3A_106 : vector<16xi32> to vector<1x16xi32>
        tpu.vector_store %arg6[%swap3A_107, %swap3A_108], %swap3A_111 {strides = array<i32>} : memref<32x128xi32, #tpu.memory_space<vmem>>, vector<1x16xi32>,
        %get3A_112 = arith.index_cast %scan3A_91 : i32 to index
        %get3A_113 = arith.constant 32 : index
        %get3A_114 = tpu.vector_load %arg6[%get3A_112, %get3A_113] {strides = array<i32>} : memref<32x128xi32, #tpu.memory_space<vmem>>, vector<1x16xi32>,
        %get3A_115 = vector.shape_cast %get3A_114 : vector<1x16xi32> to vector<16xi32>
        %add3A_116 = vector.broadcast %mul3A_21 : i32 to vector<16xi32>
        %add3A_117 = arith.addi %get3A_115, %add3A_116 : vector<16xi32>
        %swap3A_118 = arith.index_cast %scan3A_91 : i32 to index
        %swap3A_119 = arith.constant 32 : index
        %swap3A_120 = tpu.vector_load %arg6[%swap3A_118, %swap3A_119] {strides = array<i32>} : memref<32x128xi32, #tpu.memory_space<vmem>>, vector<1x16xi32>,
        %swap3A_121 = vector.shape_cast %swap3A_120 : vector<1x16xi32> to vector<16xi32>
        %swap3A_122 = vector.shape_cast %add3A_117 : vector<16xi32> to vector<1x16xi32>
        tpu.vector_store %arg6[%swap3A_118, %swap3A_119], %swap3A_122 {strides = array<i32>} : memref<32x128xi32, #tpu.memory_space<vmem>>, vector<1x16xi32>,
        %get3A_123 = arith.index_cast %scan3A_91 : i32 to index
        %get3A_124 = arith.constant 48 : index
        %get3A_125 = tpu.vector_load %arg6[%get3A_123, %get3A_124] {strides = array<i32>} : memref<32x128xi32, #tpu.memory_space<vmem>>, vector<1x16xi32>,
        %get3A_126 = vector.shape_cast %get3A_125 : vector<1x16xi32> to vector<16xi32>
        %add3A_127 = vector.broadcast %mul3A_21 : i32 to vector<16xi32>
        %add3A_128 = arith.addi %get3A_126, %add3A_127 : vector<16xi32>
        %swap3A_129 = arith.index_cast %scan3A_91 : i32 to index
        %swap3A_130 = arith.constant 48 : index
        %swap3A_131 = tpu.vector_load %arg6[%swap3A_129, %swap3A_130] {strides = array<i32>} : memref<32x128xi32, #tpu.memory_space<vmem>>, vector<1x16xi32>,
        %swap3A_132 = vector.shape_cast %swap3A_131 : vector<1x16xi32> to vector<16xi32>
        %swap3A_133 = vector.shape_cast %add3A_128 : vector<16xi32> to vector<1x16xi32>
        tpu.vector_store %arg6[%swap3A_129, %swap3A_130], %swap3A_133 {strides = array<i32>} : memref<32x128xi32, #tpu.memory_space<vmem>>, vector<1x16xi32>,
        %get3A_134 = arith.index_cast %scan3A_91 : i32 to index
        %get3A_135 = arith.constant 64 : index
        %get3A_136 = tpu.vector_load %arg6[%get3A_134, %get3A_135] {strides = array<i32>} : memref<32x128xi32, #tpu.memory_space<vmem>>, vector<1x16xi32>,
        %get3A_137 = vector.shape_cast %get3A_136 : vector<1x16xi32> to vector<16xi32>
        %add3A_138 = vector.broadcast %mul3A_21 : i32 to vector<16xi32>
        %add3A_139 = arith.addi %get3A_137, %add3A_138 : vector<16xi32>
        %swap3A_140 = arith.index_cast %scan3A_91 : i32 to index
        %swap3A_141 = arith.constant 64 : index
        %swap3A_142 = tpu.vector_load %arg6[%swap3A_140, %swap3A_141] {strides = array<i32>} : memref<32x128xi32, #tpu.memory_space<vmem>>, vector<1x16xi32>,
        %swap3A_143 = vector.shape_cast %swap3A_142 : vector<1x16xi32> to vector<16xi32>
        %swap3A_144 = vector.shape_cast %add3A_139 : vector<16xi32> to vector<1x16xi32>
        tpu.vector_store %arg6[%swap3A_140, %swap3A_141], %swap3A_144 {strides = array<i32>} : memref<32x128xi32, #tpu.memory_space<vmem>>, vector<1x16xi32>,
        %get3A_145 = arith.index_cast %scan3A_91 : i32 to index
        %get3A_146 = arith.constant 80 : index
        %get3A_147 = tpu.vector_load %arg6[%get3A_145, %get3A_146] {strides = array<i32>} : memref<32x128xi32, #tpu.memory_space<vmem>>, vector<1x16xi32>,
        %get3A_148 = vector.shape_cast %get3A_147 : vector<1x16xi32> to vector<16xi32>
        %add3A_149 = vector.broadcast %mul3A_21 : i32 to vector<16xi32>
        %add3A_150 = arith.addi %get3A_148, %add3A_149 : vector<16xi32>
        %swap3A_151 = arith.index_cast %scan3A_91 : i32 to index
        %swap3A_152 = arith.constant 80 : index
        %swap3A_153 = tpu.vector_load %arg6[%swap3A_151, %swap3A_152] {strides = array<i32>} : memref<32x128xi32, #tpu.memory_space<vmem>>, vector<1x16xi32>,
        %swap3A_154 = vector.shape_cast %swap3A_153 : vector<1x16xi32> to vector<16xi32>
        %swap3A_155 = vector.shape_cast %add3A_150 : vector<16xi32> to vector<1x16xi32>
        tpu.vector_store %arg6[%swap3A_151, %swap3A_152], %swap3A_155 {strides = array<i32>} : memref<32x128xi32, #tpu.memory_space<vmem>>, vector<1x16xi32>,
        %get3A_156 = arith.index_cast %scan3A_91 : i32 to index
        %get3A_157 = arith.constant 96 : index
        %get3A_158 = tpu.vector_load %arg6[%get3A_156, %get3A_157] {strides = array<i32>} : memref<32x128xi32, #tpu.memory_space<vmem>>, vector<1x16xi32>,
        %get3A_159 = vector.shape_cast %get3A_158 : vector<1x16xi32> to vector<16xi32>
        %add3A_160 = vector.broadcast %mul3A_21 : i32 to vector<16xi32>
        %add3A_161 = arith.addi %get3A_159, %add3A_160 : vector<16xi32>
        %swap3A_162 = arith.index_cast %scan3A_91 : i32 to index
        %swap3A_163 = arith.constant 96 : index
        %swap3A_164 = tpu.vector_load %arg6[%swap3A_162, %swap3A_163] {strides = array<i32>} : memref<32x128xi32, #tpu.memory_space<vmem>>, vector<1x16xi32>,
        %swap3A_165 = vector.shape_cast %swap3A_164 : vector<1x16xi32> to vector<16xi32>
        %swap3A_166 = vector.shape_cast %add3A_161 : vector<16xi32> to vector<1x16xi32>
        tpu.vector_store %arg6[%swap3A_162, %swap3A_163], %swap3A_166 {strides = array<i32>} : memref<32x128xi32, #tpu.memory_space<vmem>>, vector<1x16xi32>,
        %get3A_167 = arith.index_cast %scan3A_91 : i32 to index
        %get3A_168 = arith.constant 112 : index
        %get3A_169 = tpu.vector_load %arg6[%get3A_167, %get3A_168] {strides = array<i32>} : memref<32x128xi32, #tpu.memory_space<vmem>>, vector<1x16xi32>,
        %get3A_170 = vector.shape_cast %get3A_169 : vector<1x16xi32> to vector<16xi32>
        %add3A_171 = vector.broadcast %mul3A_21 : i32 to vector<16xi32>
        %add3A_172 = arith.addi %get3A_170, %add3A_171 : vector<16xi32>
        %swap3A_173 = arith.index_cast %scan3A_91 : i32 to index
        %swap3A_174 = arith.constant 112 : index
        %swap3A_175 = tpu.vector_load %arg6[%swap3A_173, %swap3A_174] {strides = array<i32>} : memref<32x128xi32, #tpu.memory_space<vmem>>, vector<1x16xi32>,
        %swap3A_176 = vector.shape_cast %swap3A_175 : vector<1x16xi32> to vector<16xi32>
        %swap3A_177 = vector.shape_cast %add3A_172 : vector<16xi32> to vector<1x16xi32>
        tpu.vector_store %arg6[%swap3A_173, %swap3A_174], %swap3A_177 {strides = array<i32>} : memref<32x128xi32, #tpu.memory_space<vmem>>, vector<1x16xi32>,
      }
      %scan3A_38 = arith.constant 32 : i32
      %dma_start3A = arith.constant 0 : i32
      %dma_start3A_39 = arith.constant 0 : i32
      %dma_start3A_40 = arith.constant 0 : i32
      %dma_start3A_41 = arith.constant 0 : i32
      %dma_start3A_42 = tpu.memref_slice %arg8[%dma_start3A_39, %dma_start3A_40, %dma_start3A_41] : memref<2x128x128xf32, #tpu.memory_space<vmem>> -> memref<1x128x128xf32, #tpu.memory_space<vmem>>
      %dma_start3A_43 = tpu.memref_squeeze %dma_start3A_42 : memref<1x128x128xf32, #tpu.memory_space<vmem>> -> memref<128x128xf32, #tpu.memory_space<vmem>>
      %dma_start3A_44 = arith.constant 0 : i32
      %dma_start3A_45 = tpu.memref_slice %arg6[%dma_start3A, %dma_start3A_44] : memref<32x128xi32, #tpu.memory_space<vmem>> -> memref<1x128xi32, #tpu.memory_space<vmem>>
      %dma_start3A_46 = tpu.memref_squeeze %dma_start3A_45 : memref<1x128xi32, #tpu.memory_space<vmem>> -> memref<128xi32, #tpu.memory_space<vmem>>
      %dma_start3A_47 = arith.constant 0 : i32
      %dma_start3A_48 = arith.constant 0 : i32
      %dma_start3A_49 = tpu.memref_slice %arg4[%dma_start3A_47, %dma_start3A_48] : memref<20480x128xf32, #tpu.memory_space<hbm>> -> memref<20480x128xf32, #tpu.memory_space<hbm>>
      tpu.enqueue_indirect_dma source(%dma_start3A_49 : memref<20480x128xf32, #tpu.memory_space<hbm>>) target(%dma_start3A_43 : memref<128x128xf32, #tpu.memory_space<vmem>>) offsets(%dma_start3A_46 : memref<128xi32, #tpu.memory_space<vmem>>) semaphore(%arg10 : memref<!tpu.dma_semaphore, #tpu.memory_space<semaphore_mem>>)
      %dma_start3A_50 = arith.constant 1 : i32
      %dma_start3A_51 = arith.constant 1 : i32
      %dma_start3A_52 = arith.constant 0 : i32
      %dma_start3A_53 = arith.constant 0 : i32
      %dma_start3A_54 = tpu.memref_slice %arg8[%dma_start3A_51, %dma_start3A_52, %dma_start3A_53] : memref<2x128x128xf32, #tpu.memory_space<vmem>> -> memref<1x128x128xf32, #tpu.memory_space<vmem>>
      %dma_start3A_55 = tpu.memref_squeeze %dma_start3A_54 : memref<1x128x128xf32, #tpu.memory_space<vmem>> -> memref<128x128xf32, #tpu.memory_space<vmem>>
      %dma_start3A_56 = arith.constant 0 : i32
      %dma_start3A_57 = tpu.memref_slice %arg6[%dma_start3A_50, %dma_start3A_56] : memref<32x128xi32, #tpu.memory_space<vmem>> -> memref<1x128xi32, #tpu.memory_space<vmem>>
      %dma_start3A_58 = tpu.memref_squeeze %dma_start3A_57 : memref<1x128xi32, #tpu.memory_space<vmem>> -> memref<128xi32, #tpu.memory_space<vmem>>
      %dma_start3A_59 = arith.constant 0 : i32
      %dma_start3A_60 = arith.constant 0 : i32
      %dma_start3A_61 = tpu.memref_slice %arg4[%dma_start3A_59, %dma_start3A_60] : memref<20480x128xf32, #tpu.memory_space<hbm>> -> memref<20480x128xf32, #tpu.memory_space<hbm>>
      tpu.enqueue_indirect_dma source(%dma_start3A_61 : memref<20480x128xf32, #tpu.memory_space<hbm>>) target(%dma_start3A_55 : memref<128x128xf32, #tpu.memory_space<vmem>>) offsets(%dma_start3A_58 : memref<128xi32, #tpu.memory_space<vmem>>) semaphore(%arg11 : memref<!tpu.dma_semaphore, #tpu.memory_space<semaphore_mem>>)
      %scan3A_62 = arith.constant 0 : i32
      %scan3A_63 = arith.constant 0 : i32
      %scan3A_64 = arith.constant 16 : i32
      %scan3A_65 = arith.addi %scan3A_63, %scan3A_64 : i32
      %scan3A_66 = arith.constant 1 : i32
      scf.for %scan3A_91 = %scan3A_63 to %scan3A_65 step %scan3A_66  : i32 {
        %mul3A_92 = arith.constant 2 : i32
        %mul3A_93 = arith.muli %scan3A_91, %mul3A_92 : i32
        %dma_wait3A_94 = arith.constant 0 : i32
        %dma_wait3A_95 = arith.constant 0 : i32
        %dma_wait3A_96 = arith.constant 0 : i32
        %dma_wait3A_97 = tpu.memref_slice %arg8[%dma_wait3A_94, %dma_wait3A_95, %dma_wait3A_96] : memref<2x128x128xf32, #tpu.memory_space<vmem>> -> memref<1x128x128xf32, #tpu.memory_space<vmem>>
        %dma_wait3A_98 = tpu.memref_squeeze %dma_wait3A_97 : memref<1x128x128xf32, #tpu.memory_space<vmem>> -> memref<128x128xf32, #tpu.memory_space<vmem>>
        %dma_wait3A_99 = arith.constant 0 : i32
        %dma_wait3A_100 = tpu.memref_slice %arg6[%mul3A_93, %dma_wait3A_99] : memref<32x128xi32, #tpu.memory_space<vmem>> -> memref<1x128xi32, #tpu.memory_space<vmem>>
        %dma_wait3A_101 = tpu.memref_squeeze %dma_wait3A_100 : memref<1x128xi32, #tpu.memory_space<vmem>> -> memref<128xi32, #tpu.memory_space<vmem>>
        %dma_wait3A_102 = arith.constant 0 : i32
        %dma_wait3A_103 = arith.constant 0 : i32
        %dma_wait3A_104 = tpu.memref_slice %arg4[%dma_wait3A_102, %dma_wait3A_103] : memref<20480x128xf32, #tpu.memory_space<hbm>> -> memref<20480x128xf32, #tpu.memory_space<hbm>>
        tpu.wait_indirect_dma semaphore(%arg10 : memref<!tpu.dma_semaphore, #tpu.memory_space<semaphore_mem>>) src(%dma_wait3A_104 : memref<20480x128xf32, #tpu.memory_space<hbm>>) dst(%dma_wait3A_98 : memref<128x128xf32, #tpu.memory_space<vmem>>)
        %dma_start3A_105 = arith.constant 0 : i32
        %dma_start3A_106 = arith.constant 0 : i32
        %dma_start3A_107 = arith.constant 0 : i32
        %dma_start3A_108 = tpu.memref_slice %arg8[%dma_start3A_105, %dma_start3A_106, %dma_start3A_107] : memref<2x128x128xf32, #tpu.memory_space<vmem>> -> memref<1x128x128xf32, #tpu.memory_space<vmem>>
        %dma_start3A_109 = tpu.memref_squeeze %dma_start3A_108 : memref<1x128x128xf32, #tpu.memory_space<vmem>> -> memref<128x128xf32, #tpu.memory_space<vmem>>
        %dma_start3A_110 = arith.constant 0 : i32
        %dma_start3A_111 = tpu.memref_slice %arg7[%mul3A_93, %dma_start3A_110] : memref<32x128xi32, #tpu.memory_space<vmem>> -> memref<1x128xi32, #tpu.memory_space<vmem>>
        %dma_start3A_112 = tpu.memref_squeeze %dma_start3A_111 : memref<1x128xi32, #tpu.memory_space<vmem>> -> memref<128xi32, #tpu.memory_space<vmem>>
        %dma_start3A_113 = arith.constant 0 : i32
        %dma_start3A_114 = arith.constant 0 : i32
        %dma_start3A_115 = tpu.memref_slice %arg9[%dma_start3A_113, %dma_start3A_114] : memref<10240x128xf32, #tpu.memory_space<vmem_shared>> -> memref<10240x128xf32, #tpu.memory_space<vmem_shared>>
        tpu.enqueue_indirect_dma source(%dma_start3A_109 : memref<128x128xf32, #tpu.memory_space<vmem>>) target(%dma_start3A_115 : memref<10240x128xf32, #tpu.memory_space<vmem_shared>>) offsets(%dma_start3A_112 : memref<128xi32, #tpu.memory_space<vmem>>) semaphore(%arg12 : memref<!tpu.dma_semaphore, #tpu.memory_space<semaphore_mem>>) {add = true}
        %add3A_116 = arith.constant 1 : i32
        %add3A_117 = arith.addi %mul3A_93, %add3A_116 : i32
        %dma_wait3A_118 = arith.constant 1 : i32
        %dma_wait3A_119 = arith.constant 0 : i32
        %dma_wait3A_120 = arith.constant 0 : i32
        %dma_wait3A_121 = tpu.memref_slice %arg8[%dma_wait3A_118, %dma_wait3A_119, %dma_wait3A_120] : memref<2x128x128xf32, #tpu.memory_space<vmem>> -> memref<1x128x128xf32, #tpu.memory_space<vmem>>
        %dma_wait3A_122 = tpu.memref_squeeze %dma_wait3A_121 : memref<1x128x128xf32, #tpu.memory_space<vmem>> -> memref<128x128xf32, #tpu.memory_space<vmem>>
        %dma_wait3A_123 = arith.constant 0 : i32
        %dma_wait3A_124 = tpu.memref_slice %arg6[%add3A_117, %dma_wait3A_123] : memref<32x128xi32, #tpu.memory_space<vmem>> -> memref<1x128xi32, #tpu.memory_space<vmem>>
        %dma_wait3A_125 = tpu.memref_squeeze %dma_wait3A_124 : memref<1x128xi32, #tpu.memory_space<vmem>> -> memref<128xi32, #tpu.memory_space<vmem>>
        %dma_wait3A_126 = arith.constant 0 : i32
        %dma_wait3A_127 = arith.constant 0 : i32
        %dma_wait3A_128 = tpu.memref_slice %arg4[%dma_wait3A_126, %dma_wait3A_127] : memref<20480x128xf32, #tpu.memory_space<hbm>> -> memref<20480x128xf32, #tpu.memory_space<hbm>>
        tpu.wait_indirect_dma semaphore(%arg11 : memref<!tpu.dma_semaphore, #tpu.memory_space<semaphore_mem>>) src(%dma_wait3A_128 : memref<20480x128xf32, #tpu.memory_space<hbm>>) dst(%dma_wait3A_122 : memref<128x128xf32, #tpu.memory_space<vmem>>)
        %add3A_129 = arith.constant 1 : i32
        %add3A_130 = arith.addi %mul3A_93, %add3A_129 : i32
        %dma_start3A_131 = arith.constant 1 : i32
        %dma_start3A_132 = arith.constant 0 : i32
        %dma_start3A_133 = arith.constant 0 : i32
        %dma_start3A_134 = tpu.memref_slice %arg8[%dma_start3A_131, %dma_start3A_132, %dma_start3A_133] : memref<2x128x128xf32, #tpu.memory_space<vmem>> -> memref<1x128x128xf32, #tpu.memory_space<vmem>>
        %dma_start3A_135 = tpu.memref_squeeze %dma_start3A_134 : memref<1x128x128xf32, #tpu.memory_space<vmem>> -> memref<128x128xf32, #tpu.memory_space<vmem>>
        %dma_start3A_136 = arith.constant 0 : i32
        %dma_start3A_137 = tpu.memref_slice %arg7[%add3A_130, %dma_start3A_136] : memref<32x128xi32, #tpu.memory_space<vmem>> -> memref<1x128xi32, #tpu.memory_space<vmem>>
        %dma_start3A_138 = tpu.memref_squeeze %dma_start3A_137 : memref<1x128xi32, #tpu.memory_space<vmem>> -> memref<128xi32, #tpu.memory_space<vmem>>
        %dma_start3A_139 = arith.constant 0 : i32
        %dma_start3A_140 = arith.constant 0 : i32
        %dma_start3A_141 = tpu.memref_slice %arg9[%dma_start3A_139, %dma_start3A_140] : memref<10240x128xf32, #tpu.memory_space<vmem_shared>> -> memref<10240x128xf32, #tpu.memory_space<vmem_shared>>
        tpu.enqueue_indirect_dma source(%dma_start3A_135 : memref<128x128xf32, #tpu.memory_space<vmem>>) target(%dma_start3A_141 : memref<10240x128xf32, #tpu.memory_space<vmem_shared>>) offsets(%dma_start3A_138 : memref<128xi32, #tpu.memory_space<vmem>>) semaphore(%arg13 : memref<!tpu.dma_semaphore, #tpu.memory_space<semaphore_mem>>) {add = true}
        %dma_wait3A_142 = arith.constant 0 : i32
        %dma_wait3A_143 = arith.constant 0 : i32
        %dma_wait3A_144 = arith.constant 0 : i32
        %dma_wait3A_145 = tpu.memref_slice %arg8[%dma_wait3A_142, %dma_wait3A_143, %dma_wait3A_144] : memref<2x128x128xf32, #tpu.memory_space<vmem>> -> memref<1x128x128xf32, #tpu.memory_space<vmem>>
        %dma_wait3A_146 = tpu.memref_squeeze %dma_wait3A_145 : memref<1x128x128xf32, #tpu.memory_space<vmem>> -> memref<128x128xf32, #tpu.memory_space<vmem>>
        %dma_wait3A_147 = arith.constant 0 : i32
        %dma_wait3A_148 = tpu.memref_slice %arg7[%mul3A_93, %dma_wait3A_147] : memref<32x128xi32, #tpu.memory_space<vmem>> -> memref<1x128xi32, #tpu.memory_space<vmem>>
        %dma_wait3A_149 = tpu.memref_squeeze %dma_wait3A_148 : memref<1x128xi32, #tpu.memory_space<vmem>> -> memref<128xi32, #tpu.memory_space<vmem>>
        %dma_wait3A_150 = arith.constant 0 : i32
        %dma_wait3A_151 = arith.constant 0 : i32
        %dma_wait3A_152 = tpu.memref_slice %arg9[%dma_wait3A_150, %dma_wait3A_151] : memref<10240x128xf32, #tpu.memory_space<vmem_shared>> -> memref<10240x128xf32, #tpu.memory_space<vmem_shared>>
        tpu.wait_indirect_dma semaphore(%arg12 : memref<!tpu.dma_semaphore, #tpu.memory_space<semaphore_mem>>) src(%dma_wait3A_146 : memref<128x128xf32, #tpu.memory_space<vmem>>) dst(%dma_wait3A_152 : memref<10240x128xf32, #tpu.memory_space<vmem_shared>>)
        %add3A_153 = arith.constant 2 : i32
        %add3A_154 = arith.addi %mul3A_93, %add3A_153 : i32
        %min3A = arith.constant 31 : i32
        %min3A_155 = arith.minsi %add3A_154, %min3A : i32
        %dma_start3A_156 = arith.constant 0 : i32
        %dma_start3A_157 = arith.constant 0 : i32
        %dma_start3A_158 = arith.constant 0 : i32
        %dma_start3A_159 = tpu.memref_slice %arg8[%dma_start3A_156, %dma_start3A_157, %dma_start3A_158] : memref<2x128x128xf32, #tpu.memory_space<vmem>> -> memref<1x128x128xf32, #tpu.memory_space<vmem>>
        %dma_start3A_160 = tpu.memref_squeeze %dma_start3A_159 : memref<1x128x128xf32, #tpu.memory_space<vmem>> -> memref<128x128xf32, #tpu.memory_space<vmem>>
        %dma_start3A_161 = arith.constant 0 : i32
        %dma_start3A_162 = tpu.memref_slice %arg6[%min3A_155, %dma_start3A_161] : memref<32x128xi32, #tpu.memory_space<vmem>> -> memref<1x128xi32, #tpu.memory_space<vmem>>
        %dma_start3A_163 = tpu.memref_squeeze %dma_start3A_162 : memref<1x128xi32, #tpu.memory_space<vmem>> -> memref<128xi32, #tpu.memory_space<vmem>>
        %dma_start3A_164 = arith.constant 0 : i32
        %dma_start3A_165 = arith.constant 0 : i32
        %dma_start3A_166 = tpu.memref_slice %arg4[%dma_start3A_164, %dma_start3A_165] : memref<20480x128xf32, #tpu.memory_space<hbm>> -> memref<20480x128xf32, #tpu.memory_space<hbm>>
        tpu.enqueue_indirect_dma source(%dma_start3A_166 : memref<20480x128xf32, #tpu.memory_space<hbm>>) target(%dma_start3A_160 : memref<128x128xf32, #tpu.memory_space<vmem>>) offsets(%dma_start3A_163 : memref<128xi32, #tpu.memory_space<vmem>>) semaphore(%arg10 : memref<!tpu.dma_semaphore, #tpu.memory_space<semaphore_mem>>)
        %add3A_167 = arith.constant 1 : i32
        %add3A_168 = arith.addi %mul3A_93, %add3A_167 : i32
        %dma_wait3A_169 = arith.constant 1 : i32
        %dma_wait3A_170 = arith.constant 0 : i32
        %dma_wait3A_171 = arith.constant 0 : i32
        %dma_wait3A_172 = tpu.memref_slice %arg8[%dma_wait3A_169, %dma_wait3A_170, %dma_wait3A_171] : memref<2x128x128xf32, #tpu.memory_space<vmem>> -> memref<1x128x128xf32, #tpu.memory_space<vmem>>
        %dma_wait3A_173 = tpu.memref_squeeze %dma_wait3A_172 : memref<1x128x128xf32, #tpu.memory_space<vmem>> -> memref<128x128xf32, #tpu.memory_space<vmem>>
        %dma_wait3A_174 = arith.constant 0 : i32
        %dma_wait3A_175 = tpu.memref_slice %arg7[%add3A_168, %dma_wait3A_174] : memref<32x128xi32, #tpu.memory_space<vmem>> -> memref<1x128xi32, #tpu.memory_space<vmem>>
        %dma_wait3A_176 = tpu.memref_squeeze %dma_wait3A_175 : memref<1x128xi32, #tpu.memory_space<vmem>> -> memref<128xi32, #tpu.memory_space<vmem>>
        %dma_wait3A_177 = arith.constant 0 : i32
        %dma_wait3A_178 = arith.constant 0 : i32
        %dma_wait3A_179 = tpu.memref_slice %arg9[%dma_wait3A_177, %dma_wait3A_178] : memref<10240x128xf32, #tpu.memory_space<vmem_shared>> -> memref<10240x128xf32, #tpu.memory_space<vmem_shared>>
        tpu.wait_indirect_dma semaphore(%arg13 : memref<!tpu.dma_semaphore, #tpu.memory_space<semaphore_mem>>) src(%dma_wait3A_173 : memref<128x128xf32, #tpu.memory_space<vmem>>) dst(%dma_wait3A_179 : memref<10240x128xf32, #tpu.memory_space<vmem_shared>>)
        %add3A_180 = arith.constant 3 : i32
        %add3A_181 = arith.addi %mul3A_93, %add3A_180 : i32
        %min3A_182 = arith.constant 31 : i32
        %min3A_183 = arith.minsi %add3A_181, %min3A_182 : i32
        %dma_start3A_184 = arith.constant 1 : i32
        %dma_start3A_185 = arith.constant 0 : i32
        %dma_start3A_186 = arith.constant 0 : i32
        %dma_start3A_187 = tpu.memref_slice %arg8[%dma_start3A_184, %dma_start3A_185, %dma_start3A_186] : memref<2x128x128xf32, #tpu.memory_space<vmem>> -> memref<1x128x128xf32, #tpu.memory_space<vmem>>
        %dma_start3A_188 = tpu.memref_squeeze %dma_start3A_187 : memref<1x128x128xf32, #tpu.memory_space<vmem>> -> memref<128x128xf32, #tpu.memory_space<vmem>>
        %dma_start3A_189 = arith.constant 0 : i32
        %dma_start3A_190 = tpu.memref_slice %arg6[%min3A_183, %dma_start3A_189] : memref<32x128xi32, #tpu.memory_space<vmem>> -> memref<1x128xi32, #tpu.memory_space<vmem>>
        %dma_start3A_191 = tpu.memref_squeeze %dma_start3A_190 : memref<1x128xi32, #tpu.memory_space<vmem>> -> memref<128xi32, #tpu.memory_space<vmem>>
        %dma_start3A_192 = arith.constant 0 : i32
        %dma_start3A_193 = arith.constant 0 : i32
        %dma_start3A_194 = tpu.memref_slice %arg4[%dma_start3A_192, %dma_start3A_193] : memref<20480x128xf32, #tpu.memory_space<hbm>> -> memref<20480x128xf32, #tpu.memory_space<hbm>>
        tpu.enqueue_indirect_dma source(%dma_start3A_194 : memref<20480x128xf32, #tpu.memory_space<hbm>>) target(%dma_start3A_188 : memref<128x128xf32, #tpu.memory_space<vmem>>) offsets(%dma_start3A_191 : memref<128xi32, #tpu.memory_space<vmem>>) semaphore(%arg11 : memref<!tpu.dma_semaphore, #tpu.memory_space<semaphore_mem>>)
      }
      %scan3A_67 = arith.constant 16 : i32
      %dma_wait3A = arith.constant 31 : i32
      %dma_wait3A_68 = arith.constant 0 : i32
      %dma_wait3A_69 = arith.constant 0 : i32
      %dma_wait3A_70 = arith.constant 0 : i32
      %dma_wait3A_71 = tpu.memref_slice %arg8[%dma_wait3A_68, %dma_wait3A_69, %dma_wait3A_70] : memref<2x128x128xf32, #tpu.memory_space<vmem>> -> memref<1x128x128xf32, #tpu.memory_space<vmem>>
      %dma_wait3A_72 = tpu.memref_squeeze %dma_wait3A_71 : memref<1x128x128xf32, #tpu.memory_space<vmem>> -> memref<128x128xf32, #tpu.memory_space<vmem>>
      %dma_wait3A_73 = arith.constant 0 : i32
      %dma_wait3A_74 = tpu.memref_slice %arg6[%dma_wait3A, %dma_wait3A_73] : memref<32x128xi32, #tpu.memory_space<vmem>> -> memref<1x128xi32, #tpu.memory_space<vmem>>
      %dma_wait3A_75 = tpu.memref_squeeze %dma_wait3A_74 : memref<1x128xi32, #tpu.memory_space<vmem>> -> memref<128xi32, #tpu.memory_space<vmem>>
      %dma_wait3A_76 = arith.constant 0 : i32
      %dma_wait3A_77 = arith.constant 0 : i32
      %dma_wait3A_78 = tpu.memref_slice %arg4[%dma_wait3A_76, %dma_wait3A_77] : memref<20480x128xf32, #tpu.memory_space<hbm>> -> memref<20480x128xf32, #tpu.memory_space<hbm>>
      tpu.wait_indirect_dma semaphore(%arg10 : memref<!tpu.dma_semaphore, #tpu.memory_space<semaphore_mem>>) src(%dma_wait3A_78 : memref<20480x128xf32, #tpu.memory_space<hbm>>) dst(%dma_wait3A_72 : memref<128x128xf32, #tpu.memory_space<vmem>>)
      %dma_wait3A_79 = arith.constant 31 : i32
      %dma_wait3A_80 = arith.constant 1 : i32
      %dma_wait3A_81 = arith.constant 0 : i32
      %dma_wait3A_82 = arith.constant 0 : i32
      %dma_wait3A_83 = tpu.memref_slice %arg8[%dma_wait3A_80, %dma_wait3A_81, %dma_wait3A_82] : memref<2x128x128xf32, #tpu.memory_space<vmem>> -> memref<1x128x128xf32, #tpu.memory_space<vmem>>
      %dma_wait3A_84 = tpu.memref_squeeze %dma_wait3A_83 : memref<1x128x128xf32, #tpu.memory_space<vmem>> -> memref<128x128xf32, #tpu.memory_space<vmem>>
      %dma_wait3A_85 = arith.constant 0 : i32
      %dma_wait3A_86 = tpu.memref_slice %arg6[%dma_wait3A_79, %dma_wait3A_85] : memref<32x128xi32, #tpu.memory_space<vmem>> -> memref<1x128xi32, #tpu.memory_space<vmem>>
      %dma_wait3A_87 = tpu.memref_squeeze %dma_wait3A_86 : memref<1x128xi32, #tpu.memory_space<vmem>> -> memref<128xi32, #tpu.memory_space<vmem>>
      %dma_wait3A_88 = arith.constant 0 : i32
      %dma_wait3A_89 = arith.constant 0 : i32
      %dma_wait3A_90 = tpu.memref_slice %arg4[%dma_wait3A_88, %dma_wait3A_89] : memref<20480x128xf32, #tpu.memory_space<hbm>> -> memref<20480x128xf32, #tpu.memory_space<hbm>>
      tpu.wait_indirect_dma semaphore(%arg11 : memref<!tpu.dma_semaphore, #tpu.memory_space<semaphore_mem>>) src(%dma_wait3A_90 : memref<20480x128xf32, #tpu.memory_space<hbm>>) dst(%dma_wait3A_84 : memref<128x128xf32, #tpu.memory_space<vmem>>)
    }
    %scan3A_27 = arith.constant 5 : i32
    %barrier3A_28 = arith.constant 0 : index
    tpu.barrier barrier_id(%barrier3A_28)
    %mul3A_29 = arith.constant 10240 : i32
    %mul3A_30 = arith.muli %arg0, %mul3A_29 : i32
    %add3A_31 = arith.addi %mul3A_30, %mul3A_6 : i32
    "tpu.region"() ({
      %run_scoped3A_32 = tpu.sem_alloc : memref<!tpu.dma_semaphore, #tpu.memory_space<semaphore_mem>>
      %dma_start3A = arith.constant 0 : i32
      %dma_start3A_33 = tpu.memref_slice %arg5[%add3A_31, %dma_start3A] : memref<20480x128xf32, #tpu.memory_space<hbm>> -> memref<640x128xf32, #tpu.memory_space<hbm>>
      %dma_start3A_34 = arith.constant 0 : i32
      %dma_start3A_35 = tpu.memref_slice %arg9[%mul3A_6, %dma_start3A_34] : memref<10240x128xf32, #tpu.memory_space<vmem_shared>> -> memref<640x128xf32, #tpu.memory_space<vmem_shared>>
      tpu.enqueue_dma source(%dma_start3A_35 : memref<640x128xf32, #tpu.memory_space<vmem_shared>>) target(%dma_start3A_33 : memref<640x128xf32, #tpu.memory_space<hbm>>) target_semaphore(%run_scoped3A_32 : memref<!tpu.dma_semaphore, #tpu.memory_space<semaphore_mem>>)
      %dma_wait3A = arith.constant 0 : i32
      %dma_wait3A_36 = tpu.memref_slice %arg5[%add3A_31, %dma_wait3A] : memref<20480x128xf32, #tpu.memory_space<hbm>> -> memref<640x128xf32, #tpu.memory_space<hbm>>
      %dma_wait3A_37 = arith.constant 0 : i32
      %dma_wait3A_38 = tpu.memref_slice %arg9[%mul3A_6, %dma_wait3A_37] : memref<10240x128xf32, #tpu.memory_space<vmem_shared>> -> memref<640x128xf32, #tpu.memory_space<vmem_shared>>
      tpu.wait_dma2 semaphore(%run_scoped3A_32 : memref<!tpu.dma_semaphore, #tpu.memory_space<semaphore_mem>>) src(%dma_wait3A_38 : memref<640x128xf32, #tpu.memory_space<vmem_shared>>) dst(%dma_wait3A_36 : memref<640x128xf32, #tpu.memory_space<hbm>>)
      tpu.yield
    }) : () -> ()
    return
  }
}

#map = affine_map<(d0, d1) -> (0, 0, 0, 0)>
#map1 = affine_map<(d0, d1) -> (0, 0)>
module attributes {stable_mosaic.version = 14 : i64} {
  func.func @_agg_body(%arg0: i32, %arg1: i32, %arg2: memref<16x5x32x128xi32, #tpu.memory_space<hbm>>, %arg3: memref<16x5x32x128xi32, #tpu.memory_space<hbm>>, %arg4: memref<20480x128xf32, #tpu.memory_space<hbm>>, %arg5: memref<20480x128xf32, #tpu.memory_space<hbm>>, %arg6: memref<32x128xi32, #tpu.memory_space<vmem>>, %arg7: memref<32x128xi32, #tpu.memory_space<vmem>>, %arg8: memref<2x128x128xf32, #tpu.memory_space<vmem>>, %arg9: memref<10240x128xf32, #tpu.memory_space<vmem_shared>>, %arg10: memref<!tpu.dma_semaphore, #tpu.memory_space<semaphore_mem>>, %arg11: memref<!tpu.dma_semaphore, #tpu.memory_space<semaphore_mem>>, %arg12: memref<!tpu.dma_semaphore, #tpu.memory_space<semaphore_mem>>, %arg13: memref<!tpu.dma_semaphore, #tpu.memory_space<semaphore_mem>>) attributes {dimension_semantics = [#tpu.dimension_semantics<core_parallel>, #tpu.dimension_semantics<subcore_parallel>], iteration_bounds = array<i64: 2, 16>, scalar_prefetch = 0 : i64, scratch_operands = 8 : i64, tpu.core_type = #tpu.core_type<sc_vector_subcore>, window_params = [{transform_indices = #map}, {transform_indices = #map}, {transform_indices = #map1}, {transform_indices = #map1}]} {
    %broadcast_in_dim3A = arith.constant 0.000000e+00 : f32
    %broadcast_in_dim3A_0 = vector.broadcast %broadcast_in_dim3A : f32 to vector<16xf32>
    %scan3A = arith.constant 0 : i32
    %scan3A_1 = arith.constant 0 : i32
    %scan3A_2 = arith.constant 128 : i32
    %scan3A_3 = arith.addi %scan3A_1, %scan3A_2 : i32
    %scan3A_4 = arith.constant 1 : i32
    scf.for %scan3A_32 = %scan3A_1 to %scan3A_3 step %scan3A_4  : i32 {
      %swap3A = arith.constant 0 : i32
      %swap3A_33 = arith.index_cast %swap3A : i32 to index
      %swap3A_34 = arith.index_cast %scan3A_32 : i32 to index
      %swap3A_35 = arith.constant 0 : index
      %swap3A_36 = tpu.vector_load %arg8[%swap3A_33, %swap3A_34, %swap3A_35] {strides = array<i32>} : memref<2x128x128xf32, #tpu.memory_space<vmem>>, vector<1x1x16xf32>,
      %swap3A_37 = vector.shape_cast %swap3A_36 : vector<1x1x16xf32> to vector<16xf32>
      %swap3A_38 = vector.shape_cast %broadcast_in_dim3A_0 : vector<16xf32> to vector<1x1x16xf32>
      tpu.vector_store %arg8[%swap3A_33, %swap3A_34, %swap3A_35], %swap3A_38 {strides = array<i32>} : memref<2x128x128xf32, #tpu.memory_space<vmem>>, vector<1x1x16xf32>,
      %swap3A_39 = arith.constant 0 : i32
      %swap3A_40 = arith.index_cast %swap3A_39 : i32 to index
      %swap3A_41 = arith.index_cast %scan3A_32 : i32 to index
      %swap3A_42 = arith.constant 16 : index
      %swap3A_43 = tpu.vector_load %arg8[%swap3A_40, %swap3A_41, %swap3A_42] {strides = array<i32>} : memref<2x128x128xf32, #tpu.memory_space<vmem>>, vector<1x1x16xf32>,
      %swap3A_44 = vector.shape_cast %swap3A_43 : vector<1x1x16xf32> to vector<16xf32>
      %swap3A_45 = vector.shape_cast %broadcast_in_dim3A_0 : vector<16xf32> to vector<1x1x16xf32>
      tpu.vector_store %arg8[%swap3A_40, %swap3A_41, %swap3A_42], %swap3A_45 {strides = array<i32>} : memref<2x128x128xf32, #tpu.memory_space<vmem>>, vector<1x1x16xf32>,
      %swap3A_46 = arith.constant 0 : i32
      %swap3A_47 = arith.index_cast %swap3A_46 : i32 to index
      %swap3A_48 = arith.index_cast %scan3A_32 : i32 to index
      %swap3A_49 = arith.constant 32 : index
      %swap3A_50 = tpu.vector_load %arg8[%swap3A_47, %swap3A_48, %swap3A_49] {strides = array<i32>} : memref<2x128x128xf32, #tpu.memory_space<vmem>>, vector<1x1x16xf32>,
      %swap3A_51 = vector.shape_cast %swap3A_50 : vector<1x1x16xf32> to vector<16xf32>
      %swap3A_52 = vector.shape_cast %broadcast_in_dim3A_0 : vector<16xf32> to vector<1x1x16xf32>
      tpu.vector_store %arg8[%swap3A_47, %swap3A_48, %swap3A_49], %swap3A_52 {strides = array<i32>} : memref<2x128x128xf32, #tpu.memory_space<vmem>>, vector<1x1x16xf32>,
      %swap3A_53 = arith.constant 0 : i32
      %swap3A_54 = arith.index_cast %swap3A_53 : i32 to index
      %swap3A_55 = arith.index_cast %scan3A_32 : i32 to index
      %swap3A_56 = arith.constant 48 : index
      %swap3A_57 = tpu.vector_load %arg8[%swap3A_54, %swap3A_55, %swap3A_56] {strides = array<i32>} : memref<2x128x128xf32, #tpu.memory_space<vmem>>, vector<1x1x16xf32>,
      %swap3A_58 = vector.shape_cast %swap3A_57 : vector<1x1x16xf32> to vector<16xf32>
      %swap3A_59 = vector.shape_cast %broadcast_in_dim3A_0 : vector<16xf32> to vector<1x1x16xf32>
      tpu.vector_store %arg8[%swap3A_54, %swap3A_55, %swap3A_56], %swap3A_59 {strides = array<i32>} : memref<2x128x128xf32, #tpu.memory_space<vmem>>, vector<1x1x16xf32>,
      %swap3A_60 = arith.constant 0 : i32
      %swap3A_61 = arith.index_cast %swap3A_60 : i32 to index
      %swap3A_62 = arith.index_cast %scan3A_32 : i32 to index
      %swap3A_63 = arith.constant 64 : index
      %swap3A_64 = tpu.vector_load %arg8[%swap3A_61, %swap3A_62, %swap3A_63] {strides = array<i32>} : memref<2x128x128xf32, #tpu.memory_space<vmem>>, vector<1x1x16xf32>,
      %swap3A_65 = vector.shape_cast %swap3A_64 : vector<1x1x16xf32> to vector<16xf32>
      %swap3A_66 = vector.shape_cast %broadcast_in_dim3A_0 : vector<16xf32> to vector<1x1x16xf32>
      tpu.vector_store %arg8[%swap3A_61, %swap3A_62, %swap3A_63], %swap3A_66 {strides = array<i32>} : memref<2x128x128xf32, #tpu.memory_space<vmem>>, vector<1x1x16xf32>,
      %swap3A_67 = arith.constant 0 : i32
      %swap3A_68 = arith.index_cast %swap3A_67 : i32 to index
      %swap3A_69 = arith.index_cast %scan3A_32 : i32 to index
      %swap3A_70 = arith.constant 80 : index
      %swap3A_71 = tpu.vector_load %arg8[%swap3A_68, %swap3A_69, %swap3A_70] {strides = array<i32>} : memref<2x128x128xf32, #tpu.memory_space<vmem>>, vector<1x1x16xf32>,
      %swap3A_72 = vector.shape_cast %swap3A_71 : vector<1x1x16xf32> to vector<16xf32>
      %swap3A_73 = vector.shape_cast %broadcast_in_dim3A_0 : vector<16xf32> to vector<1x1x16xf32>
      tpu.vector_store %arg8[%swap3A_68, %swap3A_69, %swap3A_70], %swap3A_73 {strides = array<i32>} : memref<2x128x128xf32, #tpu.memory_space<vmem>>, vector<1x1x16xf32>,
      %swap3A_74 = arith.constant 0 : i32
      %swap3A_75 = arith.index_cast %swap3A_74 : i32 to index
      %swap3A_76 = arith.index_cast %scan3A_32 : i32 to index
      %swap3A_77 = arith.constant 96 : index
      %swap3A_78 = tpu.vector_load %arg8[%swap3A_75, %swap3A_76, %swap3A_77] {strides = array<i32>} : memref<2x128x128xf32, #tpu.memory_space<vmem>>, vector<1x1x16xf32>,
      %swap3A_79 = vector.shape_cast %swap3A_78 : vector<1x1x16xf32> to vector<16xf32>
      %swap3A_80 = vector.shape_cast %broadcast_in_dim3A_0 : vector<16xf32> to vector<1x1x16xf32>
      tpu.vector_store %arg8[%swap3A_75, %swap3A_76, %swap3A_77], %swap3A_80 {strides = array<i32>} : memref<2x128x128xf32, #tpu.memory_space<vmem>>, vector<1x1x16xf32>,
      %swap3A_81 = arith.constant 0 : i32
      %swap3A_82 = arith.index_cast %swap3A_81 : i32 to index
      %swap3A_83 = arith.index_cast %scan3A_32 : i32 to index
      %swap3A_84 = arith.constant 112 : index
      %swap3A_85 = tpu.vector_load %arg8[%swap3A_82, %swap3A_83, %swap3A_84] {strides = array<i32>} : memref<2x128x128xf32, #tpu.memory_space<vmem>>, vector<1x1x16xf32>,
      %swap3A_86 = vector.shape_cast %swap3A_85 : vector<1x1x16xf32> to vector<16xf32>
      %swap3A_87 = vector.shape_cast %broadcast_in_dim3A_0 : vector<16xf32> to vector<1x1x16xf32>
      tpu.vector_store %arg8[%swap3A_82, %swap3A_83, %swap3A_84], %swap3A_87 {strides = array<i32>} : memref<2x128x128xf32, #tpu.memory_space<vmem>>, vector<1x1x16xf32>,
    }
    %scan3A_5 = arith.constant 128 : i32
    %mul3A = arith.constant 640 : i32
    %mul3A_6 = arith.muli %arg1, %mul3A : i32
    %add3A = arith.constant 0 : i32
    %add3A_7 = arith.addi %mul3A_6, %add3A : i32
    %run_scoped3A = arith.constant 0 : i32
    "tpu.region"() ({
      %run_scoped3A_32 = tpu.sem_alloc : memref<!tpu.dma_semaphore, #tpu.memory_space<semaphore_mem>>
      %dma_start3A = arith.constant 0 : i32
      %dma_start3A_33 = arith.constant 0 : i32
      %dma_start3A_34 = tpu.memref_slice %arg8[%run_scoped3A, %dma_start3A, %dma_start3A_33] : memref<2x128x128xf32, #tpu.memory_space<vmem>> -> memref<1x128x128xf32, #tpu.memory_space<vmem>>
      %dma_start3A_35 = tpu.memref_squeeze %dma_start3A_34 : memref<1x128x128xf32, #tpu.memory_space<vmem>> -> memref<128x128xf32, #tpu.memory_space<vmem>>
      %dma_start3A_36 = arith.constant 0 : i32
      %dma_start3A_37 = tpu.memref_slice %arg9[%add3A_7, %dma_start3A_36] : memref<10240x128xf32, #tpu.memory_space<vmem_shared>> -> memref<128x128xf32, #tpu.memory_space<vmem_shared>>
      %dma_start3A_38 = arith.constant 0 : i32
      %dma_start3A_39 = tpu.memref_slice %arg9[%add3A_7, %dma_start3A_38] : memref<10240x128xf32, #tpu.memory_space<vmem_shared>> -> memref<128x128xf32, #tpu.memory_space<vmem_shared>>
      %dma_start3A_40 = arith.constant 0 : i32
      %dma_start3A_41 = arith.constant 0 : i32
      %dma_start3A_42 = tpu.memref_slice %arg8[%run_scoped3A, %dma_start3A_40, %dma_start3A_41] : memref<2x128x128xf32, #tpu.memory_space<vmem>> -> memref<1x128x128xf32, #tpu.memory_space<vmem>>
      %dma_start3A_43 = tpu.memref_squeeze %dma_start3A_42 : memref<1x128x128xf32, #tpu.memory_space<vmem>> -> memref<128x128xf32, #tpu.memory_space<vmem>>
      tpu.enqueue_dma source(%dma_start3A_43 : memref<128x128xf32, #tpu.memory_space<vmem>>) target(%dma_start3A_39 : memref<128x128xf32, #tpu.memory_space<vmem_shared>>) target_semaphore(%run_scoped3A_32 : memref<!tpu.dma_semaphore, #tpu.memory_space<semaphore_mem>>)
      %dma_wait3A = arith.constant 0 : i32
      %dma_wait3A_44 = arith.constant 0 : i32
      %dma_wait3A_45 = tpu.memref_slice %arg8[%run_scoped3A, %dma_wait3A, %dma_wait3A_44] : memref<2x128x128xf32, #tpu.memory_space<vmem>> -> memref<1x128x128xf32, #tpu.memory_space<vmem>>
      %dma_wait3A_46 = tpu.memref_squeeze %dma_wait3A_45 : memref<1x128x128xf32, #tpu.memory_space<vmem>> -> memref<128x128xf32, #tpu.memory_space<vmem>>
      %dma_wait3A_47 = arith.constant 0 : i32
      %dma_wait3A_48 = tpu.memref_slice %arg9[%add3A_7, %dma_wait3A_47] : memref<10240x128xf32, #tpu.memory_space<vmem_shared>> -> memref<128x128xf32, #tpu.memory_space<vmem_shared>>
      %dma_wait3A_49 = arith.constant 0 : i32
      %dma_wait3A_50 = tpu.memref_slice %arg9[%add3A_7, %dma_wait3A_49] : memref<10240x128xf32, #tpu.memory_space<vmem_shared>> -> memref<128x128xf32, #tpu.memory_space<vmem_shared>>
      %dma_wait3A_51 = arith.constant 0 : i32
      %dma_wait3A_52 = arith.constant 0 : i32
      %dma_wait3A_53 = tpu.memref_slice %arg8[%run_scoped3A, %dma_wait3A_51, %dma_wait3A_52] : memref<2x128x128xf32, #tpu.memory_space<vmem>> -> memref<1x128x128xf32, #tpu.memory_space<vmem>>
      %dma_wait3A_54 = tpu.memref_squeeze %dma_wait3A_53 : memref<1x128x128xf32, #tpu.memory_space<vmem>> -> memref<128x128xf32, #tpu.memory_space<vmem>>
      tpu.wait_dma2 semaphore(%run_scoped3A_32 : memref<!tpu.dma_semaphore, #tpu.memory_space<semaphore_mem>>) src(%dma_wait3A_54 : memref<128x128xf32, #tpu.memory_space<vmem>>) dst(%dma_wait3A_50 : memref<128x128xf32, #tpu.memory_space<vmem_shared>>)
      tpu.yield
    }) : () -> ()
    %add3A_8 = arith.constant 128 : i32
    %add3A_9 = arith.addi %mul3A_6, %add3A_8 : i32
    %run_scoped3A_10 = arith.constant 0 : i32
    "tpu.region"() ({
      %run_scoped3A_32 = tpu.sem_alloc : memref<!tpu.dma_semaphore, #tpu.memory_space<semaphore_mem>>
      %dma_start3A = arith.constant 0 : i32
      %dma_start3A_33 = arith.constant 0 : i32
      %dma_start3A_34 = tpu.memref_slice %arg8[%run_scoped3A_10, %dma_start3A, %dma_start3A_33] : memref<2x128x128xf32, #tpu.memory_space<vmem>> -> memref<1x128x128xf32, #tpu.memory_space<vmem>>
      %dma_start3A_35 = tpu.memref_squeeze %dma_start3A_34 : memref<1x128x128xf32, #tpu.memory_space<vmem>> -> memref<128x128xf32, #tpu.memory_space<vmem>>
      %dma_start3A_36 = arith.constant 0 : i32
      %dma_start3A_37 = tpu.memref_slice %arg9[%add3A_9, %dma_start3A_36] : memref<10240x128xf32, #tpu.memory_space<vmem_shared>> -> memref<128x128xf32, #tpu.memory_space<vmem_shared>>
      %dma_start3A_38 = arith.constant 0 : i32
      %dma_start3A_39 = tpu.memref_slice %arg9[%add3A_9, %dma_start3A_38] : memref<10240x128xf32, #tpu.memory_space<vmem_shared>> -> memref<128x128xf32, #tpu.memory_space<vmem_shared>>
      %dma_start3A_40 = arith.constant 0 : i32
      %dma_start3A_41 = arith.constant 0 : i32
      %dma_start3A_42 = tpu.memref_slice %arg8[%run_scoped3A_10, %dma_start3A_40, %dma_start3A_41] : memref<2x128x128xf32, #tpu.memory_space<vmem>> -> memref<1x128x128xf32, #tpu.memory_space<vmem>>
      %dma_start3A_43 = tpu.memref_squeeze %dma_start3A_42 : memref<1x128x128xf32, #tpu.memory_space<vmem>> -> memref<128x128xf32, #tpu.memory_space<vmem>>
      tpu.enqueue_dma source(%dma_start3A_43 : memref<128x128xf32, #tpu.memory_space<vmem>>) target(%dma_start3A_39 : memref<128x128xf32, #tpu.memory_space<vmem_shared>>) target_semaphore(%run_scoped3A_32 : memref<!tpu.dma_semaphore, #tpu.memory_space<semaphore_mem>>)
      %dma_wait3A = arith.constant 0 : i32
      %dma_wait3A_44 = arith.constant 0 : i32
      %dma_wait3A_45 = tpu.memref_slice %arg8[%run_scoped3A_10, %dma_wait3A, %dma_wait3A_44] : memref<2x128x128xf32, #tpu.memory_space<vmem>> -> memref<1x128x128xf32, #tpu.memory_space<vmem>>
      %dma_wait3A_46 = tpu.memref_squeeze %dma_wait3A_45 : memref<1x128x128xf32, #tpu.memory_space<vmem>> -> memref<128x128xf32, #tpu.memory_space<vmem>>
      %dma_wait3A_47 = arith.constant 0 : i32
      %dma_wait3A_48 = tpu.memref_slice %arg9[%add3A_9, %dma_wait3A_47] : memref<10240x128xf32, #tpu.memory_space<vmem_shared>> -> memref<128x128xf32, #tpu.memory_space<vmem_shared>>
      %dma_wait3A_49 = arith.constant 0 : i32
      %dma_wait3A_50 = tpu.memref_slice %arg9[%add3A_9, %dma_wait3A_49] : memref<10240x128xf32, #tpu.memory_space<vmem_shared>> -> memref<128x128xf32, #tpu.memory_space<vmem_shared>>
      %dma_wait3A_51 = arith.constant 0 : i32
      %dma_wait3A_52 = arith.constant 0 : i32
      %dma_wait3A_53 = tpu.memref_slice %arg8[%run_scoped3A_10, %dma_wait3A_51, %dma_wait3A_52] : memref<2x128x128xf32, #tpu.memory_space<vmem>> -> memref<1x128x128xf32, #tpu.memory_space<vmem>>
      %dma_wait3A_54 = tpu.memref_squeeze %dma_wait3A_53 : memref<1x128x128xf32, #tpu.memory_space<vmem>> -> memref<128x128xf32, #tpu.memory_space<vmem>>
      tpu.wait_dma2 semaphore(%run_scoped3A_32 : memref<!tpu.dma_semaphore, #tpu.memory_space<semaphore_mem>>) src(%dma_wait3A_54 : memref<128x128xf32, #tpu.memory_space<vmem>>) dst(%dma_wait3A_50 : memref<128x128xf32, #tpu.memory_space<vmem_shared>>)
      tpu.yield
    }) : () -> ()
    %add3A_11 = arith.constant 256 : i32
    %add3A_12 = arith.addi %mul3A_6, %add3A_11 : i32
    %run_scoped3A_13 = arith.constant 0 : i32
    "tpu.region"() ({
      %run_scoped3A_32 = tpu.sem_alloc : memref<!tpu.dma_semaphore, #tpu.memory_space<semaphore_mem>>
      %dma_start3A = arith.constant 0 : i32
      %dma_start3A_33 = arith.constant 0 : i32
      %dma_start3A_34 = tpu.memref_slice %arg8[%run_scoped3A_13, %dma_start3A, %dma_start3A_33] : memref<2x128x128xf32, #tpu.memory_space<vmem>> -> memref<1x128x128xf32, #tpu.memory_space<vmem>>
      %dma_start3A_35 = tpu.memref_squeeze %dma_start3A_34 : memref<1x128x128xf32, #tpu.memory_space<vmem>> -> memref<128x128xf32, #tpu.memory_space<vmem>>
      %dma_start3A_36 = arith.constant 0 : i32
      %dma_start3A_37 = tpu.memref_slice %arg9[%add3A_12, %dma_start3A_36] : memref<10240x128xf32, #tpu.memory_space<vmem_shared>> -> memref<128x128xf32, #tpu.memory_space<vmem_shared>>
      %dma_start3A_38 = arith.constant 0 : i32
      %dma_start3A_39 = tpu.memref_slice %arg9[%add3A_12, %dma_start3A_38] : memref<10240x128xf32, #tpu.memory_space<vmem_shared>> -> memref<128x128xf32, #tpu.memory_space<vmem_shared>>
      %dma_start3A_40 = arith.constant 0 : i32
      %dma_start3A_41 = arith.constant 0 : i32
      %dma_start3A_42 = tpu.memref_slice %arg8[%run_scoped3A_13, %dma_start3A_40, %dma_start3A_41] : memref<2x128x128xf32, #tpu.memory_space<vmem>> -> memref<1x128x128xf32, #tpu.memory_space<vmem>>
      %dma_start3A_43 = tpu.memref_squeeze %dma_start3A_42 : memref<1x128x128xf32, #tpu.memory_space<vmem>> -> memref<128x128xf32, #tpu.memory_space<vmem>>
      tpu.enqueue_dma source(%dma_start3A_43 : memref<128x128xf32, #tpu.memory_space<vmem>>) target(%dma_start3A_39 : memref<128x128xf32, #tpu.memory_space<vmem_shared>>) target_semaphore(%run_scoped3A_32 : memref<!tpu.dma_semaphore, #tpu.memory_space<semaphore_mem>>)
      %dma_wait3A = arith.constant 0 : i32
      %dma_wait3A_44 = arith.constant 0 : i32
      %dma_wait3A_45 = tpu.memref_slice %arg8[%run_scoped3A_13, %dma_wait3A, %dma_wait3A_44] : memref<2x128x128xf32, #tpu.memory_space<vmem>> -> memref<1x128x128xf32, #tpu.memory_space<vmem>>
      %dma_wait3A_46 = tpu.memref_squeeze %dma_wait3A_45 : memref<1x128x128xf32, #tpu.memory_space<vmem>> -> memref<128x128xf32, #tpu.memory_space<vmem>>
      %dma_wait3A_47 = arith.constant 0 : i32
      %dma_wait3A_48 = tpu.memref_slice %arg9[%add3A_12, %dma_wait3A_47] : memref<10240x128xf32, #tpu.memory_space<vmem_shared>> -> memref<128x128xf32, #tpu.memory_space<vmem_shared>>
      %dma_wait3A_49 = arith.constant 0 : i32
      %dma_wait3A_50 = tpu.memref_slice %arg9[%add3A_12, %dma_wait3A_49] : memref<10240x128xf32, #tpu.memory_space<vmem_shared>> -> memref<128x128xf32, #tpu.memory_space<vmem_shared>>
      %dma_wait3A_51 = arith.constant 0 : i32
      %dma_wait3A_52 = arith.constant 0 : i32
      %dma_wait3A_53 = tpu.memref_slice %arg8[%run_scoped3A_13, %dma_wait3A_51, %dma_wait3A_52] : memref<2x128x128xf32, #tpu.memory_space<vmem>> -> memref<1x128x128xf32, #tpu.memory_space<vmem>>
      %dma_wait3A_54 = tpu.memref_squeeze %dma_wait3A_53 : memref<1x128x128xf32, #tpu.memory_space<vmem>> -> memref<128x128xf32, #tpu.memory_space<vmem>>
      tpu.wait_dma2 semaphore(%run_scoped3A_32 : memref<!tpu.dma_semaphore, #tpu.memory_space<semaphore_mem>>) src(%dma_wait3A_54 : memref<128x128xf32, #tpu.memory_space<vmem>>) dst(%dma_wait3A_50 : memref<128x128xf32, #tpu.memory_space<vmem_shared>>)
      tpu.yield
    }) : () -> ()
    %add3A_14 = arith.constant 384 : i32
    %add3A_15 = arith.addi %mul3A_6, %add3A_14 : i32
    %run_scoped3A_16 = arith.constant 0 : i32
    "tpu.region"() ({
      %run_scoped3A_32 = tpu.sem_alloc : memref<!tpu.dma_semaphore, #tpu.memory_space<semaphore_mem>>
      %dma_start3A = arith.constant 0 : i32
      %dma_start3A_33 = arith.constant 0 : i32
      %dma_start3A_34 = tpu.memref_slice %arg8[%run_scoped3A_16, %dma_start3A, %dma_start3A_33] : memref<2x128x128xf32, #tpu.memory_space<vmem>> -> memref<1x128x128xf32, #tpu.memory_space<vmem>>
      %dma_start3A_35 = tpu.memref_squeeze %dma_start3A_34 : memref<1x128x128xf32, #tpu.memory_space<vmem>> -> memref<128x128xf32, #tpu.memory_space<vmem>>
      %dma_start3A_36 = arith.constant 0 : i32
      %dma_start3A_37 = tpu.memref_slice %arg9[%add3A_15, %dma_start3A_36] : memref<10240x128xf32, #tpu.memory_space<vmem_shared>> -> memref<128x128xf32, #tpu.memory_space<vmem_shared>>
      %dma_start3A_38 = arith.constant 0 : i32
      %dma_start3A_39 = tpu.memref_slice %arg9[%add3A_15, %dma_start3A_38] : memref<10240x128xf32, #tpu.memory_space<vmem_shared>> -> memref<128x128xf32, #tpu.memory_space<vmem_shared>>
      %dma_start3A_40 = arith.constant 0 : i32
      %dma_start3A_41 = arith.constant 0 : i32
      %dma_start3A_42 = tpu.memref_slice %arg8[%run_scoped3A_16, %dma_start3A_40, %dma_start3A_41] : memref<2x128x128xf32, #tpu.memory_space<vmem>> -> memref<1x128x128xf32, #tpu.memory_space<vmem>>
      %dma_start3A_43 = tpu.memref_squeeze %dma_start3A_42 : memref<1x128x128xf32, #tpu.memory_space<vmem>> -> memref<128x128xf32, #tpu.memory_space<vmem>>
      tpu.enqueue_dma source(%dma_start3A_43 : memref<128x128xf32, #tpu.memory_space<vmem>>) target(%dma_start3A_39 : memref<128x128xf32, #tpu.memory_space<vmem_shared>>) target_semaphore(%run_scoped3A_32 : memref<!tpu.dma_semaphore, #tpu.memory_space<semaphore_mem>>)
      %dma_wait3A = arith.constant 0 : i32
      %dma_wait3A_44 = arith.constant 0 : i32
      %dma_wait3A_45 = tpu.memref_slice %arg8[%run_scoped3A_16, %dma_wait3A, %dma_wait3A_44] : memref<2x128x128xf32, #tpu.memory_space<vmem>> -> memref<1x128x128xf32, #tpu.memory_space<vmem>>
      %dma_wait3A_46 = tpu.memref_squeeze %dma_wait3A_45 : memref<1x128x128xf32, #tpu.memory_space<vmem>> -> memref<128x128xf32, #tpu.memory_space<vmem>>
      %dma_wait3A_47 = arith.constant 0 : i32
      %dma_wait3A_48 = tpu.memref_slice %arg9[%add3A_15, %dma_wait3A_47] : memref<10240x128xf32, #tpu.memory_space<vmem_shared>> -> memref<128x128xf32, #tpu.memory_space<vmem_shared>>
      %dma_wait3A_49 = arith.constant 0 : i32
      %dma_wait3A_50 = tpu.memref_slice %arg9[%add3A_15, %dma_wait3A_49] : memref<10240x128xf32, #tpu.memory_space<vmem_shared>> -> memref<128x128xf32, #tpu.memory_space<vmem_shared>>
      %dma_wait3A_51 = arith.constant 0 : i32
      %dma_wait3A_52 = arith.constant 0 : i32
      %dma_wait3A_53 = tpu.memref_slice %arg8[%run_scoped3A_16, %dma_wait3A_51, %dma_wait3A_52] : memref<2x128x128xf32, #tpu.memory_space<vmem>> -> memref<1x128x128xf32, #tpu.memory_space<vmem>>
      %dma_wait3A_54 = tpu.memref_squeeze %dma_wait3A_53 : memref<1x128x128xf32, #tpu.memory_space<vmem>> -> memref<128x128xf32, #tpu.memory_space<vmem>>
      tpu.wait_dma2 semaphore(%run_scoped3A_32 : memref<!tpu.dma_semaphore, #tpu.memory_space<semaphore_mem>>) src(%dma_wait3A_54 : memref<128x128xf32, #tpu.memory_space<vmem>>) dst(%dma_wait3A_50 : memref<128x128xf32, #tpu.memory_space<vmem_shared>>)
      tpu.yield
    }) : () -> ()
    %add3A_17 = arith.constant 512 : i32
    %add3A_18 = arith.addi %mul3A_6, %add3A_17 : i32
    %run_scoped3A_19 = arith.constant 0 : i32
    "tpu.region"() ({
      %run_scoped3A_32 = tpu.sem_alloc : memref<!tpu.dma_semaphore, #tpu.memory_space<semaphore_mem>>
      %dma_start3A = arith.constant 0 : i32
      %dma_start3A_33 = arith.constant 0 : i32
      %dma_start3A_34 = tpu.memref_slice %arg8[%run_scoped3A_19, %dma_start3A, %dma_start3A_33] : memref<2x128x128xf32, #tpu.memory_space<vmem>> -> memref<1x128x128xf32, #tpu.memory_space<vmem>>
      %dma_start3A_35 = tpu.memref_squeeze %dma_start3A_34 : memref<1x128x128xf32, #tpu.memory_space<vmem>> -> memref<128x128xf32, #tpu.memory_space<vmem>>
      %dma_start3A_36 = arith.constant 0 : i32
      %dma_start3A_37 = tpu.memref_slice %arg9[%add3A_18, %dma_start3A_36] : memref<10240x128xf32, #tpu.memory_space<vmem_shared>> -> memref<128x128xf32, #tpu.memory_space<vmem_shared>>
      %dma_start3A_38 = arith.constant 0 : i32
      %dma_start3A_39 = tpu.memref_slice %arg9[%add3A_18, %dma_start3A_38] : memref<10240x128xf32, #tpu.memory_space<vmem_shared>> -> memref<128x128xf32, #tpu.memory_space<vmem_shared>>
      %dma_start3A_40 = arith.constant 0 : i32
      %dma_start3A_41 = arith.constant 0 : i32
      %dma_start3A_42 = tpu.memref_slice %arg8[%run_scoped3A_19, %dma_start3A_40, %dma_start3A_41] : memref<2x128x128xf32, #tpu.memory_space<vmem>> -> memref<1x128x128xf32, #tpu.memory_space<vmem>>
      %dma_start3A_43 = tpu.memref_squeeze %dma_start3A_42 : memref<1x128x128xf32, #tpu.memory_space<vmem>> -> memref<128x128xf32, #tpu.memory_space<vmem>>
      tpu.enqueue_dma source(%dma_start3A_43 : memref<128x128xf32, #tpu.memory_space<vmem>>) target(%dma_start3A_39 : memref<128x128xf32, #tpu.memory_space<vmem_shared>>) target_semaphore(%run_scoped3A_32 : memref<!tpu.dma_semaphore, #tpu.memory_space<semaphore_mem>>)
      %dma_wait3A = arith.constant 0 : i32
      %dma_wait3A_44 = arith.constant 0 : i32
      %dma_wait3A_45 = tpu.memref_slice %arg8[%run_scoped3A_19, %dma_wait3A, %dma_wait3A_44] : memref<2x128x128xf32, #tpu.memory_space<vmem>> -> memref<1x128x128xf32, #tpu.memory_space<vmem>>
      %dma_wait3A_46 = tpu.memref_squeeze %dma_wait3A_45 : memref<1x128x128xf32, #tpu.memory_space<vmem>> -> memref<128x128xf32, #tpu.memory_space<vmem>>
      %dma_wait3A_47 = arith.constant 0 : i32
      %dma_wait3A_48 = tpu.memref_slice %arg9[%add3A_18, %dma_wait3A_47] : memref<10240x128xf32, #tpu.memory_space<vmem_shared>> -> memref<128x128xf32, #tpu.memory_space<vmem_shared>>
      %dma_wait3A_49 = arith.constant 0 : i32
      %dma_wait3A_50 = tpu.memref_slice %arg9[%add3A_18, %dma_wait3A_49] : memref<10240x128xf32, #tpu.memory_space<vmem_shared>> -> memref<128x128xf32, #tpu.memory_space<vmem_shared>>
      %dma_wait3A_51 = arith.constant 0 : i32
      %dma_wait3A_52 = arith.constant 0 : i32
      %dma_wait3A_53 = tpu.memref_slice %arg8[%run_scoped3A_19, %dma_wait3A_51, %dma_wait3A_52] : memref<2x128x128xf32, #tpu.memory_space<vmem>> -> memref<1x128x128xf32, #tpu.memory_space<vmem>>
      %dma_wait3A_54 = tpu.memref_squeeze %dma_wait3A_53 : memref<1x128x128xf32, #tpu.memory_space<vmem>> -> memref<128x128xf32, #tpu.memory_space<vmem>>
      tpu.wait_dma2 semaphore(%run_scoped3A_32 : memref<!tpu.dma_semaphore, #tpu.memory_space<semaphore_mem>>) src(%dma_wait3A_54 : memref<128x128xf32, #tpu.memory_space<vmem>>) dst(%dma_wait3A_50 : memref<128x128xf32, #tpu.memory_space<vmem_shared>>)
      tpu.yield
    }) : () -> ()
    %mul3A_20 = arith.constant 10240 : i32
    %mul3A_21 = arith.muli %arg0, %mul3A_20 : i32
    %barrier3A = arith.constant 0 : index
    tpu.barrier barrier_id(%barrier3A)
    %scan3A_22 = arith.constant 0 : i32
    %scan3A_23 = arith.constant 0 : i32
    %scan3A_24 = arith.constant 5 : i32
    %scan3A_25 = arith.addi %scan3A_23, %scan3A_24 : i32
    %scan3A_26 = arith.constant 1 : i32
    scf.for %scan3A_32 = %scan3A_23 to %scan3A_25 step %scan3A_26  : i32 {
      "tpu.region"() ({
        %run_scoped3A_91 = tpu.sem_alloc : memref<!tpu.dma_semaphore, #tpu.memory_space<semaphore_mem>>
        %dma_start3A_92 = arith.constant 0 : i32
        %dma_start3A_93 = arith.constant 0 : i32
        %dma_start3A_94 = tpu.memref_slice %arg2[%arg1, %scan3A_32, %dma_start3A_92, %dma_start3A_93] : memref<16x5x32x128xi32, #tpu.memory_space<hbm>> -> memref<1x1x32x128xi32, #tpu.memory_space<hbm>>
        %dma_start3A_95 = tpu.memref_squeeze %dma_start3A_94 : memref<1x1x32x128xi32, #tpu.memory_space<hbm>> -> memref<32x128xi32, #tpu.memory_space<hbm>>
        %dma_start3A_96 = arith.constant 0 : i32
        %dma_start3A_97 = arith.constant 0 : i32
        %dma_start3A_98 = tpu.memref_slice %arg2[%arg1, %scan3A_32, %dma_start3A_96, %dma_start3A_97] : memref<16x5x32x128xi32, #tpu.memory_space<hbm>> -> memref<1x1x32x128xi32, #tpu.memory_space<hbm>>
        %dma_start3A_99 = tpu.memref_squeeze %dma_start3A_98 : memref<1x1x32x128xi32, #tpu.memory_space<hbm>> -> memref<32x128xi32, #tpu.memory_space<hbm>>
        tpu.enqueue_dma source(%dma_start3A_99 : memref<32x128xi32, #tpu.memory_space<hbm>>) target(%arg6 : memref<32x128xi32, #tpu.memory_space<vmem>>) target_semaphore(%run_scoped3A_91 : memref<!tpu.dma_semaphore, #tpu.memory_space<semaphore_mem>>)
        %dma_wait3A_100 = arith.constant 0 : i32
        %dma_wait3A_101 = arith.constant 0 : i32
        %dma_wait3A_102 = tpu.memref_slice %arg2[%arg1, %scan3A_32, %dma_wait3A_100, %dma_wait3A_101] : memref<16x5x32x128xi32, #tpu.memory_space<hbm>> -> memref<1x1x32x128xi32, #tpu.memory_space<hbm>>
        %dma_wait3A_103 = tpu.memref_squeeze %dma_wait3A_102 : memref<1x1x32x128xi32, #tpu.memory_space<hbm>> -> memref<32x128xi32, #tpu.memory_space<hbm>>
        %dma_wait3A_104 = arith.constant 0 : i32
        %dma_wait3A_105 = arith.constant 0 : i32
        %dma_wait3A_106 = tpu.memref_slice %arg2[%arg1, %scan3A_32, %dma_wait3A_104, %dma_wait3A_105] : memref<16x5x32x128xi32, #tpu.memory_space<hbm>> -> memref<1x1x32x128xi32, #tpu.memory_space<hbm>>
        %dma_wait3A_107 = tpu.memref_squeeze %dma_wait3A_106 : memref<1x1x32x128xi32, #tpu.memory_space<hbm>> -> memref<32x128xi32, #tpu.memory_space<hbm>>
        tpu.wait_dma2 semaphore(%run_scoped3A_91 : memref<!tpu.dma_semaphore, #tpu.memory_space<semaphore_mem>>) src(%dma_wait3A_107 : memref<32x128xi32, #tpu.memory_space<hbm>>) dst(%arg6 : memref<32x128xi32, #tpu.memory_space<vmem>>)
        tpu.yield
      }) : () -> ()
      "tpu.region"() ({
        %run_scoped3A_91 = tpu.sem_alloc : memref<!tpu.dma_semaphore, #tpu.memory_space<semaphore_mem>>
        %dma_start3A_92 = arith.constant 0 : i32
        %dma_start3A_93 = arith.constant 0 : i32
        %dma_start3A_94 = tpu.memref_slice %arg3[%arg1, %scan3A_32, %dma_start3A_92, %dma_start3A_93] : memref<16x5x32x128xi32, #tpu.memory_space<hbm>> -> memref<1x1x32x128xi32, #tpu.memory_space<hbm>>
        %dma_start3A_95 = tpu.memref_squeeze %dma_start3A_94 : memref<1x1x32x128xi32, #tpu.memory_space<hbm>> -> memref<32x128xi32, #tpu.memory_space<hbm>>
        %dma_start3A_96 = arith.constant 0 : i32
        %dma_start3A_97 = arith.constant 0 : i32
        %dma_start3A_98 = tpu.memref_slice %arg3[%arg1, %scan3A_32, %dma_start3A_96, %dma_start3A_97] : memref<16x5x32x128xi32, #tpu.memory_space<hbm>> -> memref<1x1x32x128xi32, #tpu.memory_space<hbm>>
        %dma_start3A_99 = tpu.memref_squeeze %dma_start3A_98 : memref<1x1x32x128xi32, #tpu.memory_space<hbm>> -> memref<32x128xi32, #tpu.memory_space<hbm>>
        tpu.enqueue_dma source(%dma_start3A_99 : memref<32x128xi32, #tpu.memory_space<hbm>>) target(%arg7 : memref<32x128xi32, #tpu.memory_space<vmem>>) target_semaphore(%run_scoped3A_91 : memref<!tpu.dma_semaphore, #tpu.memory_space<semaphore_mem>>)
        %dma_wait3A_100 = arith.constant 0 : i32
        %dma_wait3A_101 = arith.constant 0 : i32
        %dma_wait3A_102 = tpu.memref_slice %arg3[%arg1, %scan3A_32, %dma_wait3A_100, %dma_wait3A_101] : memref<16x5x32x128xi32, #tpu.memory_space<hbm>> -> memref<1x1x32x128xi32, #tpu.memory_space<hbm>>
        %dma_wait3A_103 = tpu.memref_squeeze %dma_wait3A_102 : memref<1x1x32x128xi32, #tpu.memory_space<hbm>> -> memref<32x128xi32, #tpu.memory_space<hbm>>
        %dma_wait3A_104 = arith.constant 0 : i32
        %dma_wait3A_105 = arith.constant 0 : i32
        %dma_wait3A_106 = tpu.memref_slice %arg3[%arg1, %scan3A_32, %dma_wait3A_104, %dma_wait3A_105] : memref<16x5x32x128xi32, #tpu.memory_space<hbm>> -> memref<1x1x32x128xi32, #tpu.memory_space<hbm>>
        %dma_wait3A_107 = tpu.memref_squeeze %dma_wait3A_106 : memref<1x1x32x128xi32, #tpu.memory_space<hbm>> -> memref<32x128xi32, #tpu.memory_space<hbm>>
        tpu.wait_dma2 semaphore(%run_scoped3A_91 : memref<!tpu.dma_semaphore, #tpu.memory_space<semaphore_mem>>) src(%dma_wait3A_107 : memref<32x128xi32, #tpu.memory_space<hbm>>) dst(%arg7 : memref<32x128xi32, #tpu.memory_space<vmem>>)
        tpu.yield
      }) : () -> ()
      %scan3A_33 = arith.constant 0 : i32
      %scan3A_34 = arith.constant 0 : i32
      %scan3A_35 = arith.constant 32 : i32
      %scan3A_36 = arith.addi %scan3A_34, %scan3A_35 : i32
      %scan3A_37 = arith.constant 1 : i32
      scf.for %scan3A_91 = %scan3A_34 to %scan3A_36 step %scan3A_37  : i32 {
        %get3A = arith.index_cast %scan3A_91 : i32 to index
        %get3A_92 = arith.constant 0 : index
        %get3A_93 = tpu.vector_load %arg6[%get3A, %get3A_92] {strides = array<i32>} : memref<32x128xi32, #tpu.memory_space<vmem>>, vector<1x16xi32>,
        %get3A_94 = vector.shape_cast %get3A_93 : vector<1x16xi32> to vector<16xi32>
        %add3A_95 = vector.broadcast %mul3A_21 : i32 to vector<16xi32>
        %add3A_96 = arith.addi %get3A_94, %add3A_95 : vector<16xi32>
        %swap3A = arith.index_cast %scan3A_91 : i32 to index
        %swap3A_97 = arith.constant 0 : index
        %swap3A_98 = tpu.vector_load %arg6[%swap3A, %swap3A_97] {strides = array<i32>} : memref<32x128xi32, #tpu.memory_space<vmem>>, vector<1x16xi32>,
        %swap3A_99 = vector.shape_cast %swap3A_98 : vector<1x16xi32> to vector<16xi32>
        %swap3A_100 = vector.shape_cast %add3A_96 : vector<16xi32> to vector<1x16xi32>
        tpu.vector_store %arg6[%swap3A, %swap3A_97], %swap3A_100 {strides = array<i32>} : memref<32x128xi32, #tpu.memory_space<vmem>>, vector<1x16xi32>,
        %get3A_101 = arith.index_cast %scan3A_91 : i32 to index
        %get3A_102 = arith.constant 16 : index
        %get3A_103 = tpu.vector_load %arg6[%get3A_101, %get3A_102] {strides = array<i32>} : memref<32x128xi32, #tpu.memory_space<vmem>>, vector<1x16xi32>,
        %get3A_104 = vector.shape_cast %get3A_103 : vector<1x16xi32> to vector<16xi32>
        %add3A_105 = vector.broadcast %mul3A_21 : i32 to vector<16xi32>
        %add3A_106 = arith.addi %get3A_104, %add3A_105 : vector<16xi32>
        %swap3A_107 = arith.index_cast %scan3A_91 : i32 to index
        %swap3A_108 = arith.constant 16 : index
        %swap3A_109 = tpu.vector_load %arg6[%swap3A_107, %swap3A_108] {strides = array<i32>} : memref<32x128xi32, #tpu.memory_space<vmem>>, vector<1x16xi32>,
        %swap3A_110 = vector.shape_cast %swap3A_109 : vector<1x16xi32> to vector<16xi32>
        %swap3A_111 = vector.shape_cast %add3A_106 : vector<16xi32> to vector<1x16xi32>
        tpu.vector_store %arg6[%swap3A_107, %swap3A_108], %swap3A_111 {strides = array<i32>} : memref<32x128xi32, #tpu.memory_space<vmem>>, vector<1x16xi32>,
        %get3A_112 = arith.index_cast %scan3A_91 : i32 to index
        %get3A_113 = arith.constant 32 : index
        %get3A_114 = tpu.vector_load %arg6[%get3A_112, %get3A_113] {strides = array<i32>} : memref<32x128xi32, #tpu.memory_space<vmem>>, vector<1x16xi32>,
        %get3A_115 = vector.shape_cast %get3A_114 : vector<1x16xi32> to vector<16xi32>
        %add3A_116 = vector.broadcast %mul3A_21 : i32 to vector<16xi32>
        %add3A_117 = arith.addi %get3A_115, %add3A_116 : vector<16xi32>
        %swap3A_118 = arith.index_cast %scan3A_91 : i32 to index
        %swap3A_119 = arith.constant 32 : index
        %swap3A_120 = tpu.vector_load %arg6[%swap3A_118, %swap3A_119] {strides = array<i32>} : memref<32x128xi32, #tpu.memory_space<vmem>>, vector<1x16xi32>,
        %swap3A_121 = vector.shape_cast %swap3A_120 : vector<1x16xi32> to vector<16xi32>
        %swap3A_122 = vector.shape_cast %add3A_117 : vector<16xi32> to vector<1x16xi32>
        tpu.vector_store %arg6[%swap3A_118, %swap3A_119], %swap3A_122 {strides = array<i32>} : memref<32x128xi32, #tpu.memory_space<vmem>>, vector<1x16xi32>,
        %get3A_123 = arith.index_cast %scan3A_91 : i32 to index
        %get3A_124 = arith.constant 48 : index
        %get3A_125 = tpu.vector_load %arg6[%get3A_123, %get3A_124] {strides = array<i32>} : memref<32x128xi32, #tpu.memory_space<vmem>>, vector<1x16xi32>,
        %get3A_126 = vector.shape_cast %get3A_125 : vector<1x16xi32> to vector<16xi32>
        %add3A_127 = vector.broadcast %mul3A_21 : i32 to vector<16xi32>
        %add3A_128 = arith.addi %get3A_126, %add3A_127 : vector<16xi32>
        %swap3A_129 = arith.index_cast %scan3A_91 : i32 to index
        %swap3A_130 = arith.constant 48 : index
        %swap3A_131 = tpu.vector_load %arg6[%swap3A_129, %swap3A_130] {strides = array<i32>} : memref<32x128xi32, #tpu.memory_space<vmem>>, vector<1x16xi32>,
        %swap3A_132 = vector.shape_cast %swap3A_131 : vector<1x16xi32> to vector<16xi32>
        %swap3A_133 = vector.shape_cast %add3A_128 : vector<16xi32> to vector<1x16xi32>
        tpu.vector_store %arg6[%swap3A_129, %swap3A_130], %swap3A_133 {strides = array<i32>} : memref<32x128xi32, #tpu.memory_space<vmem>>, vector<1x16xi32>,
        %get3A_134 = arith.index_cast %scan3A_91 : i32 to index
        %get3A_135 = arith.constant 64 : index
        %get3A_136 = tpu.vector_load %arg6[%get3A_134, %get3A_135] {strides = array<i32>} : memref<32x128xi32, #tpu.memory_space<vmem>>, vector<1x16xi32>,
        %get3A_137 = vector.shape_cast %get3A_136 : vector<1x16xi32> to vector<16xi32>
        %add3A_138 = vector.broadcast %mul3A_21 : i32 to vector<16xi32>
        %add3A_139 = arith.addi %get3A_137, %add3A_138 : vector<16xi32>
        %swap3A_140 = arith.index_cast %scan3A_91 : i32 to index
        %swap3A_141 = arith.constant 64 : index
        %swap3A_142 = tpu.vector_load %arg6[%swap3A_140, %swap3A_141] {strides = array<i32>} : memref<32x128xi32, #tpu.memory_space<vmem>>, vector<1x16xi32>,
        %swap3A_143 = vector.shape_cast %swap3A_142 : vector<1x16xi32> to vector<16xi32>
        %swap3A_144 = vector.shape_cast %add3A_139 : vector<16xi32> to vector<1x16xi32>
        tpu.vector_store %arg6[%swap3A_140, %swap3A_141], %swap3A_144 {strides = array<i32>} : memref<32x128xi32, #tpu.memory_space<vmem>>, vector<1x16xi32>,
        %get3A_145 = arith.index_cast %scan3A_91 : i32 to index
        %get3A_146 = arith.constant 80 : index
        %get3A_147 = tpu.vector_load %arg6[%get3A_145, %get3A_146] {strides = array<i32>} : memref<32x128xi32, #tpu.memory_space<vmem>>, vector<1x16xi32>,
        %get3A_148 = vector.shape_cast %get3A_147 : vector<1x16xi32> to vector<16xi32>
        %add3A_149 = vector.broadcast %mul3A_21 : i32 to vector<16xi32>
        %add3A_150 = arith.addi %get3A_148, %add3A_149 : vector<16xi32>
        %swap3A_151 = arith.index_cast %scan3A_91 : i32 to index
        %swap3A_152 = arith.constant 80 : index
        %swap3A_153 = tpu.vector_load %arg6[%swap3A_151, %swap3A_152] {strides = array<i32>} : memref<32x128xi32, #tpu.memory_space<vmem>>, vector<1x16xi32>,
        %swap3A_154 = vector.shape_cast %swap3A_153 : vector<1x16xi32> to vector<16xi32>
        %swap3A_155 = vector.shape_cast %add3A_150 : vector<16xi32> to vector<1x16xi32>
        tpu.vector_store %arg6[%swap3A_151, %swap3A_152], %swap3A_155 {strides = array<i32>} : memref<32x128xi32, #tpu.memory_space<vmem>>, vector<1x16xi32>,
        %get3A_156 = arith.index_cast %scan3A_91 : i32 to index
        %get3A_157 = arith.constant 96 : index
        %get3A_158 = tpu.vector_load %arg6[%get3A_156, %get3A_157] {strides = array<i32>} : memref<32x128xi32, #tpu.memory_space<vmem>>, vector<1x16xi32>,
        %get3A_159 = vector.shape_cast %get3A_158 : vector<1x16xi32> to vector<16xi32>
        %add3A_160 = vector.broadcast %mul3A_21 : i32 to vector<16xi32>
        %add3A_161 = arith.addi %get3A_159, %add3A_160 : vector<16xi32>
        %swap3A_162 = arith.index_cast %scan3A_91 : i32 to index
        %swap3A_163 = arith.constant 96 : index
        %swap3A_164 = tpu.vector_load %arg6[%swap3A_162, %swap3A_163] {strides = array<i32>} : memref<32x128xi32, #tpu.memory_space<vmem>>, vector<1x16xi32>,
        %swap3A_165 = vector.shape_cast %swap3A_164 : vector<1x16xi32> to vector<16xi32>
        %swap3A_166 = vector.shape_cast %add3A_161 : vector<16xi32> to vector<1x16xi32>
        tpu.vector_store %arg6[%swap3A_162, %swap3A_163], %swap3A_166 {strides = array<i32>} : memref<32x128xi32, #tpu.memory_space<vmem>>, vector<1x16xi32>,
        %get3A_167 = arith.index_cast %scan3A_91 : i32 to index
        %get3A_168 = arith.constant 112 : index
        %get3A_169 = tpu.vector_load %arg6[%get3A_167, %get3A_168] {strides = array<i32>} : memref<32x128xi32, #tpu.memory_space<vmem>>, vector<1x16xi32>,
        %get3A_170 = vector.shape_cast %get3A_169 : vector<1x16xi32> to vector<16xi32>
        %add3A_171 = vector.broadcast %mul3A_21 : i32 to vector<16xi32>
        %add3A_172 = arith.addi %get3A_170, %add3A_171 : vector<16xi32>
        %swap3A_173 = arith.index_cast %scan3A_91 : i32 to index
        %swap3A_174 = arith.constant 112 : index
        %swap3A_175 = tpu.vector_load %arg6[%swap3A_173, %swap3A_174] {strides = array<i32>} : memref<32x128xi32, #tpu.memory_space<vmem>>, vector<1x16xi32>,
        %swap3A_176 = vector.shape_cast %swap3A_175 : vector<1x16xi32> to vector<16xi32>
        %swap3A_177 = vector.shape_cast %add3A_172 : vector<16xi32> to vector<1x16xi32>
        tpu.vector_store %arg6[%swap3A_173, %swap3A_174], %swap3A_177 {strides = array<i32>} : memref<32x128xi32, #tpu.memory_space<vmem>>, vector<1x16xi32>,
      }
      %scan3A_38 = arith.constant 32 : i32
      %dma_start3A = arith.constant 0 : i32
      %dma_start3A_39 = arith.constant 0 : i32
      %dma_start3A_40 = arith.constant 0 : i32
      %dma_start3A_41 = arith.constant 0 : i32
      %dma_start3A_42 = tpu.memref_slice %arg8[%dma_start3A_39, %dma_start3A_40, %dma_start3A_41] : memref<2x128x128xf32, #tpu.memory_space<vmem>> -> memref<1x128x128xf32, #tpu.memory_space<vmem>>
      %dma_start3A_43 = tpu.memref_squeeze %dma_start3A_42 : memref<1x128x128xf32, #tpu.memory_space<vmem>> -> memref<128x128xf32, #tpu.memory_space<vmem>>
      %dma_start3A_44 = arith.constant 0 : i32
      %dma_start3A_45 = tpu.memref_slice %arg6[%dma_start3A, %dma_start3A_44] : memref<32x128xi32, #tpu.memory_space<vmem>> -> memref<1x128xi32, #tpu.memory_space<vmem>>
      %dma_start3A_46 = tpu.memref_squeeze %dma_start3A_45 : memref<1x128xi32, #tpu.memory_space<vmem>> -> memref<128xi32, #tpu.memory_space<vmem>>
      %dma_start3A_47 = arith.constant 0 : i32
      %dma_start3A_48 = arith.constant 0 : i32
      %dma_start3A_49 = tpu.memref_slice %arg4[%dma_start3A_47, %dma_start3A_48] : memref<20480x128xf32, #tpu.memory_space<hbm>> -> memref<20480x128xf32, #tpu.memory_space<hbm>>
      tpu.enqueue_indirect_dma source(%dma_start3A_49 : memref<20480x128xf32, #tpu.memory_space<hbm>>) target(%dma_start3A_43 : memref<128x128xf32, #tpu.memory_space<vmem>>) offsets(%dma_start3A_46 : memref<128xi32, #tpu.memory_space<vmem>>) semaphore(%arg10 : memref<!tpu.dma_semaphore, #tpu.memory_space<semaphore_mem>>)
      %dma_start3A_50 = arith.constant 1 : i32
      %dma_start3A_51 = arith.constant 1 : i32
      %dma_start3A_52 = arith.constant 0 : i32
      %dma_start3A_53 = arith.constant 0 : i32
      %dma_start3A_54 = tpu.memref_slice %arg8[%dma_start3A_51, %dma_start3A_52, %dma_start3A_53] : memref<2x128x128xf32, #tpu.memory_space<vmem>> -> memref<1x128x128xf32, #tpu.memory_space<vmem>>
      %dma_start3A_55 = tpu.memref_squeeze %dma_start3A_54 : memref<1x128x128xf32, #tpu.memory_space<vmem>> -> memref<128x128xf32, #tpu.memory_space<vmem>>
      %dma_start3A_56 = arith.constant 0 : i32
      %dma_start3A_57 = tpu.memref_slice %arg6[%dma_start3A_50, %dma_start3A_56] : memref<32x128xi32, #tpu.memory_space<vmem>> -> memref<1x128xi32, #tpu.memory_space<vmem>>
      %dma_start3A_58 = tpu.memref_squeeze %dma_start3A_57 : memref<1x128xi32, #tpu.memory_space<vmem>> -> memref<128xi32, #tpu.memory_space<vmem>>
      %dma_start3A_59 = arith.constant 0 : i32
      %dma_start3A_60 = arith.constant 0 : i32
      %dma_start3A_61 = tpu.memref_slice %arg4[%dma_start3A_59, %dma_start3A_60] : memref<20480x128xf32, #tpu.memory_space<hbm>> -> memref<20480x128xf32, #tpu.memory_space<hbm>>
      tpu.enqueue_indirect_dma source(%dma_start3A_61 : memref<20480x128xf32, #tpu.memory_space<hbm>>) target(%dma_start3A_55 : memref<128x128xf32, #tpu.memory_space<vmem>>) offsets(%dma_start3A_58 : memref<128xi32, #tpu.memory_space<vmem>>) semaphore(%arg11 : memref<!tpu.dma_semaphore, #tpu.memory_space<semaphore_mem>>)
      %scan3A_62 = arith.constant 0 : i32
      %scan3A_63 = arith.constant 0 : i32
      %scan3A_64 = arith.constant 16 : i32
      %scan3A_65 = arith.addi %scan3A_63, %scan3A_64 : i32
      %scan3A_66 = arith.constant 1 : i32
      scf.for %scan3A_91 = %scan3A_63 to %scan3A_65 step %scan3A_66  : i32 {
        %mul3A_92 = arith.constant 2 : i32
        %mul3A_93 = arith.muli %scan3A_91, %mul3A_92 : i32
        %dma_wait3A_94 = arith.constant 0 : i32
        %dma_wait3A_95 = arith.constant 0 : i32
        %dma_wait3A_96 = arith.constant 0 : i32
        %dma_wait3A_97 = tpu.memref_slice %arg8[%dma_wait3A_94, %dma_wait3A_95, %dma_wait3A_96] : memref<2x128x128xf32, #tpu.memory_space<vmem>> -> memref<1x128x128xf32, #tpu.memory_space<vmem>>
        %dma_wait3A_98 = tpu.memref_squeeze %dma_wait3A_97 : memref<1x128x128xf32, #tpu.memory_space<vmem>> -> memref<128x128xf32, #tpu.memory_space<vmem>>
        %dma_wait3A_99 = arith.constant 0 : i32
        %dma_wait3A_100 = tpu.memref_slice %arg6[%mul3A_93, %dma_wait3A_99] : memref<32x128xi32, #tpu.memory_space<vmem>> -> memref<1x128xi32, #tpu.memory_space<vmem>>
        %dma_wait3A_101 = tpu.memref_squeeze %dma_wait3A_100 : memref<1x128xi32, #tpu.memory_space<vmem>> -> memref<128xi32, #tpu.memory_space<vmem>>
        %dma_wait3A_102 = arith.constant 0 : i32
        %dma_wait3A_103 = arith.constant 0 : i32
        %dma_wait3A_104 = tpu.memref_slice %arg4[%dma_wait3A_102, %dma_wait3A_103] : memref<20480x128xf32, #tpu.memory_space<hbm>> -> memref<20480x128xf32, #tpu.memory_space<hbm>>
        tpu.wait_indirect_dma semaphore(%arg10 : memref<!tpu.dma_semaphore, #tpu.memory_space<semaphore_mem>>) src(%dma_wait3A_104 : memref<20480x128xf32, #tpu.memory_space<hbm>>) dst(%dma_wait3A_98 : memref<128x128xf32, #tpu.memory_space<vmem>>)
        %dma_start3A_105 = arith.constant 0 : i32
        %dma_start3A_106 = arith.constant 0 : i32
        %dma_start3A_107 = arith.constant 0 : i32
        %dma_start3A_108 = tpu.memref_slice %arg8[%dma_start3A_105, %dma_start3A_106, %dma_start3A_107] : memref<2x128x128xf32, #tpu.memory_space<vmem>> -> memref<1x128x128xf32, #tpu.memory_space<vmem>>
        %dma_start3A_109 = tpu.memref_squeeze %dma_start3A_108 : memref<1x128x128xf32, #tpu.memory_space<vmem>> -> memref<128x128xf32, #tpu.memory_space<vmem>>
        %dma_start3A_110 = arith.constant 0 : i32
        %dma_start3A_111 = tpu.memref_slice %arg7[%mul3A_93, %dma_start3A_110] : memref<32x128xi32, #tpu.memory_space<vmem>> -> memref<1x128xi32, #tpu.memory_space<vmem>>
        %dma_start3A_112 = tpu.memref_squeeze %dma_start3A_111 : memref<1x128xi32, #tpu.memory_space<vmem>> -> memref<128xi32, #tpu.memory_space<vmem>>
        %dma_start3A_113 = arith.constant 0 : i32
        %dma_start3A_114 = arith.constant 0 : i32
        %dma_start3A_115 = tpu.memref_slice %arg9[%dma_start3A_113, %dma_start3A_114] : memref<10240x128xf32, #tpu.memory_space<vmem_shared>> -> memref<10240x128xf32, #tpu.memory_space<vmem_shared>>
        tpu.enqueue_indirect_dma source(%dma_start3A_109 : memref<128x128xf32, #tpu.memory_space<vmem>>) target(%dma_start3A_115 : memref<10240x128xf32, #tpu.memory_space<vmem_shared>>) offsets(%dma_start3A_112 : memref<128xi32, #tpu.memory_space<vmem>>) semaphore(%arg12 : memref<!tpu.dma_semaphore, #tpu.memory_space<semaphore_mem>>) {add = true}
        %add3A_116 = arith.constant 1 : i32
        %add3A_117 = arith.addi %mul3A_93, %add3A_116 : i32
        %dma_wait3A_118 = arith.constant 1 : i32
        %dma_wait3A_119 = arith.constant 0 : i32
        %dma_wait3A_120 = arith.constant 0 : i32
        %dma_wait3A_121 = tpu.memref_slice %arg8[%dma_wait3A_118, %dma_wait3A_119, %dma_wait3A_120] : memref<2x128x128xf32, #tpu.memory_space<vmem>> -> memref<1x128x128xf32, #tpu.memory_space<vmem>>
        %dma_wait3A_122 = tpu.memref_squeeze %dma_wait3A_121 : memref<1x128x128xf32, #tpu.memory_space<vmem>> -> memref<128x128xf32, #tpu.memory_space<vmem>>
        %dma_wait3A_123 = arith.constant 0 : i32
        %dma_wait3A_124 = tpu.memref_slice %arg6[%add3A_117, %dma_wait3A_123] : memref<32x128xi32, #tpu.memory_space<vmem>> -> memref<1x128xi32, #tpu.memory_space<vmem>>
        %dma_wait3A_125 = tpu.memref_squeeze %dma_wait3A_124 : memref<1x128xi32, #tpu.memory_space<vmem>> -> memref<128xi32, #tpu.memory_space<vmem>>
        %dma_wait3A_126 = arith.constant 0 : i32
        %dma_wait3A_127 = arith.constant 0 : i32
        %dma_wait3A_128 = tpu.memref_slice %arg4[%dma_wait3A_126, %dma_wait3A_127] : memref<20480x128xf32, #tpu.memory_space<hbm>> -> memref<20480x128xf32, #tpu.memory_space<hbm>>
        tpu.wait_indirect_dma semaphore(%arg11 : memref<!tpu.dma_semaphore, #tpu.memory_space<semaphore_mem>>) src(%dma_wait3A_128 : memref<20480x128xf32, #tpu.memory_space<hbm>>) dst(%dma_wait3A_122 : memref<128x128xf32, #tpu.memory_space<vmem>>)
        %add3A_129 = arith.constant 1 : i32
        %add3A_130 = arith.addi %mul3A_93, %add3A_129 : i32
        %dma_start3A_131 = arith.constant 1 : i32
        %dma_start3A_132 = arith.constant 0 : i32
        %dma_start3A_133 = arith.constant 0 : i32
        %dma_start3A_134 = tpu.memref_slice %arg8[%dma_start3A_131, %dma_start3A_132, %dma_start3A_133] : memref<2x128x128xf32, #tpu.memory_space<vmem>> -> memref<1x128x128xf32, #tpu.memory_space<vmem>>
        %dma_start3A_135 = tpu.memref_squeeze %dma_start3A_134 : memref<1x128x128xf32, #tpu.memory_space<vmem>> -> memref<128x128xf32, #tpu.memory_space<vmem>>
        %dma_start3A_136 = arith.constant 0 : i32
        %dma_start3A_137 = tpu.memref_slice %arg7[%add3A_130, %dma_start3A_136] : memref<32x128xi32, #tpu.memory_space<vmem>> -> memref<1x128xi32, #tpu.memory_space<vmem>>
        %dma_start3A_138 = tpu.memref_squeeze %dma_start3A_137 : memref<1x128xi32, #tpu.memory_space<vmem>> -> memref<128xi32, #tpu.memory_space<vmem>>
        %dma_start3A_139 = arith.constant 0 : i32
        %dma_start3A_140 = arith.constant 0 : i32
        %dma_start3A_141 = tpu.memref_slice %arg9[%dma_start3A_139, %dma_start3A_140] : memref<10240x128xf32, #tpu.memory_space<vmem_shared>> -> memref<10240x128xf32, #tpu.memory_space<vmem_shared>>
        tpu.enqueue_indirect_dma source(%dma_start3A_135 : memref<128x128xf32, #tpu.memory_space<vmem>>) target(%dma_start3A_141 : memref<10240x128xf32, #tpu.memory_space<vmem_shared>>) offsets(%dma_start3A_138 : memref<128xi32, #tpu.memory_space<vmem>>) semaphore(%arg13 : memref<!tpu.dma_semaphore, #tpu.memory_space<semaphore_mem>>) {add = true}
        %dma_wait3A_142 = arith.constant 0 : i32
        %dma_wait3A_143 = arith.constant 0 : i32
        %dma_wait3A_144 = arith.constant 0 : i32
        %dma_wait3A_145 = tpu.memref_slice %arg8[%dma_wait3A_142, %dma_wait3A_143, %dma_wait3A_144] : memref<2x128x128xf32, #tpu.memory_space<vmem>> -> memref<1x128x128xf32, #tpu.memory_space<vmem>>
        %dma_wait3A_146 = tpu.memref_squeeze %dma_wait3A_145 : memref<1x128x128xf32, #tpu.memory_space<vmem>> -> memref<128x128xf32, #tpu.memory_space<vmem>>
        %dma_wait3A_147 = arith.constant 0 : i32
        %dma_wait3A_148 = tpu.memref_slice %arg7[%mul3A_93, %dma_wait3A_147] : memref<32x128xi32, #tpu.memory_space<vmem>> -> memref<1x128xi32, #tpu.memory_space<vmem>>
        %dma_wait3A_149 = tpu.memref_squeeze %dma_wait3A_148 : memref<1x128xi32, #tpu.memory_space<vmem>> -> memref<128xi32, #tpu.memory_space<vmem>>
        %dma_wait3A_150 = arith.constant 0 : i32
        %dma_wait3A_151 = arith.constant 0 : i32
        %dma_wait3A_152 = tpu.memref_slice %arg9[%dma_wait3A_150, %dma_wait3A_151] : memref<10240x128xf32, #tpu.memory_space<vmem_shared>> -> memref<10240x128xf32, #tpu.memory_space<vmem_shared>>
        tpu.wait_indirect_dma semaphore(%arg12 : memref<!tpu.dma_semaphore, #tpu.memory_space<semaphore_mem>>) src(%dma_wait3A_146 : memref<128x128xf32, #tpu.memory_space<vmem>>) dst(%dma_wait3A_152 : memref<10240x128xf32, #tpu.memory_space<vmem_shared>>)
        %add3A_153 = arith.constant 2 : i32
        %add3A_154 = arith.addi %mul3A_93, %add3A_153 : i32
        %min3A = arith.constant 31 : i32
        %min3A_155 = arith.minsi %add3A_154, %min3A : i32
        %dma_start3A_156 = arith.constant 0 : i32
        %dma_start3A_157 = arith.constant 0 : i32
        %dma_start3A_158 = arith.constant 0 : i32
        %dma_start3A_159 = tpu.memref_slice %arg8[%dma_start3A_156, %dma_start3A_157, %dma_start3A_158] : memref<2x128x128xf32, #tpu.memory_space<vmem>> -> memref<1x128x128xf32, #tpu.memory_space<vmem>>
        %dma_start3A_160 = tpu.memref_squeeze %dma_start3A_159 : memref<1x128x128xf32, #tpu.memory_space<vmem>> -> memref<128x128xf32, #tpu.memory_space<vmem>>
        %dma_start3A_161 = arith.constant 0 : i32
        %dma_start3A_162 = tpu.memref_slice %arg6[%min3A_155, %dma_start3A_161] : memref<32x128xi32, #tpu.memory_space<vmem>> -> memref<1x128xi32, #tpu.memory_space<vmem>>
        %dma_start3A_163 = tpu.memref_squeeze %dma_start3A_162 : memref<1x128xi32, #tpu.memory_space<vmem>> -> memref<128xi32, #tpu.memory_space<vmem>>
        %dma_start3A_164 = arith.constant 0 : i32
        %dma_start3A_165 = arith.constant 0 : i32
        %dma_start3A_166 = tpu.memref_slice %arg4[%dma_start3A_164, %dma_start3A_165] : memref<20480x128xf32, #tpu.memory_space<hbm>> -> memref<20480x128xf32, #tpu.memory_space<hbm>>
        tpu.enqueue_indirect_dma source(%dma_start3A_166 : memref<20480x128xf32, #tpu.memory_space<hbm>>) target(%dma_start3A_160 : memref<128x128xf32, #tpu.memory_space<vmem>>) offsets(%dma_start3A_163 : memref<128xi32, #tpu.memory_space<vmem>>) semaphore(%arg10 : memref<!tpu.dma_semaphore, #tpu.memory_space<semaphore_mem>>)
        %add3A_167 = arith.constant 1 : i32
        %add3A_168 = arith.addi %mul3A_93, %add3A_167 : i32
        %dma_wait3A_169 = arith.constant 1 : i32
        %dma_wait3A_170 = arith.constant 0 : i32
        %dma_wait3A_171 = arith.constant 0 : i32
        %dma_wait3A_172 = tpu.memref_slice %arg8[%dma_wait3A_169, %dma_wait3A_170, %dma_wait3A_171] : memref<2x128x128xf32, #tpu.memory_space<vmem>> -> memref<1x128x128xf32, #tpu.memory_space<vmem>>
        %dma_wait3A_173 = tpu.memref_squeeze %dma_wait3A_172 : memref<1x128x128xf32, #tpu.memory_space<vmem>> -> memref<128x128xf32, #tpu.memory_space<vmem>>
        %dma_wait3A_174 = arith.constant 0 : i32
        %dma_wait3A_175 = tpu.memref_slice %arg7[%add3A_168, %dma_wait3A_174] : memref<32x128xi32, #tpu.memory_space<vmem>> -> memref<1x128xi32, #tpu.memory_space<vmem>>
        %dma_wait3A_176 = tpu.memref_squeeze %dma_wait3A_175 : memref<1x128xi32, #tpu.memory_space<vmem>> -> memref<128xi32, #tpu.memory_space<vmem>>
        %dma_wait3A_177 = arith.constant 0 : i32
        %dma_wait3A_178 = arith.constant 0 : i32
        %dma_wait3A_179 = tpu.memref_slice %arg9[%dma_wait3A_177, %dma_wait3A_178] : memref<10240x128xf32, #tpu.memory_space<vmem_shared>> -> memref<10240x128xf32, #tpu.memory_space<vmem_shared>>
        tpu.wait_indirect_dma semaphore(%arg13 : memref<!tpu.dma_semaphore, #tpu.memory_space<semaphore_mem>>) src(%dma_wait3A_173 : memref<128x128xf32, #tpu.memory_space<vmem>>) dst(%dma_wait3A_179 : memref<10240x128xf32, #tpu.memory_space<vmem_shared>>)
        %add3A_180 = arith.constant 3 : i32
        %add3A_181 = arith.addi %mul3A_93, %add3A_180 : i32
        %min3A_182 = arith.constant 31 : i32
        %min3A_183 = arith.minsi %add3A_181, %min3A_182 : i32
        %dma_start3A_184 = arith.constant 1 : i32
        %dma_start3A_185 = arith.constant 0 : i32
        %dma_start3A_186 = arith.constant 0 : i32
        %dma_start3A_187 = tpu.memref_slice %arg8[%dma_start3A_184, %dma_start3A_185, %dma_start3A_186] : memref<2x128x128xf32, #tpu.memory_space<vmem>> -> memref<1x128x128xf32, #tpu.memory_space<vmem>>
        %dma_start3A_188 = tpu.memref_squeeze %dma_start3A_187 : memref<1x128x128xf32, #tpu.memory_space<vmem>> -> memref<128x128xf32, #tpu.memory_space<vmem>>
        %dma_start3A_189 = arith.constant 0 : i32
        %dma_start3A_190 = tpu.memref_slice %arg6[%min3A_183, %dma_start3A_189] : memref<32x128xi32, #tpu.memory_space<vmem>> -> memref<1x128xi32, #tpu.memory_space<vmem>>
        %dma_start3A_191 = tpu.memref_squeeze %dma_start3A_190 : memref<1x128xi32, #tpu.memory_space<vmem>> -> memref<128xi32, #tpu.memory_space<vmem>>
        %dma_start3A_192 = arith.constant 0 : i32
        %dma_start3A_193 = arith.constant 0 : i32
        %dma_start3A_194 = tpu.memref_slice %arg4[%dma_start3A_192, %dma_start3A_193] : memref<20480x128xf32, #tpu.memory_space<hbm>> -> memref<20480x128xf32, #tpu.memory_space<hbm>>
        tpu.enqueue_indirect_dma source(%dma_start3A_194 : memref<20480x128xf32, #tpu.memory_space<hbm>>) target(%dma_start3A_188 : memref<128x128xf32, #tpu.memory_space<vmem>>) offsets(%dma_start3A_191 : memref<128xi32, #tpu.memory_space<vmem>>) semaphore(%arg11 : memref<!tpu.dma_semaphore, #tpu.memory_space<semaphore_mem>>)
      }
      %scan3A_67 = arith.constant 16 : i32
      %dma_wait3A = arith.constant 31 : i32
      %dma_wait3A_68 = arith.constant 0 : i32
      %dma_wait3A_69 = arith.constant 0 : i32
      %dma_wait3A_70 = arith.constant 0 : i32
      %dma_wait3A_71 = tpu.memref_slice %arg8[%dma_wait3A_68, %dma_wait3A_69, %dma_wait3A_70] : memref<2x128x128xf32, #tpu.memory_space<vmem>> -> memref<1x128x128xf32, #tpu.memory_space<vmem>>
      %dma_wait3A_72 = tpu.memref_squeeze %dma_wait3A_71 : memref<1x128x128xf32, #tpu.memory_space<vmem>> -> memref<128x128xf32, #tpu.memory_space<vmem>>
      %dma_wait3A_73 = arith.constant 0 : i32
      %dma_wait3A_74 = tpu.memref_slice %arg6[%dma_wait3A, %dma_wait3A_73] : memref<32x128xi32, #tpu.memory_space<vmem>> -> memref<1x128xi32, #tpu.memory_space<vmem>>
      %dma_wait3A_75 = tpu.memref_squeeze %dma_wait3A_74 : memref<1x128xi32, #tpu.memory_space<vmem>> -> memref<128xi32, #tpu.memory_space<vmem>>
      %dma_wait3A_76 = arith.constant 0 : i32
      %dma_wait3A_77 = arith.constant 0 : i32
      %dma_wait3A_78 = tpu.memref_slice %arg4[%dma_wait3A_76, %dma_wait3A_77] : memref<20480x128xf32, #tpu.memory_space<hbm>> -> memref<20480x128xf32, #tpu.memory_space<hbm>>
      tpu.wait_indirect_dma semaphore(%arg10 : memref<!tpu.dma_semaphore, #tpu.memory_space<semaphore_mem>>) src(%dma_wait3A_78 : memref<20480x128xf32, #tpu.memory_space<hbm>>) dst(%dma_wait3A_72 : memref<128x128xf32, #tpu.memory_space<vmem>>)
      %dma_wait3A_79 = arith.constant 31 : i32
      %dma_wait3A_80 = arith.constant 1 : i32
      %dma_wait3A_81 = arith.constant 0 : i32
      %dma_wait3A_82 = arith.constant 0 : i32
      %dma_wait3A_83 = tpu.memref_slice %arg8[%dma_wait3A_80, %dma_wait3A_81, %dma_wait3A_82] : memref<2x128x128xf32, #tpu.memory_space<vmem>> -> memref<1x128x128xf32, #tpu.memory_space<vmem>>
      %dma_wait3A_84 = tpu.memref_squeeze %dma_wait3A_83 : memref<1x128x128xf32, #tpu.memory_space<vmem>> -> memref<128x128xf32, #tpu.memory_space<vmem>>
      %dma_wait3A_85 = arith.constant 0 : i32
      %dma_wait3A_86 = tpu.memref_slice %arg6[%dma_wait3A_79, %dma_wait3A_85] : memref<32x128xi32, #tpu.memory_space<vmem>> -> memref<1x128xi32, #tpu.memory_space<vmem>>
      %dma_wait3A_87 = tpu.memref_squeeze %dma_wait3A_86 : memref<1x128xi32, #tpu.memory_space<vmem>> -> memref<128xi32, #tpu.memory_space<vmem>>
      %dma_wait3A_88 = arith.constant 0 : i32
      %dma_wait3A_89 = arith.constant 0 : i32
      %dma_wait3A_90 = tpu.memref_slice %arg4[%dma_wait3A_88, %dma_wait3A_89] : memref<20480x128xf32, #tpu.memory_space<hbm>> -> memref<20480x128xf32, #tpu.memory_space<hbm>>
      tpu.wait_indirect_dma semaphore(%arg11 : memref<!tpu.dma_semaphore, #tpu.memory_space<semaphore_mem>>) src(%dma_wait3A_90 : memref<20480x128xf32, #tpu.memory_space<hbm>>) dst(%dma_wait3A_84 : memref<128x128xf32, #tpu.memory_space<vmem>>)
    }
    %scan3A_27 = arith.constant 5 : i32
    %barrier3A_28 = arith.constant 0 : index
    tpu.barrier barrier_id(%barrier3A_28)
    %mul3A_29 = arith.constant 10240 : i32
    %mul3A_30 = arith.muli %arg0, %mul3A_29 : i32
    %add3A_31 = arith.addi %mul3A_30, %mul3A_6 : i32
    "tpu.region"() ({
      %run_scoped3A_32 = tpu.sem_alloc : memref<!tpu.dma_semaphore, #tpu.memory_space<semaphore_mem>>
      %dma_start3A = arith.constant 0 : i32
      %dma_start3A_33 = tpu.memref_slice %arg5[%add3A_31, %dma_start3A] : memref<20480x128xf32, #tpu.memory_space<hbm>> -> memref<640x128xf32, #tpu.memory_space<hbm>>
      %dma_start3A_34 = arith.constant 0 : i32
      %dma_start3A_35 = tpu.memref_slice %arg9[%mul3A_6, %dma_start3A_34] : memref<10240x128xf32, #tpu.memory_space<vmem_shared>> -> memref<640x128xf32, #tpu.memory_space<vmem_shared>>
      tpu.enqueue_dma source(%dma_start3A_35 : memref<640x128xf32, #tpu.memory_space<vmem_shared>>) target(%dma_start3A_33 : memref<640x128xf32, #tpu.memory_space<hbm>>) target_semaphore(%run_scoped3A_32 : memref<!tpu.dma_semaphore, #tpu.memory_space<semaphore_mem>>)
      %dma_wait3A = arith.constant 0 : i32
      %dma_wait3A_36 = tpu.memref_slice %arg5[%add3A_31, %dma_wait3A] : memref<20480x128xf32, #tpu.memory_space<hbm>> -> memref<640x128xf32, #tpu.memory_space<hbm>>
      %dma_wait3A_37 = arith.constant 0 : i32
      %dma_wait3A_38 = tpu.memref_slice %arg9[%mul3A_6, %dma_wait3A_37] : memref<10240x128xf32, #tpu.memory_space<vmem_shared>> -> memref<640x128xf32, #tpu.memory_space<vmem_shared>>
      tpu.wait_dma2 semaphore(%run_scoped3A_32 : memref<!tpu.dma_semaphore, #tpu.memory_space<semaphore_mem>>) src(%dma_wait3A_38 : memref<640x128xf32, #tpu.memory_space<vmem_shared>>) dst(%dma_wait3A_36 : memref<640x128xf32, #tpu.memory_space<hbm>>)
      tpu.yield
    }) : () -> ()
    return
  }
}

#map = affine_map<(d0, d1) -> (0, 0, 0, 0)>
#map1 = affine_map<(d0, d1) -> (0, 0)>
module attributes {stable_mosaic.version = 14 : i64} {
  func.func @_agg_body(%arg0: i32, %arg1: i32, %arg2: memref<16x5x32x128xi32, #tpu.memory_space<hbm>>, %arg3: memref<16x5x32x128xi32, #tpu.memory_space<hbm>>, %arg4: memref<20480x128xf32, #tpu.memory_space<hbm>>, %arg5: memref<20480x128xf32, #tpu.memory_space<hbm>>, %arg6: memref<32x128xi32, #tpu.memory_space<vmem>>, %arg7: memref<32x128xi32, #tpu.memory_space<vmem>>, %arg8: memref<2x128x128xf32, #tpu.memory_space<vmem>>, %arg9: memref<10240x128xf32, #tpu.memory_space<vmem_shared>>, %arg10: memref<!tpu.dma_semaphore, #tpu.memory_space<semaphore_mem>>, %arg11: memref<!tpu.dma_semaphore, #tpu.memory_space<semaphore_mem>>, %arg12: memref<!tpu.dma_semaphore, #tpu.memory_space<semaphore_mem>>, %arg13: memref<!tpu.dma_semaphore, #tpu.memory_space<semaphore_mem>>) attributes {dimension_semantics = [#tpu.dimension_semantics<core_parallel>, #tpu.dimension_semantics<subcore_parallel>], iteration_bounds = array<i64: 2, 16>, scalar_prefetch = 0 : i64, scratch_operands = 8 : i64, tpu.core_type = #tpu.core_type<sc_vector_subcore>, window_params = [{transform_indices = #map}, {transform_indices = #map}, {transform_indices = #map1}, {transform_indices = #map1}]} {
    %broadcast_in_dim3A = arith.constant 0.000000e+00 : f32
    %broadcast_in_dim3A_0 = vector.broadcast %broadcast_in_dim3A : f32 to vector<16xf32>
    %scan3A = arith.constant 0 : i32
    %scan3A_1 = arith.constant 0 : i32
    %scan3A_2 = arith.constant 128 : i32
    %scan3A_3 = arith.addi %scan3A_1, %scan3A_2 : i32
    %scan3A_4 = arith.constant 1 : i32
    scf.for %scan3A_32 = %scan3A_1 to %scan3A_3 step %scan3A_4  : i32 {
      %swap3A = arith.constant 0 : i32
      %swap3A_33 = arith.index_cast %swap3A : i32 to index
      %swap3A_34 = arith.index_cast %scan3A_32 : i32 to index
      %swap3A_35 = arith.constant 0 : index
      %swap3A_36 = tpu.vector_load %arg8[%swap3A_33, %swap3A_34, %swap3A_35] {strides = array<i32>} : memref<2x128x128xf32, #tpu.memory_space<vmem>>, vector<1x1x16xf32>,
      %swap3A_37 = vector.shape_cast %swap3A_36 : vector<1x1x16xf32> to vector<16xf32>
      %swap3A_38 = vector.shape_cast %broadcast_in_dim3A_0 : vector<16xf32> to vector<1x1x16xf32>
      tpu.vector_store %arg8[%swap3A_33, %swap3A_34, %swap3A_35], %swap3A_38 {strides = array<i32>} : memref<2x128x128xf32, #tpu.memory_space<vmem>>, vector<1x1x16xf32>,
      %swap3A_39 = arith.constant 0 : i32
      %swap3A_40 = arith.index_cast %swap3A_39 : i32 to index
      %swap3A_41 = arith.index_cast %scan3A_32 : i32 to index
      %swap3A_42 = arith.constant 16 : index
      %swap3A_43 = tpu.vector_load %arg8[%swap3A_40, %swap3A_41, %swap3A_42] {strides = array<i32>} : memref<2x128x128xf32, #tpu.memory_space<vmem>>, vector<1x1x16xf32>,
      %swap3A_44 = vector.shape_cast %swap3A_43 : vector<1x1x16xf32> to vector<16xf32>
      %swap3A_45 = vector.shape_cast %broadcast_in_dim3A_0 : vector<16xf32> to vector<1x1x16xf32>
      tpu.vector_store %arg8[%swap3A_40, %swap3A_41, %swap3A_42], %swap3A_45 {strides = array<i32>} : memref<2x128x128xf32, #tpu.memory_space<vmem>>, vector<1x1x16xf32>,
      %swap3A_46 = arith.constant 0 : i32
      %swap3A_47 = arith.index_cast %swap3A_46 : i32 to index
      %swap3A_48 = arith.index_cast %scan3A_32 : i32 to index
      %swap3A_49 = arith.constant 32 : index
      %swap3A_50 = tpu.vector_load %arg8[%swap3A_47, %swap3A_48, %swap3A_49] {strides = array<i32>} : memref<2x128x128xf32, #tpu.memory_space<vmem>>, vector<1x1x16xf32>,
      %swap3A_51 = vector.shape_cast %swap3A_50 : vector<1x1x16xf32> to vector<16xf32>
      %swap3A_52 = vector.shape_cast %broadcast_in_dim3A_0 : vector<16xf32> to vector<1x1x16xf32>
      tpu.vector_store %arg8[%swap3A_47, %swap3A_48, %swap3A_49], %swap3A_52 {strides = array<i32>} : memref<2x128x128xf32, #tpu.memory_space<vmem>>, vector<1x1x16xf32>,
      %swap3A_53 = arith.constant 0 : i32
      %swap3A_54 = arith.index_cast %swap3A_53 : i32 to index
      %swap3A_55 = arith.index_cast %scan3A_32 : i32 to index
      %swap3A_56 = arith.constant 48 : index
      %swap3A_57 = tpu.vector_load %arg8[%swap3A_54, %swap3A_55, %swap3A_56] {strides = array<i32>} : memref<2x128x128xf32, #tpu.memory_space<vmem>>, vector<1x1x16xf32>,
      %swap3A_58 = vector.shape_cast %swap3A_57 : vector<1x1x16xf32> to vector<16xf32>
      %swap3A_59 = vector.shape_cast %broadcast_in_dim3A_0 : vector<16xf32> to vector<1x1x16xf32>
      tpu.vector_store %arg8[%swap3A_54, %swap3A_55, %swap3A_56], %swap3A_59 {strides = array<i32>} : memref<2x128x128xf32, #tpu.memory_space<vmem>>, vector<1x1x16xf32>,
      %swap3A_60 = arith.constant 0 : i32
      %swap3A_61 = arith.index_cast %swap3A_60 : i32 to index
      %swap3A_62 = arith.index_cast %scan3A_32 : i32 to index
      %swap3A_63 = arith.constant 64 : index
      %swap3A_64 = tpu.vector_load %arg8[%swap3A_61, %swap3A_62, %swap3A_63] {strides = array<i32>} : memref<2x128x128xf32, #tpu.memory_space<vmem>>, vector<1x1x16xf32>,
      %swap3A_65 = vector.shape_cast %swap3A_64 : vector<1x1x16xf32> to vector<16xf32>
      %swap3A_66 = vector.shape_cast %broadcast_in_dim3A_0 : vector<16xf32> to vector<1x1x16xf32>
      tpu.vector_store %arg8[%swap3A_61, %swap3A_62, %swap3A_63], %swap3A_66 {strides = array<i32>} : memref<2x128x128xf32, #tpu.memory_space<vmem>>, vector<1x1x16xf32>,
      %swap3A_67 = arith.constant 0 : i32
      %swap3A_68 = arith.index_cast %swap3A_67 : i32 to index
      %swap3A_69 = arith.index_cast %scan3A_32 : i32 to index
      %swap3A_70 = arith.constant 80 : index
      %swap3A_71 = tpu.vector_load %arg8[%swap3A_68, %swap3A_69, %swap3A_70] {strides = array<i32>} : memref<2x128x128xf32, #tpu.memory_space<vmem>>, vector<1x1x16xf32>,
      %swap3A_72 = vector.shape_cast %swap3A_71 : vector<1x1x16xf32> to vector<16xf32>
      %swap3A_73 = vector.shape_cast %broadcast_in_dim3A_0 : vector<16xf32> to vector<1x1x16xf32>
      tpu.vector_store %arg8[%swap3A_68, %swap3A_69, %swap3A_70], %swap3A_73 {strides = array<i32>} : memref<2x128x128xf32, #tpu.memory_space<vmem>>, vector<1x1x16xf32>,
      %swap3A_74 = arith.constant 0 : i32
      %swap3A_75 = arith.index_cast %swap3A_74 : i32 to index
      %swap3A_76 = arith.index_cast %scan3A_32 : i32 to index
      %swap3A_77 = arith.constant 96 : index
      %swap3A_78 = tpu.vector_load %arg8[%swap3A_75, %swap3A_76, %swap3A_77] {strides = array<i32>} : memref<2x128x128xf32, #tpu.memory_space<vmem>>, vector<1x1x16xf32>,
      %swap3A_79 = vector.shape_cast %swap3A_78 : vector<1x1x16xf32> to vector<16xf32>
      %swap3A_80 = vector.shape_cast %broadcast_in_dim3A_0 : vector<16xf32> to vector<1x1x16xf32>
      tpu.vector_store %arg8[%swap3A_75, %swap3A_76, %swap3A_77], %swap3A_80 {strides = array<i32>} : memref<2x128x128xf32, #tpu.memory_space<vmem>>, vector<1x1x16xf32>,
      %swap3A_81 = arith.constant 0 : i32
      %swap3A_82 = arith.index_cast %swap3A_81 : i32 to index
      %swap3A_83 = arith.index_cast %scan3A_32 : i32 to index
      %swap3A_84 = arith.constant 112 : index
      %swap3A_85 = tpu.vector_load %arg8[%swap3A_82, %swap3A_83, %swap3A_84] {strides = array<i32>} : memref<2x128x128xf32, #tpu.memory_space<vmem>>, vector<1x1x16xf32>,
      %swap3A_86 = vector.shape_cast %swap3A_85 : vector<1x1x16xf32> to vector<16xf32>
      %swap3A_87 = vector.shape_cast %broadcast_in_dim3A_0 : vector<16xf32> to vector<1x1x16xf32>
      tpu.vector_store %arg8[%swap3A_82, %swap3A_83, %swap3A_84], %swap3A_87 {strides = array<i32>} : memref<2x128x128xf32, #tpu.memory_space<vmem>>, vector<1x1x16xf32>,
    }
    %scan3A_5 = arith.constant 128 : i32
    %mul3A = arith.constant 640 : i32
    %mul3A_6 = arith.muli %arg1, %mul3A : i32
    %add3A = arith.constant 0 : i32
    %add3A_7 = arith.addi %mul3A_6, %add3A : i32
    %run_scoped3A = arith.constant 0 : i32
    "tpu.region"() ({
      %run_scoped3A_32 = tpu.sem_alloc : memref<!tpu.dma_semaphore, #tpu.memory_space<semaphore_mem>>
      %dma_start3A = arith.constant 0 : i32
      %dma_start3A_33 = arith.constant 0 : i32
      %dma_start3A_34 = tpu.memref_slice %arg8[%run_scoped3A, %dma_start3A, %dma_start3A_33] : memref<2x128x128xf32, #tpu.memory_space<vmem>> -> memref<1x128x128xf32, #tpu.memory_space<vmem>>
      %dma_start3A_35 = tpu.memref_squeeze %dma_start3A_34 : memref<1x128x128xf32, #tpu.memory_space<vmem>> -> memref<128x128xf32, #tpu.memory_space<vmem>>
      %dma_start3A_36 = arith.constant 0 : i32
      %dma_start3A_37 = tpu.memref_slice %arg9[%add3A_7, %dma_start3A_36] : memref<10240x128xf32, #tpu.memory_space<vmem_shared>> -> memref<128x128xf32, #tpu.memory_space<vmem_shared>>
      %dma_start3A_38 = arith.constant 0 : i32
      %dma_start3A_39 = tpu.memref_slice %arg9[%add3A_7, %dma_start3A_38] : memref<10240x128xf32, #tpu.memory_space<vmem_shared>> -> memref<128x128xf32, #tpu.memory_space<vmem_shared>>
      %dma_start3A_40 = arith.constant 0 : i32
      %dma_start3A_41 = arith.constant 0 : i32
      %dma_start3A_42 = tpu.memref_slice %arg8[%run_scoped3A, %dma_start3A_40, %dma_start3A_41] : memref<2x128x128xf32, #tpu.memory_space<vmem>> -> memref<1x128x128xf32, #tpu.memory_space<vmem>>
      %dma_start3A_43 = tpu.memref_squeeze %dma_start3A_42 : memref<1x128x128xf32, #tpu.memory_space<vmem>> -> memref<128x128xf32, #tpu.memory_space<vmem>>
      tpu.enqueue_dma source(%dma_start3A_43 : memref<128x128xf32, #tpu.memory_space<vmem>>) target(%dma_start3A_39 : memref<128x128xf32, #tpu.memory_space<vmem_shared>>) target_semaphore(%run_scoped3A_32 : memref<!tpu.dma_semaphore, #tpu.memory_space<semaphore_mem>>)
      %dma_wait3A = arith.constant 0 : i32
      %dma_wait3A_44 = arith.constant 0 : i32
      %dma_wait3A_45 = tpu.memref_slice %arg8[%run_scoped3A, %dma_wait3A, %dma_wait3A_44] : memref<2x128x128xf32, #tpu.memory_space<vmem>> -> memref<1x128x128xf32, #tpu.memory_space<vmem>>
      %dma_wait3A_46 = tpu.memref_squeeze %dma_wait3A_45 : memref<1x128x128xf32, #tpu.memory_space<vmem>> -> memref<128x128xf32, #tpu.memory_space<vmem>>
      %dma_wait3A_47 = arith.constant 0 : i32
      %dma_wait3A_48 = tpu.memref_slice %arg9[%add3A_7, %dma_wait3A_47] : memref<10240x128xf32, #tpu.memory_space<vmem_shared>> -> memref<128x128xf32, #tpu.memory_space<vmem_shared>>
      %dma_wait3A_49 = arith.constant 0 : i32
      %dma_wait3A_50 = tpu.memref_slice %arg9[%add3A_7, %dma_wait3A_49] : memref<10240x128xf32, #tpu.memory_space<vmem_shared>> -> memref<128x128xf32, #tpu.memory_space<vmem_shared>>
      %dma_wait3A_51 = arith.constant 0 : i32
      %dma_wait3A_52 = arith.constant 0 : i32
      %dma_wait3A_53 = tpu.memref_slice %arg8[%run_scoped3A, %dma_wait3A_51, %dma_wait3A_52] : memref<2x128x128xf32, #tpu.memory_space<vmem>> -> memref<1x128x128xf32, #tpu.memory_space<vmem>>
      %dma_wait3A_54 = tpu.memref_squeeze %dma_wait3A_53 : memref<1x128x128xf32, #tpu.memory_space<vmem>> -> memref<128x128xf32, #tpu.memory_space<vmem>>
      tpu.wait_dma2 semaphore(%run_scoped3A_32 : memref<!tpu.dma_semaphore, #tpu.memory_space<semaphore_mem>>) src(%dma_wait3A_54 : memref<128x128xf32, #tpu.memory_space<vmem>>) dst(%dma_wait3A_50 : memref<128x128xf32, #tpu.memory_space<vmem_shared>>)
      tpu.yield
    }) : () -> ()
    %add3A_8 = arith.constant 128 : i32
    %add3A_9 = arith.addi %mul3A_6, %add3A_8 : i32
    %run_scoped3A_10 = arith.constant 0 : i32
    "tpu.region"() ({
      %run_scoped3A_32 = tpu.sem_alloc : memref<!tpu.dma_semaphore, #tpu.memory_space<semaphore_mem>>
      %dma_start3A = arith.constant 0 : i32
      %dma_start3A_33 = arith.constant 0 : i32
      %dma_start3A_34 = tpu.memref_slice %arg8[%run_scoped3A_10, %dma_start3A, %dma_start3A_33] : memref<2x128x128xf32, #tpu.memory_space<vmem>> -> memref<1x128x128xf32, #tpu.memory_space<vmem>>
      %dma_start3A_35 = tpu.memref_squeeze %dma_start3A_34 : memref<1x128x128xf32, #tpu.memory_space<vmem>> -> memref<128x128xf32, #tpu.memory_space<vmem>>
      %dma_start3A_36 = arith.constant 0 : i32
      %dma_start3A_37 = tpu.memref_slice %arg9[%add3A_9, %dma_start3A_36] : memref<10240x128xf32, #tpu.memory_space<vmem_shared>> -> memref<128x128xf32, #tpu.memory_space<vmem_shared>>
      %dma_start3A_38 = arith.constant 0 : i32
      %dma_start3A_39 = tpu.memref_slice %arg9[%add3A_9, %dma_start3A_38] : memref<10240x128xf32, #tpu.memory_space<vmem_shared>> -> memref<128x128xf32, #tpu.memory_space<vmem_shared>>
      %dma_start3A_40 = arith.constant 0 : i32
      %dma_start3A_41 = arith.constant 0 : i32
      %dma_start3A_42 = tpu.memref_slice %arg8[%run_scoped3A_10, %dma_start3A_40, %dma_start3A_41] : memref<2x128x128xf32, #tpu.memory_space<vmem>> -> memref<1x128x128xf32, #tpu.memory_space<vmem>>
      %dma_start3A_43 = tpu.memref_squeeze %dma_start3A_42 : memref<1x128x128xf32, #tpu.memory_space<vmem>> -> memref<128x128xf32, #tpu.memory_space<vmem>>
      tpu.enqueue_dma source(%dma_start3A_43 : memref<128x128xf32, #tpu.memory_space<vmem>>) target(%dma_start3A_39 : memref<128x128xf32, #tpu.memory_space<vmem_shared>>) target_semaphore(%run_scoped3A_32 : memref<!tpu.dma_semaphore, #tpu.memory_space<semaphore_mem>>)
      %dma_wait3A = arith.constant 0 : i32
      %dma_wait3A_44 = arith.constant 0 : i32
      %dma_wait3A_45 = tpu.memref_slice %arg8[%run_scoped3A_10, %dma_wait3A, %dma_wait3A_44] : memref<2x128x128xf32, #tpu.memory_space<vmem>> -> memref<1x128x128xf32, #tpu.memory_space<vmem>>
      %dma_wait3A_46 = tpu.memref_squeeze %dma_wait3A_45 : memref<1x128x128xf32, #tpu.memory_space<vmem>> -> memref<128x128xf32, #tpu.memory_space<vmem>>
      %dma_wait3A_47 = arith.constant 0 : i32
      %dma_wait3A_48 = tpu.memref_slice %arg9[%add3A_9, %dma_wait3A_47] : memref<10240x128xf32, #tpu.memory_space<vmem_shared>> -> memref<128x128xf32, #tpu.memory_space<vmem_shared>>
      %dma_wait3A_49 = arith.constant 0 : i32
      %dma_wait3A_50 = tpu.memref_slice %arg9[%add3A_9, %dma_wait3A_49] : memref<10240x128xf32, #tpu.memory_space<vmem_shared>> -> memref<128x128xf32, #tpu.memory_space<vmem_shared>>
      %dma_wait3A_51 = arith.constant 0 : i32
      %dma_wait3A_52 = arith.constant 0 : i32
      %dma_wait3A_53 = tpu.memref_slice %arg8[%run_scoped3A_10, %dma_wait3A_51, %dma_wait3A_52] : memref<2x128x128xf32, #tpu.memory_space<vmem>> -> memref<1x128x128xf32, #tpu.memory_space<vmem>>
      %dma_wait3A_54 = tpu.memref_squeeze %dma_wait3A_53 : memref<1x128x128xf32, #tpu.memory_space<vmem>> -> memref<128x128xf32, #tpu.memory_space<vmem>>
      tpu.wait_dma2 semaphore(%run_scoped3A_32 : memref<!tpu.dma_semaphore, #tpu.memory_space<semaphore_mem>>) src(%dma_wait3A_54 : memref<128x128xf32, #tpu.memory_space<vmem>>) dst(%dma_wait3A_50 : memref<128x128xf32, #tpu.memory_space<vmem_shared>>)
      tpu.yield
    }) : () -> ()
    %add3A_11 = arith.constant 256 : i32
    %add3A_12 = arith.addi %mul3A_6, %add3A_11 : i32
    %run_scoped3A_13 = arith.constant 0 : i32
    "tpu.region"() ({
      %run_scoped3A_32 = tpu.sem_alloc : memref<!tpu.dma_semaphore, #tpu.memory_space<semaphore_mem>>
      %dma_start3A = arith.constant 0 : i32
      %dma_start3A_33 = arith.constant 0 : i32
      %dma_start3A_34 = tpu.memref_slice %arg8[%run_scoped3A_13, %dma_start3A, %dma_start3A_33] : memref<2x128x128xf32, #tpu.memory_space<vmem>> -> memref<1x128x128xf32, #tpu.memory_space<vmem>>
      %dma_start3A_35 = tpu.memref_squeeze %dma_start3A_34 : memref<1x128x128xf32, #tpu.memory_space<vmem>> -> memref<128x128xf32, #tpu.memory_space<vmem>>
      %dma_start3A_36 = arith.constant 0 : i32
      %dma_start3A_37 = tpu.memref_slice %arg9[%add3A_12, %dma_start3A_36] : memref<10240x128xf32, #tpu.memory_space<vmem_shared>> -> memref<128x128xf32, #tpu.memory_space<vmem_shared>>
      %dma_start3A_38 = arith.constant 0 : i32
      %dma_start3A_39 = tpu.memref_slice %arg9[%add3A_12, %dma_start3A_38] : memref<10240x128xf32, #tpu.memory_space<vmem_shared>> -> memref<128x128xf32, #tpu.memory_space<vmem_shared>>
      %dma_start3A_40 = arith.constant 0 : i32
      %dma_start3A_41 = arith.constant 0 : i32
      %dma_start3A_42 = tpu.memref_slice %arg8[%run_scoped3A_13, %dma_start3A_40, %dma_start3A_41] : memref<2x128x128xf32, #tpu.memory_space<vmem>> -> memref<1x128x128xf32, #tpu.memory_space<vmem>>
      %dma_start3A_43 = tpu.memref_squeeze %dma_start3A_42 : memref<1x128x128xf32, #tpu.memory_space<vmem>> -> memref<128x128xf32, #tpu.memory_space<vmem>>
      tpu.enqueue_dma source(%dma_start3A_43 : memref<128x128xf32, #tpu.memory_space<vmem>>) target(%dma_start3A_39 : memref<128x128xf32, #tpu.memory_space<vmem_shared>>) target_semaphore(%run_scoped3A_32 : memref<!tpu.dma_semaphore, #tpu.memory_space<semaphore_mem>>)
      %dma_wait3A = arith.constant 0 : i32
      %dma_wait3A_44 = arith.constant 0 : i32
      %dma_wait3A_45 = tpu.memref_slice %arg8[%run_scoped3A_13, %dma_wait3A, %dma_wait3A_44] : memref<2x128x128xf32, #tpu.memory_space<vmem>> -> memref<1x128x128xf32, #tpu.memory_space<vmem>>
      %dma_wait3A_46 = tpu.memref_squeeze %dma_wait3A_45 : memref<1x128x128xf32, #tpu.memory_space<vmem>> -> memref<128x128xf32, #tpu.memory_space<vmem>>
      %dma_wait3A_47 = arith.constant 0 : i32
      %dma_wait3A_48 = tpu.memref_slice %arg9[%add3A_12, %dma_wait3A_47] : memref<10240x128xf32, #tpu.memory_space<vmem_shared>> -> memref<128x128xf32, #tpu.memory_space<vmem_shared>>
      %dma_wait3A_49 = arith.constant 0 : i32
      %dma_wait3A_50 = tpu.memref_slice %arg9[%add3A_12, %dma_wait3A_49] : memref<10240x128xf32, #tpu.memory_space<vmem_shared>> -> memref<128x128xf32, #tpu.memory_space<vmem_shared>>
      %dma_wait3A_51 = arith.constant 0 : i32
      %dma_wait3A_52 = arith.constant 0 : i32
      %dma_wait3A_53 = tpu.memref_slice %arg8[%run_scoped3A_13, %dma_wait3A_51, %dma_wait3A_52] : memref<2x128x128xf32, #tpu.memory_space<vmem>> -> memref<1x128x128xf32, #tpu.memory_space<vmem>>
      %dma_wait3A_54 = tpu.memref_squeeze %dma_wait3A_53 : memref<1x128x128xf32, #tpu.memory_space<vmem>> -> memref<128x128xf32, #tpu.memory_space<vmem>>
      tpu.wait_dma2 semaphore(%run_scoped3A_32 : memref<!tpu.dma_semaphore, #tpu.memory_space<semaphore_mem>>) src(%dma_wait3A_54 : memref<128x128xf32, #tpu.memory_space<vmem>>) dst(%dma_wait3A_50 : memref<128x128xf32, #tpu.memory_space<vmem_shared>>)
      tpu.yield
    }) : () -> ()
    %add3A_14 = arith.constant 384 : i32
    %add3A_15 = arith.addi %mul3A_6, %add3A_14 : i32
    %run_scoped3A_16 = arith.constant 0 : i32
    "tpu.region"() ({
      %run_scoped3A_32 = tpu.sem_alloc : memref<!tpu.dma_semaphore, #tpu.memory_space<semaphore_mem>>
      %dma_start3A = arith.constant 0 : i32
      %dma_start3A_33 = arith.constant 0 : i32
      %dma_start3A_34 = tpu.memref_slice %arg8[%run_scoped3A_16, %dma_start3A, %dma_start3A_33] : memref<2x128x128xf32, #tpu.memory_space<vmem>> -> memref<1x128x128xf32, #tpu.memory_space<vmem>>
      %dma_start3A_35 = tpu.memref_squeeze %dma_start3A_34 : memref<1x128x128xf32, #tpu.memory_space<vmem>> -> memref<128x128xf32, #tpu.memory_space<vmem>>
      %dma_start3A_36 = arith.constant 0 : i32
      %dma_start3A_37 = tpu.memref_slice %arg9[%add3A_15, %dma_start3A_36] : memref<10240x128xf32, #tpu.memory_space<vmem_shared>> -> memref<128x128xf32, #tpu.memory_space<vmem_shared>>
      %dma_start3A_38 = arith.constant 0 : i32
      %dma_start3A_39 = tpu.memref_slice %arg9[%add3A_15, %dma_start3A_38] : memref<10240x128xf32, #tpu.memory_space<vmem_shared>> -> memref<128x128xf32, #tpu.memory_space<vmem_shared>>
      %dma_start3A_40 = arith.constant 0 : i32
      %dma_start3A_41 = arith.constant 0 : i32
      %dma_start3A_42 = tpu.memref_slice %arg8[%run_scoped3A_16, %dma_start3A_40, %dma_start3A_41] : memref<2x128x128xf32, #tpu.memory_space<vmem>> -> memref<1x128x128xf32, #tpu.memory_space<vmem>>
      %dma_start3A_43 = tpu.memref_squeeze %dma_start3A_42 : memref<1x128x128xf32, #tpu.memory_space<vmem>> -> memref<128x128xf32, #tpu.memory_space<vmem>>
      tpu.enqueue_dma source(%dma_start3A_43 : memref<128x128xf32, #tpu.memory_space<vmem>>) target(%dma_start3A_39 : memref<128x128xf32, #tpu.memory_space<vmem_shared>>) target_semaphore(%run_scoped3A_32 : memref<!tpu.dma_semaphore, #tpu.memory_space<semaphore_mem>>)
      %dma_wait3A = arith.constant 0 : i32
      %dma_wait3A_44 = arith.constant 0 : i32
      %dma_wait3A_45 = tpu.memref_slice %arg8[%run_scoped3A_16, %dma_wait3A, %dma_wait3A_44] : memref<2x128x128xf32, #tpu.memory_space<vmem>> -> memref<1x128x128xf32, #tpu.memory_space<vmem>>
      %dma_wait3A_46 = tpu.memref_squeeze %dma_wait3A_45 : memref<1x128x128xf32, #tpu.memory_space<vmem>> -> memref<128x128xf32, #tpu.memory_space<vmem>>
      %dma_wait3A_47 = arith.constant 0 : i32
      %dma_wait3A_48 = tpu.memref_slice %arg9[%add3A_15, %dma_wait3A_47] : memref<10240x128xf32, #tpu.memory_space<vmem_shared>> -> memref<128x128xf32, #tpu.memory_space<vmem_shared>>
      %dma_wait3A_49 = arith.constant 0 : i32
      %dma_wait3A_50 = tpu.memref_slice %arg9[%add3A_15, %dma_wait3A_49] : memref<10240x128xf32, #tpu.memory_space<vmem_shared>> -> memref<128x128xf32, #tpu.memory_space<vmem_shared>>
      %dma_wait3A_51 = arith.constant 0 : i32
      %dma_wait3A_52 = arith.constant 0 : i32
      %dma_wait3A_53 = tpu.memref_slice %arg8[%run_scoped3A_16, %dma_wait3A_51, %dma_wait3A_52] : memref<2x128x128xf32, #tpu.memory_space<vmem>> -> memref<1x128x128xf32, #tpu.memory_space<vmem>>
      %dma_wait3A_54 = tpu.memref_squeeze %dma_wait3A_53 : memref<1x128x128xf32, #tpu.memory_space<vmem>> -> memref<128x128xf32, #tpu.memory_space<vmem>>
      tpu.wait_dma2 semaphore(%run_scoped3A_32 : memref<!tpu.dma_semaphore, #tpu.memory_space<semaphore_mem>>) src(%dma_wait3A_54 : memref<128x128xf32, #tpu.memory_space<vmem>>) dst(%dma_wait3A_50 : memref<128x128xf32, #tpu.memory_space<vmem_shared>>)
      tpu.yield
    }) : () -> ()
    %add3A_17 = arith.constant 512 : i32
    %add3A_18 = arith.addi %mul3A_6, %add3A_17 : i32
    %run_scoped3A_19 = arith.constant 0 : i32
    "tpu.region"() ({
      %run_scoped3A_32 = tpu.sem_alloc : memref<!tpu.dma_semaphore, #tpu.memory_space<semaphore_mem>>
      %dma_start3A = arith.constant 0 : i32
      %dma_start3A_33 = arith.constant 0 : i32
      %dma_start3A_34 = tpu.memref_slice %arg8[%run_scoped3A_19, %dma_start3A, %dma_start3A_33] : memref<2x128x128xf32, #tpu.memory_space<vmem>> -> memref<1x128x128xf32, #tpu.memory_space<vmem>>
      %dma_start3A_35 = tpu.memref_squeeze %dma_start3A_34 : memref<1x128x128xf32, #tpu.memory_space<vmem>> -> memref<128x128xf32, #tpu.memory_space<vmem>>
      %dma_start3A_36 = arith.constant 0 : i32
      %dma_start3A_37 = tpu.memref_slice %arg9[%add3A_18, %dma_start3A_36] : memref<10240x128xf32, #tpu.memory_space<vmem_shared>> -> memref<128x128xf32, #tpu.memory_space<vmem_shared>>
      %dma_start3A_38 = arith.constant 0 : i32
      %dma_start3A_39 = tpu.memref_slice %arg9[%add3A_18, %dma_start3A_38] : memref<10240x128xf32, #tpu.memory_space<vmem_shared>> -> memref<128x128xf32, #tpu.memory_space<vmem_shared>>
      %dma_start3A_40 = arith.constant 0 : i32
      %dma_start3A_41 = arith.constant 0 : i32
      %dma_start3A_42 = tpu.memref_slice %arg8[%run_scoped3A_19, %dma_start3A_40, %dma_start3A_41] : memref<2x128x128xf32, #tpu.memory_space<vmem>> -> memref<1x128x128xf32, #tpu.memory_space<vmem>>
      %dma_start3A_43 = tpu.memref_squeeze %dma_start3A_42 : memref<1x128x128xf32, #tpu.memory_space<vmem>> -> memref<128x128xf32, #tpu.memory_space<vmem>>
      tpu.enqueue_dma source(%dma_start3A_43 : memref<128x128xf32, #tpu.memory_space<vmem>>) target(%dma_start3A_39 : memref<128x128xf32, #tpu.memory_space<vmem_shared>>) target_semaphore(%run_scoped3A_32 : memref<!tpu.dma_semaphore, #tpu.memory_space<semaphore_mem>>)
      %dma_wait3A = arith.constant 0 : i32
      %dma_wait3A_44 = arith.constant 0 : i32
      %dma_wait3A_45 = tpu.memref_slice %arg8[%run_scoped3A_19, %dma_wait3A, %dma_wait3A_44] : memref<2x128x128xf32, #tpu.memory_space<vmem>> -> memref<1x128x128xf32, #tpu.memory_space<vmem>>
      %dma_wait3A_46 = tpu.memref_squeeze %dma_wait3A_45 : memref<1x128x128xf32, #tpu.memory_space<vmem>> -> memref<128x128xf32, #tpu.memory_space<vmem>>
      %dma_wait3A_47 = arith.constant 0 : i32
      %dma_wait3A_48 = tpu.memref_slice %arg9[%add3A_18, %dma_wait3A_47] : memref<10240x128xf32, #tpu.memory_space<vmem_shared>> -> memref<128x128xf32, #tpu.memory_space<vmem_shared>>
      %dma_wait3A_49 = arith.constant 0 : i32
      %dma_wait3A_50 = tpu.memref_slice %arg9[%add3A_18, %dma_wait3A_49] : memref<10240x128xf32, #tpu.memory_space<vmem_shared>> -> memref<128x128xf32, #tpu.memory_space<vmem_shared>>
      %dma_wait3A_51 = arith.constant 0 : i32
      %dma_wait3A_52 = arith.constant 0 : i32
      %dma_wait3A_53 = tpu.memref_slice %arg8[%run_scoped3A_19, %dma_wait3A_51, %dma_wait3A_52] : memref<2x128x128xf32, #tpu.memory_space<vmem>> -> memref<1x128x128xf32, #tpu.memory_space<vmem>>
      %dma_wait3A_54 = tpu.memref_squeeze %dma_wait3A_53 : memref<1x128x128xf32, #tpu.memory_space<vmem>> -> memref<128x128xf32, #tpu.memory_space<vmem>>
      tpu.wait_dma2 semaphore(%run_scoped3A_32 : memref<!tpu.dma_semaphore, #tpu.memory_space<semaphore_mem>>) src(%dma_wait3A_54 : memref<128x128xf32, #tpu.memory_space<vmem>>) dst(%dma_wait3A_50 : memref<128x128xf32, #tpu.memory_space<vmem_shared>>)
      tpu.yield
    }) : () -> ()
    %mul3A_20 = arith.constant 10240 : i32
    %mul3A_21 = arith.muli %arg0, %mul3A_20 : i32
    %barrier3A = arith.constant 0 : index
    tpu.barrier barrier_id(%barrier3A)
    %scan3A_22 = arith.constant 0 : i32
    %scan3A_23 = arith.constant 0 : i32
    %scan3A_24 = arith.constant 5 : i32
    %scan3A_25 = arith.addi %scan3A_23, %scan3A_24 : i32
    %scan3A_26 = arith.constant 1 : i32
    scf.for %scan3A_32 = %scan3A_23 to %scan3A_25 step %scan3A_26  : i32 {
      "tpu.region"() ({
        %run_scoped3A_91 = tpu.sem_alloc : memref<!tpu.dma_semaphore, #tpu.memory_space<semaphore_mem>>
        %dma_start3A_92 = arith.constant 0 : i32
        %dma_start3A_93 = arith.constant 0 : i32
        %dma_start3A_94 = tpu.memref_slice %arg2[%arg1, %scan3A_32, %dma_start3A_92, %dma_start3A_93] : memref<16x5x32x128xi32, #tpu.memory_space<hbm>> -> memref<1x1x32x128xi32, #tpu.memory_space<hbm>>
        %dma_start3A_95 = tpu.memref_squeeze %dma_start3A_94 : memref<1x1x32x128xi32, #tpu.memory_space<hbm>> -> memref<32x128xi32, #tpu.memory_space<hbm>>
        %dma_start3A_96 = arith.constant 0 : i32
        %dma_start3A_97 = arith.constant 0 : i32
        %dma_start3A_98 = tpu.memref_slice %arg2[%arg1, %scan3A_32, %dma_start3A_96, %dma_start3A_97] : memref<16x5x32x128xi32, #tpu.memory_space<hbm>> -> memref<1x1x32x128xi32, #tpu.memory_space<hbm>>
        %dma_start3A_99 = tpu.memref_squeeze %dma_start3A_98 : memref<1x1x32x128xi32, #tpu.memory_space<hbm>> -> memref<32x128xi32, #tpu.memory_space<hbm>>
        tpu.enqueue_dma source(%dma_start3A_99 : memref<32x128xi32, #tpu.memory_space<hbm>>) target(%arg6 : memref<32x128xi32, #tpu.memory_space<vmem>>) target_semaphore(%run_scoped3A_91 : memref<!tpu.dma_semaphore, #tpu.memory_space<semaphore_mem>>)
        %dma_wait3A_100 = arith.constant 0 : i32
        %dma_wait3A_101 = arith.constant 0 : i32
        %dma_wait3A_102 = tpu.memref_slice %arg2[%arg1, %scan3A_32, %dma_wait3A_100, %dma_wait3A_101] : memref<16x5x32x128xi32, #tpu.memory_space<hbm>> -> memref<1x1x32x128xi32, #tpu.memory_space<hbm>>
        %dma_wait3A_103 = tpu.memref_squeeze %dma_wait3A_102 : memref<1x1x32x128xi32, #tpu.memory_space<hbm>> -> memref<32x128xi32, #tpu.memory_space<hbm>>
        %dma_wait3A_104 = arith.constant 0 : i32
        %dma_wait3A_105 = arith.constant 0 : i32
        %dma_wait3A_106 = tpu.memref_slice %arg2[%arg1, %scan3A_32, %dma_wait3A_104, %dma_wait3A_105] : memref<16x5x32x128xi32, #tpu.memory_space<hbm>> -> memref<1x1x32x128xi32, #tpu.memory_space<hbm>>
        %dma_wait3A_107 = tpu.memref_squeeze %dma_wait3A_106 : memref<1x1x32x128xi32, #tpu.memory_space<hbm>> -> memref<32x128xi32, #tpu.memory_space<hbm>>
        tpu.wait_dma2 semaphore(%run_scoped3A_91 : memref<!tpu.dma_semaphore, #tpu.memory_space<semaphore_mem>>) src(%dma_wait3A_107 : memref<32x128xi32, #tpu.memory_space<hbm>>) dst(%arg6 : memref<32x128xi32, #tpu.memory_space<vmem>>)
        tpu.yield
      }) : () -> ()
      "tpu.region"() ({
        %run_scoped3A_91 = tpu.sem_alloc : memref<!tpu.dma_semaphore, #tpu.memory_space<semaphore_mem>>
        %dma_start3A_92 = arith.constant 0 : i32
        %dma_start3A_93 = arith.constant 0 : i32
        %dma_start3A_94 = tpu.memref_slice %arg3[%arg1, %scan3A_32, %dma_start3A_92, %dma_start3A_93] : memref<16x5x32x128xi32, #tpu.memory_space<hbm>> -> memref<1x1x32x128xi32, #tpu.memory_space<hbm>>
        %dma_start3A_95 = tpu.memref_squeeze %dma_start3A_94 : memref<1x1x32x128xi32, #tpu.memory_space<hbm>> -> memref<32x128xi32, #tpu.memory_space<hbm>>
        %dma_start3A_96 = arith.constant 0 : i32
        %dma_start3A_97 = arith.constant 0 : i32
        %dma_start3A_98 = tpu.memref_slice %arg3[%arg1, %scan3A_32, %dma_start3A_96, %dma_start3A_97] : memref<16x5x32x128xi32, #tpu.memory_space<hbm>> -> memref<1x1x32x128xi32, #tpu.memory_space<hbm>>
        %dma_start3A_99 = tpu.memref_squeeze %dma_start3A_98 : memref<1x1x32x128xi32, #tpu.memory_space<hbm>> -> memref<32x128xi32, #tpu.memory_space<hbm>>
        tpu.enqueue_dma source(%dma_start3A_99 : memref<32x128xi32, #tpu.memory_space<hbm>>) target(%arg7 : memref<32x128xi32, #tpu.memory_space<vmem>>) target_semaphore(%run_scoped3A_91 : memref<!tpu.dma_semaphore, #tpu.memory_space<semaphore_mem>>)
        %dma_wait3A_100 = arith.constant 0 : i32
        %dma_wait3A_101 = arith.constant 0 : i32
        %dma_wait3A_102 = tpu.memref_slice %arg3[%arg1, %scan3A_32, %dma_wait3A_100, %dma_wait3A_101] : memref<16x5x32x128xi32, #tpu.memory_space<hbm>> -> memref<1x1x32x128xi32, #tpu.memory_space<hbm>>
        %dma_wait3A_103 = tpu.memref_squeeze %dma_wait3A_102 : memref<1x1x32x128xi32, #tpu.memory_space<hbm>> -> memref<32x128xi32, #tpu.memory_space<hbm>>
        %dma_wait3A_104 = arith.constant 0 : i32
        %dma_wait3A_105 = arith.constant 0 : i32
        %dma_wait3A_106 = tpu.memref_slice %arg3[%arg1, %scan3A_32, %dma_wait3A_104, %dma_wait3A_105] : memref<16x5x32x128xi32, #tpu.memory_space<hbm>> -> memref<1x1x32x128xi32, #tpu.memory_space<hbm>>
        %dma_wait3A_107 = tpu.memref_squeeze %dma_wait3A_106 : memref<1x1x32x128xi32, #tpu.memory_space<hbm>> -> memref<32x128xi32, #tpu.memory_space<hbm>>
        tpu.wait_dma2 semaphore(%run_scoped3A_91 : memref<!tpu.dma_semaphore, #tpu.memory_space<semaphore_mem>>) src(%dma_wait3A_107 : memref<32x128xi32, #tpu.memory_space<hbm>>) dst(%arg7 : memref<32x128xi32, #tpu.memory_space<vmem>>)
        tpu.yield
      }) : () -> ()
      %scan3A_33 = arith.constant 0 : i32
      %scan3A_34 = arith.constant 0 : i32
      %scan3A_35 = arith.constant 32 : i32
      %scan3A_36 = arith.addi %scan3A_34, %scan3A_35 : i32
      %scan3A_37 = arith.constant 1 : i32
      scf.for %scan3A_91 = %scan3A_34 to %scan3A_36 step %scan3A_37  : i32 {
        %get3A = arith.index_cast %scan3A_91 : i32 to index
        %get3A_92 = arith.constant 0 : index
        %get3A_93 = tpu.vector_load %arg6[%get3A, %get3A_92] {strides = array<i32>} : memref<32x128xi32, #tpu.memory_space<vmem>>, vector<1x16xi32>,
        %get3A_94 = vector.shape_cast %get3A_93 : vector<1x16xi32> to vector<16xi32>
        %add3A_95 = vector.broadcast %mul3A_21 : i32 to vector<16xi32>
        %add3A_96 = arith.addi %get3A_94, %add3A_95 : vector<16xi32>
        %swap3A = arith.index_cast %scan3A_91 : i32 to index
        %swap3A_97 = arith.constant 0 : index
        %swap3A_98 = tpu.vector_load %arg6[%swap3A, %swap3A_97] {strides = array<i32>} : memref<32x128xi32, #tpu.memory_space<vmem>>, vector<1x16xi32>,
        %swap3A_99 = vector.shape_cast %swap3A_98 : vector<1x16xi32> to vector<16xi32>
        %swap3A_100 = vector.shape_cast %add3A_96 : vector<16xi32> to vector<1x16xi32>
        tpu.vector_store %arg6[%swap3A, %swap3A_97], %swap3A_100 {strides = array<i32>} : memref<32x128xi32, #tpu.memory_space<vmem>>, vector<1x16xi32>,
        %get3A_101 = arith.index_cast %scan3A_91 : i32 to index
        %get3A_102 = arith.constant 16 : index
        %get3A_103 = tpu.vector_load %arg6[%get3A_101, %get3A_102] {strides = array<i32>} : memref<32x128xi32, #tpu.memory_space<vmem>>, vector<1x16xi32>,
        %get3A_104 = vector.shape_cast %get3A_103 : vector<1x16xi32> to vector<16xi32>
        %add3A_105 = vector.broadcast %mul3A_21 : i32 to vector<16xi32>
        %add3A_106 = arith.addi %get3A_104, %add3A_105 : vector<16xi32>
        %swap3A_107 = arith.index_cast %scan3A_91 : i32 to index
        %swap3A_108 = arith.constant 16 : index
        %swap3A_109 = tpu.vector_load %arg6[%swap3A_107, %swap3A_108] {strides = array<i32>} : memref<32x128xi32, #tpu.memory_space<vmem>>, vector<1x16xi32>,
        %swap3A_110 = vector.shape_cast %swap3A_109 : vector<1x16xi32> to vector<16xi32>
        %swap3A_111 = vector.shape_cast %add3A_106 : vector<16xi32> to vector<1x16xi32>
        tpu.vector_store %arg6[%swap3A_107, %swap3A_108], %swap3A_111 {strides = array<i32>} : memref<32x128xi32, #tpu.memory_space<vmem>>, vector<1x16xi32>,
        %get3A_112 = arith.index_cast %scan3A_91 : i32 to index
        %get3A_113 = arith.constant 32 : index
        %get3A_114 = tpu.vector_load %arg6[%get3A_112, %get3A_113] {strides = array<i32>} : memref<32x128xi32, #tpu.memory_space<vmem>>, vector<1x16xi32>,
        %get3A_115 = vector.shape_cast %get3A_114 : vector<1x16xi32> to vector<16xi32>
        %add3A_116 = vector.broadcast %mul3A_21 : i32 to vector<16xi32>
        %add3A_117 = arith.addi %get3A_115, %add3A_116 : vector<16xi32>
        %swap3A_118 = arith.index_cast %scan3A_91 : i32 to index
        %swap3A_119 = arith.constant 32 : index
        %swap3A_120 = tpu.vector_load %arg6[%swap3A_118, %swap3A_119] {strides = array<i32>} : memref<32x128xi32, #tpu.memory_space<vmem>>, vector<1x16xi32>,
        %swap3A_121 = vector.shape_cast %swap3A_120 : vector<1x16xi32> to vector<16xi32>
        %swap3A_122 = vector.shape_cast %add3A_117 : vector<16xi32> to vector<1x16xi32>
        tpu.vector_store %arg6[%swap3A_118, %swap3A_119], %swap3A_122 {strides = array<i32>} : memref<32x128xi32, #tpu.memory_space<vmem>>, vector<1x16xi32>,
        %get3A_123 = arith.index_cast %scan3A_91 : i32 to index
        %get3A_124 = arith.constant 48 : index
        %get3A_125 = tpu.vector_load %arg6[%get3A_123, %get3A_124] {strides = array<i32>} : memref<32x128xi32, #tpu.memory_space<vmem>>, vector<1x16xi32>,
        %get3A_126 = vector.shape_cast %get3A_125 : vector<1x16xi32> to vector<16xi32>
        %add3A_127 = vector.broadcast %mul3A_21 : i32 to vector<16xi32>
        %add3A_128 = arith.addi %get3A_126, %add3A_127 : vector<16xi32>
        %swap3A_129 = arith.index_cast %scan3A_91 : i32 to index
        %swap3A_130 = arith.constant 48 : index
        %swap3A_131 = tpu.vector_load %arg6[%swap3A_129, %swap3A_130] {strides = array<i32>} : memref<32x128xi32, #tpu.memory_space<vmem>>, vector<1x16xi32>,
        %swap3A_132 = vector.shape_cast %swap3A_131 : vector<1x16xi32> to vector<16xi32>
        %swap3A_133 = vector.shape_cast %add3A_128 : vector<16xi32> to vector<1x16xi32>
        tpu.vector_store %arg6[%swap3A_129, %swap3A_130], %swap3A_133 {strides = array<i32>} : memref<32x128xi32, #tpu.memory_space<vmem>>, vector<1x16xi32>,
        %get3A_134 = arith.index_cast %scan3A_91 : i32 to index
        %get3A_135 = arith.constant 64 : index
        %get3A_136 = tpu.vector_load %arg6[%get3A_134, %get3A_135] {strides = array<i32>} : memref<32x128xi32, #tpu.memory_space<vmem>>, vector<1x16xi32>,
        %get3A_137 = vector.shape_cast %get3A_136 : vector<1x16xi32> to vector<16xi32>
        %add3A_138 = vector.broadcast %mul3A_21 : i32 to vector<16xi32>
        %add3A_139 = arith.addi %get3A_137, %add3A_138 : vector<16xi32>
        %swap3A_140 = arith.index_cast %scan3A_91 : i32 to index
        %swap3A_141 = arith.constant 64 : index
        %swap3A_142 = tpu.vector_load %arg6[%swap3A_140, %swap3A_141] {strides = array<i32>} : memref<32x128xi32, #tpu.memory_space<vmem>>, vector<1x16xi32>,
        %swap3A_143 = vector.shape_cast %swap3A_142 : vector<1x16xi32> to vector<16xi32>
        %swap3A_144 = vector.shape_cast %add3A_139 : vector<16xi32> to vector<1x16xi32>
        tpu.vector_store %arg6[%swap3A_140, %swap3A_141], %swap3A_144 {strides = array<i32>} : memref<32x128xi32, #tpu.memory_space<vmem>>, vector<1x16xi32>,
        %get3A_145 = arith.index_cast %scan3A_91 : i32 to index
        %get3A_146 = arith.constant 80 : index
        %get3A_147 = tpu.vector_load %arg6[%get3A_145, %get3A_146] {strides = array<i32>} : memref<32x128xi32, #tpu.memory_space<vmem>>, vector<1x16xi32>,
        %get3A_148 = vector.shape_cast %get3A_147 : vector<1x16xi32> to vector<16xi32>
        %add3A_149 = vector.broadcast %mul3A_21 : i32 to vector<16xi32>
        %add3A_150 = arith.addi %get3A_148, %add3A_149 : vector<16xi32>
        %swap3A_151 = arith.index_cast %scan3A_91 : i32 to index
        %swap3A_152 = arith.constant 80 : index
        %swap3A_153 = tpu.vector_load %arg6[%swap3A_151, %swap3A_152] {strides = array<i32>} : memref<32x128xi32, #tpu.memory_space<vmem>>, vector<1x16xi32>,
        %swap3A_154 = vector.shape_cast %swap3A_153 : vector<1x16xi32> to vector<16xi32>
        %swap3A_155 = vector.shape_cast %add3A_150 : vector<16xi32> to vector<1x16xi32>
        tpu.vector_store %arg6[%swap3A_151, %swap3A_152], %swap3A_155 {strides = array<i32>} : memref<32x128xi32, #tpu.memory_space<vmem>>, vector<1x16xi32>,
        %get3A_156 = arith.index_cast %scan3A_91 : i32 to index
        %get3A_157 = arith.constant 96 : index
        %get3A_158 = tpu.vector_load %arg6[%get3A_156, %get3A_157] {strides = array<i32>} : memref<32x128xi32, #tpu.memory_space<vmem>>, vector<1x16xi32>,
        %get3A_159 = vector.shape_cast %get3A_158 : vector<1x16xi32> to vector<16xi32>
        %add3A_160 = vector.broadcast %mul3A_21 : i32 to vector<16xi32>
        %add3A_161 = arith.addi %get3A_159, %add3A_160 : vector<16xi32>
        %swap3A_162 = arith.index_cast %scan3A_91 : i32 to index
        %swap3A_163 = arith.constant 96 : index
        %swap3A_164 = tpu.vector_load %arg6[%swap3A_162, %swap3A_163] {strides = array<i32>} : memref<32x128xi32, #tpu.memory_space<vmem>>, vector<1x16xi32>,
        %swap3A_165 = vector.shape_cast %swap3A_164 : vector<1x16xi32> to vector<16xi32>
        %swap3A_166 = vector.shape_cast %add3A_161 : vector<16xi32> to vector<1x16xi32>
        tpu.vector_store %arg6[%swap3A_162, %swap3A_163], %swap3A_166 {strides = array<i32>} : memref<32x128xi32, #tpu.memory_space<vmem>>, vector<1x16xi32>,
        %get3A_167 = arith.index_cast %scan3A_91 : i32 to index
        %get3A_168 = arith.constant 112 : index
        %get3A_169 = tpu.vector_load %arg6[%get3A_167, %get3A_168] {strides = array<i32>} : memref<32x128xi32, #tpu.memory_space<vmem>>, vector<1x16xi32>,
        %get3A_170 = vector.shape_cast %get3A_169 : vector<1x16xi32> to vector<16xi32>
        %add3A_171 = vector.broadcast %mul3A_21 : i32 to vector<16xi32>
        %add3A_172 = arith.addi %get3A_170, %add3A_171 : vector<16xi32>
        %swap3A_173 = arith.index_cast %scan3A_91 : i32 to index
        %swap3A_174 = arith.constant 112 : index
        %swap3A_175 = tpu.vector_load %arg6[%swap3A_173, %swap3A_174] {strides = array<i32>} : memref<32x128xi32, #tpu.memory_space<vmem>>, vector<1x16xi32>,
        %swap3A_176 = vector.shape_cast %swap3A_175 : vector<1x16xi32> to vector<16xi32>
        %swap3A_177 = vector.shape_cast %add3A_172 : vector<16xi32> to vector<1x16xi32>
        tpu.vector_store %arg6[%swap3A_173, %swap3A_174], %swap3A_177 {strides = array<i32>} : memref<32x128xi32, #tpu.memory_space<vmem>>, vector<1x16xi32>,
      }
      %scan3A_38 = arith.constant 32 : i32
      %dma_start3A = arith.constant 0 : i32
      %dma_start3A_39 = arith.constant 0 : i32
      %dma_start3A_40 = arith.constant 0 : i32
      %dma_start3A_41 = arith.constant 0 : i32
      %dma_start3A_42 = tpu.memref_slice %arg8[%dma_start3A_39, %dma_start3A_40, %dma_start3A_41] : memref<2x128x128xf32, #tpu.memory_space<vmem>> -> memref<1x128x128xf32, #tpu.memory_space<vmem>>
      %dma_start3A_43 = tpu.memref_squeeze %dma_start3A_42 : memref<1x128x128xf32, #tpu.memory_space<vmem>> -> memref<128x128xf32, #tpu.memory_space<vmem>>
      %dma_start3A_44 = arith.constant 0 : i32
      %dma_start3A_45 = tpu.memref_slice %arg6[%dma_start3A, %dma_start3A_44] : memref<32x128xi32, #tpu.memory_space<vmem>> -> memref<1x128xi32, #tpu.memory_space<vmem>>
      %dma_start3A_46 = tpu.memref_squeeze %dma_start3A_45 : memref<1x128xi32, #tpu.memory_space<vmem>> -> memref<128xi32, #tpu.memory_space<vmem>>
      %dma_start3A_47 = arith.constant 0 : i32
      %dma_start3A_48 = arith.constant 0 : i32
      %dma_start3A_49 = tpu.memref_slice %arg4[%dma_start3A_47, %dma_start3A_48] : memref<20480x128xf32, #tpu.memory_space<hbm>> -> memref<20480x128xf32, #tpu.memory_space<hbm>>
      tpu.enqueue_indirect_dma source(%dma_start3A_49 : memref<20480x128xf32, #tpu.memory_space<hbm>>) target(%dma_start3A_43 : memref<128x128xf32, #tpu.memory_space<vmem>>) offsets(%dma_start3A_46 : memref<128xi32, #tpu.memory_space<vmem>>) semaphore(%arg10 : memref<!tpu.dma_semaphore, #tpu.memory_space<semaphore_mem>>)
      %dma_start3A_50 = arith.constant 1 : i32
      %dma_start3A_51 = arith.constant 1 : i32
      %dma_start3A_52 = arith.constant 0 : i32
      %dma_start3A_53 = arith.constant 0 : i32
      %dma_start3A_54 = tpu.memref_slice %arg8[%dma_start3A_51, %dma_start3A_52, %dma_start3A_53] : memref<2x128x128xf32, #tpu.memory_space<vmem>> -> memref<1x128x128xf32, #tpu.memory_space<vmem>>
      %dma_start3A_55 = tpu.memref_squeeze %dma_start3A_54 : memref<1x128x128xf32, #tpu.memory_space<vmem>> -> memref<128x128xf32, #tpu.memory_space<vmem>>
      %dma_start3A_56 = arith.constant 0 : i32
      %dma_start3A_57 = tpu.memref_slice %arg6[%dma_start3A_50, %dma_start3A_56] : memref<32x128xi32, #tpu.memory_space<vmem>> -> memref<1x128xi32, #tpu.memory_space<vmem>>
      %dma_start3A_58 = tpu.memref_squeeze %dma_start3A_57 : memref<1x128xi32, #tpu.memory_space<vmem>> -> memref<128xi32, #tpu.memory_space<vmem>>
      %dma_start3A_59 = arith.constant 0 : i32
      %dma_start3A_60 = arith.constant 0 : i32
      %dma_start3A_61 = tpu.memref_slice %arg4[%dma_start3A_59, %dma_start3A_60] : memref<20480x128xf32, #tpu.memory_space<hbm>> -> memref<20480x128xf32, #tpu.memory_space<hbm>>
      tpu.enqueue_indirect_dma source(%dma_start3A_61 : memref<20480x128xf32, #tpu.memory_space<hbm>>) target(%dma_start3A_55 : memref<128x128xf32, #tpu.memory_space<vmem>>) offsets(%dma_start3A_58 : memref<128xi32, #tpu.memory_space<vmem>>) semaphore(%arg11 : memref<!tpu.dma_semaphore, #tpu.memory_space<semaphore_mem>>)
      %scan3A_62 = arith.constant 0 : i32
      %scan3A_63 = arith.constant 0 : i32
      %scan3A_64 = arith.constant 16 : i32
      %scan3A_65 = arith.addi %scan3A_63, %scan3A_64 : i32
      %scan3A_66 = arith.constant 1 : i32
      scf.for %scan3A_91 = %scan3A_63 to %scan3A_65 step %scan3A_66  : i32 {
        %mul3A_92 = arith.constant 2 : i32
        %mul3A_93 = arith.muli %scan3A_91, %mul3A_92 : i32
        %dma_wait3A_94 = arith.constant 0 : i32
        %dma_wait3A_95 = arith.constant 0 : i32
        %dma_wait3A_96 = arith.constant 0 : i32
        %dma_wait3A_97 = tpu.memref_slice %arg8[%dma_wait3A_94, %dma_wait3A_95, %dma_wait3A_96] : memref<2x128x128xf32, #tpu.memory_space<vmem>> -> memref<1x128x128xf32, #tpu.memory_space<vmem>>
        %dma_wait3A_98 = tpu.memref_squeeze %dma_wait3A_97 : memref<1x128x128xf32, #tpu.memory_space<vmem>> -> memref<128x128xf32, #tpu.memory_space<vmem>>
        %dma_wait3A_99 = arith.constant 0 : i32
        %dma_wait3A_100 = tpu.memref_slice %arg6[%mul3A_93, %dma_wait3A_99] : memref<32x128xi32, #tpu.memory_space<vmem>> -> memref<1x128xi32, #tpu.memory_space<vmem>>
        %dma_wait3A_101 = tpu.memref_squeeze %dma_wait3A_100 : memref<1x128xi32, #tpu.memory_space<vmem>> -> memref<128xi32, #tpu.memory_space<vmem>>
        %dma_wait3A_102 = arith.constant 0 : i32
        %dma_wait3A_103 = arith.constant 0 : i32
        %dma_wait3A_104 = tpu.memref_slice %arg4[%dma_wait3A_102, %dma_wait3A_103] : memref<20480x128xf32, #tpu.memory_space<hbm>> -> memref<20480x128xf32, #tpu.memory_space<hbm>>
        tpu.wait_indirect_dma semaphore(%arg10 : memref<!tpu.dma_semaphore, #tpu.memory_space<semaphore_mem>>) src(%dma_wait3A_104 : memref<20480x128xf32, #tpu.memory_space<hbm>>) dst(%dma_wait3A_98 : memref<128x128xf32, #tpu.memory_space<vmem>>)
        %dma_start3A_105 = arith.constant 0 : i32
        %dma_start3A_106 = arith.constant 0 : i32
        %dma_start3A_107 = arith.constant 0 : i32
        %dma_start3A_108 = tpu.memref_slice %arg8[%dma_start3A_105, %dma_start3A_106, %dma_start3A_107] : memref<2x128x128xf32, #tpu.memory_space<vmem>> -> memref<1x128x128xf32, #tpu.memory_space<vmem>>
        %dma_start3A_109 = tpu.memref_squeeze %dma_start3A_108 : memref<1x128x128xf32, #tpu.memory_space<vmem>> -> memref<128x128xf32, #tpu.memory_space<vmem>>
        %dma_start3A_110 = arith.constant 0 : i32
        %dma_start3A_111 = tpu.memref_slice %arg7[%mul3A_93, %dma_start3A_110] : memref<32x128xi32, #tpu.memory_space<vmem>> -> memref<1x128xi32, #tpu.memory_space<vmem>>
        %dma_start3A_112 = tpu.memref_squeeze %dma_start3A_111 : memref<1x128xi32, #tpu.memory_space<vmem>> -> memref<128xi32, #tpu.memory_space<vmem>>
        %dma_start3A_113 = arith.constant 0 : i32
        %dma_start3A_114 = arith.constant 0 : i32
        %dma_start3A_115 = tpu.memref_slice %arg9[%dma_start3A_113, %dma_start3A_114] : memref<10240x128xf32, #tpu.memory_space<vmem_shared>> -> memref<10240x128xf32, #tpu.memory_space<vmem_shared>>
        tpu.enqueue_indirect_dma source(%dma_start3A_109 : memref<128x128xf32, #tpu.memory_space<vmem>>) target(%dma_start3A_115 : memref<10240x128xf32, #tpu.memory_space<vmem_shared>>) offsets(%dma_start3A_112 : memref<128xi32, #tpu.memory_space<vmem>>) semaphore(%arg12 : memref<!tpu.dma_semaphore, #tpu.memory_space<semaphore_mem>>) {add = true}
        %add3A_116 = arith.constant 1 : i32
        %add3A_117 = arith.addi %mul3A_93, %add3A_116 : i32
        %dma_wait3A_118 = arith.constant 1 : i32
        %dma_wait3A_119 = arith.constant 0 : i32
        %dma_wait3A_120 = arith.constant 0 : i32
        %dma_wait3A_121 = tpu.memref_slice %arg8[%dma_wait3A_118, %dma_wait3A_119, %dma_wait3A_120] : memref<2x128x128xf32, #tpu.memory_space<vmem>> -> memref<1x128x128xf32, #tpu.memory_space<vmem>>
        %dma_wait3A_122 = tpu.memref_squeeze %dma_wait3A_121 : memref<1x128x128xf32, #tpu.memory_space<vmem>> -> memref<128x128xf32, #tpu.memory_space<vmem>>
        %dma_wait3A_123 = arith.constant 0 : i32
        %dma_wait3A_124 = tpu.memref_slice %arg6[%add3A_117, %dma_wait3A_123] : memref<32x128xi32, #tpu.memory_space<vmem>> -> memref<1x128xi32, #tpu.memory_space<vmem>>
        %dma_wait3A_125 = tpu.memref_squeeze %dma_wait3A_124 : memref<1x128xi32, #tpu.memory_space<vmem>> -> memref<128xi32, #tpu.memory_space<vmem>>
        %dma_wait3A_126 = arith.constant 0 : i32
        %dma_wait3A_127 = arith.constant 0 : i32
        %dma_wait3A_128 = tpu.memref_slice %arg4[%dma_wait3A_126, %dma_wait3A_127] : memref<20480x128xf32, #tpu.memory_space<hbm>> -> memref<20480x128xf32, #tpu.memory_space<hbm>>
        tpu.wait_indirect_dma semaphore(%arg11 : memref<!tpu.dma_semaphore, #tpu.memory_space<semaphore_mem>>) src(%dma_wait3A_128 : memref<20480x128xf32, #tpu.memory_space<hbm>>) dst(%dma_wait3A_122 : memref<128x128xf32, #tpu.memory_space<vmem>>)
        %add3A_129 = arith.constant 1 : i32
        %add3A_130 = arith.addi %mul3A_93, %add3A_129 : i32
        %dma_start3A_131 = arith.constant 1 : i32
        %dma_start3A_132 = arith.constant 0 : i32
        %dma_start3A_133 = arith.constant 0 : i32
        %dma_start3A_134 = tpu.memref_slice %arg8[%dma_start3A_131, %dma_start3A_132, %dma_start3A_133] : memref<2x128x128xf32, #tpu.memory_space<vmem>> -> memref<1x128x128xf32, #tpu.memory_space<vmem>>
        %dma_start3A_135 = tpu.memref_squeeze %dma_start3A_134 : memref<1x128x128xf32, #tpu.memory_space<vmem>> -> memref<128x128xf32, #tpu.memory_space<vmem>>
        %dma_start3A_136 = arith.constant 0 : i32
        %dma_start3A_137 = tpu.memref_slice %arg7[%add3A_130, %dma_start3A_136] : memref<32x128xi32, #tpu.memory_space<vmem>> -> memref<1x128xi32, #tpu.memory_space<vmem>>
        %dma_start3A_138 = tpu.memref_squeeze %dma_start3A_137 : memref<1x128xi32, #tpu.memory_space<vmem>> -> memref<128xi32, #tpu.memory_space<vmem>>
        %dma_start3A_139 = arith.constant 0 : i32
        %dma_start3A_140 = arith.constant 0 : i32
        %dma_start3A_141 = tpu.memref_slice %arg9[%dma_start3A_139, %dma_start3A_140] : memref<10240x128xf32, #tpu.memory_space<vmem_shared>> -> memref<10240x128xf32, #tpu.memory_space<vmem_shared>>
        tpu.enqueue_indirect_dma source(%dma_start3A_135 : memref<128x128xf32, #tpu.memory_space<vmem>>) target(%dma_start3A_141 : memref<10240x128xf32, #tpu.memory_space<vmem_shared>>) offsets(%dma_start3A_138 : memref<128xi32, #tpu.memory_space<vmem>>) semaphore(%arg13 : memref<!tpu.dma_semaphore, #tpu.memory_space<semaphore_mem>>) {add = true}
        %dma_wait3A_142 = arith.constant 0 : i32
        %dma_wait3A_143 = arith.constant 0 : i32
        %dma_wait3A_144 = arith.constant 0 : i32
        %dma_wait3A_145 = tpu.memref_slice %arg8[%dma_wait3A_142, %dma_wait3A_143, %dma_wait3A_144] : memref<2x128x128xf32, #tpu.memory_space<vmem>> -> memref<1x128x128xf32, #tpu.memory_space<vmem>>
        %dma_wait3A_146 = tpu.memref_squeeze %dma_wait3A_145 : memref<1x128x128xf32, #tpu.memory_space<vmem>> -> memref<128x128xf32, #tpu.memory_space<vmem>>
        %dma_wait3A_147 = arith.constant 0 : i32
        %dma_wait3A_148 = tpu.memref_slice %arg7[%mul3A_93, %dma_wait3A_147] : memref<32x128xi32, #tpu.memory_space<vmem>> -> memref<1x128xi32, #tpu.memory_space<vmem>>
        %dma_wait3A_149 = tpu.memref_squeeze %dma_wait3A_148 : memref<1x128xi32, #tpu.memory_space<vmem>> -> memref<128xi32, #tpu.memory_space<vmem>>
        %dma_wait3A_150 = arith.constant 0 : i32
        %dma_wait3A_151 = arith.constant 0 : i32
        %dma_wait3A_152 = tpu.memref_slice %arg9[%dma_wait3A_150, %dma_wait3A_151] : memref<10240x128xf32, #tpu.memory_space<vmem_shared>> -> memref<10240x128xf32, #tpu.memory_space<vmem_shared>>
        tpu.wait_indirect_dma semaphore(%arg12 : memref<!tpu.dma_semaphore, #tpu.memory_space<semaphore_mem>>) src(%dma_wait3A_146 : memref<128x128xf32, #tpu.memory_space<vmem>>) dst(%dma_wait3A_152 : memref<10240x128xf32, #tpu.memory_space<vmem_shared>>)
        %add3A_153 = arith.constant 2 : i32
        %add3A_154 = arith.addi %mul3A_93, %add3A_153 : i32
        %min3A = arith.constant 31 : i32
        %min3A_155 = arith.minsi %add3A_154, %min3A : i32
        %dma_start3A_156 = arith.constant 0 : i32
        %dma_start3A_157 = arith.constant 0 : i32
        %dma_start3A_158 = arith.constant 0 : i32
        %dma_start3A_159 = tpu.memref_slice %arg8[%dma_start3A_156, %dma_start3A_157, %dma_start3A_158] : memref<2x128x128xf32, #tpu.memory_space<vmem>> -> memref<1x128x128xf32, #tpu.memory_space<vmem>>
        %dma_start3A_160 = tpu.memref_squeeze %dma_start3A_159 : memref<1x128x128xf32, #tpu.memory_space<vmem>> -> memref<128x128xf32, #tpu.memory_space<vmem>>
        %dma_start3A_161 = arith.constant 0 : i32
        %dma_start3A_162 = tpu.memref_slice %arg6[%min3A_155, %dma_start3A_161] : memref<32x128xi32, #tpu.memory_space<vmem>> -> memref<1x128xi32, #tpu.memory_space<vmem>>
        %dma_start3A_163 = tpu.memref_squeeze %dma_start3A_162 : memref<1x128xi32, #tpu.memory_space<vmem>> -> memref<128xi32, #tpu.memory_space<vmem>>
        %dma_start3A_164 = arith.constant 0 : i32
        %dma_start3A_165 = arith.constant 0 : i32
        %dma_start3A_166 = tpu.memref_slice %arg4[%dma_start3A_164, %dma_start3A_165] : memref<20480x128xf32, #tpu.memory_space<hbm>> -> memref<20480x128xf32, #tpu.memory_space<hbm>>
        tpu.enqueue_indirect_dma source(%dma_start3A_166 : memref<20480x128xf32, #tpu.memory_space<hbm>>) target(%dma_start3A_160 : memref<128x128xf32, #tpu.memory_space<vmem>>) offsets(%dma_start3A_163 : memref<128xi32, #tpu.memory_space<vmem>>) semaphore(%arg10 : memref<!tpu.dma_semaphore, #tpu.memory_space<semaphore_mem>>)
        %add3A_167 = arith.constant 1 : i32
        %add3A_168 = arith.addi %mul3A_93, %add3A_167 : i32
        %dma_wait3A_169 = arith.constant 1 : i32
        %dma_wait3A_170 = arith.constant 0 : i32
        %dma_wait3A_171 = arith.constant 0 : i32
        %dma_wait3A_172 = tpu.memref_slice %arg8[%dma_wait3A_169, %dma_wait3A_170, %dma_wait3A_171] : memref<2x128x128xf32, #tpu.memory_space<vmem>> -> memref<1x128x128xf32, #tpu.memory_space<vmem>>
        %dma_wait3A_173 = tpu.memref_squeeze %dma_wait3A_172 : memref<1x128x128xf32, #tpu.memory_space<vmem>> -> memref<128x128xf32, #tpu.memory_space<vmem>>
        %dma_wait3A_174 = arith.constant 0 : i32
        %dma_wait3A_175 = tpu.memref_slice %arg7[%add3A_168, %dma_wait3A_174] : memref<32x128xi32, #tpu.memory_space<vmem>> -> memref<1x128xi32, #tpu.memory_space<vmem>>
        %dma_wait3A_176 = tpu.memref_squeeze %dma_wait3A_175 : memref<1x128xi32, #tpu.memory_space<vmem>> -> memref<128xi32, #tpu.memory_space<vmem>>
        %dma_wait3A_177 = arith.constant 0 : i32
        %dma_wait3A_178 = arith.constant 0 : i32
        %dma_wait3A_179 = tpu.memref_slice %arg9[%dma_wait3A_177, %dma_wait3A_178] : memref<10240x128xf32, #tpu.memory_space<vmem_shared>> -> memref<10240x128xf32, #tpu.memory_space<vmem_shared>>
        tpu.wait_indirect_dma semaphore(%arg13 : memref<!tpu.dma_semaphore, #tpu.memory_space<semaphore_mem>>) src(%dma_wait3A_173 : memref<128x128xf32, #tpu.memory_space<vmem>>) dst(%dma_wait3A_179 : memref<10240x128xf32, #tpu.memory_space<vmem_shared>>)
        %add3A_180 = arith.constant 3 : i32
        %add3A_181 = arith.addi %mul3A_93, %add3A_180 : i32
        %min3A_182 = arith.constant 31 : i32
        %min3A_183 = arith.minsi %add3A_181, %min3A_182 : i32
        %dma_start3A_184 = arith.constant 1 : i32
        %dma_start3A_185 = arith.constant 0 : i32
        %dma_start3A_186 = arith.constant 0 : i32
        %dma_start3A_187 = tpu.memref_slice %arg8[%dma_start3A_184, %dma_start3A_185, %dma_start3A_186] : memref<2x128x128xf32, #tpu.memory_space<vmem>> -> memref<1x128x128xf32, #tpu.memory_space<vmem>>
        %dma_start3A_188 = tpu.memref_squeeze %dma_start3A_187 : memref<1x128x128xf32, #tpu.memory_space<vmem>> -> memref<128x128xf32, #tpu.memory_space<vmem>>
        %dma_start3A_189 = arith.constant 0 : i32
        %dma_start3A_190 = tpu.memref_slice %arg6[%min3A_183, %dma_start3A_189] : memref<32x128xi32, #tpu.memory_space<vmem>> -> memref<1x128xi32, #tpu.memory_space<vmem>>
        %dma_start3A_191 = tpu.memref_squeeze %dma_start3A_190 : memref<1x128xi32, #tpu.memory_space<vmem>> -> memref<128xi32, #tpu.memory_space<vmem>>
        %dma_start3A_192 = arith.constant 0 : i32
        %dma_start3A_193 = arith.constant 0 : i32
        %dma_start3A_194 = tpu.memref_slice %arg4[%dma_start3A_192, %dma_start3A_193] : memref<20480x128xf32, #tpu.memory_space<hbm>> -> memref<20480x128xf32, #tpu.memory_space<hbm>>
        tpu.enqueue_indirect_dma source(%dma_start3A_194 : memref<20480x128xf32, #tpu.memory_space<hbm>>) target(%dma_start3A_188 : memref<128x128xf32, #tpu.memory_space<vmem>>) offsets(%dma_start3A_191 : memref<128xi32, #tpu.memory_space<vmem>>) semaphore(%arg11 : memref<!tpu.dma_semaphore, #tpu.memory_space<semaphore_mem>>)
      }
      %scan3A_67 = arith.constant 16 : i32
      %dma_wait3A = arith.constant 31 : i32
      %dma_wait3A_68 = arith.constant 0 : i32
      %dma_wait3A_69 = arith.constant 0 : i32
      %dma_wait3A_70 = arith.constant 0 : i32
      %dma_wait3A_71 = tpu.memref_slice %arg8[%dma_wait3A_68, %dma_wait3A_69, %dma_wait3A_70] : memref<2x128x128xf32, #tpu.memory_space<vmem>> -> memref<1x128x128xf32, #tpu.memory_space<vmem>>
      %dma_wait3A_72 = tpu.memref_squeeze %dma_wait3A_71 : memref<1x128x128xf32, #tpu.memory_space<vmem>> -> memref<128x128xf32, #tpu.memory_space<vmem>>
      %dma_wait3A_73 = arith.constant 0 : i32
      %dma_wait3A_74 = tpu.memref_slice %arg6[%dma_wait3A, %dma_wait3A_73] : memref<32x128xi32, #tpu.memory_space<vmem>> -> memref<1x128xi32, #tpu.memory_space<vmem>>
      %dma_wait3A_75 = tpu.memref_squeeze %dma_wait3A_74 : memref<1x128xi32, #tpu.memory_space<vmem>> -> memref<128xi32, #tpu.memory_space<vmem>>
      %dma_wait3A_76 = arith.constant 0 : i32
      %dma_wait3A_77 = arith.constant 0 : i32
      %dma_wait3A_78 = tpu.memref_slice %arg4[%dma_wait3A_76, %dma_wait3A_77] : memref<20480x128xf32, #tpu.memory_space<hbm>> -> memref<20480x128xf32, #tpu.memory_space<hbm>>
      tpu.wait_indirect_dma semaphore(%arg10 : memref<!tpu.dma_semaphore, #tpu.memory_space<semaphore_mem>>) src(%dma_wait3A_78 : memref<20480x128xf32, #tpu.memory_space<hbm>>) dst(%dma_wait3A_72 : memref<128x128xf32, #tpu.memory_space<vmem>>)
      %dma_wait3A_79 = arith.constant 31 : i32
      %dma_wait3A_80 = arith.constant 1 : i32
      %dma_wait3A_81 = arith.constant 0 : i32
      %dma_wait3A_82 = arith.constant 0 : i32
      %dma_wait3A_83 = tpu.memref_slice %arg8[%dma_wait3A_80, %dma_wait3A_81, %dma_wait3A_82] : memref<2x128x128xf32, #tpu.memory_space<vmem>> -> memref<1x128x128xf32, #tpu.memory_space<vmem>>
      %dma_wait3A_84 = tpu.memref_squeeze %dma_wait3A_83 : memref<1x128x128xf32, #tpu.memory_space<vmem>> -> memref<128x128xf32, #tpu.memory_space<vmem>>
      %dma_wait3A_85 = arith.constant 0 : i32
      %dma_wait3A_86 = tpu.memref_slice %arg6[%dma_wait3A_79, %dma_wait3A_85] : memref<32x128xi32, #tpu.memory_space<vmem>> -> memref<1x128xi32, #tpu.memory_space<vmem>>
      %dma_wait3A_87 = tpu.memref_squeeze %dma_wait3A_86 : memref<1x128xi32, #tpu.memory_space<vmem>> -> memref<128xi32, #tpu.memory_space<vmem>>
      %dma_wait3A_88 = arith.constant 0 : i32
      %dma_wait3A_89 = arith.constant 0 : i32
      %dma_wait3A_90 = tpu.memref_slice %arg4[%dma_wait3A_88, %dma_wait3A_89] : memref<20480x128xf32, #tpu.memory_space<hbm>> -> memref<20480x128xf32, #tpu.memory_space<hbm>>
      tpu.wait_indirect_dma semaphore(%arg11 : memref<!tpu.dma_semaphore, #tpu.memory_space<semaphore_mem>>) src(%dma_wait3A_90 : memref<20480x128xf32, #tpu.memory_space<hbm>>) dst(%dma_wait3A_84 : memref<128x128xf32, #tpu.memory_space<vmem>>)
    }
    %scan3A_27 = arith.constant 5 : i32
    %barrier3A_28 = arith.constant 0 : index
    tpu.barrier barrier_id(%barrier3A_28)
    %mul3A_29 = arith.constant 10240 : i32
    %mul3A_30 = arith.muli %arg0, %mul3A_29 : i32
    %add3A_31 = arith.addi %mul3A_30, %mul3A_6 : i32
    "tpu.region"() ({
      %run_scoped3A_32 = tpu.sem_alloc : memref<!tpu.dma_semaphore, #tpu.memory_space<semaphore_mem>>
      %dma_start3A = arith.constant 0 : i32
      %dma_start3A_33 = tpu.memref_slice %arg5[%add3A_31, %dma_start3A] : memref<20480x128xf32, #tpu.memory_space<hbm>> -> memref<640x128xf32, #tpu.memory_space<hbm>>
      %dma_start3A_34 = arith.constant 0 : i32
      %dma_start3A_35 = tpu.memref_slice %arg9[%mul3A_6, %dma_start3A_34] : memref<10240x128xf32, #tpu.memory_space<vmem_shared>> -> memref<640x128xf32, #tpu.memory_space<vmem_shared>>
      tpu.enqueue_dma source(%dma_start3A_35 : memref<640x128xf32, #tpu.memory_space<vmem_shared>>) target(%dma_start3A_33 : memref<640x128xf32, #tpu.memory_space<hbm>>) target_semaphore(%run_scoped3A_32 : memref<!tpu.dma_semaphore, #tpu.memory_space<semaphore_mem>>)
      %dma_wait3A = arith.constant 0 : i32
      %dma_wait3A_36 = tpu.memref_slice %arg5[%add3A_31, %dma_wait3A] : memref<20480x128xf32, #tpu.memory_space<hbm>> -> memref<640x128xf32, #tpu.memory_space<hbm>>
      %dma_wait3A_37 = arith.constant 0 : i32
      %dma_wait3A_38 = tpu.memref_slice %arg9[%mul3A_6, %dma_wait3A_37] : memref<10240x128xf32, #tpu.memory_space<vmem_shared>> -> memref<640x128xf32, #tpu.memory_space<vmem_shared>>
      tpu.wait_dma2 semaphore(%run_scoped3A_32 : memref<!tpu.dma_semaphore, #tpu.memory_space<semaphore_mem>>) src(%dma_wait3A_38 : memref<640x128xf32, #tpu.memory_space<vmem_shared>>) dst(%dma_wait3A_36 : memref<640x128xf32, #tpu.memory_space<hbm>>)
      tpu.yield
    }) : () -> ()
    return
  }
}

module attributes {stable_mosaic.version = 14 : i64} {
  func.func @_mm1_body(%arg0: i32, %arg1: memref<2x400x128xf32, #tpu.memory_space<vmem>>, %arg2: memref<400x128xf32, #tpu.memory_space<vmem>>, %arg3: memref<128x256xf32, #tpu.memory_space<vmem>>, %arg4: memref<2x400x128xf32, #tpu.memory_space<vmem>>) attributes {dimension_semantics = [#tpu.dimension_semantics<arbitrary>], iteration_bounds = array<i64: 25>, scalar_prefetch = 0 : i64, scratch_operands = 0 : i64, tpu.core_type = #tpu.core_type<tc>, window_params = [{transform_indices = @transform_0, window_bounds = array<i64: 2, 400, 128>}, {transform_indices = @transform_1, window_bounds = array<i64: 400, 128>}, {pipeline_mode = #tpu.pipeline_mode<synchronous>, transform_indices = @transform_2, window_bounds = array<i64: 128, 256>}, {transform_indices = @transform_3, window_bounds = array<i64: 2, 400, 128>}]} {
    %get3A = arith.constant 0 : index
    %get3A_0 = arith.constant 0 : index
    %get3A_1 = arith.constant 0 : index
    %get3A_2 = vector.load %arg1[%get3A, %get3A_0, %get3A_1] : memref<2x400x128xf32, #tpu.memory_space<vmem>>, vector<1x400x1xf32>
    %get3A_3 = vector.shape_cast %get3A_2 : vector<1x400x1xf32> to vector<400x1xf32>
    %get3A_4 = arith.constant 1 : index
    %get3A_5 = arith.constant 0 : index
    %get3A_6 = arith.constant 0 : index
    %get3A_7 = vector.load %arg1[%get3A_4, %get3A_5, %get3A_6] : memref<2x400x128xf32, #tpu.memory_space<vmem>>, vector<1x400x1xf32>
    %get3A_8 = vector.shape_cast %get3A_7 : vector<1x400x1xf32> to vector<400x1xf32>
    %add3A = arith.addf %get3A_3, %get3A_8 : vector<400x1xf32>
    %add3A_9 = arith.constant 1.000000e+00 : f32
    %add3A_10 = vector.broadcast %add3A_9 : f32 to vector<400x1xf32>
    %add3A_11 = arith.addf %add3A, %add3A_10 : vector<400x1xf32>
    %gt3A = arith.constant 0.000000e+00 : f32
    %gt3A_12 = vector.broadcast %gt3A : f32 to vector<400x1xf32>
    %gt3A_13 = arith.cmpf ogt, %add3A_11, %gt3A_12 : vector<400x1xf32>
    %max3A = arith.constant 9.99999996E-13 : f32
    %max3A_14 = vector.broadcast %max3A : f32 to vector<400x1xf32>
    %max3A_15 = arith.maximumf %add3A_11, %max3A_14 : vector<400x1xf32>
    %rsqrt3A = math.rsqrt %max3A_15 : vector<400x1xf32>
    %jit3A = arith.constant 0.000000e+00 : f32
    %broadcast_in_dim3A = vector.broadcast %jit3A : f32 to vector<400x1xf32>
    %select_n3A = arith.select %gt3A_13, %rsqrt3A, %broadcast_in_dim3A : vector<400x1xi1>, vector<400x1xf32>
    %get3A_16 = arith.constant 0 : index
    %get3A_17 = arith.constant 0 : index
    %get3A_18 = vector.load %arg2[%get3A_16, %get3A_17] : memref<400x128xf32, #tpu.memory_space<vmem>>, vector<400x128xf32>
    %get3A_19 = arith.constant 0 : index
    %get3A_20 = arith.constant 0 : index
    %get3A_21 = vector.load %arg3[%get3A_19, %get3A_20] : memref<128x256xf32, #tpu.memory_space<vmem>>, vector<128x256xf32>
    %dot_general3A = arith.constant dense<0.000000e+00> : vector<400x256xf32>
    %dot_general3A_22 = tpu.matmul %get3A_18, %get3A_21, %dot_general3A {dimension_numbers = #tpu.dot_dimension_numbers<[1], [0], [0], [1], [0, 0, 1, 1], [], []>, transpose_lhs_hint = false} : vector<400x128xf32>, vector<128x256xf32>, vector<400x256xf32> -> vector<400x256xf32>
    %mul3A = vector.broadcast %select_n3A : vector<400x1xf32> to vector<400x256xf32>
    %mul3A_23 = arith.mulf %dot_general3A_22, %mul3A : vector<400x256xf32>
    %slice3A = vector.extract_strided_slice %mul3A_23 {offsets = [0, 0], sizes = [400, 128], strides = [1, 1]} : vector<400x256xf32> to vector<400x128xf32>
    %swap3A = arith.constant 0 : index
    %swap3A_24 = arith.constant 0 : index
    %swap3A_25 = arith.constant 0 : index
    %swap3A_26 = vector.load %arg4[%swap3A, %swap3A_24, %swap3A_25] : memref<2x400x128xf32, #tpu.memory_space<vmem>>, vector<1x400x128xf32>
    %swap3A_27 = vector.shape_cast %swap3A_26 : vector<1x400x128xf32> to vector<400x128xf32>
    %swap3A_28 = vector.shape_cast %slice3A : vector<400x128xf32> to vector<1x400x128xf32>
    tpu.vector_store %arg4[%swap3A, %swap3A_24, %swap3A_25], %swap3A_28 {strides = array<i32>} : memref<2x400x128xf32, #tpu.memory_space<vmem>>, vector<1x400x128xf32>,
    %slice3A_29 = vector.extract_strided_slice %mul3A_23 {offsets = [0, 128], sizes = [400, 128], strides = [1, 1]} : vector<400x256xf32> to vector<400x128xf32>
    %swap3A_30 = arith.constant 1 : index
    %swap3A_31 = arith.constant 0 : index
    %swap3A_32 = arith.constant 0 : index
    %swap3A_33 = vector.load %arg4[%swap3A_30, %swap3A_31, %swap3A_32] : memref<2x400x128xf32, #tpu.memory_space<vmem>>, vector<1x400x128xf32>
    %swap3A_34 = vector.shape_cast %swap3A_33 : vector<1x400x128xf32> to vector<400x128xf32>
    %swap3A_35 = vector.shape_cast %slice3A_29 : vector<400x128xf32> to vector<1x400x128xf32>
    tpu.vector_store %arg4[%swap3A_30, %swap3A_31, %swap3A_32], %swap3A_35 {strides = array<i32>} : memref<2x400x128xf32, #tpu.memory_space<vmem>>, vector<1x400x128xf32>,
    return
  }
  func.func @transform_0(%arg0: i32) -> (i32, i32, i32) {
    %c0_i32 = arith.constant 0 : i32
    %c0_i32_0 = arith.constant 0 : i32
    %c0_i32_1 = arith.constant 0 : i32
    return %c0_i32, %arg0, %c0_i32_0 : i32, i32, i32
  }
  func.func @transform_1(%arg0: i32) -> (i32, i32) {
    %c0_i32 = arith.constant 0 : i32
    %c0_i32_0 = arith.constant 0 : i32
    return %arg0, %c0_i32 : i32, i32
  }
  func.func @transform_2(%arg0: i32) -> (i32, i32) {
    %c0_i32 = arith.constant 0 : i32
    %c0_i32_0 = arith.constant 0 : i32
    %c0_i32_1 = arith.constant 0 : i32
    return %c0_i32, %c0_i32_0 : i32, i32
  }
  func.func @transform_3(%arg0: i32) -> (i32, i32, i32) {
    %c0_i32 = arith.constant 0 : i32
    %c0_i32_0 = arith.constant 0 : i32
    %c0_i32_1 = arith.constant 0 : i32
    return %c0_i32, %arg0, %c0_i32_0 : i32, i32, i32
  }
}

module attributes {stable_mosaic.version = 14 : i64} {
  func.func @_layer_body(%arg0: i32, %arg1: memref<2x400x128xf32, #tpu.memory_space<vmem>>, %arg2: memref<2x400x128xf32, #tpu.memory_space<vmem>>, %arg3: memref<2x400x128xf32, #tpu.memory_space<vmem>>, %arg4: memref<1x256xf32, #tpu.memory_space<vmem>>, %arg5: memref<256x256xf32, #tpu.memory_space<vmem>>, %arg6: memref<2x400x128xf32, #tpu.memory_space<vmem>>) attributes {dimension_semantics = [#tpu.dimension_semantics<arbitrary>], iteration_bounds = array<i64: 25>, scalar_prefetch = 0 : i64, scratch_operands = 0 : i64, tpu.core_type = #tpu.core_type<tc>, window_params = [{transform_indices = @transform_0, window_bounds = array<i64: 2, 400, 128>}, {transform_indices = @transform_1, window_bounds = array<i64: 2, 400, 128>}, {transform_indices = @transform_2, window_bounds = array<i64: 2, 400, 128>}, {pipeline_mode = #tpu.pipeline_mode<synchronous>, transform_indices = @transform_3, window_bounds = array<i64: 1, 256>}, {pipeline_mode = #tpu.pipeline_mode<synchronous>, transform_indices = @transform_4, window_bounds = array<i64: 256, 256>}, {transform_indices = @transform_5, window_bounds = array<i64: 2, 400, 128>}]} {
    %get3A = arith.constant 0 : index
    %get3A_0 = arith.constant 0 : index
    %get3A_1 = arith.constant 0 : index
    %get3A_2 = vector.load %arg1[%get3A, %get3A_0, %get3A_1] : memref<2x400x128xf32, #tpu.memory_space<vmem>>, vector<1x400x1xf32>
    %get3A_3 = vector.shape_cast %get3A_2 : vector<1x400x1xf32> to vector<400x1xf32>
    %get3A_4 = arith.constant 1 : index
    %get3A_5 = arith.constant 0 : index
    %get3A_6 = arith.constant 0 : index
    %get3A_7 = vector.load %arg1[%get3A_4, %get3A_5, %get3A_6] : memref<2x400x128xf32, #tpu.memory_space<vmem>>, vector<1x400x1xf32>
    %get3A_8 = vector.shape_cast %get3A_7 : vector<1x400x1xf32> to vector<400x1xf32>
    %add3A = arith.addf %get3A_3, %get3A_8 : vector<400x1xf32>
    %add3A_9 = arith.constant 1.000000e+00 : f32
    %add3A_10 = vector.broadcast %add3A_9 : f32 to vector<400x1xf32>
    %add3A_11 = arith.addf %add3A, %add3A_10 : vector<400x1xf32>
    %gt3A = arith.constant 0.000000e+00 : f32
    %gt3A_12 = vector.broadcast %gt3A : f32 to vector<400x1xf32>
    %gt3A_13 = arith.cmpf ogt, %add3A_11, %gt3A_12 : vector<400x1xf32>
    %max3A = arith.constant 9.99999996E-13 : f32
    %max3A_14 = vector.broadcast %max3A : f32 to vector<400x1xf32>
    %max3A_15 = arith.maximumf %add3A_11, %max3A_14 : vector<400x1xf32>
    %rsqrt3A = math.rsqrt %max3A_15 : vector<400x1xf32>
    %jit3A = arith.constant 0.000000e+00 : f32
    %broadcast_in_dim3A = vector.broadcast %jit3A : f32 to vector<400x1xf32>
    %select_n3A = arith.select %gt3A_13, %rsqrt3A, %broadcast_in_dim3A : vector<400x1xi1>, vector<400x1xf32>
    %get3A_16 = arith.constant 0 : index
    %get3A_17 = arith.constant 0 : index
    %get3A_18 = arith.constant 0 : index
    %get3A_19 = vector.load %arg2[%get3A_16, %get3A_17, %get3A_18] : memref<2x400x128xf32, #tpu.memory_space<vmem>>, vector<1x400x128xf32>
    %get3A_20 = vector.shape_cast %get3A_19 : vector<1x400x128xf32> to vector<400x128xf32>
    %get3A_21 = arith.constant 0 : index
    %get3A_22 = arith.constant 0 : index
    %get3A_23 = arith.constant 0 : index
    %get3A_24 = vector.load %arg3[%get3A_21, %get3A_22, %get3A_23] : memref<2x400x128xf32, #tpu.memory_space<vmem>>, vector<1x400x128xf32>
    %get3A_25 = vector.shape_cast %get3A_24 : vector<1x400x128xf32> to vector<400x128xf32>
    %add3A_26 = arith.addf %get3A_20, %get3A_25 : vector<400x128xf32>
    %mul3A = vector.broadcast %select_n3A : vector<400x1xf32> to vector<400x128xf32>
    %mul3A_27 = arith.mulf %add3A_26, %mul3A : vector<400x128xf32>
    %get3A_28 = arith.constant 0 : index
    %get3A_29 = arith.constant 0 : index
    %get3A_30 = vector.load %arg4[%get3A_28, %get3A_29] : memref<1x256xf32, #tpu.memory_space<vmem>>, vector<1x128xf32>
    %get3A_31 = vector.shape_cast %get3A_30 : vector<1x128xf32> to vector<128xf32>
    %broadcast_in_dim3A_32 = vector.shape_cast %get3A_31 : vector<128xf32> to vector<1x128xf32>
    %add3A_33 = vector.broadcast %broadcast_in_dim3A_32 : vector<1x128xf32> to vector<400x128xf32>
    %add3A_34 = arith.addf %mul3A_27, %add3A_33 : vector<400x128xf32>
    %max3A_35 = arith.constant 0.000000e+00 : f32
    %max3A_36 = vector.broadcast %max3A_35 : f32 to vector<400x128xf32>
    %max3A_37 = arith.maximumf %add3A_34, %max3A_36 : vector<400x128xf32>
    %get3A_38 = arith.constant 1 : index
    %get3A_39 = arith.constant 0 : index
    %get3A_40 = arith.constant 0 : index
    %get3A_41 = vector.load %arg2[%get3A_38, %get3A_39, %get3A_40] : memref<2x400x128xf32, #tpu.memory_space<vmem>>, vector<1x400x128xf32>
    %get3A_42 = vector.shape_cast %get3A_41 : vector<1x400x128xf32> to vector<400x128xf32>
    %get3A_43 = arith.constant 1 : index
    %get3A_44 = arith.constant 0 : index
    %get3A_45 = arith.constant 0 : index
    %get3A_46 = vector.load %arg3[%get3A_43, %get3A_44, %get3A_45] : memref<2x400x128xf32, #tpu.memory_space<vmem>>, vector<1x400x128xf32>
    %get3A_47 = vector.shape_cast %get3A_46 : vector<1x400x128xf32> to vector<400x128xf32>
    %add3A_48 = arith.addf %get3A_42, %get3A_47 : vector<400x128xf32>
    %mul3A_49 = vector.broadcast %select_n3A : vector<400x1xf32> to vector<400x128xf32>
    %mul3A_50 = arith.mulf %add3A_48, %mul3A_49 : vector<400x128xf32>
    %get3A_51 = arith.constant 0 : index
    %get3A_52 = arith.constant 128 : index
    %get3A_53 = vector.load %arg4[%get3A_51, %get3A_52] : memref<1x256xf32, #tpu.memory_space<vmem>>, vector<1x128xf32>
    %get3A_54 = vector.shape_cast %get3A_53 : vector<1x128xf32> to vector<128xf32>
    %broadcast_in_dim3A_55 = vector.shape_cast %get3A_54 : vector<128xf32> to vector<1x128xf32>
    %add3A_56 = vector.broadcast %broadcast_in_dim3A_55 : vector<1x128xf32> to vector<400x128xf32>
    %add3A_57 = arith.addf %mul3A_50, %add3A_56 : vector<400x128xf32>
    %max3A_58 = arith.constant 0.000000e+00 : f32
    %max3A_59 = vector.broadcast %max3A_58 : f32 to vector<400x128xf32>
    %max3A_60 = arith.maximumf %add3A_57, %max3A_59 : vector<400x128xf32>
    %concatenate3A = tpu.concatenate %max3A_37, %max3A_60 in 1 : vector<400x128xf32>, vector<400x128xf32> -> vector<400x256xf32>
    %get3A_61 = arith.constant 0 : index
    %get3A_62 = arith.constant 0 : index
    %get3A_63 = vector.load %arg5[%get3A_61, %get3A_62] : memref<256x256xf32, #tpu.memory_space<vmem>>, vector<256x256xf32>
    %dot_general3A = arith.constant dense<0.000000e+00> : vector<400x256xf32>
    %dot_general3A_64 = tpu.matmul %concatenate3A, %get3A_63, %dot_general3A {dimension_numbers = #tpu.dot_dimension_numbers<[1], [0], [0], [1], [0, 0, 1, 1], [], []>, transpose_lhs_hint = false} : vector<400x256xf32>, vector<256x256xf32>, vector<400x256xf32> -> vector<400x256xf32>
    %mul3A_65 = vector.broadcast %select_n3A : vector<400x1xf32> to vector<400x256xf32>
    %mul3A_66 = arith.mulf %dot_general3A_64, %mul3A_65 : vector<400x256xf32>
    %slice3A = vector.extract_strided_slice %mul3A_66 {offsets = [0, 0], sizes = [400, 128], strides = [1, 1]} : vector<400x256xf32> to vector<400x128xf32>
    %swap3A = arith.constant 0 : index
    %swap3A_67 = arith.constant 0 : index
    %swap3A_68 = arith.constant 0 : index
    %swap3A_69 = vector.load %arg6[%swap3A, %swap3A_67, %swap3A_68] : memref<2x400x128xf32, #tpu.memory_space<vmem>>, vector<1x400x128xf32>
    %swap3A_70 = vector.shape_cast %swap3A_69 : vector<1x400x128xf32> to vector<400x128xf32>
    %swap3A_71 = vector.shape_cast %slice3A : vector<400x128xf32> to vector<1x400x128xf32>
    tpu.vector_store %arg6[%swap3A, %swap3A_67, %swap3A_68], %swap3A_71 {strides = array<i32>} : memref<2x400x128xf32, #tpu.memory_space<vmem>>, vector<1x400x128xf32>,
    %slice3A_72 = vector.extract_strided_slice %mul3A_66 {offsets = [0, 128], sizes = [400, 128], strides = [1, 1]} : vector<400x256xf32> to vector<400x128xf32>
    %swap3A_73 = arith.constant 1 : index
    %swap3A_74 = arith.constant 0 : index
    %swap3A_75 = arith.constant 0 : index
    %swap3A_76 = vector.load %arg6[%swap3A_73, %swap3A_74, %swap3A_75] : memref<2x400x128xf32, #tpu.memory_space<vmem>>, vector<1x400x128xf32>
    %swap3A_77 = vector.shape_cast %swap3A_76 : vector<1x400x128xf32> to vector<400x128xf32>
    %swap3A_78 = vector.shape_cast %slice3A_72 : vector<400x128xf32> to vector<1x400x128xf32>
    tpu.vector_store %arg6[%swap3A_73, %swap3A_74, %swap3A_75], %swap3A_78 {strides = array<i32>} : memref<2x400x128xf32, #tpu.memory_space<vmem>>, vector<1x400x128xf32>,
    return
  }
  func.func @transform_0(%arg0: i32) -> (i32, i32, i32) {
    %c0_i32 = arith.constant 0 : i32
    %c0_i32_0 = arith.constant 0 : i32
    %c0_i32_1 = arith.constant 0 : i32
    return %c0_i32, %arg0, %c0_i32_0 : i32, i32, i32
  }
  func.func @transform_1(%arg0: i32) -> (i32, i32, i32) {
    %c0_i32 = arith.constant 0 : i32
    %c0_i32_0 = arith.constant 0 : i32
    %c0_i32_1 = arith.constant 0 : i32
    return %c0_i32, %arg0, %c0_i32_0 : i32, i32, i32
  }
  func.func @transform_2(%arg0: i32) -> (i32, i32, i32) {
    %c0_i32 = arith.constant 0 : i32
    %c0_i32_0 = arith.constant 0 : i32
    %c0_i32_1 = arith.constant 0 : i32
    return %c0_i32, %arg0, %c0_i32_0 : i32, i32, i32
  }
  func.func @transform_3(%arg0: i32) -> (i32, i32) {
    %c0_i32 = arith.constant 0 : i32
    %c0_i32_0 = arith.constant 0 : i32
    %c0_i32_1 = arith.constant 0 : i32
    return %c0_i32, %c0_i32_0 : i32, i32
  }
  func.func @transform_4(%arg0: i32) -> (i32, i32) {
    %c0_i32 = arith.constant 0 : i32
    %c0_i32_0 = arith.constant 0 : i32
    %c0_i32_1 = arith.constant 0 : i32
    return %c0_i32, %c0_i32_0 : i32, i32
  }
  func.func @transform_5(%arg0: i32) -> (i32, i32, i32) {
    %c0_i32 = arith.constant 0 : i32
    %c0_i32_0 = arith.constant 0 : i32
    %c0_i32_1 = arith.constant 0 : i32
    return %c0_i32, %arg0, %c0_i32_0 : i32, i32, i32
  }
}

module attributes {stable_mosaic.version = 14 : i64} {
  func.func @_final_body(%arg0: i32, %arg1: memref<2x400x128xf32, #tpu.memory_space<vmem>>, %arg2: memref<2x400x128xf32, #tpu.memory_space<vmem>>, %arg3: memref<2x400x128xf32, #tpu.memory_space<vmem>>, %arg4: memref<1x256xf32, #tpu.memory_space<vmem>>, %arg5: memref<400x256xf32, #tpu.memory_space<vmem>>) attributes {dimension_semantics = [#tpu.dimension_semantics<arbitrary>], iteration_bounds = array<i64: 25>, scalar_prefetch = 0 : i64, scratch_operands = 0 : i64, tpu.core_type = #tpu.core_type<tc>, window_params = [{transform_indices = @transform_0, window_bounds = array<i64: 2, 400, 128>}, {transform_indices = @transform_1, window_bounds = array<i64: 2, 400, 128>}, {transform_indices = @transform_2, window_bounds = array<i64: 2, 400, 128>}, {pipeline_mode = #tpu.pipeline_mode<synchronous>, transform_indices = @transform_3, window_bounds = array<i64: 1, 256>}, {transform_indices = @transform_4, window_bounds = array<i64: 400, 256>}]} {
    %get3A = arith.constant 0 : index
    %get3A_0 = arith.constant 0 : index
    %get3A_1 = arith.constant 0 : index
    %get3A_2 = vector.load %arg1[%get3A, %get3A_0, %get3A_1] : memref<2x400x128xf32, #tpu.memory_space<vmem>>, vector<1x400x1xf32>
    %get3A_3 = vector.shape_cast %get3A_2 : vector<1x400x1xf32> to vector<400x1xf32>
    %get3A_4 = arith.constant 1 : index
    %get3A_5 = arith.constant 0 : index
    %get3A_6 = arith.constant 0 : index
    %get3A_7 = vector.load %arg1[%get3A_4, %get3A_5, %get3A_6] : memref<2x400x128xf32, #tpu.memory_space<vmem>>, vector<1x400x1xf32>
    %get3A_8 = vector.shape_cast %get3A_7 : vector<1x400x1xf32> to vector<400x1xf32>
    %add3A = arith.addf %get3A_3, %get3A_8 : vector<400x1xf32>
    %add3A_9 = arith.constant 1.000000e+00 : f32
    %add3A_10 = vector.broadcast %add3A_9 : f32 to vector<400x1xf32>
    %add3A_11 = arith.addf %add3A, %add3A_10 : vector<400x1xf32>
    %gt3A = arith.constant 0.000000e+00 : f32
    %gt3A_12 = vector.broadcast %gt3A : f32 to vector<400x1xf32>
    %gt3A_13 = arith.cmpf ogt, %add3A_11, %gt3A_12 : vector<400x1xf32>
    %max3A = arith.constant 9.99999996E-13 : f32
    %max3A_14 = vector.broadcast %max3A : f32 to vector<400x1xf32>
    %max3A_15 = arith.maximumf %add3A_11, %max3A_14 : vector<400x1xf32>
    %rsqrt3A = math.rsqrt %max3A_15 : vector<400x1xf32>
    %jit3A = arith.constant 0.000000e+00 : f32
    %broadcast_in_dim3A = vector.broadcast %jit3A : f32 to vector<400x1xf32>
    %select_n3A = arith.select %gt3A_13, %rsqrt3A, %broadcast_in_dim3A : vector<400x1xi1>, vector<400x1xf32>
    %get3A_16 = arith.constant 0 : index
    %get3A_17 = arith.constant 0 : index
    %get3A_18 = arith.constant 0 : index
    %get3A_19 = vector.load %arg2[%get3A_16, %get3A_17, %get3A_18] : memref<2x400x128xf32, #tpu.memory_space<vmem>>, vector<1x400x128xf32>
    %get3A_20 = vector.shape_cast %get3A_19 : vector<1x400x128xf32> to vector<400x128xf32>
    %get3A_21 = arith.constant 0 : index
    %get3A_22 = arith.constant 0 : index
    %get3A_23 = arith.constant 0 : index
    %get3A_24 = vector.load %arg3[%get3A_21, %get3A_22, %get3A_23] : memref<2x400x128xf32, #tpu.memory_space<vmem>>, vector<1x400x128xf32>
    %get3A_25 = vector.shape_cast %get3A_24 : vector<1x400x128xf32> to vector<400x128xf32>
    %add3A_26 = arith.addf %get3A_20, %get3A_25 : vector<400x128xf32>
    %mul3A = vector.broadcast %select_n3A : vector<400x1xf32> to vector<400x128xf32>
    %mul3A_27 = arith.mulf %add3A_26, %mul3A : vector<400x128xf32>
    %get3A_28 = arith.constant 0 : index
    %get3A_29 = arith.constant 0 : index
    %get3A_30 = vector.load %arg4[%get3A_28, %get3A_29] : memref<1x256xf32, #tpu.memory_space<vmem>>, vector<1x128xf32>
    %get3A_31 = vector.shape_cast %get3A_30 : vector<1x128xf32> to vector<128xf32>
    %broadcast_in_dim3A_32 = vector.shape_cast %get3A_31 : vector<128xf32> to vector<1x128xf32>
    %add3A_33 = vector.broadcast %broadcast_in_dim3A_32 : vector<1x128xf32> to vector<400x128xf32>
    %add3A_34 = arith.addf %mul3A_27, %add3A_33 : vector<400x128xf32>
    %get3A_35 = arith.constant 1 : index
    %get3A_36 = arith.constant 0 : index
    %get3A_37 = arith.constant 0 : index
    %get3A_38 = vector.load %arg2[%get3A_35, %get3A_36, %get3A_37] : memref<2x400x128xf32, #tpu.memory_space<vmem>>, vector<1x400x128xf32>
    %get3A_39 = vector.shape_cast %get3A_38 : vector<1x400x128xf32> to vector<400x128xf32>
    %get3A_40 = arith.constant 1 : index
    %get3A_41 = arith.constant 0 : index
    %get3A_42 = arith.constant 0 : index
    %get3A_43 = vector.load %arg3[%get3A_40, %get3A_41, %get3A_42] : memref<2x400x128xf32, #tpu.memory_space<vmem>>, vector<1x400x128xf32>
    %get3A_44 = vector.shape_cast %get3A_43 : vector<1x400x128xf32> to vector<400x128xf32>
    %add3A_45 = arith.addf %get3A_39, %get3A_44 : vector<400x128xf32>
    %mul3A_46 = vector.broadcast %select_n3A : vector<400x1xf32> to vector<400x128xf32>
    %mul3A_47 = arith.mulf %add3A_45, %mul3A_46 : vector<400x128xf32>
    %get3A_48 = arith.constant 0 : index
    %get3A_49 = arith.constant 128 : index
    %get3A_50 = vector.load %arg4[%get3A_48, %get3A_49] : memref<1x256xf32, #tpu.memory_space<vmem>>, vector<1x128xf32>
    %get3A_51 = vector.shape_cast %get3A_50 : vector<1x128xf32> to vector<128xf32>
    %broadcast_in_dim3A_52 = vector.shape_cast %get3A_51 : vector<128xf32> to vector<1x128xf32>
    %add3A_53 = vector.broadcast %broadcast_in_dim3A_52 : vector<1x128xf32> to vector<400x128xf32>
    %add3A_54 = arith.addf %mul3A_47, %add3A_53 : vector<400x128xf32>
    %concatenate3A = tpu.concatenate %add3A_34, %add3A_54 in 1 : vector<400x128xf32>, vector<400x128xf32> -> vector<400x256xf32>
    %swap3A = arith.constant 0 : index
    %swap3A_55 = arith.constant 0 : index
    %swap3A_56 = vector.load %arg5[%swap3A, %swap3A_55] : memref<400x256xf32, #tpu.memory_space<vmem>>, vector<400x256xf32>
    tpu.vector_store %arg5[%swap3A, %swap3A_55], %concatenate3A {strides = array<i32>} : memref<400x256xf32, #tpu.memory_space<vmem>>, vector<400x256xf32>,
    return
  }
  func.func @transform_0(%arg0: i32) -> (i32, i32, i32) {
    %c0_i32 = arith.constant 0 : i32
    %c0_i32_0 = arith.constant 0 : i32
    %c0_i32_1 = arith.constant 0 : i32
    return %c0_i32, %arg0, %c0_i32_0 : i32, i32, i32
  }
  func.func @transform_1(%arg0: i32) -> (i32, i32, i32) {
    %c0_i32 = arith.constant 0 : i32
    %c0_i32_0 = arith.constant 0 : i32
    %c0_i32_1 = arith.constant 0 : i32
    return %c0_i32, %arg0, %c0_i32_0 : i32, i32, i32
  }
  func.func @transform_2(%arg0: i32) -> (i32, i32, i32) {
    %c0_i32 = arith.constant 0 : i32
    %c0_i32_0 = arith.constant 0 : i32
    %c0_i32_1 = arith.constant 0 : i32
    return %c0_i32, %arg0, %c0_i32_0 : i32, i32, i32
  }
  func.func @transform_3(%arg0: i32) -> (i32, i32) {
    %c0_i32 = arith.constant 0 : i32
    %c0_i32_0 = arith.constant 0 : i32
    %c0_i32_1 = arith.constant 0 : i32
    return %c0_i32, %c0_i32_0 : i32, i32
  }
  func.func @transform_4(%arg0: i32) -> (i32, i32) {
    %c0_i32 = arith.constant 0 : i32
    %c0_i32_0 = arith.constant 0 : i32
    return %arg0, %c0_i32 : i32, i32
  }
}

</mosaic_0001>

<sc_bundles>
// kernel: kernel.10.cloned.1.call-start
scs
__scs_entry_jumppad:
0x0: {  	(pc) =	sbr.rel $0x88, $3  }
0x1: {  	(tag) =	ssettag $0x0;
	lr =	simm.s32 $0x1  }
0x2: {  	[smem:$0x3F99] =	sst lr;
	_ =	strace $0xD0000000  }
0x3: {  	_ = 	snop  }
0x4: {  	_ = 	snop  }
0x5: {  	_ = 	snop  }
0x6: {  	_ = 	snop  }
0x7: {  	_ = 	snop  }
__scs_overlays_trampoline_lowered:
0x8: {  	[smem:$0x3FA8] =	sst s0  }
0x9: {  	[smem:$0x3FA9] =	sst s1  }
0xa: {  	[smem:$0x3FAA] =	sst s2  }
0xb: {  	[smem:$0x3FAB] =	sst s3  }
0xc: {  	[smem:$0x3FAC] =	sst s4  }
0xd: {  	[smem:$0x3FAD] =	sst s5  }
0xe: {  	[smem:$0x3FAE] =	sst s6  }
0xf: {  	[smem:$0x3FAF] =	sst s7  }
0x10: {  	[smem:$0x3FB0] =	sst s8  }
0x11: {  	[smem:$0x3FB1] =	sst s9;
	s0 =	simm.s32 @!p0 $0x0  }
0x12: {  	s1 =	sld [smem:$0x3F97];
	s0 =	simm.s32 @p0 $0x1  }
0x13: {  	[smem:$0x3FB2] =	sst s0;
	s0 =	simm.s32 @!p1 $0x0  }
0x14: {  	s2 =	sld [smem:$0x3F96];
	s0 =	simm.s32 @p1 $0x1  }
0x15: {  	[smem:$0x3FB3] =	sst s0;
	s0 =	simm.s32 @!p2 $0x0  }
0x16: {  	s3 =	sld [smem:$0x3FDB];
	s0 =	simm.s32 @p2 $0x1  }
0x17: {  	s4 =	simm.s32 $0x1BF5;
	[smem:$0x3FB5] =	sst s0  }
0x18: {  	s0 =	sld [smem:$0x3F98];
	_ =	swait.ge [sflag:s4], $0x0  }
0x19: {  	s7 =	sld [smem:$0x3F99]  }
0x1a: {  	s8 =	sadd.s32 $0xFFFFE003, lr  }
0x1b: {  	s9 =	sadd.s32 $0xFFFFFEF7, lr;
	s5 =	simm.s32 $0xFFFFFFFF;
	p2 =	slt.u32 s8, $0xFFFFF086  }
0x1c: {  	p1 =	slt.u32 s9, $0xF7A;
	s5 =	simm.s32 @!p2 $0x0  }
0x1d: {  	s5 =	simm.s32 @p1 $0x1;
	p0 =	seq.s32 s7, s2  }
0x1e: {  	s7 =	smul.u32 @!p0 $0xF7A, s2;
	p2 =	seq.s32 @!p0 s5, $0x0  }
0x1f: {  	s9 =	smul.u32 $0xF7A, s1;
	s8 =	simm.s32 @!p0 $0x1BF5;
	p2 =	por !p2, p0  }
0x20: {  	[sflag:s8] =	ssyncset.s32 @!p0 $0xFFFFF086;
	s6 =	sadd.s32 @!p0 s3, s7;
	s7 =	simm.s32 @!p0 $0x108  }
0x21: {  	s3 =	sadd.s32 s3, s9;
	s6 =	sadd.s32 @!p0 $0x88, s6;
	s7 =	simm.s32 @p2 $0x1082  }
0x22: {  	[simem:s7], [sflag:s8] =	dma.local @!p0 [hbm:s6], $0xF7A  }
0x23: {  	s9 =	sor.u32 $0xD0000000, s2;
	s6 =	simm.s32 $0x108;
	_ =	swait.ge @!p0 [sflag:s8], $0x0  }
0x24: {  	s3 =	sadd.s32 $0x88, s3;
	s6 =	simm.s32 @!p1 $0x1082;
	[sflag:s4] =	ssyncset.s32 $0xFFFFF086  }
0x25: {  	[simem:s6], [sflag:s4] =	dma.local [hbm:s3], $0xF7A  }
0x26: {  	[smem:$0x3F99] =	sst s1;
	(tag) =	ssettag s2;
	_ =	strace s9  }
0x27: {  	s1 =	sld [smem:$0x3FA9]  }
0x28: {  	s2 =	sld [smem:$0x3FAA]  }
0x29: {  	s4 =	sld [smem:$0x3FAC]  }
0x2a: {  	p0 =	seq.s32 s5, $0x0;
	s5 =	sld [smem:$0x3FAD]  }
0x2b: {  	s6 =	sld [smem:$0x3FAE]  }
0x2c: {  	s7 =	sld [smem:$0x3FAF]  }
0x2d: {  	s3 =	simm.s32 $0x108;
	s8 =	sld [smem:$0x3FB0]  }
0x2e: {  	s3 =	simm.s32 @!p0 $0x1082;
	s9 =	sld [smem:$0x3FB1]  }
0x2f: {  	lr =	sadd.s32 s0, s3;
	s0 =	sld [smem:$0x3FA8]  }
0x30: {  	s3 =	sld [smem:$0x3FAB]  }
0x31: {  	[smem:$0x3FB4] =	sst s10  }
0x32: {  	s10 =	sld [smem:$0x3FB2];
	_ =	sdelay $0x3  }
0x33: {  	p0 =	seq.s32 s10, $0x1;
	s10 =	sld [smem:$0x3FB4];
	_ =	sdelay $0x3  }
0x34: {  	[smem:$0x3FB4] =	sst s10  }
0x35: {  	s10 =	sld [smem:$0x3FB3];
	_ =	sdelay $0x3  }
0x36: {  	p1 =	seq.s32 s10, $0x1;
	s10 =	sld [smem:$0x3FB4];
	_ =	sdelay $0x3  }
0x37: {  	[smem:$0x3FB4] =	sst s10  }
0x38: {  	s10 =	sld [smem:$0x3FB5]  }
0x39: {  	_ = 	snop;
	(pc) =	sbr.ind lr, $3  }
0x3a: {  	_ = 	snop  }
0x3b: {  	_ = 	snop  }
0x3c: {  	p2 =	seq.s32 s10, $0x1;
	s10 =	sld [smem:$0x3FB4]  }
0x3d: {  	_ =	shalt  }
0x3e: {  	_ =	shalt  }
0x3f: {  	_ =	shalt  }
0x40: {  	_ =	shalt  }
0x41: {  	_ =	shalt  }
0x42: {  	_ =	shalt  }
0x43: {  	_ =	shalt  }
0x44: {  	_ =	shalt  }
0x45: {  	_ =	shalt  }
0x46: {  	_ =	shalt  }
0x47: {  	_ =	shalt  }
0x48: {  	_ =	shalt  }
0x49: {  	_ =	shalt  }
0x4a: {  	_ =	shalt  }
0x4b: {  	_ =	shalt  }
0x4c: {  	_ =	shalt  }
0x4d: {  	_ =	shalt  }
0x4e: {  	_ =	shalt  }
0x4f: {  	_ =	shalt  }
0x50: {  	_ =	shalt  }
0x51: {  	_ =	shalt  }
0x52: {  	_ =	shalt  }
0x53: {  	_ =	shalt  }
0x54: {  	_ =	shalt  }
0x55: {  	_ =	shalt  }
0x56: {  	_ =	shalt  }
0x57: {  	_ =	shalt  }
0x58: {  	_ =	shalt  }
0x59: {  	_ =	shalt  }
0x5a: {  	_ =	shalt  }
0x5b: {  	_ =	shalt  }
0x5c: {  	_ =	shalt  }
0x5d: {  	_ =	shalt  }
0x5e: {  	_ =	shalt  }
0x5f: {  	_ =	shalt  }
0x60: {  	_ =	shalt  }
0x61: {  	_ =	shalt  }
0x62: {  	_ =	shalt  }
0x63: {  	_ =	shalt  }
0x64: {  	_ =	shalt  }
0x65: {  	_ =	shalt  }
0x66: {  	_ =	shalt  }
0x67: {  	_ =	shalt  }
0x68: {  	_ =	shalt  }
0x69: {  	_ =	shalt  }
0x6a: {  	_ =	shalt  }
0x6b: {  	_ =	shalt  }
0x6c: {  	_ =	shalt  }
0x6d: {  	_ =	shalt  }
0x6e: {  	_ =	shalt  }
0x6f: {  	_ =	shalt  }
0x70: {  	_ =	shalt  }
0x71: {  	_ =	shalt  }
0x72: {  	_ =	shalt  }
0x73: {  	_ =	shalt  }
0x74: {  	_ =	shalt  }
0x75: {  	_ =	shalt  }
0x76: {  	_ =	shalt  }
0x77: {  	_ =	shalt  }
0x78: {  	_ =	shalt  }
0x79: {  	_ =	shalt  }
0x7a: {  	_ =	shalt  }
0x7b: {  	_ =	shalt  }
0x7c: {  	_ =	shalt  }
0x7d: {  	_ =	shalt  }
0x7e: {  	_ =	shalt  }
0x7f: {  	_ =	shalt  }
0x80: {  	_ =	shalt  }
0x81: {  	_ =	shalt  }
0x82: {  	_ =	shalt  }
0x83: {  	_ =	shalt  }
0x84: {  	_ =	shalt  }
0x85: {  	_ =	shalt  }
0x86: {  	_ =	shalt  }
0x87: {  	_ =	shalt  }
.Lfunc_end0:
.L_simem_size_0:
called_computation_lowered:
.L_overlay_start_0:
0x88: {  	s2 =	sld [smem:$0x3FD9]  }
0x89: {  	s3 =	sld [smem:$0x3FFE];
	_ =	sdelay $0x1  }
0x8a: {  	s1 =	srdreg.scid  }
0x8b: {  	s0 =	sand.u32 $0x1, s1  }
0x8c: {  	s17 =	sshll.u32 s0, $0xA;
	s2 =	sadd.s32 s3, s2  }
0x8d: {  	s2 =	sadd.s32 s2, s17  }
0x8e: {  	[smem:$0x3FC0] =	sst s2  }
0x8f: {  	_ = 	snop  }
0x90: {  	s2 =	sld [smem:$0x3FD0];
	(tm) =	ssettm $0x1  }
0x91: {  	s18 =	sld [smem:$0x3FFB];
	_ =	sdelay $0x3  }
0x92: {  	_ =	strace s18  }
0x93: {  	s3 =	sld [smem:$0x3FFC];
	_ =	sdelay $0x3  }
0x94: {  	_ =	strace s3  }
0x95: {  	s3 =	sld [smem:$0x3FFD];
	_ =	sdelay $0x3  }
0x96: {  	_ =	strace s3  }
0x97: {  	_ =	strace $0x8FFFFFFF  }
0x98: {  	s19 =	sld [smem:$0x3FDB];
	_ =	sdelay $0x1  }
0x99: {  	s4 =	simm.s32 $_scs_section_size  }
0x9a: {  	s5 =	simm.s32 $_size__tile_overlayer_lowered;
	s6 =	simm.s32 $_tile_overlayer_lowered  }
0x9b: {  	s22 =	simm.s32 $0x1BFF;
	s21 =	sshll.u32 s6, $0x1;
	s3 =	sadd.s32 s4, s19  }
0x9c: {  	s7 =	simm.s32 $0x0;
	s20 =	sshll.u32 s5, $0x1;
	s5 =	sadd.s32 s21, s3  }
0x9d: {  	[timem:s7], [sflag:s22] =	dma.local [hbm:s5], s20  }
0x9e: {  	_ =	swait.ge [sflag:s22], s20  }
0x9f: {  	s4 =	ssub.s32 $0x0, s20;
	[sflag:s22] =	ssyncset.done $0x0  }
0xa0: {  	[sflag:s22] =	ssyncadd.s32 s4;
	_ =	sdelay $0x1  }
0xa1: {  	s23 =	simm.s32 $0x1B8B  }
0xa2: {  	_ =	swait.ge [sflag:s23], $0x1  }
0xa3: {  	[sflag:s23] =	ssyncset.done $0x0  }
0xa4: {  	s25 =	simm.s32 $0x1B8E;
	s24 =	sld [smem:$0x3FFE];
	[sflag:s23] =	ssyncadd.s32 $0xFFFFFFFF  }
0xa5: {  	s26 =	simm.s32 $execute0_lowered;
	[smem:$0x3FD2] =	sst s25  }
0xa6: {  	s5 =	sshll.u32 s26, $0x1;
	_ =	strace $0x80000046;
	[dreg:$0x1] =	wrdreg $0xFFFFFFFF  }
0xa7: {  	s28 =	simm.s32 $_size_execute0_lowered;
	s3 =	sadd.s32 s3, s5;
	[dreg:$0x0] =	wrdreg $0x0  }
0xa8: {  	s5 =	sshll.u32 s28, $0x1;
	[dreg:$0x2] =	wrdreg s3  }
0xa9: {  	[dreg:$0x3] =	wrdreg s5  }
0xaa: {  	[dreg:$0x4] =	wrdreg $0xC0  }
0xab: {  	_ =	task [dreg:s7], $0x5FFFF  }
0xac: {  	[dreg:$0x1] =	wrdreg $0xFFFFFFFF  }
0xad: {  	[dreg:$0x0] =	wrdreg $0x60  }
0xae: {  	[dreg:$0x2] =	wrdreg s2  }
0xaf: {  	[dreg:$0x3] =	wrdreg s24  }
0xb0: {  	[dreg:$0x4] =	wrdreg $0x88000  }
0xb1: {  	[dreg:$0x5] =	wrdreg $0x9  }
0xb2: {  	_ =	task.clear_ibuf [dreg:s7], $0x6FFFF;
	_ =	strace $0x90000046  }
0xb3: {  	s29 =	simm.s32 $0x9;
	_ =	strace $0x80000048  }
0xb4: {  	_ =	swait.ge [sflag:s29], $0x1  }
0xb5: {  	[sflag:s29] =	ssyncadd.s32 $0xFFFFFFFF  }
0xb6: {  	_ =	strace $0x90000048  }
0xb7: {  	_ =	sfence  }
0xb8: {  	s30 =	sld [smem:$0x0];
	_ =	sdelay $0x2  }
0xb9: {  	s31 =	sshll.u32 s1, $0xD;
	s1 =	sshrl.u32 s1, $0x2  }
0xba: {  	s3 =	sand.u32 $0x4000, s31;
	s1 =	sadd.s32 s1, s30  }
0xbb: {  	s0 =	sor.u32 s3, s0;
	s1 =	sshll.u32 s1, $0x11  }
0xbc: {  	s0 =	sor.u32 s1, s0  }
0xbd: {  	s0 =	sadd.s32 $0x8F2B, s0  }
0xbe: {  	[sflag:s0] =	ssyncadd.remote.s32 $0x1  }
0xbf: {  	_ =	sfence.sel $0xFFFF  }
0xc0: {  	[dreg:$0x0] =	wrdreg $0xFFFFFFFF;
	(pc) =	sbr.abs _section_cstart, $3  }
0xc1: {  	[dreg:$0x1] =	wrdreg $0xFFFFFFFF  }
0xc2: {  	_ =	task.clear_ibuf [dreg:s7], $0x2FFFF;
	_ =	strace $0x9FFFFFFF  }
0xc3: {  	(tm) =	ssettm $0x7FFFFFFF  }
tec
execute0_lowered:
.L_overlay_start_1:
0x0: {  	(tag) =	ssettag $0x1  }
0x1: {  	s0 =	rddreg [dreg:$0x0]  }
0x2: {  	s1 =	srdreg.scid;
	s4 =	rddreg [dreg:$0x1]  }
0x3: {  	s8 =	stileid.u32;
	s2 =	rddreg [dreg:$0x2]  }
0x4: {  	s3 =	simm.s32 $0x0;
	s12 =	simm.s32 $0x800;
	s13 =	simm.s32 $0x2  }
0x5: {  	s14 =	simm.s32 $0x80;
	s15 =	simm.s32 $0x4800;
	s16 =	simm.s32 $0x1  }
0x6: {  	s17 =	simm.s32 $0x100;
	s18 =	simm.s32 $0x180;
	s19 =	simm.s32 $0x200  }
0x7: {  	s28 =	simm.s32 $0x600;
	s29 =	simm.s32 $0x680;
	s5 =	smul.u32 $0x2800, s8  }
0x8: {  	s30 =	simm.s32 $0x700;
	s31 =	simm.s32 $0x780;
	s20 =	smul.u32 $0x50000, s8  }
0x9: {  	s1 =	sand.u32 $0x1, s1;
	[smem:$0x7FF] =	sst s3;
	s22 =	smul.u32 $0x5000, s8  }
0xa: {  	s6 =	smul.u32 $0x28000, s1;
	_ =	strace $0x80000047;
	s7 =	ssub.s32 $0x2, s1  }
0xb: {  	s1 =	smul.u32 $0x2800, s1;
	s21 =	sshrl.u32 s20, $0x2;
	s23 =	sshrl.u32 s7, $0x1  }
0xc: {  	s20 =	simm.s32 $0x280;
	s5 =	sadd.s32 s5, s6;
	s10 =	ssub.s32 s7, s23  }
0xd: {  	s1 =	sadd.s32 s1, s22;
	s22 =	simm.s32 $0x380;
	s23 =	simm.s32 $0x400  }
0xe: {  	s5 =	sadd.s32 s5, s4;
	s4 =	sadd.s32 s21, s2;
	s10 =	smax.u32 s10, $0x1  }
0xf: {  	s1 =	sshrl.u32 s1, $0x3;
	s21 =	simm.s32 $0x300;
	s24 =	sadd.s32 $0x4000, s4  }
0x10: {  	s25 =	sadd.s32 $0x8000, s4;
	s26 =	sadd.s32 $0xC000, s4;
	[dreg:$0x4] =	wrdreg s24  }
0x11: {  	s8 =	sadd.s32 $0x10000, s4;
	s9 =	sadd.s32 $0xD200, s5;
	[dreg:$0x5] =	wrdreg s25  }
0x12: {  	s11 =	sadd.s32 s1, s0;
	s1 =	simm.s32 $0x0;
	[dreg:$0x6] =	wrdreg s26  }
0x13: {  	v0 =	vimm.f32 $0.0e+00;
	v1 =	vimm.f32 $1.000000000e+00;
	s24 =	simm.s32 $0x480;
	s25 =	simm.s32 $0x500;
	s26 =	simm.s32 $0x580  }
.LBB2_1:
0x14: {  	s0 =	simm.s32 $0x0;
	s5 =	simm.s32 $0x200  }
.LBB2_2:
0x15: {  	p0 =	sne.s32 s5, $0xFE00;
	[tilespmem:s0+$0x4870] =	vst v1  }
0x16: {  	[tilespmem:s0+$0x800] =	vst v0  }
0x17: {  	[tilespmem:s0+$0x4800] =	vst v1  }
0x18: {  	[tilespmem:s0+$0x810] =	vst v0  }
0x19: {  	[tilespmem:s0+$0x4810] =	vst v1  }
0x1a: {  	[tilespmem:s0+$0x820] =	vst v0  }
0x1b: {  	[tilespmem:s0+$0x4820] =	vst v1  }
0x1c: {  	[tilespmem:s0+$0x830] =	vst v0  }
0x1d: {  	[tilespmem:s0+$0x4830] =	vst v1  }
0x1e: {  	[tilespmem:s0+$0x840] =	vst v0  }
0x1f: {  	[tilespmem:s0+$0x4840] =	vst v1  }
.Ltmp0:
0x20: {  	[tilespmem:s0+$0x850] =	vst v0;
	(pc) =	sbr.rel @p0 .LBB2_2-.Ltmp0, $4  }
0x21: {  	[tilespmem:s0+$0x4850] =	vst v1  }
0x22: {  	[tilespmem:s0+$0x860] =	vst v0  }
0x23: {  	[tilespmem:s0+$0x4860] =	vst v1  }
0x24: {  	[tilespmem:s0+$0x870] =	vst v0;
	s0 =	sshra.s32 s5, $0x2;
	s5 =	sadd.s32 $0x200, s5  }
0x25: {  	[tilespmem:s0+$0x4870] =	vst v1  }
0x26: {  	[tilespmem:s0+$0x800] =	vst v0  }
0x27: {  	[tilespmem:s0+$0x4800] =	vst v1  }
0x28: {  	[tilespmem:s0+$0x810] =	vst v0  }
0x29: {  	[tilespmem:s0+$0x4810] =	vst v1  }
0x2a: {  	[tilespmem:s0+$0x820] =	vst v0  }
0x2b: {  	[tilespmem:s0+$0x4820] =	vst v1  }
0x2c: {  	[tilespmem:s0+$0x830] =	vst v0  }
0x2d: {  	[tilespmem:s0+$0x4830] =	vst v1  }
0x2e: {  	[tilespmem:s0+$0x840] =	vst v0  }
0x2f: {  	[tilespmem:s0+$0x4840] =	vst v1  }
0x30: {  	[tilespmem:s0+$0x850] =	vst v0  }
0x31: {  	[tilespmem:s0+$0x4850] =	vst v1  }
0x32: {  	[tilespmem:s0+$0x860] =	vst v0  }
0x33: {  	[tilespmem:s0+$0x4860] =	vst v1  }
0x34: {  	[tilespmem:s0+$0x870] =	vst v0  }
0x35: {  	[spmem:s4] =	stream.linear.scatter [tilespmem:s12], [sflag:$0x2], $0x4000, $0x38;
	[tilespmem:$0x1C800] =	vst v63  }
0x36: {  	_ =	swait.ge [sflag:s13], $0x4000  }
0x37: {  	[sflag:s13] =	ssyncset.done $0x0  }
0x38: {  	s7 =	rddreg [dreg:$0x4];
	[sflag:s13] =	ssyncadd.s32 $0xFFFFC000  }
0x39: {  	[spmem:s7] =	stream.linear.scatter [tilespmem:s12], [sflag:$0x2], $0x4000, $0x38;
	[tilespmem:$0x1C800] =	vst v63  }
0x3a: {  	_ =	swait.ge [sflag:s13], $0x4000  }
0x3b: {  	[sflag:s13] =	ssyncset.done $0x0  }
0x3c: {  	s5 =	rddreg [dreg:$0x5];
	[sflag:s13] =	ssyncadd.s32 $0xFFFFC000  }
0x3d: {  	[spmem:s5] =	stream.linear.scatter [tilespmem:s12], [sflag:$0x2], $0x4000, $0x38;
	[tilespmem:$0x1C800] =	vst v63  }
0x3e: {  	_ =	swait.ge [sflag:s13], $0x4000  }
0x3f: {  	[sflag:s13] =	ssyncset.done $0x0  }
0x40: {  	s6 =	rddreg [dreg:$0x6];
	[sflag:s13] =	ssyncadd.s32 $0xFFFFC000  }
0x41: {  	[spmem:s6] =	stream.linear.scatter [tilespmem:s12], [sflag:$0x2], $0x4000, $0x38;
	[tilespmem:$0x1C800] =	vst v63  }
0x42: {  	_ =	swait.ge [sflag:s13], $0x4000  }
0x43: {  	[sflag:s13] =	ssyncset.done $0x0  }
0x44: {  	[sflag:s13] =	ssyncadd.s32 $0xFFFFC000  }
0x45: {  	[spmem:s8] =	stream.linear.scatter [tilespmem:s12], [sflag:$0x2], $0x4000, $0x38;
	[tilespmem:$0x1C800] =	vst v63  }
0x46: {  	_ =	swait.ge [sflag:s13], $0x4000  }
0x47: {  	[sflag:s13] =	ssyncset.done $0x0  }
0x48: {  	[sflag:s13] =	ssyncadd.s32 $0xFFFFC000  }
0x49: {  	s7 =	sadd.s32 $0x0, s11;
	[bflag:$0x0] =	sbarrier.arrive $0xFFFF  }
0x4a: {  	[tilespmem:s3], [sflag:$0x2] =	stream.linear.gather [hbm4b:s7+s3], $0x800, $0x38;
	[tilespmem:$0x1C800] =	vst v63  }
0x4b: {  	_ =	swait.ge [sflag:s13], $0x800  }
0x4c: {  	[sflag:s13] =	ssyncset.done $0x0  }
0x4d: {  	[sflag:s13] =	ssyncadd.s32 $0xFFFFF800  }
0x4e: {  	[spmem:s2] =	stream.indirect.scatter.add.f32 [tilespmem:s15], [sflag:$0x1], $0x80, s3, s14, $0xb8;
	[tilespmem:$0x1C800] =	vst v63  }
0x4f: {  	_ =	swait.ge [sflag:s16], $0x4000  }
0x50: {  	[sflag:s16] =	ssyncset.done $0x0  }
0x51: {  	[sflag:s16] =	ssyncadd.s32 $0xFFFFC000  }
0x52: {  	[spmem:s2] =	stream.indirect.scatter.add.f32 [tilespmem:s15], [sflag:$0x1], $0x80, s14, s14, $0xb8;
	[tilespmem:$0x1C800] =	vst v63  }
0x53: {  	_ =	swait.ge [sflag:s16], $0x4000  }
0x54: {  	[sflag:s16] =	ssyncset.done $0x0  }
0x55: {  	[sflag:s16] =	ssyncadd.s32 $0xFFFFC000  }
0x56: {  	[spmem:s2] =	stream.indirect.scatter.add.f32 [tilespmem:s15], [sflag:$0x1], $0x80, s17, s14, $0xb8;
	[tilespmem:$0x1C800] =	vst v63  }
0x57: {  	_ =	swait.ge [sflag:s16], $0x4000  }
0x58: {  	[sflag:s16] =	ssyncset.done $0x0  }
0x59: {  	[sflag:s16] =	ssyncadd.s32 $0xFFFFC000  }
0x5a: {  	[spmem:s2] =	stream.indirect.scatter.add.f32 [tilespmem:s15], [sflag:$0x1], $0x80, s18, s14, $0xb8;
	[tilespmem:$0x1C800] =	vst v63  }
0x5b: {  	_ =	swait.ge [sflag:s16], $0x4000  }
0x5c: {  	[sflag:s16] =	ssyncset.done $0x0  }
0x5d: {  	[sflag:s16] =	ssyncadd.s32 $0xFFFFC000  }
0x5e: {  	[spmem:s2] =	stream.indirect.scatter.add.f32 [tilespmem:s15], [sflag:$0x1], $0x80, s19, s14, $0xb8;
	[tilespmem:$0x1C800] =	vst v63  }
0x5f: {  	_ =	swait.ge [sflag:s16], $0x4000  }
0x60: {  	[sflag:s16] =	ssyncset.done $0x0  }
0x61: {  	[sflag:s16] =	ssyncadd.s32 $0xFFFFC000  }
0x62: {  	[spmem:s2] =	stream.indirect.scatter.add.f32 [tilespmem:s15], [sflag:$0x1], $0x80, s20, s14, $0xb8;
	[tilespmem:$0x1C800] =	vst v63  }
0x63: {  	_ =	swait.ge [sflag:s16], $0x4000  }
0x64: {  	[sflag:s16] =	ssyncset.done $0x0  }
0x65: {  	[sflag:s16] =	ssyncadd.s32 $0xFFFFC000  }
0x66: {  	[spmem:s2] =	stream.indirect.scatter.add.f32 [tilespmem:s15], [sflag:$0x1], $0x80, s21, s14, $0xb8;
	[tilespmem:$0x1C800] =	vst v63  }
0x67: {  	_ =	swait.ge [sflag:s16], $0x4000  }
0x68: {  	[sflag:s16] =	ssyncset.done $0x0  }
0x69: {  	[sflag:s16] =	ssyncadd.s32 $0xFFFFC000  }
0x6a: {  	[spmem:s2] =	stream.indirect.scatter.add.f32 [tilespmem:s15], [sflag:$0x1], $0x80, s22, s14, $0xb8;
	[tilespmem:$0x1C800] =	vst v63  }
0x6b: {  	_ =	swait.ge [sflag:s16], $0x4000  }
0x6c: {  	[sflag:s16] =	ssyncset.done $0x0  }
0x6d: {  	[sflag:s16] =	ssyncadd.s32 $0xFFFFC000  }
0x6e: {  	[spmem:s2] =	stream.indirect.scatter.add.f32 [tilespmem:s15], [sflag:$0x1], $0x80, s23, s14, $0xb8;
	[tilespmem:$0x1C800] =	vst v63  }
0x6f: {  	_ =	swait.ge [sflag:s16], $0x4000  }
0x70: {  	[sflag:s16] =	ssyncset.done $0x0  }
0x71: {  	[sflag:s16] =	ssyncadd.s32 $0xFFFFC000  }
0x72: {  	[spmem:s2] =	stream.indirect.scatter.add.f32 [tilespmem:s15], [sflag:$0x1], $0x80, s24, s14, $0xb8;
	[tilespmem:$0x1C800] =	vst v63  }
0x73: {  	_ =	swait.ge [sflag:s16], $0x4000  }
0x74: {  	[sflag:s16] =	ssyncset.done $0x0  }
0x75: {  	[sflag:s16] =	ssyncadd.s32 $0xFFFFC000  }
0x76: {  	[spmem:s2] =	stream.indirect.scatter.add.f32 [tilespmem:s15], [sflag:$0x1], $0x80, s25, s14, $0xb8;
	[tilespmem:$0x1C800] =	vst v63  }
0x77: {  	_ =	swait.ge [sflag:s16], $0x4000  }
0x78: {  	[sflag:s16] =	ssyncset.done $0x0  }
0x79: {  	[sflag:s16] =	ssyncadd.s32 $0xFFFFC000  }
0x7a: {  	[spmem:s2] =	stream.indirect.scatter.add.f32 [tilespmem:s15], [sflag:$0x1], $0x80, s26, s14, $0xb8;
	[tilespmem:$0x1C800] =	vst v63  }
0x7b: {  	_ =	swait.ge [sflag:s16], $0x4000  }
0x7c: {  	[sflag:s16] =	ssyncset.done $0x0  }
0x7d: {  	[sflag:s16] =	ssyncadd.s32 $0xFFFFC000  }
0x7e: {  	[spmem:s2] =	stream.indirect.scatter.add.f32 [tilespmem:s15], [sflag:$0x1], $0x80, s28, s14, $0xb8;
	[tilespmem:$0x1C800] =	vst v63  }
0x7f: {  	_ =	swait.ge [sflag:s16], $0x4000  }
0x80: {  	[sflag:s16] =	ssyncset.done $0x0  }
0x81: {  	[sflag:s16] =	ssyncadd.s32 $0xFFFFC000  }
0x82: {  	[spmem:s2] =	stream.indirect.scatter.add.f32 [tilespmem:s15], [sflag:$0x1], $0x80, s29, s14, $0xb8;
	[tilespmem:$0x1C800] =	vst v63  }
0x83: {  	_ =	swait.ge [sflag:s16], $0x4000  }
0x84: {  	[sflag:s16] =	ssyncset.done $0x0  }
0x85: {  	[sflag:s16] =	ssyncadd.s32 $0xFFFFC000  }
0x86: {  	[spmem:s2] =	stream.indirect.scatter.add.f32 [tilespmem:s15], [sflag:$0x1], $0x80, s30, s14, $0xb8;
	[tilespmem:$0x1C800] =	vst v63  }
0x87: {  	_ =	swait.ge [sflag:s16], $0x4000  }
0x88: {  	[sflag:s16] =	ssyncset.done $0x0  }
0x89: {  	[sflag:s16] =	ssyncadd.s32 $0xFFFFC000  }
0x8a: {  	[spmem:s2] =	stream.indirect.scatter.add.f32 [tilespmem:s15], [sflag:$0x1], $0x80, s31, s14, $0xb8;
	[tilespmem:$0x1C800] =	vst v63  }
0x8b: {  	_ =	swait.ge [sflag:s16], $0x4000  }
0x8c: {  	s0 =	simm.s32 $0x100;
	s5 =	simm.s32 $0x200;
	[sflag:s16] =	ssyncset.done $0x0  }
.LBB2_4:
0x8d: {  	s7 =	sadd.s32 s0, s11  }
0x8e: {  	[sflag:s16] =	ssyncadd.s32 $0xFFFFC000;
	s0 =	smov.u32 s5;
	s6 =	sadd.s32 $0x100, s5  }
0x8f: {  	[tilespmem:s3], [sflag:$0x2] =	stream.linear.gather [hbm4b:s7+s3], $0x800, $0x38;
	[tilespmem:$0x1C800] =	vst v63  }
0x90: {  	p0 =	sne.s32 s5, $0x400;
	_ =	swait.ge [sflag:s13], $0x800  }
0x91: {  	[sflag:s13] =	ssyncset.done $0x0  }
0x92: {  	[sflag:s13] =	ssyncadd.s32 $0xFFFFF800  }
0x93: {  	[spmem:s2] =	stream.indirect.scatter.add.f32 [tilespmem:s15], [sflag:$0x1], $0x80, s3, s14, $0xb8;
	[tilespmem:$0x1C800] =	vst v63  }
0x94: {  	_ =	swait.ge [sflag:s16], $0x4000  }
0x95: {  	[sflag:s16] =	ssyncset.done $0x0  }
0x96: {  	[sflag:s16] =	ssyncadd.s32 $0xFFFFC000  }
0x97: {  	[spmem:s2] =	stream.indirect.scatter.add.f32 [tilespmem:s15], [sflag:$0x1], $0x80, s14, s14, $0xb8;
	[tilespmem:$0x1C800] =	vst v63  }
0x98: {  	_ =	swait.ge [sflag:s16], $0x4000  }
0x99: {  	[sflag:s16] =	ssyncset.done $0x0  }
0x9a: {  	[sflag:s16] =	ssyncadd.s32 $0xFFFFC000  }
0x9b: {  	[spmem:s2] =	stream.indirect.scatter.add.f32 [tilespmem:s15], [sflag:$0x1], $0x80, s17, s14, $0xb8;
	[tilespmem:$0x1C800] =	vst v63  }
0x9c: {  	_ =	swait.ge [sflag:s16], $0x4000  }
0x9d: {  	[sflag:s16] =	ssyncset.done $0x0  }
0x9e: {  	[sflag:s16] =	ssyncadd.s32 $0xFFFFC000  }
0x9f: {  	[spmem:s2] =	stream.indirect.scatter.add.f32 [tilespmem:s15], [sflag:$0x1], $0x80, s18, s14, $0xb8;
	[tilespmem:$0x1C800] =	vst v63  }
0xa0: {  	_ =	swait.ge [sflag:s16], $0x4000  }
0xa1: {  	[sflag:s16] =	ssyncset.done $0x0  }
0xa2: {  	[sflag:s16] =	ssyncadd.s32 $0xFFFFC000  }
0xa3: {  	[spmem:s2] =	stream.indirect.scatter.add.f32 [tilespmem:s15], [sflag:$0x1], $0x80, s19, s14, $0xb8;
	[tilespmem:$0x1C800] =	vst v63  }
0xa4: {  	_ =	swait.ge [sflag:s16], $0x4000  }
0xa5: {  	[sflag:s16] =	ssyncset.done $0x0  }
0xa6: {  	[sflag:s16] =	ssyncadd.s32 $0xFFFFC000  }
0xa7: {  	[spmem:s2] =	stream.indirect.scatter.add.f32 [tilespmem:s15], [sflag:$0x1], $0x80, s20, s14, $0xb8;
	[tilespmem:$0x1C800] =	vst v63  }
0xa8: {  	_ =	swait.ge [sflag:s16], $0x4000  }
0xa9: {  	[sflag:s16] =	ssyncset.done $0x0  }
0xaa: {  	[sflag:s16] =	ssyncadd.s32 $0xFFFFC000  }
0xab: {  	[spmem:s2] =	stream.indirect.scatter.add.f32 [tilespmem:s15], [sflag:$0x1], $0x80, s21, s14, $0xb8;
	[tilespmem:$0x1C800] =	vst v63  }
0xac: {  	_ =	swait.ge [sflag:s16], $0x4000  }
0xad: {  	[sflag:s16] =	ssyncset.done $0x0  }
0xae: {  	[sflag:s16] =	ssyncadd.s32 $0xFFFFC000  }
0xaf: {  	[spmem:s2] =	stream.indirect.scatter.add.f32 [tilespmem:s15], [sflag:$0x1], $0x80, s22, s14, $0xb8;
	[tilespmem:$0x1C800] =	vst v63  }
0xb0: {  	_ =	swait.ge [sflag:s16], $0x4000  }
0xb1: {  	[sflag:s16] =	ssyncset.done $0x0  }
0xb2: {  	[sflag:s16] =	ssyncadd.s32 $0xFFFFC000  }
0xb3: {  	[spmem:s2] =	stream.indirect.scatter.add.f32 [tilespmem:s15], [sflag:$0x1], $0x80, s23, s14, $0xb8;
	[tilespmem:$0x1C800] =	vst v63  }
0xb4: {  	_ =	swait.ge [sflag:s16], $0x4000  }
0xb5: {  	[sflag:s16] =	ssyncset.done $0x0  }
0xb6: {  	[sflag:s16] =	ssyncadd.s32 $0xFFFFC000  }
0xb7: {  	[spmem:s2] =	stream.indirect.scatter.add.f32 [tilespmem:s15], [sflag:$0x1], $0x80, s24, s14, $0xb8;
	[tilespmem:$0x1C800] =	vst v63  }
0xb8: {  	_ =	swait.ge [sflag:s16], $0x4000  }
0xb9: {  	[sflag:s16] =	ssyncset.done $0x0  }
0xba: {  	[sflag:s16] =	ssyncadd.s32 $0xFFFFC000  }
0xbb: {  	[spmem:s2] =	stream.indirect.scatter.add.f32 [tilespmem:s15], [sflag:$0x1], $0x80, s25, s14, $0xb8;
	[tilespmem:$0x1C800] =	vst v63  }
0xbc: {  	_ =	swait.ge [sflag:s16], $0x4000  }
0xbd: {  	[sflag:s16] =	ssyncset.done $0x0  }
0xbe: {  	[sflag:s16] =	ssyncadd.s32 $0xFFFFC000  }
0xbf: {  	[spmem:s2] =	stream.indirect.scatter.add.f32 [tilespmem:s15], [sflag:$0x1], $0x80, s26, s14, $0xb8;
	[tilespmem:$0x1C800] =	vst v63  }
0xc0: {  	_ =	swait.ge [sflag:s16], $0x4000  }
0xc1: {  	[sflag:s16] =	ssyncset.done $0x0  }
0xc2: {  	[sflag:s16] =	ssyncadd.s32 $0xFFFFC000  }
0xc3: {  	[spmem:s2] =	stream.indirect.scatter.add.f32 [tilespmem:s15], [sflag:$0x1], $0x80, s28, s14, $0xb8;
	[tilespmem:$0x1C800] =	vst v63  }
0xc4: {  	_ =	swait.ge [sflag:s16], $0x4000  }
0xc5: {  	[sflag:s16] =	ssyncset.done $0x0  }
0xc6: {  	[sflag:s16] =	ssyncadd.s32 $0xFFFFC000  }
0xc7: {  	[spmem:s2] =	stream.indirect.scatter.add.f32 [tilespmem:s15], [sflag:$0x1], $0x80, s29, s14, $0xb8;
	[tilespmem:$0x1C800] =	vst v63  }
0xc8: {  	_ =	swait.ge [sflag:s16], $0x4000  }
0xc9: {  	[sflag:s16] =	ssyncset.done $0x0  }
0xca: {  	[sflag:s16] =	ssyncadd.s32 $0xFFFFC000  }
0xcb: {  	[spmem:s2] =	stream.indirect.scatter.add.f32 [tilespmem:s15], [sflag:$0x1], $0x80, s30, s14, $0xb8;
	[tilespmem:$0x1C800] =	vst v63  }
0xcc: {  	_ =	swait.ge [sflag:s16], $0x4000  }
.Ltmp1:
0xcd: {  	[sflag:s16] =	ssyncset.done $0x0;
	(pc) =	sbr.rel @p0 .LBB2_4-.Ltmp1, $4  }
0xce: {  	[sflag:s16] =	ssyncadd.s32 $0xFFFFC000  }
0xcf: {  	[spmem:s2] =	stream.indirect.scatter.add.f32 [tilespmem:s15], [sflag:$0x1], $0x80, s31, s14, $0xb8;
	[tilespmem:$0x1C800] =	vst v63  }
0xd0: {  	_ =	swait.ge [sflag:s16], $0x4000  }
0xd1: {  	s5 =	smov.u32 s6;
	[sflag:s16] =	ssyncset.done $0x0  }
0xd2: {  	s0 =	sadd.s32 s0, s11;
	[sflag:s16] =	ssyncadd.s32 $0xFFFFC000  }
0xd3: {  	[tilespmem:s3], [sflag:$0x2] =	stream.linear.gather [hbm4b:s0+s3], $0x800, $0x38;
	[tilespmem:$0x1C800] =	vst v63  }
0xd4: {  	_ =	swait.ge [sflag:s13], $0x800  }
0xd5: {  	[sflag:s13] =	ssyncset.done $0x0  }
0xd6: {  	[sflag:s13] =	ssyncadd.s32 $0xFFFFF800  }
0xd7: {  	[spmem:s2] =	stream.indirect.scatter.add.f32 [tilespmem:s15], [sflag:$0x1], $0x80, s3, s14, $0xb8;
	[tilespmem:$0x1C800] =	vst v63  }
0xd8: {  	_ =	swait.ge [sflag:s16], $0x4000  }
0xd9: {  	[sflag:s16] =	ssyncset.done $0x0  }
0xda: {  	[sflag:s16] =	ssyncadd.s32 $0xFFFFC000  }
0xdb: {  	[spmem:s2] =	stream.indirect.scatter.add.f32 [tilespmem:s15], [sflag:$0x1], $0x80, s14, s14, $0xb8;
	[tilespmem:$0x1C800] =	vst v63  }
0xdc: {  	_ =	swait.ge [sflag:s16], $0x4000  }
0xdd: {  	[sflag:s16] =	ssyncset.done $0x0  }
0xde: {  	[sflag:s16] =	ssyncadd.s32 $0xFFFFC000  }
0xdf: {  	[spmem:s2] =	stream.indirect.scatter.add.f32 [tilespmem:s15], [sflag:$0x1], $0x80, s17, s14, $0xb8;
	[tilespmem:$0x1C800] =	vst v63  }
0xe0: {  	_ =	swait.ge [sflag:s16], $0x4000  }
0xe1: {  	[sflag:s16] =	ssyncset.done $0x0  }
0xe2: {  	[sflag:s16] =	ssyncadd.s32 $0xFFFFC000  }
0xe3: {  	[spmem:s2] =	stream.indirect.scatter.add.f32 [tilespmem:s15], [sflag:$0x1], $0x80, s18, s14, $0xb8;
	[tilespmem:$0x1C800] =	vst v63  }
0xe4: {  	_ =	swait.ge [sflag:s16], $0x4000  }
0xe5: {  	[sflag:s16] =	ssyncset.done $0x0  }
0xe6: {  	[sflag:s16] =	ssyncadd.s32 $0xFFFFC000  }
0xe7: {  	[spmem:s2] =	stream.indirect.scatter.add.f32 [tilespmem:s15], [sflag:$0x1], $0x80, s19, s14, $0xb8;
	[tilespmem:$0x1C800] =	vst v63  }
0xe8: {  	_ =	swait.ge [sflag:s16], $0x4000  }
0xe9: {  	[sflag:s16] =	ssyncset.done $0x0  }
0xea: {  	[sflag:s16] =	ssyncadd.s32 $0xFFFFC000  }
0xeb: {  	[spmem:s2] =	stream.indirect.scatter.add.f32 [tilespmem:s15], [sflag:$0x1], $0x80, s20, s14, $0xb8;
	[tilespmem:$0x1C800] =	vst v63  }
0xec: {  	_ =	swait.ge [sflag:s16], $0x4000  }
0xed: {  	[sflag:s16] =	ssyncset.done $0x0  }
0xee: {  	[sflag:s16] =	ssyncadd.s32 $0xFFFFC000  }
0xef: {  	[spmem:s2] =	stream.indirect.scatter.add.f32 [tilespmem:s15], [sflag:$0x1], $0x80, s21, s14, $0xb8;
	[tilespmem:$0x1C800] =	vst v63  }
0xf0: {  	_ =	swait.ge [sflag:s16], $0x4000  }
0xf1: {  	[sflag:s16] =	ssyncset.done $0x0  }
0xf2: {  	[sflag:s16] =	ssyncadd.s32 $0xFFFFC000  }
0xf3: {  	[spmem:s2] =	stream.indirect.scatter.add.f32 [tilespmem:s15], [sflag:$0x1], $0x80, s22, s14, $0xb8;
	[tilespmem:$0x1C800] =	vst v63  }
0xf4: {  	_ =	swait.ge [sflag:s16], $0x4000  }
0xf5: {  	[sflag:s16] =	ssyncset.done $0x0  }
0xf6: {  	[sflag:s16] =	ssyncadd.s32 $0xFFFFC000  }
0xf7: {  	[spmem:s2] =	stream.indirect.scatter.add.f32 [tilespmem:s15], [sflag:$0x1], $0x80, s23, s14, $0xb8;
	[tilespmem:$0x1C800] =	vst v63  }
0xf8: {  	_ =	swait.ge [sflag:s16], $0x4000  }
0xf9: {  	[sflag:s16] =	ssyncset.done $0x0  }
0xfa: {  	[sflag:s16] =	ssyncadd.s32 $0xFFFFC000  }
0xfb: {  	[spmem:s2] =	stream.indirect.scatter.add.f32 [tilespmem:s15], [sflag:$0x1], $0x80, s24, s14, $0xb8;
	[tilespmem:$0x1C800] =	vst v63  }
0xfc: {  	_ =	swait.ge [sflag:s16], $0x4000  }
0xfd: {  	[sflag:s16] =	ssyncset.done $0x0  }
0xfe: {  	[sflag:s16] =	ssyncadd.s32 $0xFFFFC000  }
0xff: {  	[spmem:s2] =	stream.indirect.scatter.add.f32 [tilespmem:s15], [sflag:$0x1], $0x80, s25, s14, $0xb8;
	[tilespmem:$0x1C800] =	vst v63  }
0x100: {  	_ =	swait.ge [sflag:s16], $0x4000  }
0x101: {  	[sflag:s16] =	ssyncset.done $0x0  }
0x102: {  	[sflag:s16] =	ssyncadd.s32 $0xFFFFC000  }
0x103: {  	[spmem:s2] =	stream.indirect.scatter.add.f32 [tilespmem:s15], [sflag:$0x1], $0x80, s26, s14, $0xb8;
	[tilespmem:$0x1C800] =	vst v63  }
0x104: {  	_ =	swait.ge [sflag:s16], $0x4000  }
0x105: {  	[sflag:s16] =	ssyncset.done $0x0  }
0x106: {  	[sflag:s16] =	ssyncadd.s32 $0xFFFFC000  }
0x107: {  	[spmem:s2] =	stream.indirect.scatter.add.f32 [tilespmem:s15], [sflag:$0x1], $0x80, s28, s14, $0xb8;
	[tilespmem:$0x1C800] =	vst v63  }
0x108: {  	_ =	swait.ge [sflag:s16], $0x4000  }
0x109: {  	[sflag:s16] =	ssyncset.done $0x0  }
0x10a: {  	[sflag:s16] =	ssyncadd.s32 $0xFFFFC000  }
0x10b: {  	[spmem:s2] =	stream.indirect.scatter.add.f32 [tilespmem:s15], [sflag:$0x1], $0x80, s29, s14, $0xb8;
	[tilespmem:$0x1C800] =	vst v63  }
0x10c: {  	_ =	swait.ge [sflag:s16], $0x4000  }
0x10d: {  	[sflag:s16] =	ssyncset.done $0x0  }
0x10e: {  	[sflag:s16] =	ssyncadd.s32 $0xFFFFC000  }
0x10f: {  	[spmem:s2] =	stream.indirect.scatter.add.f32 [tilespmem:s15], [sflag:$0x1], $0x80, s30, s14, $0xb8;
	[tilespmem:$0x1C800] =	vst v63  }
0x110: {  	_ =	swait.ge [sflag:s16], $0x4000  }
0x111: {  	[sflag:s16] =	ssyncset.done $0x0  }
0x112: {  	[sflag:s16] =	ssyncadd.s32 $0xFFFFC000  }
0x113: {  	[spmem:s2] =	stream.indirect.scatter.add.f32 [tilespmem:s15], [sflag:$0x1], $0x80, s31, s14, $0xb8;
	[tilespmem:$0x1C800] =	vst v63  }
0x114: {  	s7 =	stileid.u32;
	_ =	swait.ge [sflag:s16], $0x4000  }
0x115: {  	s5 =	sshrl.u32 s4, $0x3;
	s1 =	sadd.s32 $0x1, s1;
	[sflag:s16] =	ssyncset.done $0x0  }
0x116: {  	s0 =	sshll.u32 s7, $0x6;
	p0 =	sne.s32 s1, s10;
	[sflag:s16] =	ssyncadd.s32 $0xFFFFC000  }
.Ltmp2:
0x117: {  	s0 =	sor.u32 $0x1C02, s0;
	[bflag:$0x0] =	sbarrier.arrive $0xFFFF;
	(pc) =	sbr.rel @p0 .LBB2_1-.Ltmp2, $4  }
0x118: {  	[hbm:s9], [sflag:s0] =	dma.local [spmem:s5], $0x2800  }
0x119: {  	_ =	swait.ge [sflag:s13], $0x2800  }
0x11a: {  	[sflag:s13] =	ssyncset.done $0x0  }
0x11b: {  	[sflag:s13] =	ssyncadd.s32 $0xFFFFD800  }
0x11c: {  	_ =	sfence.sel $0x180000  }
0x11d: {  	[bflag:$0x0] =	sbarrier.arrive $0xFFFF  }
0x11e: {  	_ =	strace $0x90000047  }
0x11f: {  	s0 =	stileid.u32;
	[bflag:$0x2] =	sbarrier.arrive $0xFFFF  }
0x120: {  	p0 =	sne.s32 s0, $0x0;
	s0 =	rddreg [dreg:$0x3]  }
0x121: {  	s0 =	sadd.s32 @!p0 $0x100000, s0  }
0x122: {  	[sflag:s0] =	ssyncadd.tile.s32 @!p0 $0x1;
	_ =	shalt  }
.Lfunc_end2:
_tile_overlayer_lowered:
.L_overlay_start_2:
0x123: {  	(tag) =	ssettag $0x2  }
0x124: {  	s0 =	rddreg [dreg:$0x0];
	s2 =	stileid.u32  }
0x125: {  	s1 =	rddreg [dreg:$0x1];
	p0 =	sne.s32 s2, $0x0  }
0x126: {  	s3 =	rddreg [dreg:$0x2];
	[bflag:$0x3] =	sbarrier.arrive $0xFFFF;
	s2 =	simm.s32 @!p0 $0x1C02  }
0x127: {  	[timem:s3], [sflag:s2] =	dma.local @!p0 [hbm:s0], s1  }
0x128: {  	s0 =	simm.s32 @!p0 $0x2  }
0x129: {  	_ =	swait.ge @!p0 [sflag:s0], s1  }
0x12a: {  	s1 =	ssub.s32 @!p0 $0x0, s1;
	[sflag:s0] =	ssyncset.done @!p0 $0x0  }
0x12b: {  	[sflag:s0] =	ssyncadd.s32 @!p0 s1  }
0x12c: {  	[bflag:$0x3] =	sbarrier.arrive $0xFFFF  }
0x12d: {  	_ =	shalt  }

// kernel: kernel.13.cloned.1.call-start
scs
__scs_entry_jumppad:
0x0: {  	(pc) =	sbr.rel $0x88, $3  }
0x1: {  	(tag) =	ssettag $0x0;
	lr =	simm.s32 $0x1  }
0x2: {  	[smem:$0x3F99] =	sst lr;
	_ =	strace $0xD0000000  }
0x3: {  	_ = 	snop  }
0x4: {  	_ = 	snop  }
0x5: {  	_ = 	snop  }
0x6: {  	_ = 	snop  }
0x7: {  	_ = 	snop  }
__scs_overlays_trampoline_lowered:
0x8: {  	[smem:$0x3FA8] =	sst s0  }
0x9: {  	[smem:$0x3FA9] =	sst s1  }
0xa: {  	[smem:$0x3FAA] =	sst s2  }
0xb: {  	[smem:$0x3FAB] =	sst s3  }
0xc: {  	[smem:$0x3FAC] =	sst s4  }
0xd: {  	[smem:$0x3FAD] =	sst s5  }
0xe: {  	[smem:$0x3FAE] =	sst s6  }
0xf: {  	[smem:$0x3FAF] =	sst s7  }
0x10: {  	[smem:$0x3FB0] =	sst s8  }
0x11: {  	[smem:$0x3FB1] =	sst s9;
	s0 =	simm.s32 @!p0 $0x0  }
0x12: {  	s1 =	sld [smem:$0x3F97];
	s0 =	simm.s32 @p0 $0x1  }
0x13: {  	[smem:$0x3FB2] =	sst s0;
	s0 =	simm.s32 @!p1 $0x0  }
0x14: {  	s2 =	sld [smem:$0x3F96];
	s0 =	simm.s32 @p1 $0x1  }
0x15: {  	[smem:$0x3FB3] =	sst s0;
	s0 =	simm.s32 @!p2 $0x0  }
0x16: {  	s3 =	sld [smem:$0x3FDB];
	s0 =	simm.s32 @p2 $0x1  }
0x17: {  	s4 =	simm.s32 $0x1BF5;
	[smem:$0x3FB5] =	sst s0  }
0x18: {  	s0 =	sld [smem:$0x3F98];
	_ =	swait.ge [sflag:s4], $0x0  }
0x19: {  	s7 =	sld [smem:$0x3F99]  }
0x1a: {  	s8 =	sadd.s32 $0xFFFFE003, lr  }
0x1b: {  	s9 =	sadd.s32 $0xFFFFFEF7, lr;
	s5 =	simm.s32 $0xFFFFFFFF;
	p2 =	slt.u32 s8, $0xFFFFF086  }
0x1c: {  	p1 =	slt.u32 s9, $0xF7A;
	s5 =	simm.s32 @!p2 $0x0  }
0x1d: {  	s5 =	simm.s32 @p1 $0x1;
	p0 =	seq.s32 s7, s2  }
0x1e: {  	s7 =	smul.u32 @!p0 $0xF7A, s2;
	p2 =	seq.s32 @!p0 s5, $0x0  }
0x1f: {  	s9 =	smul.u32 $0xF7A, s1;
	s8 =	simm.s32 @!p0 $0x1BF5;
	p2 =	por !p2, p0  }
0x20: {  	[sflag:s8] =	ssyncset.s32 @!p0 $0xFFFFF086;
	s6 =	sadd.s32 @!p0 s3, s7;
	s7 =	simm.s32 @!p0 $0x108  }
0x21: {  	s3 =	sadd.s32 s3, s9;
	s6 =	sadd.s32 @!p0 $0x88, s6;
	s7 =	simm.s32 @p2 $0x1082  }
0x22: {  	[simem:s7], [sflag:s8] =	dma.local @!p0 [hbm:s6], $0xF7A  }
0x23: {  	s9 =	sor.u32 $0xD0000000, s2;
	s6 =	simm.s32 $0x108;
	_ =	swait.ge @!p0 [sflag:s8], $0x0  }
0x24: {  	s3 =	sadd.s32 $0x88, s3;
	s6 =	simm.s32 @!p1 $0x1082;
	[sflag:s4] =	ssyncset.s32 $0xFFFFF086  }
0x25: {  	[simem:s6], [sflag:s4] =	dma.local [hbm:s3], $0xF7A  }
0x26: {  	[smem:$0x3F99] =	sst s1;
	(tag) =	ssettag s2;
	_ =	strace s9  }
0x27: {  	s1 =	sld [smem:$0x3FA9]  }
0x28: {  	s2 =	sld [smem:$0x3FAA]  }
0x29: {  	s4 =	sld [smem:$0x3FAC]  }
0x2a: {  	p0 =	seq.s32 s5, $0x0;
	s5 =	sld [smem:$0x3FAD]  }
0x2b: {  	s6 =	sld [smem:$0x3FAE]  }
0x2c: {  	s7 =	sld [smem:$0x3FAF]  }
0x2d: {  	s3 =	simm.s32 $0x108;
	s8 =	sld [smem:$0x3FB0]  }
0x2e: {  	s3 =	simm.s32 @!p0 $0x1082;
	s9 =	sld [smem:$0x3FB1]  }
0x2f: {  	lr =	sadd.s32 s0, s3;
	s0 =	sld [smem:$0x3FA8]  }
0x30: {  	s3 =	sld [smem:$0x3FAB]  }
0x31: {  	[smem:$0x3FB4] =	sst s10  }
0x32: {  	s10 =	sld [smem:$0x3FB2];
	_ =	sdelay $0x3  }
0x33: {  	p0 =	seq.s32 s10, $0x1;
	s10 =	sld [smem:$0x3FB4];
	_ =	sdelay $0x3  }
0x34: {  	[smem:$0x3FB4] =	sst s10  }
0x35: {  	s10 =	sld [smem:$0x3FB3];
	_ =	sdelay $0x3  }
0x36: {  	p1 =	seq.s32 s10, $0x1;
	s10 =	sld [smem:$0x3FB4];
	_ =	sdelay $0x3  }
0x37: {  	[smem:$0x3FB4] =	sst s10  }
0x38: {  	s10 =	sld [smem:$0x3FB5]  }
0x39: {  	_ = 	snop;
	(pc) =	sbr.ind lr, $3  }
0x3a: {  	_ = 	snop  }
0x3b: {  	_ = 	snop  }
0x3c: {  	p2 =	seq.s32 s10, $0x1;
	s10 =	sld [smem:$0x3FB4]  }
0x3d: {  	_ =	shalt  }
0x3e: {  	_ =	shalt  }
0x3f: {  	_ =	shalt  }
0x40: {  	_ =	shalt  }
0x41: {  	_ =	shalt  }
0x42: {  	_ =	shalt  }
0x43: {  	_ =	shalt  }
0x44: {  	_ =	shalt  }
0x45: {  	_ =	shalt  }
0x46: {  	_ =	shalt  }
0x47: {  	_ =	shalt  }
0x48: {  	_ =	shalt  }
0x49: {  	_ =	shalt  }
0x4a: {  	_ =	shalt  }
0x4b: {  	_ =	shalt  }
0x4c: {  	_ =	shalt  }
0x4d: {  	_ =	shalt  }
0x4e: {  	_ =	shalt  }
0x4f: {  	_ =	shalt  }
0x50: {  	_ =	shalt  }
0x51: {  	_ =	shalt  }
0x52: {  	_ =	shalt  }
0x53: {  	_ =	shalt  }
0x54: {  	_ =	shalt  }
0x55: {  	_ =	shalt  }
0x56: {  	_ =	shalt  }
0x57: {  	_ =	shalt  }
0x58: {  	_ =	shalt  }
0x59: {  	_ =	shalt  }
0x5a: {  	_ =	shalt  }
0x5b: {  	_ =	shalt  }
0x5c: {  	_ =	shalt  }
0x5d: {  	_ =	shalt  }
0x5e: {  	_ =	shalt  }
0x5f: {  	_ =	shalt  }
0x60: {  	_ =	shalt  }
0x61: {  	_ =	shalt  }
0x62: {  	_ =	shalt  }
0x63: {  	_ =	shalt  }
0x64: {  	_ =	shalt  }
0x65: {  	_ =	shalt  }
0x66: {  	_ =	shalt  }
0x67: {  	_ =	shalt  }
0x68: {  	_ =	shalt  }
0x69: {  	_ =	shalt  }
0x6a: {  	_ =	shalt  }
0x6b: {  	_ =	shalt  }
0x6c: {  	_ =	shalt  }
0x6d: {  	_ =	shalt  }
0x6e: {  	_ =	shalt  }
0x6f: {  	_ =	shalt  }
0x70: {  	_ =	shalt  }
0x71: {  	_ =	shalt  }
0x72: {  	_ =	shalt  }
0x73: {  	_ =	shalt  }
0x74: {  	_ =	shalt  }
0x75: {  	_ =	shalt  }
0x76: {  	_ =	shalt  }
0x77: {  	_ =	shalt  }
0x78: {  	_ =	shalt  }
0x79: {  	_ =	shalt  }
0x7a: {  	_ =	shalt  }
0x7b: {  	_ =	shalt  }
0x7c: {  	_ =	shalt  }
0x7d: {  	_ =	shalt  }
0x7e: {  	_ =	shalt  }
0x7f: {  	_ =	shalt  }
0x80: {  	_ =	shalt  }
0x81: {  	_ =	shalt  }
0x82: {  	_ =	shalt  }
0x83: {  	_ =	shalt  }
0x84: {  	_ =	shalt  }
0x85: {  	_ =	shalt  }
0x86: {  	_ =	shalt  }
0x87: {  	_ =	shalt  }
.Lfunc_end0:
.L_simem_size_0:
called_computation.1_lowered:
.L_overlay_start_0:
0x88: {  	s2 =	sld [smem:$0x3FD9]  }
0x89: {  	s3 =	sld [smem:$0x3FFE];
	_ =	sdelay $0x1  }
0x8a: {  	s1 =	srdreg.scid  }
0x8b: {  	s0 =	sand.u32 $0x1, s1  }
0x8c: {  	s17 =	sshll.u32 s0, $0xA;
	s2 =	sadd.s32 s3, s2  }
0x8d: {  	s2 =	sadd.s32 s2, s17  }
0x8e: {  	[smem:$0x3FC0] =	sst s2  }
0x8f: {  	_ = 	snop  }
0x90: {  	s2 =	sld [smem:$0x3FD0];
	(tm) =	ssettm $0x1  }
0x91: {  	s18 =	sld [smem:$0x3FFB];
	_ =	sdelay $0x3  }
0x92: {  	_ =	strace s18  }
0x93: {  	s3 =	sld [smem:$0x3FFC];
	_ =	sdelay $0x3  }
0x94: {  	_ =	strace s3  }
0x95: {  	s3 =	sld [smem:$0x3FFD];
	_ =	sdelay $0x3  }
0x96: {  	_ =	strace s3  }
0x97: {  	_ =	strace $0x8FFFFFFF  }
0x98: {  	s19 =	sld [smem:$0x3FDB];
	_ =	sdelay $0x1  }
0x99: {  	s4 =	simm.s32 $_scs_section_size  }
0x9a: {  	s5 =	simm.s32 $_size__tile_overlayer_lowered;
	s6 =	simm.s32 $_tile_overlayer_lowered  }
0x9b: {  	s22 =	simm.s32 $0x1BFF;
	s21 =	sshll.u32 s6, $0x1;
	s3 =	sadd.s32 s4, s19  }
0x9c: {  	s7 =	simm.s32 $0x0;
	s20 =	sshll.u32 s5, $0x1;
	s5 =	sadd.s32 s21, s3  }
0x9d: {  	[timem:s7], [sflag:s22] =	dma.local [hbm:s5], s20  }
0x9e: {  	_ =	swait.ge [sflag:s22], s20  }
0x9f: {  	s4 =	ssub.s32 $0x0, s20;
	[sflag:s22] =	ssyncset.done $0x0  }
0xa0: {  	[sflag:s22] =	ssyncadd.s32 s4;
	_ =	sdelay $0x1  }
0xa1: {  	s23 =	simm.s32 $0x1B8B  }
0xa2: {  	_ =	swait.ge [sflag:s23], $0x1  }
0xa3: {  	[sflag:s23] =	ssyncset.done $0x0  }
0xa4: {  	s25 =	simm.s32 $0x1B8E;
	s24 =	sld [smem:$0x3FFE];
	[sflag:s23] =	ssyncadd.s32 $0xFFFFFFFF  }
0xa5: {  	s26 =	simm.s32 $execute0_lowered;
	[smem:$0x3FD2] =	sst s25  }
0xa6: {  	s5 =	sshll.u32 s26, $0x1;
	_ =	strace $0x80000049;
	[dreg:$0x1] =	wrdreg $0xFFFFFFFF  }
0xa7: {  	s28 =	simm.s32 $_size_execute0_lowered;
	s3 =	sadd.s32 s3, s5;
	[dreg:$0x0] =	wrdreg $0x0  }
0xa8: {  	s5 =	sshll.u32 s28, $0x1;
	[dreg:$0x2] =	wrdreg s3  }
0xa9: {  	[dreg:$0x3] =	wrdreg s5  }
0xaa: {  	[dreg:$0x4] =	wrdreg $0xC0  }
0xab: {  	_ =	task [dreg:s7], $0x5FFFF  }
0xac: {  	[dreg:$0x1] =	wrdreg $0xFFFFFFFF  }
0xad: {  	[dreg:$0x0] =	wrdreg $0x60  }
0xae: {  	[dreg:$0x2] =	wrdreg s24  }
0xaf: {  	[dreg:$0x3] =	wrdreg s2  }
0xb0: {  	[dreg:$0x4] =	wrdreg $0xA0000  }
0xb1: {  	[dreg:$0x5] =	wrdreg $0x9  }
0xb2: {  	_ =	task.clear_ibuf [dreg:s7], $0x6FFFF;
	_ =	strace $0x90000049  }
0xb3: {  	s29 =	simm.s32 $0x9;
	_ =	strace $0x8000004B  }
0xb4: {  	_ =	swait.ge [sflag:s29], $0x1  }
0xb5: {  	[sflag:s29] =	ssyncadd.s32 $0xFFFFFFFF  }
0xb6: {  	_ =	strace $0x9000004B  }
0xb7: {  	_ =	sfence  }
0xb8: {  	s30 =	sld [smem:$0x0];
	_ =	sdelay $0x2  }
0xb9: {  	s31 =	sshll.u32 s1, $0xD;
	s1 =	sshrl.u32 s1, $0x2  }
0xba: {  	s3 =	sand.u32 $0x4000, s31;
	s1 =	sadd.s32 s1, s30  }
0xbb: {  	s0 =	sor.u32 s3, s0;
	s1 =	sshll.u32 s1, $0x11  }
0xbc: {  	s0 =	sor.u32 s1, s0  }
0xbd: {  	s0 =	sadd.s32 $0x8F2B, s0  }
0xbe: {  	[sflag:s0] =	ssyncadd.remote.s32 $0x1  }
0xbf: {  	_ =	sfence.sel $0xFFFF  }
0xc0: {  	[dreg:$0x0] =	wrdreg $0xFFFFFFFF;
	(pc) =	sbr.abs _section_cstart, $3  }
0xc1: {  	[dreg:$0x1] =	wrdreg $0xFFFFFFFF  }
0xc2: {  	_ =	task.clear_ibuf [dreg:s7], $0x2FFFF;
	_ =	strace $0x9FFFFFFF  }
0xc3: {  	(tm) =	ssettm $0x7FFFFFFF  }
tec
execute0_lowered:
.L_overlay_start_1:
0x0: {  	(tag) =	ssettag $0x1  }
0x1: {  	s0 =	rddreg [dreg:$0x0]  }
0x2: {  	s2 =	rddreg [dreg:$0x1];
	s1 =	srdreg.scid  }
0x3: {  	s12 =	stileid.u32;
	s3 =	rddreg [dreg:$0x2]  }
0x4: {  	s4 =	simm.s32 $0x0;
	s15 =	simm.s32 $0x2000;
	s16 =	simm.s32 $0x5  }
0x5: {  	s17 =	simm.s32 $0x1000;
	s18 =	simm.s32 $0x80;
	s19 =	simm.s32 $0x6000  }
0x6: {  	s20 =	simm.s32 $0x1;
	s21 =	simm.s32 $0x2;
	s22 =	simm.s32 $0x3  }
0x7: {  	s23 =	simm.s32 $0x4;
	s24 =	simm.s32 $0x1E00;
	s25 =	simm.s32 $0x1E80  }
0x8: {  	s28 =	simm.s32 $0xF80;
	s29 =	simm.s32 $0x1F00;
	s30 =	simm.s32 $0x1F80  }
0x9: {  	s31 =	simm.s32 $0x0;
	s1 =	sand.u32 $0x1, s1;
	s7 =	smul.u32 $0x280, s12  }
0xa: {  	[smem:$0x7FF] =	sst s4;
	s9 =	smul.u32 $0x50000, s12;
	s5 =	sadd.s32 $0x3200, s0  }
0xb: {  	s6 =	sadd.s32 $0x5D200, s0;
	s8 =	smul.u32 $0x2800, s1;
	s1 =	ssub.s32 $0x2, s1  }
0xc: {  	s12 =	smul.u32 $0x5000, s12;
	_ =	strace $0x8000004A;
	s11 =	sshrl.u32 s1, $0x1  }
0xd: {  	s9 =	sshrl.u32 s9, $0x2;
	s7 =	sadd.s32 s7, s8;
	s1 =	ssub.s32 s1, s11  }
0xe: {  	s10 =	sshll.u32 s7, $0x4;
	s7 =	sadd.s32 s9, s3;
	s14 =	smax.u32 s1, $0x1  }
0xf: {  	s0 =	sadd.s32 s10, s0;
	s9 =	sadd.s32 $0x4000, s7;
	s26 =	sadd.s32 $0x8000, s7  }
0x10: {  	s10 =	sadd.s32 $0xC000, s7;
	s11 =	sadd.s32 $0x10000, s7;
	[dreg:$0x4] =	wrdreg s9  }
0x11: {  	v1 =	vimm.f32 $0.0e+00;
	v0 =	vmov s8;
	[dreg:$0x5] =	wrdreg s26;
	s13 =	sadd.s32 $0xAD200, s0;
	s26 =	simm.s32 $0xF00  }
.LBB2_1:
0x12: {  	s0 =	simm.s32 $0x0;
	s1 =	simm.s32 $0x200  }
.LBB2_2:
0x13: {  	p0 =	sne.s32 s1, $0xFE00;
	[tilespmem:s0+$0x2070] =	vst v1  }
0x14: {  	[tilespmem:s0+$0x2000] =	vst v1  }
0x15: {  	[tilespmem:s0+$0x2010] =	vst v1  }
.Ltmp0:
0x16: {  	[tilespmem:s0+$0x2020] =	vst v1;
	(pc) =	sbr.rel @p0 .LBB2_2-.Ltmp0, $4  }
0x17: {  	[tilespmem:s0+$0x2030] =	vst v1  }
0x18: {  	[tilespmem:s0+$0x2040] =	vst v1  }
0x19: {  	[tilespmem:s0+$0x2050] =	vst v1  }
0x1a: {  	[tilespmem:s0+$0x2060] =	vst v1;
	s0 =	sshra.s32 s1, $0x2;
	s1 =	sadd.s32 $0x200, s1  }
0x1b: {  	[tilespmem:s0+$0x2070] =	vst v1  }
0x1c: {  	[tilespmem:s0+$0x2000] =	vst v1  }
0x1d: {  	[tilespmem:s0+$0x2010] =	vst v1  }
0x1e: {  	[tilespmem:s0+$0x2020] =	vst v1  }
0x1f: {  	[tilespmem:s0+$0x2030] =	vst v1  }
0x20: {  	[tilespmem:s0+$0x2040] =	vst v1  }
0x21: {  	[tilespmem:s0+$0x2050] =	vst v1  }
0x22: {  	[tilespmem:s0+$0x2060] =	vst v1  }
0x23: {  	[spmem:s7] =	stream.linear.scatter [tilespmem:s15], [sflag:$0x5], $0x4000, $0x38;
	[tilespmem:$0x1E000] =	vst v63  }
0x24: {  	_ =	swait.ge [sflag:s16], $0x4000  }
0x25: {  	[sflag:s16] =	ssyncset.done $0x0  }
0x26: {  	s8 =	rddreg [dreg:$0x4];
	[sflag:s16] =	ssyncadd.s32 $0xFFFFC000  }
0x27: {  	[spmem:s8] =	stream.linear.scatter [tilespmem:s15], [sflag:$0x5], $0x4000, $0x38;
	[tilespmem:$0x1E000] =	vst v63  }
0x28: {  	_ =	swait.ge [sflag:s16], $0x4000  }
0x29: {  	[sflag:s16] =	ssyncset.done $0x0  }
0x2a: {  	s9 =	rddreg [dreg:$0x5];
	[sflag:s16] =	ssyncadd.s32 $0xFFFFC000  }
0x2b: {  	[spmem:s9] =	stream.linear.scatter [tilespmem:s15], [sflag:$0x5], $0x4000, $0x38;
	[tilespmem:$0x1E000] =	vst v63  }
0x2c: {  	_ =	swait.ge [sflag:s16], $0x4000  }
0x2d: {  	[sflag:s16] =	ssyncset.done $0x0  }
0x2e: {  	[sflag:s16] =	ssyncadd.s32 $0xFFFFC000  }
0x2f: {  	[spmem:s10] =	stream.linear.scatter [tilespmem:s15], [sflag:$0x5], $0x4000, $0x38;
	[tilespmem:$0x1E000] =	vst v63  }
0x30: {  	_ =	swait.ge [sflag:s16], $0x4000  }
0x31: {  	[sflag:s16] =	ssyncset.done $0x0  }
0x32: {  	[sflag:s16] =	ssyncadd.s32 $0xFFFFC000  }
0x33: {  	[spmem:s11] =	stream.linear.scatter [tilespmem:s15], [sflag:$0x5], $0x4000, $0x38;
	[tilespmem:$0x1E000] =	vst v63  }
0x34: {  	_ =	swait.ge [sflag:s16], $0x4000  }
0x35: {  	[sflag:s16] =	ssyncset.done $0x0  }
0x36: {  	[sflag:s16] =	ssyncadd.s32 $0xFFFFC000  }
0x37: {  	s1 =	simm.s32 $0x0;
	[bflag:$0x0] =	sbarrier.arrive $0xFFFF  }
.LBB2_4:
0x38: {  	s0 =	sshll.u32 s1, $0xC  }
0x39: {  	s0 =	sadd.s32 s12, s0  }
0x3a: {  	s0 =	sshrl.u32 s0, $0x3  }
0x3b: {  	s8 =	sadd.s32 s5, s0  }
0x3c: {  	[tilespmem:s31], [sflag:$0x5] =	stream.linear.gather [hbm4b:s8+s31], $0x1000, $0x38;
	[tilespmem:$0x1E000] =	vst v63  }
0x3d: {  	_ =	swait.ge [sflag:s16], $0x1000  }
0x3e: {  	[sflag:s16] =	ssyncset.done $0x0  }
0x3f: {  	s0 =	sadd.s32 s2, s0;
	[sflag:s16] =	ssyncadd.s32 $0xFFFFF000  }
0x40: {  	[tilespmem:s17], [sflag:$0x5] =	stream.linear.gather [hbm4b:s0+s31], $0x1000, $0x38;
	[tilespmem:$0x1E000] =	vst v63  }
0x41: {  	_ =	swait.ge [sflag:s16], $0x1000  }
0x42: {  	[sflag:s16] =	ssyncset.done $0x0  }
0x43: {  	s0 =	simm.s32 $0x0;
	[sflag:s16] =	ssyncadd.s32 $0xFFFFF000  }
0x44: {  	v4 =	vld [tilespmem:s0+$0x0]  }
0x45: {  	v6 =	vld [tilespmem:s0+$0x10]  }
0x46: {  	v5 =	vld [tilespmem:s0+$0x20]  }
0x47: {  	v3 =	vld [tilespmem:s0+$0x30]  }
0x48: {  	v2 =	vld [tilespmem:s0+$0x40]  }
0x49: {  	v7 =	vadd.s32 v0, v4;
	v4 =	vld [tilespmem:s0+$0x50]  }
0x4a: {  	s8 =	simm.s32 $0x200;
	[tilespmem:s0+$0x0] =	vst v7;
	v7 =	vadd.s32 v0, v6;
	v6 =	vld [tilespmem:s0+$0x60]  }
.LBB2_5:
0x4b: {  	s9 =	sshra.s32 s8, $0x2;
	p0 =	sne.s32 s8, $0x3E00;
	[tilespmem:s0+$0x10] =	vst v7;
	v5 =	vadd.s32 v0, v5;
	v7 =	vld [tilespmem:s0+$0x70]  }
0x4c: {  	v8 =	vld [tilespmem:s9+$0x0];
	[tilespmem:s0+$0x20] =	vst v5;
	v3 =	vadd.s32 v0, v3  }
0x4d: {  	v9 =	vld [tilespmem:s9+$0x10];
	[tilespmem:s0+$0x30] =	vst v3;
	v2 =	vadd.s32 v0, v2  }
.Ltmp1:
0x4e: {  	v5 =	vld [tilespmem:s9+$0x20];
	[tilespmem:s0+$0x40] =	vst v2;
	v2 =	vadd.s32 v0, v4;
	(pc) =	sbr.rel @p0 .LBB2_5-.Ltmp1, $4  }
0x4f: {  	v3 =	vld [tilespmem:s9+$0x30];
	[tilespmem:s0+$0x50] =	vst v2;
	v4 =	vadd.s32 v0, v6  }
0x50: {  	v2 =	vld [tilespmem:s9+$0x40];
	[tilespmem:s0+$0x60] =	vst v4;
	v6 =	vadd.s32 v0, v7  }
0x51: {  	v7 =	vadd.s32 v0, v8;
	v4 =	vld [tilespmem:s9+$0x50];
	[tilespmem:s0+$0x70] =	vst v6;
	s0 =	smov.u32 s9  }
0x52: {  	s8 =	sadd.s32 $0x200, s8;
	[tilespmem:s0+$0x0] =	vst v7;
	v7 =	vadd.s32 v0, v9;
	v6 =	vld [tilespmem:s0+$0x60]  }
0x53: {  	[tilespmem:s0+$0x10] =	vst v7;
	v5 =	vadd.s32 v0, v5;
	v63 =	vld [tilespmem:s0+$0x70]  }
0x54: {  	[tilespmem:s0+$0x20] =	vst v5;
	v3 =	vadd.s32 v0, v3  }
0x55: {  	[tilespmem:s0+$0x30] =	vst v3;
	v2 =	vadd.s32 v0, v2  }
0x56: {  	[tilespmem:s0+$0x40] =	vst v2;
	v2 =	vadd.s32 v0, v4  }
0x57: {  	[tilespmem:s0+$0x50] =	vst v2;
	v2 =	vadd.s32 v0, v6  }
0x58: {  	[tilespmem:s0+$0x60] =	vst v2;
	v2 =	vadd.s32 v0, v63  }
0x59: {  	s8 =	simm.s32 $0x0;
	[tilespmem:s0+$0x70] =	vst v2  }
0x5a: {  	[tilespmem:s15], [sflag:$0x1] =	stream.indirect.gather [hbm4b:s6+s18], $0x80, s8, s18, $0xb8;
	[tilespmem:$0x1E000] =	vst v63  }
0x5b: {  	_ = 	snop  }
0x5c: {  	[tilespmem:s19], [sflag:$0x2] =	stream.indirect.gather [hbm4b:s6+s18], $0x80, s18, s18, $0xb8;
	[tilespmem:$0x1E000] =	vst v63  }
0x5d: {  	_ =	swait.ge [sflag:s20], $0x4000  }
0x5e: {  	[sflag:s20] =	ssyncset.done $0x0  }
0x5f: {  	s9 =	simm.s32 $0x1000;
	[sflag:s20] =	ssyncadd.s32 $0xFFFFC000  }
0x60: {  	[spmem:s3] =	stream.indirect.scatter.add.f32 [tilespmem:s15], [sflag:$0x3], $0x80, s9, s18, $0xb8;
	[tilespmem:$0x1E000] =	vst v63  }
0x61: {  	_ =	swait.ge [sflag:s21], $0x4000  }
0x62: {  	[sflag:s21] =	ssyncset.done $0x0  }
0x63: {  	s8 =	simm.s32 $0x1080;
	[sflag:s21] =	ssyncadd.s32 $0xFFFFC000  }
0x64: {  	[spmem:s3] =	stream.indirect.scatter.add.f32 [tilespmem:s19], [sflag:$0x4], $0x80, s8, s18, $0xb8;
	[tilespmem:$0x1E000] =	vst v63  }
0x65: {  	_ =	swait.ge [sflag:s22], $0x4000  }
0x66: {  	[sflag:s22] =	ssyncset.done $0x0  }
0x67: {  	s9 =	simm.s32 $0x100;
	[sflag:s22] =	ssyncadd.s32 $0xFFFFC000  }
0x68: {  	[tilespmem:s15], [sflag:$0x1] =	stream.indirect.gather [hbm4b:s6+s18], $0x80, s9, s18, $0xb8;
	[tilespmem:$0x1E000] =	vst v63  }
0x69: {  	_ =	swait.ge [sflag:s23], $0x4000  }
0x6a: {  	[sflag:s23] =	ssyncset.done $0x0  }
0x6b: {  	s0 =	simm.s32 $0x400;
	s8 =	simm.s32 $0x180;
	[sflag:s23] =	ssyncadd.s32 $0xFFFFC000  }
.LBB2_7:
0x6c: {  	[tilespmem:s19], [sflag:$0x2] =	stream.indirect.gather [hbm4b:s6+s18], $0x80, s8, s18, $0xb8;
	[tilespmem:$0x1E000] =	vst v63  }
0x6d: {  	s8 =	smov.u32 s0  }
0x6e: {  	p0 =	sne.s32 s0, $0x3400;
	s0 =	sadd.s32 $0x400, s0;
	_ =	swait.ge [sflag:s20], $0x4000  }
0x6f: {  	s8 =	sshra.s32 s8, $0x2;
	[sflag:s20] =	ssyncset.done $0x0  }
0x70: {  	s9 =	sadd.s32 $0x1000, s8;
	[sflag:s20] =	ssyncadd.s32 $0xFFFFC000  }
0x71: {  	[spmem:s3] =	stream.indirect.scatter.add.f32 [tilespmem:s15], [sflag:$0x3], $0x80, s9, s18, $0xb8;
	[tilespmem:$0x1E000] =	vst v63  }
0x72: {  	_ =	swait.ge [sflag:s21], $0x4000  }
0x73: {  	[sflag:s21] =	ssyncset.done $0x0  }
0x74: {  	s9 =	sadd.s32 $0x1080, s8;
	[sflag:s21] =	ssyncadd.s32 $0xFFFFC000  }
0x75: {  	[spmem:s3] =	stream.indirect.scatter.add.f32 [tilespmem:s19], [sflag:$0x4], $0x80, s9, s18, $0xb8;
	[tilespmem:$0x1E000] =	vst v63  }
0x76: {  	_ =	swait.ge [sflag:s22], $0x4000  }
0x77: {  	[sflag:s22] =	ssyncset.done $0x0  }
.Ltmp2:
0x78: {  	s9 =	sadd.s32 $0x100, s8;
	[sflag:s22] =	ssyncadd.s32 $0xFFFFC000;
	(pc) =	sbr.rel @p0 .LBB2_7-.Ltmp2, $4  }
0x79: {  	[tilespmem:s15], [sflag:$0x1] =	stream.indirect.gather [hbm4b:s6+s18], $0x80, s9, s18, $0xb8;
	[tilespmem:$0x1E000] =	vst v63  }
0x7a: {  	_ =	swait.ge [sflag:s23], $0x4000  }
0x7b: {  	[sflag:s23] =	ssyncset.done $0x0  }
0x7c: {  	s8 =	sadd.s32 $0x180, s8;
	[sflag:s23] =	ssyncadd.s32 $0xFFFFC000  }
0x7d: {  	[tilespmem:s19], [sflag:$0x2] =	stream.indirect.gather [hbm4b:s6+s18], $0x80, s8, s18, $0xb8;
	[tilespmem:$0x1E000] =	vst v63  }
0x7e: {  	_ =	swait.ge [sflag:s20], $0x4000  }
0x7f: {  	[sflag:s20] =	ssyncset.done $0x0  }
0x80: {  	[sflag:s20] =	ssyncadd.s32 $0xFFFFC000  }
0x81: {  	[spmem:s3] =	stream.indirect.scatter.add.f32 [tilespmem:s15], [sflag:$0x3], $0x80, s24, s18, $0xb8;
	[tilespmem:$0x1E000] =	vst v63  }
0x82: {  	_ =	swait.ge [sflag:s21], $0x4000  }
0x83: {  	[sflag:s21] =	ssyncset.done $0x0  }
0x84: {  	[sflag:s21] =	ssyncadd.s32 $0xFFFFC000  }
0x85: {  	[spmem:s3] =	stream.indirect.scatter.add.f32 [tilespmem:s19], [sflag:$0x4], $0x80, s25, s18, $0xb8;
	[tilespmem:$0x1E000] =	vst v63  }
0x86: {  	_ =	swait.ge [sflag:s22], $0x4000  }
0x87: {  	[sflag:s22] =	ssyncset.done $0x0  }
0x88: {  	[sflag:s22] =	ssyncadd.s32 $0xFFFFC000  }
0x89: {  	[tilespmem:s15], [sflag:$0x1] =	stream.indirect.gather [hbm4b:s6+s18], $0x80, s26, s18, $0xb8;
	[tilespmem:$0x1E000] =	vst v63  }
0x8a: {  	_ =	swait.ge [sflag:s23], $0x4000  }
0x8b: {  	[sflag:s23] =	ssyncset.done $0x0  }
0x8c: {  	[sflag:s23] =	ssyncadd.s32 $0xFFFFC000  }
0x8d: {  	[tilespmem:s19], [sflag:$0x2] =	stream.indirect.gather [hbm4b:s6+s18], $0x80, s28, s18, $0xb8;
	[tilespmem:$0x1E000] =	vst v63  }
0x8e: {  	_ =	swait.ge [sflag:s20], $0x4000  }
0x8f: {  	[sflag:s20] =	ssyncset.done $0x0  }
0x90: {  	[sflag:s20] =	ssyncadd.s32 $0xFFFFC000  }
0x91: {  	[spmem:s3] =	stream.indirect.scatter.add.f32 [tilespmem:s15], [sflag:$0x3], $0x80, s29, s18, $0xb8;
	[tilespmem:$0x1E000] =	vst v63  }
0x92: {  	_ =	swait.ge [sflag:s21], $0x4000  }
0x93: {  	[sflag:s21] =	ssyncset.done $0x0  }
0x94: {  	[sflag:s21] =	ssyncadd.s32 $0xFFFFC000  }
0x95: {  	[spmem:s3] =	stream.indirect.scatter.add.f32 [tilespmem:s19], [sflag:$0x4], $0x80, s30, s18, $0xb8;
	[tilespmem:$0x1E000] =	vst v63  }
0x96: {  	_ =	swait.ge [sflag:s22], $0x4000  }
0x97: {  	[sflag:s22] =	ssyncset.done $0x0  }
0x98: {  	[sflag:s22] =	ssyncadd.s32 $0xFFFFC000  }
0x99: {  	[tilespmem:s15], [sflag:$0x1] =	stream.indirect.gather [hbm4b:s6+s18], $0x80, s28, s18, $0xb8;
	[tilespmem:$0x1E000] =	vst v63  }
0x9a: {  	_ =	swait.ge [sflag:s23], $0x4000  }
0x9b: {  	[sflag:s23] =	ssyncset.done $0x0  }
0x9c: {  	s1 =	sadd.s32 $0x1, s1;
	[sflag:s23] =	ssyncadd.s32 $0xFFFFC000  }
0x9d: {  	[tilespmem:s19], [sflag:$0x2] =	stream.indirect.gather [hbm4b:s6+s18], $0x80, s28, s18, $0xb8;
	[tilespmem:$0x1E000] =	vst v63  }
0x9e: {  	p0 =	sne.s32 s1, $0x5;
	_ =	swait.ge [sflag:s20], $0x4000  }
.Ltmp3:
0x9f: {  	[sflag:s20] =	ssyncset.done $0x0;
	(pc) =	sbr.rel @p0 .LBB2_4-.Ltmp3, $4  }
0xa0: {  	[sflag:s20] =	ssyncadd.s32 $0xFFFFC000  }
0xa1: {  	_ =	swait.ge [sflag:s21], $0x4000  }
0xa2: {  	[sflag:s21] =	ssyncset.done $0x0  }
0xa3: {  	[sflag:s21] =	ssyncadd.s32 $0xFFFFC000  }
0xa4: {  	s0 =	stileid.u32;
	s4 =	sadd.s32 $0x1, s4  }
0xa5: {  	[bflag:$0x0] =	sbarrier.arrive $0xFFFF;
	s0 =	sshll.u32 s0, $0x6;
	p0 =	sne.s32 s4, s14  }
.Ltmp4:
0xa6: {  	s1 =	sshrl.u32 s7, $0x3;
	s0 =	sor.u32 $0x1C05, s0;
	(pc) =	sbr.rel @p0 .LBB2_1-.Ltmp4, $4  }
0xa7: {  	[hbm:s13], [sflag:s0] =	dma.local [spmem:s1], $0x2800  }
0xa8: {  	_ =	swait.ge [sflag:s16], $0x2800  }
0xa9: {  	[sflag:s16] =	ssyncset.done $0x0  }
0xaa: {  	[sflag:s16] =	ssyncadd.s32 $0xFFFFD800  }
0xab: {  	_ =	sfence.sel $0x180000  }
0xac: {  	[bflag:$0x0] =	sbarrier.arrive $0xFFFF  }
0xad: {  	_ =	strace $0x9000004A  }
0xae: {  	s0 =	stileid.u32;
	[bflag:$0x2] =	sbarrier.arrive $0xFFFF  }
0xaf: {  	p0 =	sne.s32 s0, $0x0;
	s0 =	rddreg [dreg:$0x3]  }
0xb0: {  	s0 =	sadd.s32 @!p0 $0x100000, s0  }
0xb1: {  	[sflag:s0] =	ssyncadd.tile.s32 @!p0 $0x1;
	_ =	shalt  }
.Lfunc_end2:
_tile_overlayer_lowered:
.L_overlay_start_2:
0xb2: {  	(tag) =	ssettag $0x2  }
0xb3: {  	s0 =	rddreg [dreg:$0x0];
	s2 =	stileid.u32  }
0xb4: {  	s1 =	rddreg [dreg:$0x1];
	p0 =	sne.s32 s2, $0x0  }
0xb5: {  	s3 =	rddreg [dreg:$0x2];
	[bflag:$0x3] =	sbarrier.arrive $0xFFFF;
	s2 =	simm.s32 @!p0 $0x1C05  }
0xb6: {  	[timem:s3], [sflag:s2] =	dma.local @!p0 [hbm:s0], s1  }
0xb7: {  	s0 =	simm.s32 @!p0 $0x5  }
0xb8: {  	_ =	swait.ge @!p0 [sflag:s0], s1  }
0xb9: {  	s1 =	ssub.s32 @!p0 $0x0, s1;
	[sflag:s0] =	ssyncset.done @!p0 $0x0  }
0xba: {  	[sflag:s0] =	ssyncadd.s32 @!p0 s1  }
0xbb: {  	[bflag:$0x3] =	sbarrier.arrive $0xFFFF  }
0xbc: {  	_ =	shalt  }

// kernel: kernel.16.cloned.1.call-start
scs
__scs_entry_jumppad:
0x0: {  	(pc) =	sbr.rel $0x88, $3  }
0x1: {  	(tag) =	ssettag $0x0;
	lr =	simm.s32 $0x1  }
0x2: {  	[smem:$0x3F99] =	sst lr;
	_ =	strace $0xD0000000  }
0x3: {  	_ = 	snop  }
0x4: {  	_ = 	snop  }
0x5: {  	_ = 	snop  }
0x6: {  	_ = 	snop  }
0x7: {  	_ = 	snop  }
__scs_overlays_trampoline_lowered:
0x8: {  	[smem:$0x3FA8] =	sst s0  }
0x9: {  	[smem:$0x3FA9] =	sst s1  }
0xa: {  	[smem:$0x3FAA] =	sst s2  }
0xb: {  	[smem:$0x3FAB] =	sst s3  }
0xc: {  	[smem:$0x3FAC] =	sst s4  }
0xd: {  	[smem:$0x3FAD] =	sst s5  }
0xe: {  	[smem:$0x3FAE] =	sst s6  }
0xf: {  	[smem:$0x3FAF] =	sst s7  }
0x10: {  	[smem:$0x3FB0] =	sst s8  }
0x11: {  	[smem:$0x3FB1] =	sst s9;
	s0 =	simm.s32 @!p0 $0x0  }
0x12: {  	s1 =	sld [smem:$0x3F97];
	s0 =	simm.s32 @p0 $0x1  }
0x13: {  	[smem:$0x3FB2] =	sst s0;
	s0 =	simm.s32 @!p1 $0x0  }
0x14: {  	s2 =	sld [smem:$0x3F96];
	s0 =	simm.s32 @p1 $0x1  }
0x15: {  	[smem:$0x3FB3] =	sst s0;
	s0 =	simm.s32 @!p2 $0x0  }
0x16: {  	s3 =	sld [smem:$0x3FDB];
	s0 =	simm.s32 @p2 $0x1  }
0x17: {  	s4 =	simm.s32 $0x1BF5;
	[smem:$0x3FB5] =	sst s0  }
0x18: {  	s0 =	sld [smem:$0x3F98];
	_ =	swait.ge [sflag:s4], $0x0  }
0x19: {  	s7 =	sld [smem:$0x3F99]  }
0x1a: {  	s8 =	sadd.s32 $0xFFFFE003, lr  }
0x1b: {  	s9 =	sadd.s32 $0xFFFFFEF7, lr;
	s5 =	simm.s32 $0xFFFFFFFF;
	p2 =	slt.u32 s8, $0xFFFFF086  }
0x1c: {  	p1 =	slt.u32 s9, $0xF7A;
	s5 =	simm.s32 @!p2 $0x0  }
0x1d: {  	s5 =	simm.s32 @p1 $0x1;
	p0 =	seq.s32 s7, s2  }
0x1e: {  	s7 =	smul.u32 @!p0 $0xF7A, s2;
	p2 =	seq.s32 @!p0 s5, $0x0  }
0x1f: {  	s9 =	smul.u32 $0xF7A, s1;
	s8 =	simm.s32 @!p0 $0x1BF5;
	p2 =	por !p2, p0  }
0x20: {  	[sflag:s8] =	ssyncset.s32 @!p0 $0xFFFFF086;
	s6 =	sadd.s32 @!p0 s3, s7;
	s7 =	simm.s32 @!p0 $0x108  }
0x21: {  	s3 =	sadd.s32 s3, s9;
	s6 =	sadd.s32 @!p0 $0x88, s6;
	s7 =	simm.s32 @p2 $0x1082  }
0x22: {  	[simem:s7], [sflag:s8] =	dma.local @!p0 [hbm:s6], $0xF7A  }
0x23: {  	s9 =	sor.u32 $0xD0000000, s2;
	s6 =	simm.s32 $0x108;
	_ =	swait.ge @!p0 [sflag:s8], $0x0  }
0x24: {  	s3 =	sadd.s32 $0x88, s3;
	s6 =	simm.s32 @!p1 $0x1082;
	[sflag:s4] =	ssyncset.s32 $0xFFFFF086  }
0x25: {  	[simem:s6], [sflag:s4] =	dma.local [hbm:s3], $0xF7A  }
0x26: {  	[smem:$0x3F99] =	sst s1;
	(tag) =	ssettag s2;
	_ =	strace s9  }
0x27: {  	s1 =	sld [smem:$0x3FA9]  }
0x28: {  	s2 =	sld [smem:$0x3FAA]  }
0x29: {  	s4 =	sld [smem:$0x3FAC]  }
0x2a: {  	p0 =	seq.s32 s5, $0x0;
	s5 =	sld [smem:$0x3FAD]  }
0x2b: {  	s6 =	sld [smem:$0x3FAE]  }
0x2c: {  	s7 =	sld [smem:$0x3FAF]  }
0x2d: {  	s3 =	simm.s32 $0x108;
	s8 =	sld [smem:$0x3FB0]  }
0x2e: {  	s3 =	simm.s32 @!p0 $0x1082;
	s9 =	sld [smem:$0x3FB1]  }
0x2f: {  	lr =	sadd.s32 s0, s3;
	s0 =	sld [smem:$0x3FA8]  }
0x30: {  	s3 =	sld [smem:$0x3FAB]  }
0x31: {  	[smem:$0x3FB4] =	sst s10  }
0x32: {  	s10 =	sld [smem:$0x3FB2];
	_ =	sdelay $0x3  }
0x33: {  	p0 =	seq.s32 s10, $0x1;
	s10 =	sld [smem:$0x3FB4];
	_ =	sdelay $0x3  }
0x34: {  	[smem:$0x3FB4] =	sst s10  }
0x35: {  	s10 =	sld [smem:$0x3FB3];
	_ =	sdelay $0x3  }
0x36: {  	p1 =	seq.s32 s10, $0x1;
	s10 =	sld [smem:$0x3FB4];
	_ =	sdelay $0x3  }
0x37: {  	[smem:$0x3FB4] =	sst s10  }
0x38: {  	s10 =	sld [smem:$0x3FB5]  }
0x39: {  	_ = 	snop;
	(pc) =	sbr.ind lr, $3  }
0x3a: {  	_ = 	snop  }
0x3b: {  	_ = 	snop  }
0x3c: {  	p2 =	seq.s32 s10, $0x1;
	s10 =	sld [smem:$0x3FB4]  }
0x3d: {  	_ =	shalt  }
0x3e: {  	_ =	shalt  }
0x3f: {  	_ =	shalt  }
0x40: {  	_ =	shalt  }
0x41: {  	_ =	shalt  }
0x42: {  	_ =	shalt  }
0x43: {  	_ =	shalt  }
0x44: {  	_ =	shalt  }
0x45: {  	_ =	shalt  }
0x46: {  	_ =	shalt  }
0x47: {  	_ =	shalt  }
0x48: {  	_ =	shalt  }
0x49: {  	_ =	shalt  }
0x4a: {  	_ =	shalt  }
0x4b: {  	_ =	shalt  }
0x4c: {  	_ =	shalt  }
0x4d: {  	_ =	shalt  }
0x4e: {  	_ =	shalt  }
0x4f: {  	_ =	shalt  }
0x50: {  	_ =	shalt  }
0x51: {  	_ =	shalt  }
0x52: {  	_ =	shalt  }
0x53: {  	_ =	shalt  }
0x54: {  	_ =	shalt  }
0x55: {  	_ =	shalt  }
0x56: {  	_ =	shalt  }
0x57: {  	_ =	shalt  }
0x58: {  	_ =	shalt  }
0x59: {  	_ =	shalt  }
0x5a: {  	_ =	shalt  }
0x5b: {  	_ =	shalt  }
0x5c: {  	_ =	shalt  }
0x5d: {  	_ =	shalt  }
0x5e: {  	_ =	shalt  }
0x5f: {  	_ =	shalt  }
0x60: {  	_ =	shalt  }
0x61: {  	_ =	shalt  }
0x62: {  	_ =	shalt  }
0x63: {  	_ =	shalt  }
0x64: {  	_ =	shalt  }
0x65: {  	_ =	shalt  }
0x66: {  	_ =	shalt  }
0x67: {  	_ =	shalt  }
0x68: {  	_ =	shalt  }
0x69: {  	_ =	shalt  }
0x6a: {  	_ =	shalt  }
0x6b: {  	_ =	shalt  }
0x6c: {  	_ =	shalt  }
0x6d: {  	_ =	shalt  }
0x6e: {  	_ =	shalt  }
0x6f: {  	_ =	shalt  }
0x70: {  	_ =	shalt  }
0x71: {  	_ =	shalt  }
0x72: {  	_ =	shalt  }
0x73: {  	_ =	shalt  }
0x74: {  	_ =	shalt  }
0x75: {  	_ =	shalt  }
0x76: {  	_ =	shalt  }
0x77: {  	_ =	shalt  }
0x78: {  	_ =	shalt  }
0x79: {  	_ =	shalt  }
0x7a: {  	_ =	shalt  }
0x7b: {  	_ =	shalt  }
0x7c: {  	_ =	shalt  }
0x7d: {  	_ =	shalt  }
0x7e: {  	_ =	shalt  }
0x7f: {  	_ =	shalt  }
0x80: {  	_ =	shalt  }
0x81: {  	_ =	shalt  }
0x82: {  	_ =	shalt  }
0x83: {  	_ =	shalt  }
0x84: {  	_ =	shalt  }
0x85: {  	_ =	shalt  }
0x86: {  	_ =	shalt  }
0x87: {  	_ =	shalt  }
.Lfunc_end0:
.L_simem_size_0:
called_computation.2_lowered:
.L_overlay_start_0:
0x88: {  	s2 =	sld [smem:$0x3FD9]  }
0x89: {  	s3 =	sld [smem:$0x3FFE];
	_ =	sdelay $0x1  }
0x8a: {  	s1 =	srdreg.scid  }
0x8b: {  	s0 =	sand.u32 $0x1, s1  }
0x8c: {  	s17 =	sshll.u32 s0, $0xA;
	s2 =	sadd.s32 s3, s2  }
0x8d: {  	s2 =	sadd.s32 s2, s17  }
0x8e: {  	[smem:$0x3FC0] =	sst s2  }
0x8f: {  	_ = 	snop  }
0x90: {  	s2 =	sld [smem:$0x3FD0];
	(tm) =	ssettm $0x1  }
0x91: {  	s18 =	sld [smem:$0x3FFB];
	_ =	sdelay $0x3  }
0x92: {  	_ =	strace s18  }
0x93: {  	s3 =	sld [smem:$0x3FFC];
	_ =	sdelay $0x3  }
0x94: {  	_ =	strace s3  }
0x95: {  	s3 =	sld [smem:$0x3FFD];
	_ =	sdelay $0x3  }
0x96: {  	_ =	strace s3  }
0x97: {  	_ =	strace $0x8FFFFFFF  }
0x98: {  	s19 =	sld [smem:$0x3FDB];
	_ =	sdelay $0x1  }
0x99: {  	s4 =	simm.s32 $_scs_section_size  }
0x9a: {  	s5 =	simm.s32 $_size__tile_overlayer_lowered;
	s6 =	simm.s32 $_tile_overlayer_lowered  }
0x9b: {  	s22 =	simm.s32 $0x1BFF;
	s21 =	sshll.u32 s6, $0x1;
	s3 =	sadd.s32 s4, s19  }
0x9c: {  	s7 =	simm.s32 $0x0;
	s20 =	sshll.u32 s5, $0x1;
	s5 =	sadd.s32 s21, s3  }
0x9d: {  	[timem:s7], [sflag:s22] =	dma.local [hbm:s5], s20  }
0x9e: {  	_ =	swait.ge [sflag:s22], s20  }
0x9f: {  	s4 =	ssub.s32 $0x0, s20;
	[sflag:s22] =	ssyncset.done $0x0  }
0xa0: {  	[sflag:s22] =	ssyncadd.s32 s4;
	_ =	sdelay $0x1  }
0xa1: {  	s23 =	simm.s32 $0x1B8B  }
0xa2: {  	_ =	swait.ge [sflag:s23], $0x1  }
0xa3: {  	[sflag:s23] =	ssyncset.done $0x0  }
0xa4: {  	s25 =	simm.s32 $0x1B8E;
	s24 =	sld [smem:$0x3FFE];
	[sflag:s23] =	ssyncadd.s32 $0xFFFFFFFF  }
0xa5: {  	s26 =	simm.s32 $execute0_lowered;
	[smem:$0x3FD2] =	sst s25  }
0xa6: {  	s5 =	sshll.u32 s26, $0x1;
	_ =	strace $0x8000004C;
	[dreg:$0x1] =	wrdreg $0xFFFFFFFF  }
0xa7: {  	s28 =	simm.s32 $_size_execute0_lowered;
	s3 =	sadd.s32 s3, s5;
	[dreg:$0x0] =	wrdreg $0x0  }
0xa8: {  	s5 =	sshll.u32 s28, $0x1;
	[dreg:$0x2] =	wrdreg s3  }
0xa9: {  	[dreg:$0x3] =	wrdreg s5  }
0xaa: {  	[dreg:$0x4] =	wrdreg $0xC0  }
0xab: {  	_ =	task [dreg:s7], $0x5FFFF  }
0xac: {  	[dreg:$0x1] =	wrdreg $0xFFFFFFFF  }
0xad: {  	[dreg:$0x0] =	wrdreg $0x60  }
0xae: {  	[dreg:$0x2] =	wrdreg s24  }
0xaf: {  	[dreg:$0x3] =	wrdreg s2  }
0xb0: {  	[dreg:$0x4] =	wrdreg $0xA0000  }
0xb1: {  	[dreg:$0x5] =	wrdreg $0x9  }
0xb2: {  	_ =	task.clear_ibuf [dreg:s7], $0x6FFFF;
	_ =	strace $0x9000004C  }
0xb3: {  	s29 =	simm.s32 $0x9;
	_ =	strace $0x8000004E  }
0xb4: {  	_ =	swait.ge [sflag:s29], $0x1  }
0xb5: {  	[sflag:s29] =	ssyncadd.s32 $0xFFFFFFFF  }
0xb6: {  	_ =	strace $0x9000004E  }
0xb7: {  	_ =	sfence  }
0xb8: {  	s30 =	sld [smem:$0x0];
	_ =	sdelay $0x2  }
0xb9: {  	s31 =	sshll.u32 s1, $0xD;
	s1 =	sshrl.u32 s1, $0x2  }
0xba: {  	s3 =	sand.u32 $0x4000, s31;
	s1 =	sadd.s32 s1, s30  }
0xbb: {  	s0 =	sor.u32 s3, s0;
	s1 =	sshll.u32 s1, $0x11  }
0xbc: {  	s0 =	sor.u32 s1, s0  }
0xbd: {  	s0 =	sadd.s32 $0x8F2B, s0  }
0xbe: {  	[sflag:s0] =	ssyncadd.remote.s32 $0x1  }
0xbf: {  	_ =	sfence.sel $0xFFFF  }
0xc0: {  	[dreg:$0x0] =	wrdreg $0xFFFFFFFF;
	(pc) =	sbr.abs _section_cstart, $3  }
0xc1: {  	[dreg:$0x1] =	wrdreg $0xFFFFFFFF  }
0xc2: {  	_ =	task.clear_ibuf [dreg:s7], $0x2FFFF;
	_ =	strace $0x9FFFFFFF  }
0xc3: {  	(tm) =	ssettm $0x7FFFFFFF  }
tec
execute0_lowered:
.L_overlay_start_1:
0x0: {  	(tag) =	ssettag $0x1  }
0x1: {  	s0 =	rddreg [dreg:$0x0]  }
0x2: {  	s2 =	rddreg [dreg:$0x1];
	s1 =	srdreg.scid  }
0x3: {  	s12 =	stileid.u32;
	s3 =	rddreg [dreg:$0x2]  }
0x4: {  	s4 =	simm.s32 $0x0;
	s15 =	simm.s32 $0x2000;
	s16 =	simm.s32 $0x5  }
0x5: {  	s17 =	simm.s32 $0x1000;
	s18 =	simm.s32 $0x80;
	s19 =	simm.s32 $0x6000  }
0x6: {  	s20 =	simm.s32 $0x1;
	s21 =	simm.s32 $0x2;
	s22 =	simm.s32 $0x3  }
0x7: {  	s23 =	simm.s32 $0x4;
	s24 =	simm.s32 $0x1E00;
	s25 =	simm.s32 $0x1E80  }
0x8: {  	s28 =	simm.s32 $0xF80;
	s29 =	simm.s32 $0x1F00;
	s30 =	simm.s32 $0x1F80  }
0x9: {  	s31 =	simm.s32 $0x0;
	s1 =	sand.u32 $0x1, s1;
	s7 =	smul.u32 $0x280, s12  }
0xa: {  	[smem:$0x7FF] =	sst s4;
	s9 =	smul.u32 $0x50000, s12;
	s5 =	sadd.s32 $0x3200, s0  }
0xb: {  	s6 =	sadd.s32 $0xD200, s0;
	s8 =	smul.u32 $0x2800, s1;
	s1 =	ssub.s32 $0x2, s1  }
0xc: {  	s12 =	smul.u32 $0x5000, s12;
	_ =	strace $0x8000004D;
	s11 =	sshrl.u32 s1, $0x1  }
0xd: {  	s9 =	sshrl.u32 s9, $0x2;
	s7 =	sadd.s32 s7, s8;
	s1 =	ssub.s32 s1, s11  }
0xe: {  	s10 =	sshll.u32 s7, $0x4;
	s7 =	sadd.s32 s9, s3;
	s14 =	smax.u32 s1, $0x1  }
0xf: {  	s0 =	sadd.s32 s10, s0;
	s9 =	sadd.s32 $0x4000, s7;
	s26 =	sadd.s32 $0x8000, s7  }
0x10: {  	s10 =	sadd.s32 $0xC000, s7;
	s11 =	sadd.s32 $0x10000, s7;
	[dreg:$0x4] =	wrdreg s9  }
0x11: {  	v1 =	vimm.f32 $0.0e+00;
	v0 =	vmov s8;
	[dreg:$0x5] =	wrdreg s26;
	s13 =	sadd.s32 $0x5D200, s0;
	s26 =	simm.s32 $0xF00  }
.LBB2_1:
0x12: {  	s0 =	simm.s32 $0x0;
	s1 =	simm.s32 $0x200  }
.LBB2_2:
0x13: {  	p0 =	sne.s32 s1, $0xFE00;
	[tilespmem:s0+$0x2070] =	vst v1  }
0x14: {  	[tilespmem:s0+$0x2000] =	vst v1  }
0x15: {  	[tilespmem:s0+$0x2010] =	vst v1  }
.Ltmp0:
0x16: {  	[tilespmem:s0+$0x2020] =	vst v1;
	(pc) =	sbr.rel @p0 .LBB2_2-.Ltmp0, $4  }
0x17: {  	[tilespmem:s0+$0x2030] =	vst v1  }
0x18: {  	[tilespmem:s0+$0x2040] =	vst v1  }
0x19: {  	[tilespmem:s0+$0x2050] =	vst v1  }
0x1a: {  	[tilespmem:s0+$0x2060] =	vst v1;
	s0 =	sshra.s32 s1, $0x2;
	s1 =	sadd.s32 $0x200, s1  }
0x1b: {  	[tilespmem:s0+$0x2070] =	vst v1  }
0x1c: {  	[tilespmem:s0+$0x2000] =	vst v1  }
0x1d: {  	[tilespmem:s0+$0x2010] =	vst v1  }
0x1e: {  	[tilespmem:s0+$0x2020] =	vst v1  }
0x1f: {  	[tilespmem:s0+$0x2030] =	vst v1  }
0x20: {  	[tilespmem:s0+$0x2040] =	vst v1  }
0x21: {  	[tilespmem:s0+$0x2050] =	vst v1  }
0x22: {  	[tilespmem:s0+$0x2060] =	vst v1  }
0x23: {  	[spmem:s7] =	stream.linear.scatter [tilespmem:s15], [sflag:$0x5], $0x4000, $0x38;
	[tilespmem:$0x1E000] =	vst v63  }
0x24: {  	_ =	swait.ge [sflag:s16], $0x4000  }
0x25: {  	[sflag:s16] =	ssyncset.done $0x0  }
0x26: {  	s8 =	rddreg [dreg:$0x4];
	[sflag:s16] =	ssyncadd.s32 $0xFFFFC000  }
0x27: {  	[spmem:s8] =	stream.linear.scatter [tilespmem:s15], [sflag:$0x5], $0x4000, $0x38;
	[tilespmem:$0x1E000] =	vst v63  }
0x28: {  	_ =	swait.ge [sflag:s16], $0x4000  }
0x29: {  	[sflag:s16] =	ssyncset.done $0x0  }
0x2a: {  	s9 =	rddreg [dreg:$0x5];
	[sflag:s16] =	ssyncadd.s32 $0xFFFFC000  }
0x2b: {  	[spmem:s9] =	stream.linear.scatter [tilespmem:s15], [sflag:$0x5], $0x4000, $0x38;
	[tilespmem:$0x1E000] =	vst v63  }
0x2c: {  	_ =	swait.ge [sflag:s16], $0x4000  }
0x2d: {  	[sflag:s16] =	ssyncset.done $0x0  }
0x2e: {  	[sflag:s16] =	ssyncadd.s32 $0xFFFFC000  }
0x2f: {  	[spmem:s10] =	stream.linear.scatter [tilespmem:s15], [sflag:$0x5], $0x4000, $0x38;
	[tilespmem:$0x1E000] =	vst v63  }
0x30: {  	_ =	swait.ge [sflag:s16], $0x4000  }
0x31: {  	[sflag:s16] =	ssyncset.done $0x0  }
0x32: {  	[sflag:s16] =	ssyncadd.s32 $0xFFFFC000  }
0x33: {  	[spmem:s11] =	stream.linear.scatter [tilespmem:s15], [sflag:$0x5], $0x4000, $0x38;
	[tilespmem:$0x1E000] =	vst v63  }
0x34: {  	_ =	swait.ge [sflag:s16], $0x4000  }
0x35: {  	[sflag:s16] =	ssyncset.done $0x0  }
0x36: {  	[sflag:s16] =	ssyncadd.s32 $0xFFFFC000  }
0x37: {  	s1 =	simm.s32 $0x0;
	[bflag:$0x0] =	sbarrier.arrive $0xFFFF  }
.LBB2_4:
0x38: {  	s0 =	sshll.u32 s1, $0xC  }
0x39: {  	s0 =	sadd.s32 s12, s0  }
0x3a: {  	s0 =	sshrl.u32 s0, $0x3  }
0x3b: {  	s8 =	sadd.s32 s5, s0  }
0x3c: {  	[tilespmem:s31], [sflag:$0x5] =	stream.linear.gather [hbm4b:s8+s31], $0x1000, $0x38;
	[tilespmem:$0x1E000] =	vst v63  }
0x3d: {  	_ =	swait.ge [sflag:s16], $0x1000  }
0x3e: {  	[sflag:s16] =	ssyncset.done $0x0  }
0x3f: {  	s0 =	sadd.s32 s2, s0;
	[sflag:s16] =	ssyncadd.s32 $0xFFFFF000  }
0x40: {  	[tilespmem:s17], [sflag:$0x5] =	stream.linear.gather [hbm4b:s0+s31], $0x1000, $0x38;
	[tilespmem:$0x1E000] =	vst v63  }
0x41: {  	_ =	swait.ge [sflag:s16], $0x1000  }
0x42: {  	[sflag:s16] =	ssyncset.done $0x0  }
0x43: {  	s0 =	simm.s32 $0x0;
	[sflag:s16] =	ssyncadd.s32 $0xFFFFF000  }
0x44: {  	v4 =	vld [tilespmem:s0+$0x0]  }
0x45: {  	v6 =	vld [tilespmem:s0+$0x10]  }
0x46: {  	v5 =	vld [tilespmem:s0+$0x20]  }
0x47: {  	v3 =	vld [tilespmem:s0+$0x30]  }
0x48: {  	v2 =	vld [tilespmem:s0+$0x40]  }
0x49: {  	v7 =	vadd.s32 v0, v4;
	v4 =	vld [tilespmem:s0+$0x50]  }
0x4a: {  	s8 =	simm.s32 $0x200;
	[tilespmem:s0+$0x0] =	vst v7;
	v7 =	vadd.s32 v0, v6;
	v6 =	vld [tilespmem:s0+$0x60]  }
.LBB2_5:
0x4b: {  	s9 =	sshra.s32 s8, $0x2;
	p0 =	sne.s32 s8, $0x3E00;
	[tilespmem:s0+$0x10] =	vst v7;
	v5 =	vadd.s32 v0, v5;
	v7 =	vld [tilespmem:s0+$0x70]  }
0x4c: {  	v8 =	vld [tilespmem:s9+$0x0];
	[tilespmem:s0+$0x20] =	vst v5;
	v3 =	vadd.s32 v0, v3  }
0x4d: {  	v9 =	vld [tilespmem:s9+$0x10];
	[tilespmem:s0+$0x30] =	vst v3;
	v2 =	vadd.s32 v0, v2  }
.Ltmp1:
0x4e: {  	v5 =	vld [tilespmem:s9+$0x20];
	[tilespmem:s0+$0x40] =	vst v2;
	v2 =	vadd.s32 v0, v4;
	(pc) =	sbr.rel @p0 .LBB2_5-.Ltmp1, $4  }
0x4f: {  	v3 =	vld [tilespmem:s9+$0x30];
	[tilespmem:s0+$0x50] =	vst v2;
	v4 =	vadd.s32 v0, v6  }
0x50: {  	v2 =	vld [tilespmem:s9+$0x40];
	[tilespmem:s0+$0x60] =	vst v4;
	v6 =	vadd.s32 v0, v7  }
0x51: {  	v7 =	vadd.s32 v0, v8;
	v4 =	vld [tilespmem:s9+$0x50];
	[tilespmem:s0+$0x70] =	vst v6;
	s0 =	smov.u32 s9  }
0x52: {  	s8 =	sadd.s32 $0x200, s8;
	[tilespmem:s0+$0x0] =	vst v7;
	v7 =	vadd.s32 v0, v9;
	v6 =	vld [tilespmem:s0+$0x60]  }
0x53: {  	[tilespmem:s0+$0x10] =	vst v7;
	v5 =	vadd.s32 v0, v5;
	v63 =	vld [tilespmem:s0+$0x70]  }
0x54: {  	[tilespmem:s0+$0x20] =	vst v5;
	v3 =	vadd.s32 v0, v3  }
0x55: {  	[tilespmem:s0+$0x30] =	vst v3;
	v2 =	vadd.s32 v0, v2  }
0x56: {  	[tilespmem:s0+$0x40] =	vst v2;
	v2 =	vadd.s32 v0, v4  }
0x57: {  	[tilespmem:s0+$0x50] =	vst v2;
	v2 =	vadd.s32 v0, v6  }
0x58: {  	[tilespmem:s0+$0x60] =	vst v2;
	v2 =	vadd.s32 v0, v63  }
0x59: {  	s8 =	simm.s32 $0x0;
	[tilespmem:s0+$0x70] =	vst v2  }
0x5a: {  	[tilespmem:s15], [sflag:$0x1] =	stream.indirect.gather [hbm4b:s6+s18], $0x80, s8, s18, $0xb8;
	[tilespmem:$0x1E000] =	vst v63  }
0x5b: {  	_ = 	snop  }
0x5c: {  	[tilespmem:s19], [sflag:$0x2] =	stream.indirect.gather [hbm4b:s6+s18], $0x80, s18, s18, $0xb8;
	[tilespmem:$0x1E000] =	vst v63  }
0x5d: {  	_ =	swait.ge [sflag:s20], $0x4000  }
0x5e: {  	[sflag:s20] =	ssyncset.done $0x0  }
0x5f: {  	s9 =	simm.s32 $0x1000;
	[sflag:s20] =	ssyncadd.s32 $0xFFFFC000  }
0x60: {  	[spmem:s3] =	stream.indirect.scatter.add.f32 [tilespmem:s15], [sflag:$0x3], $0x80, s9, s18, $0xb8;
	[tilespmem:$0x1E000] =	vst v63  }
0x61: {  	_ =	swait.ge [sflag:s21], $0x4000  }
0x62: {  	[sflag:s21] =	ssyncset.done $0x0  }
0x63: {  	s8 =	simm.s32 $0x1080;
	[sflag:s21] =	ssyncadd.s32 $0xFFFFC000  }
0x64: {  	[spmem:s3] =	stream.indirect.scatter.add.f32 [tilespmem:s19], [sflag:$0x4], $0x80, s8, s18, $0xb8;
	[tilespmem:$0x1E000] =	vst v63  }
0x65: {  	_ =	swait.ge [sflag:s22], $0x4000  }
0x66: {  	[sflag:s22] =	ssyncset.done $0x0  }
0x67: {  	s9 =	simm.s32 $0x100;
	[sflag:s22] =	ssyncadd.s32 $0xFFFFC000  }
0x68: {  	[tilespmem:s15], [sflag:$0x1] =	stream.indirect.gather [hbm4b:s6+s18], $0x80, s9, s18, $0xb8;
	[tilespmem:$0x1E000] =	vst v63  }
0x69: {  	_ =	swait.ge [sflag:s23], $0x4000  }
0x6a: {  	[sflag:s23] =	ssyncset.done $0x0  }
0x6b: {  	s0 =	simm.s32 $0x400;
	s8 =	simm.s32 $0x180;
	[sflag:s23] =	ssyncadd.s32 $0xFFFFC000  }
.LBB2_7:
0x6c: {  	[tilespmem:s19], [sflag:$0x2] =	stream.indirect.gather [hbm4b:s6+s18], $0x80, s8, s18, $0xb8;
	[tilespmem:$0x1E000] =	vst v63  }
0x6d: {  	s8 =	smov.u32 s0  }
0x6e: {  	p0 =	sne.s32 s0, $0x3400;
	s0 =	sadd.s32 $0x400, s0;
	_ =	swait.ge [sflag:s20], $0x4000  }
0x6f: {  	s8 =	sshra.s32 s8, $0x2;
	[sflag:s20] =	ssyncset.done $0x0  }
0x70: {  	s9 =	sadd.s32 $0x1000, s8;
	[sflag:s20] =	ssyncadd.s32 $0xFFFFC000  }
0x71: {  	[spmem:s3] =	stream.indirect.scatter.add.f32 [tilespmem:s15], [sflag:$0x3], $0x80, s9, s18, $0xb8;
	[tilespmem:$0x1E000] =	vst v63  }
0x72: {  	_ =	swait.ge [sflag:s21], $0x4000  }
0x73: {  	[sflag:s21] =	ssyncset.done $0x0  }
0x74: {  	s9 =	sadd.s32 $0x1080, s8;
	[sflag:s21] =	ssyncadd.s32 $0xFFFFC000  }
0x75: {  	[spmem:s3] =	stream.indirect.scatter.add.f32 [tilespmem:s19], [sflag:$0x4], $0x80, s9, s18, $0xb8;
	[tilespmem:$0x1E000] =	vst v63  }
0x76: {  	_ =	swait.ge [sflag:s22], $0x4000  }
0x77: {  	[sflag:s22] =	ssyncset.done $0x0  }
.Ltmp2:
0x78: {  	s9 =	sadd.s32 $0x100, s8;
	[sflag:s22] =	ssyncadd.s32 $0xFFFFC000;
	(pc) =	sbr.rel @p0 .LBB2_7-.Ltmp2, $4  }
0x79: {  	[tilespmem:s15], [sflag:$0x1] =	stream.indirect.gather [hbm4b:s6+s18], $0x80, s9, s18, $0xb8;
	[tilespmem:$0x1E000] =	vst v63  }
0x7a: {  	_ =	swait.ge [sflag:s23], $0x4000  }
0x7b: {  	[sflag:s23] =	ssyncset.done $0x0  }
0x7c: {  	s8 =	sadd.s32 $0x180, s8;
	[sflag:s23] =	ssyncadd.s32 $0xFFFFC000  }
0x7d: {  	[tilespmem:s19], [sflag:$0x2] =	stream.indirect.gather [hbm4b:s6+s18], $0x80, s8, s18, $0xb8;
	[tilespmem:$0x1E000] =	vst v63  }
0x7e: {  	_ =	swait.ge [sflag:s20], $0x4000  }
0x7f: {  	[sflag:s20] =	ssyncset.done $0x0  }
0x80: {  	[sflag:s20] =	ssyncadd.s32 $0xFFFFC000  }
0x81: {  	[spmem:s3] =	stream.indirect.scatter.add.f32 [tilespmem:s15], [sflag:$0x3], $0x80, s24, s18, $0xb8;
	[tilespmem:$0x1E000] =	vst v63  }
0x82: {  	_ =	swait.ge [sflag:s21], $0x4000  }
0x83: {  	[sflag:s21] =	ssyncset.done $0x0  }
0x84: {  	[sflag:s21] =	ssyncadd.s32 $0xFFFFC000  }
0x85: {  	[spmem:s3] =	stream.indirect.scatter.add.f32 [tilespmem:s19], [sflag:$0x4], $0x80, s25, s18, $0xb8;
	[tilespmem:$0x1E000] =	vst v63  }
0x86: {  	_ =	swait.ge [sflag:s22], $0x4000  }
0x87: {  	[sflag:s22] =	ssyncset.done $0x0  }
0x88: {  	[sflag:s22] =	ssyncadd.s32 $0xFFFFC000  }
0x89: {  	[tilespmem:s15], [sflag:$0x1] =	stream.indirect.gather [hbm4b:s6+s18], $0x80, s26, s18, $0xb8;
	[tilespmem:$0x1E000] =	vst v63  }
0x8a: {  	_ =	swait.ge [sflag:s23], $0x4000  }
0x8b: {  	[sflag:s23] =	ssyncset.done $0x0  }
0x8c: {  	[sflag:s23] =	ssyncadd.s32 $0xFFFFC000  }
0x8d: {  	[tilespmem:s19], [sflag:$0x2] =	stream.indirect.gather [hbm4b:s6+s18], $0x80, s28, s18, $0xb8;
	[tilespmem:$0x1E000] =	vst v63  }
0x8e: {  	_ =	swait.ge [sflag:s20], $0x4000  }
0x8f: {  	[sflag:s20] =	ssyncset.done $0x0  }
0x90: {  	[sflag:s20] =	ssyncadd.s32 $0xFFFFC000  }
0x91: {  	[spmem:s3] =	stream.indirect.scatter.add.f32 [tilespmem:s15], [sflag:$0x3], $0x80, s29, s18, $0xb8;
	[tilespmem:$0x1E000] =	vst v63  }
0x92: {  	_ =	swait.ge [sflag:s21], $0x4000  }
0x93: {  	[sflag:s21] =	ssyncset.done $0x0  }
0x94: {  	[sflag:s21] =	ssyncadd.s32 $0xFFFFC000  }
0x95: {  	[spmem:s3] =	stream.indirect.scatter.add.f32 [tilespmem:s19], [sflag:$0x4], $0x80, s30, s18, $0xb8;
	[tilespmem:$0x1E000] =	vst v63  }
0x96: {  	_ =	swait.ge [sflag:s22], $0x4000  }
0x97: {  	[sflag:s22] =	ssyncset.done $0x0  }
0x98: {  	[sflag:s22] =	ssyncadd.s32 $0xFFFFC000  }
0x99: {  	[tilespmem:s15], [sflag:$0x1] =	stream.indirect.gather [hbm4b:s6+s18], $0x80, s28, s18, $0xb8;
	[tilespmem:$0x1E000] =	vst v63  }
0x9a: {  	_ =	swait.ge [sflag:s23], $0x4000  }
0x9b: {  	[sflag:s23] =	ssyncset.done $0x0  }
0x9c: {  	s1 =	sadd.s32 $0x1, s1;
	[sflag:s23] =	ssyncadd.s32 $0xFFFFC000  }
0x9d: {  	[tilespmem:s19], [sflag:$0x2] =	stream.indirect.gather [hbm4b:s6+s18], $0x80, s28, s18, $0xb8;
	[tilespmem:$0x1E000] =	vst v63  }
0x9e: {  	p0 =	sne.s32 s1, $0x5;
	_ =	swait.ge [sflag:s20], $0x4000  }
.Ltmp3:
0x9f: {  	[sflag:s20] =	ssyncset.done $0x0;
	(pc) =	sbr.rel @p0 .LBB2_4-.Ltmp3, $4  }
0xa0: {  	[sflag:s20] =	ssyncadd.s32 $0xFFFFC000  }
0xa1: {  	_ =	swait.ge [sflag:s21], $0x4000  }
0xa2: {  	[sflag:s21] =	ssyncset.done $0x0  }
0xa3: {  	[sflag:s21] =	ssyncadd.s32 $0xFFFFC000  }
0xa4: {  	s0 =	stileid.u32;
	s4 =	sadd.s32 $0x1, s4  }
0xa5: {  	[bflag:$0x0] =	sbarrier.arrive $0xFFFF;
	s0 =	sshll.u32 s0, $0x6;
	p0 =	sne.s32 s4, s14  }
.Ltmp4:
0xa6: {  	s1 =	sshrl.u32 s7, $0x3;
	s0 =	sor.u32 $0x1C05, s0;
	(pc) =	sbr.rel @p0 .LBB2_1-.Ltmp4, $4  }
0xa7: {  	[hbm:s13], [sflag:s0] =	dma.local [spmem:s1], $0x2800  }
0xa8: {  	_ =	swait.ge [sflag:s16], $0x2800  }
0xa9: {  	[sflag:s16] =	ssyncset.done $0x0  }
0xaa: {  	[sflag:s16] =	ssyncadd.s32 $0xFFFFD800  }
0xab: {  	_ =	sfence.sel $0x180000  }
0xac: {  	[bflag:$0x0] =	sbarrier.arrive $0xFFFF  }
0xad: {  	_ =	strace $0x9000004D  }
0xae: {  	s0 =	stileid.u32;
	[bflag:$0x2] =	sbarrier.arrive $0xFFFF  }
0xaf: {  	p0 =	sne.s32 s0, $0x0;
	s0 =	rddreg [dreg:$0x3]  }
0xb0: {  	s0 =	sadd.s32 @!p0 $0x100000, s0  }
0xb1: {  	[sflag:s0] =	ssyncadd.tile.s32 @!p0 $0x1;
	_ =	shalt  }
.Lfunc_end2:
_tile_overlayer_lowered:
.L_overlay_start_2:
0xb2: {  	(tag) =	ssettag $0x2  }
0xb3: {  	s0 =	rddreg [dreg:$0x0];
	s2 =	stileid.u32  }
0xb4: {  	s1 =	rddreg [dreg:$0x1];
	p0 =	sne.s32 s2, $0x0  }
0xb5: {  	s3 =	rddreg [dreg:$0x2];
	[bflag:$0x3] =	sbarrier.arrive $0xFFFF;
	s2 =	simm.s32 @!p0 $0x1C05  }
0xb6: {  	[timem:s3], [sflag:s2] =	dma.local @!p0 [hbm:s0], s1  }
0xb7: {  	s0 =	simm.s32 @!p0 $0x5  }
0xb8: {  	_ =	swait.ge @!p0 [sflag:s0], s1  }
0xb9: {  	s1 =	ssub.s32 @!p0 $0x0, s1;
	[sflag:s0] =	ssyncset.done @!p0 $0x0  }
0xba: {  	[sflag:s0] =	ssyncadd.s32 @!p0 s1  }
0xbb: {  	[bflag:$0x3] =	sbarrier.arrive $0xFFFF  }
0xbc: {  	_ =	shalt  }

// kernel: kernel.19.cloned.1.call-start
scs
__scs_entry_jumppad:
0x0: {  	(pc) =	sbr.rel $0x88, $3  }
0x1: {  	(tag) =	ssettag $0x0;
	lr =	simm.s32 $0x1  }
0x2: {  	[smem:$0x3F99] =	sst lr;
	_ =	strace $0xD0000000  }
0x3: {  	_ = 	snop  }
0x4: {  	_ = 	snop  }
0x5: {  	_ = 	snop  }
0x6: {  	_ = 	snop  }
0x7: {  	_ = 	snop  }
__scs_overlays_trampoline_lowered:
0x8: {  	[smem:$0x3FA8] =	sst s0  }
0x9: {  	[smem:$0x3FA9] =	sst s1  }
0xa: {  	[smem:$0x3FAA] =	sst s2  }
0xb: {  	[smem:$0x3FAB] =	sst s3  }
0xc: {  	[smem:$0x3FAC] =	sst s4  }
0xd: {  	[smem:$0x3FAD] =	sst s5  }
0xe: {  	[smem:$0x3FAE] =	sst s6  }
0xf: {  	[smem:$0x3FAF] =	sst s7  }
0x10: {  	[smem:$0x3FB0] =	sst s8  }
0x11: {  	[smem:$0x3FB1] =	sst s9;
	s0 =	simm.s32 @!p0 $0x0  }
0x12: {  	s1 =	sld [smem:$0x3F97];
	s0 =	simm.s32 @p0 $0x1  }
0x13: {  	[smem:$0x3FB2] =	sst s0;
	s0 =	simm.s32 @!p1 $0x0  }
0x14: {  	s2 =	sld [smem:$0x3F96];
	s0 =	simm.s32 @p1 $0x1  }
0x15: {  	[smem:$0x3FB3] =	sst s0;
	s0 =	simm.s32 @!p2 $0x0  }
0x16: {  	s3 =	sld [smem:$0x3FDB];
	s0 =	simm.s32 @p2 $0x1  }
0x17: {  	s4 =	simm.s32 $0x1BF5;
	[smem:$0x3FB5] =	sst s0  }
0x18: {  	s0 =	sld [smem:$0x3F98];
	_ =	swait.ge [sflag:s4], $0x0  }
0x19: {  	s7 =	sld [smem:$0x3F99]  }
0x1a: {  	s8 =	sadd.s32 $0xFFFFE003, lr  }
0x1b: {  	s9 =	sadd.s32 $0xFFFFFEF7, lr;
	s5 =	simm.s32 $0xFFFFFFFF;
	p2 =	slt.u32 s8, $0xFFFFF086  }
0x1c: {  	p1 =	slt.u32 s9, $0xF7A;
	s5 =	simm.s32 @!p2 $0x0  }
0x1d: {  	s5 =	simm.s32 @p1 $0x1;
	p0 =	seq.s32 s7, s2  }
0x1e: {  	s7 =	smul.u32 @!p0 $0xF7A, s2;
	p2 =	seq.s32 @!p0 s5, $0x0  }
0x1f: {  	s9 =	smul.u32 $0xF7A, s1;
	s8 =	simm.s32 @!p0 $0x1BF5;
	p2 =	por !p2, p0  }
0x20: {  	[sflag:s8] =	ssyncset.s32 @!p0 $0xFFFFF086;
	s6 =	sadd.s32 @!p0 s3, s7;
	s7 =	simm.s32 @!p0 $0x108  }
0x21: {  	s3 =	sadd.s32 s3, s9;
	s6 =	sadd.s32 @!p0 $0x88, s6;
	s7 =	simm.s32 @p2 $0x1082  }
0x22: {  	[simem:s7], [sflag:s8] =	dma.local @!p0 [hbm:s6], $0xF7A  }
0x23: {  	s9 =	sor.u32 $0xD0000000, s2;
	s6 =	simm.s32 $0x108;
	_ =	swait.ge @!p0 [sflag:s8], $0x0  }
0x24: {  	s3 =	sadd.s32 $0x88, s3;
	s6 =	simm.s32 @!p1 $0x1082;
	[sflag:s4] =	ssyncset.s32 $0xFFFFF086  }
0x25: {  	[simem:s6], [sflag:s4] =	dma.local [hbm:s3], $0xF7A  }
0x26: {  	[smem:$0x3F99] =	sst s1;
	(tag) =	ssettag s2;
	_ =	strace s9  }
0x27: {  	s1 =	sld [smem:$0x3FA9]  }
0x28: {  	s2 =	sld [smem:$0x3FAA]  }
0x29: {  	s4 =	sld [smem:$0x3FAC]  }
0x2a: {  	p0 =	seq.s32 s5, $0x0;
	s5 =	sld [smem:$0x3FAD]  }
0x2b: {  	s6 =	sld [smem:$0x3FAE]  }
0x2c: {  	s7 =	sld [smem:$0x3FAF]  }
0x2d: {  	s3 =	simm.s32 $0x108;
	s8 =	sld [smem:$0x3FB0]  }
0x2e: {  	s3 =	simm.s32 @!p0 $0x1082;
	s9 =	sld [smem:$0x3FB1]  }
0x2f: {  	lr =	sadd.s32 s0, s3;
	s0 =	sld [smem:$0x3FA8]  }
0x30: {  	s3 =	sld [smem:$0x3FAB]  }
0x31: {  	[smem:$0x3FB4] =	sst s10  }
0x32: {  	s10 =	sld [smem:$0x3FB2];
	_ =	sdelay $0x3  }
0x33: {  	p0 =	seq.s32 s10, $0x1;
	s10 =	sld [smem:$0x3FB4];
	_ =	sdelay $0x3  }
0x34: {  	[smem:$0x3FB4] =	sst s10  }
0x35: {  	s10 =	sld [smem:$0x3FB3];
	_ =	sdelay $0x3  }
0x36: {  	p1 =	seq.s32 s10, $0x1;
	s10 =	sld [smem:$0x3FB4];
	_ =	sdelay $0x3  }
0x37: {  	[smem:$0x3FB4] =	sst s10  }
0x38: {  	s10 =	sld [smem:$0x3FB5]  }
0x39: {  	_ = 	snop;
	(pc) =	sbr.ind lr, $3  }
0x3a: {  	_ = 	snop  }
0x3b: {  	_ = 	snop  }
0x3c: {  	p2 =	seq.s32 s10, $0x1;
	s10 =	sld [smem:$0x3FB4]  }
0x3d: {  	_ =	shalt  }
0x3e: {  	_ =	shalt  }
0x3f: {  	_ =	shalt  }
0x40: {  	_ =	shalt  }
0x41: {  	_ =	shalt  }
0x42: {  	_ =	shalt  }
0x43: {  	_ =	shalt  }
0x44: {  	_ =	shalt  }
0x45: {  	_ =	shalt  }
0x46: {  	_ =	shalt  }
0x47: {  	_ =	shalt  }
0x48: {  	_ =	shalt  }
0x49: {  	_ =	shalt  }
0x4a: {  	_ =	shalt  }
0x4b: {  	_ =	shalt  }
0x4c: {  	_ =	shalt  }
0x4d: {  	_ =	shalt  }
0x4e: {  	_ =	shalt  }
0x4f: {  	_ =	shalt  }
0x50: {  	_ =	shalt  }
0x51: {  	_ =	shalt  }
0x52: {  	_ =	shalt  }
0x53: {  	_ =	shalt  }
0x54: {  	_ =	shalt  }
0x55: {  	_ =	shalt  }
0x56: {  	_ =	shalt  }
0x57: {  	_ =	shalt  }
0x58: {  	_ =	shalt  }
0x59: {  	_ =	shalt  }
0x5a: {  	_ =	shalt  }
0x5b: {  	_ =	shalt  }
0x5c: {  	_ =	shalt  }
0x5d: {  	_ =	shalt  }
0x5e: {  	_ =	shalt  }
0x5f: {  	_ =	shalt  }
0x60: {  	_ =	shalt  }
0x61: {  	_ =	shalt  }
0x62: {  	_ =	shalt  }
0x63: {  	_ =	shalt  }
0x64: {  	_ =	shalt  }
0x65: {  	_ =	shalt  }
0x66: {  	_ =	shalt  }
0x67: {  	_ =	shalt  }
0x68: {  	_ =	shalt  }
0x69: {  	_ =	shalt  }
0x6a: {  	_ =	shalt  }
0x6b: {  	_ =	shalt  }
0x6c: {  	_ =	shalt  }
0x6d: {  	_ =	shalt  }
0x6e: {  	_ =	shalt  }
0x6f: {  	_ =	shalt  }
0x70: {  	_ =	shalt  }
0x71: {  	_ =	shalt  }
0x72: {  	_ =	shalt  }
0x73: {  	_ =	shalt  }
0x74: {  	_ =	shalt  }
0x75: {  	_ =	shalt  }
0x76: {  	_ =	shalt  }
0x77: {  	_ =	shalt  }
0x78: {  	_ =	shalt  }
0x79: {  	_ =	shalt  }
0x7a: {  	_ =	shalt  }
0x7b: {  	_ =	shalt  }
0x7c: {  	_ =	shalt  }
0x7d: {  	_ =	shalt  }
0x7e: {  	_ =	shalt  }
0x7f: {  	_ =	shalt  }
0x80: {  	_ =	shalt  }
0x81: {  	_ =	shalt  }
0x82: {  	_ =	shalt  }
0x83: {  	_ =	shalt  }
0x84: {  	_ =	shalt  }
0x85: {  	_ =	shalt  }
0x86: {  	_ =	shalt  }
0x87: {  	_ =	shalt  }
.Lfunc_end0:
.L_simem_size_0:
called_computation.3_lowered:
.L_overlay_start_0:
0x88: {  	s2 =	sld [smem:$0x3FD9]  }
0x89: {  	s3 =	sld [smem:$0x3FFE];
	_ =	sdelay $0x1  }
0x8a: {  	s1 =	srdreg.scid  }
0x8b: {  	s0 =	sand.u32 $0x1, s1  }
0x8c: {  	s17 =	sshll.u32 s0, $0xA;
	s2 =	sadd.s32 s3, s2  }
0x8d: {  	s2 =	sadd.s32 s2, s17  }
0x8e: {  	[smem:$0x3FC0] =	sst s2  }
0x8f: {  	_ = 	snop  }
0x90: {  	s2 =	sld [smem:$0x3FD0];
	(tm) =	ssettm $0x1  }
0x91: {  	s18 =	sld [smem:$0x3FFB];
	_ =	sdelay $0x3  }
0x92: {  	_ =	strace s18  }
0x93: {  	s3 =	sld [smem:$0x3FFC];
	_ =	sdelay $0x3  }
0x94: {  	_ =	strace s3  }
0x95: {  	s3 =	sld [smem:$0x3FFD];
	_ =	sdelay $0x3  }
0x96: {  	_ =	strace s3  }
0x97: {  	_ =	strace $0x8FFFFFFF  }
0x98: {  	s19 =	sld [smem:$0x3FDB];
	_ =	sdelay $0x1  }
0x99: {  	s4 =	simm.s32 $_scs_section_size  }
0x9a: {  	s5 =	simm.s32 $_size__tile_overlayer_lowered;
	s6 =	simm.s32 $_tile_overlayer_lowered  }
0x9b: {  	s22 =	simm.s32 $0x1BFF;
	s21 =	sshll.u32 s6, $0x1;
	s3 =	sadd.s32 s4, s19  }
0x9c: {  	s7 =	simm.s32 $0x0;
	s20 =	sshll.u32 s5, $0x1;
	s5 =	sadd.s32 s21, s3  }
0x9d: {  	[timem:s7], [sflag:s22] =	dma.local [hbm:s5], s20  }
0x9e: {  	_ =	swait.ge [sflag:s22], s20  }
0x9f: {  	s4 =	ssub.s32 $0x0, s20;
	[sflag:s22] =	ssyncset.done $0x0  }
0xa0: {  	[sflag:s22] =	ssyncadd.s32 s4;
	_ =	sdelay $0x1  }
0xa1: {  	s23 =	simm.s32 $0x1B8B  }
0xa2: {  	_ =	swait.ge [sflag:s23], $0x1  }
0xa3: {  	[sflag:s23] =	ssyncset.done $0x0  }
0xa4: {  	s25 =	simm.s32 $0x1B8E;
	s24 =	sld [smem:$0x3FFE];
	[sflag:s23] =	ssyncadd.s32 $0xFFFFFFFF  }
0xa5: {  	s26 =	simm.s32 $execute0_lowered;
	[smem:$0x3FD2] =	sst s25  }
0xa6: {  	s5 =	sshll.u32 s26, $0x1;
	_ =	strace $0x8000004F;
	[dreg:$0x1] =	wrdreg $0xFFFFFFFF  }
0xa7: {  	s28 =	simm.s32 $_size_execute0_lowered;
	s3 =	sadd.s32 s3, s5;
	[dreg:$0x0] =	wrdreg $0x0  }
0xa8: {  	s5 =	sshll.u32 s28, $0x1;
	[dreg:$0x2] =	wrdreg s3  }
0xa9: {  	[dreg:$0x3] =	wrdreg s5  }
0xaa: {  	[dreg:$0x4] =	wrdreg $0xC0  }
0xab: {  	_ =	task [dreg:s7], $0x5FFFF  }
0xac: {  	[dreg:$0x1] =	wrdreg $0xFFFFFFFF  }
0xad: {  	[dreg:$0x0] =	wrdreg $0x60  }
0xae: {  	[dreg:$0x2] =	wrdreg s24  }
0xaf: {  	[dreg:$0x3] =	wrdreg s2  }
0xb0: {  	[dreg:$0x4] =	wrdreg $0xA0000  }
0xb1: {  	[dreg:$0x5] =	wrdreg $0x9  }
0xb2: {  	_ =	task.clear_ibuf [dreg:s7], $0x6FFFF;
	_ =	strace $0x9000004F  }
0xb3: {  	s29 =	simm.s32 $0x9;
	_ =	strace $0x80000051  }
0xb4: {  	_ =	swait.ge [sflag:s29], $0x1  }
0xb5: {  	[sflag:s29] =	ssyncadd.s32 $0xFFFFFFFF  }
0xb6: {  	_ =	strace $0x90000051  }
0xb7: {  	_ =	sfence  }
0xb8: {  	s30 =	sld [smem:$0x0];
	_ =	sdelay $0x2  }
0xb9: {  	s31 =	sshll.u32 s1, $0xD;
	s1 =	sshrl.u32 s1, $0x2  }
0xba: {  	s3 =	sand.u32 $0x4000, s31;
	s1 =	sadd.s32 s1, s30  }
0xbb: {  	s0 =	sor.u32 s3, s0;
	s1 =	sshll.u32 s1, $0x11  }
0xbc: {  	s0 =	sor.u32 s1, s0  }
0xbd: {  	s0 =	sadd.s32 $0x8F2B, s0  }
0xbe: {  	[sflag:s0] =	ssyncadd.remote.s32 $0x1  }
0xbf: {  	_ =	sfence.sel $0xFFFF  }
0xc0: {  	[dreg:$0x0] =	wrdreg $0xFFFFFFFF;
	(pc) =	sbr.abs _section_cstart, $3  }
0xc1: {  	[dreg:$0x1] =	wrdreg $0xFFFFFFFF  }
0xc2: {  	_ =	task.clear_ibuf [dreg:s7], $0x2FFFF;
	_ =	strace $0x9FFFFFFF  }
0xc3: {  	(tm) =	ssettm $0x7FFFFFFF  }
tec
execute0_lowered:
.L_overlay_start_1:
0x0: {  	(tag) =	ssettag $0x1  }
0x1: {  	s0 =	rddreg [dreg:$0x0]  }
0x2: {  	s2 =	rddreg [dreg:$0x1];
	s1 =	srdreg.scid  }
0x3: {  	s12 =	stileid.u32;
	s3 =	rddreg [dreg:$0x2]  }
0x4: {  	s4 =	simm.s32 $0x0;
	s15 =	simm.s32 $0x2000;
	s16 =	simm.s32 $0x5  }
0x5: {  	s17 =	simm.s32 $0x1000;
	s18 =	simm.s32 $0x80;
	s19 =	simm.s32 $0x6000  }
0x6: {  	s20 =	simm.s32 $0x1;
	s21 =	simm.s32 $0x2;
	s22 =	simm.s32 $0x3  }
0x7: {  	s23 =	simm.s32 $0x4;
	s24 =	simm.s32 $0x1E00;
	s25 =	simm.s32 $0x1E80  }
0x8: {  	s28 =	simm.s32 $0xF80;
	s29 =	simm.s32 $0x1F00;
	s30 =	simm.s32 $0x1F80  }
0x9: {  	s31 =	simm.s32 $0x0;
	s1 =	sand.u32 $0x1, s1;
	s7 =	smul.u32 $0x280, s12  }
0xa: {  	[smem:$0x7FF] =	sst s4;
	s9 =	smul.u32 $0x50000, s12;
	s5 =	sadd.s32 $0x3200, s0  }
0xb: {  	s6 =	sadd.s32 $0xD200, s0;
	s8 =	smul.u32 $0x2800, s1;
	s1 =	ssub.s32 $0x2, s1  }
0xc: {  	s12 =	smul.u32 $0x5000, s12;
	_ =	strace $0x80000050;
	s11 =	sshrl.u32 s1, $0x1  }
0xd: {  	s9 =	sshrl.u32 s9, $0x2;
	s7 =	sadd.s32 s7, s8;
	s1 =	ssub.s32 s1, s11  }
0xe: {  	s10 =	sshll.u32 s7, $0x4;
	s7 =	sadd.s32 s9, s3;
	s14 =	smax.u32 s1, $0x1  }
0xf: {  	s0 =	sadd.s32 s10, s0;
	s9 =	sadd.s32 $0x4000, s7;
	s26 =	sadd.s32 $0x8000, s7  }
0x10: {  	s10 =	sadd.s32 $0xC000, s7;
	s11 =	sadd.s32 $0x10000, s7;
	[dreg:$0x4] =	wrdreg s9  }
0x11: {  	v1 =	vimm.f32 $0.0e+00;
	v0 =	vmov s8;
	[dreg:$0x5] =	wrdreg s26;
	s13 =	sadd.s32 $0x5D200, s0;
	s26 =	simm.s32 $0xF00  }
.LBB2_1:
0x12: {  	s0 =	simm.s32 $0x0;
	s1 =	simm.s32 $0x200  }
.LBB2_2:
0x13: {  	p0 =	sne.s32 s1, $0xFE00;
	[tilespmem:s0+$0x2070] =	vst v1  }
0x14: {  	[tilespmem:s0+$0x2000] =	vst v1  }
0x15: {  	[tilespmem:s0+$0x2010] =	vst v1  }
.Ltmp0:
0x16: {  	[tilespmem:s0+$0x2020] =	vst v1;
	(pc) =	sbr.rel @p0 .LBB2_2-.Ltmp0, $4  }
0x17: {  	[tilespmem:s0+$0x2030] =	vst v1  }
0x18: {  	[tilespmem:s0+$0x2040] =	vst v1  }
0x19: {  	[tilespmem:s0+$0x2050] =	vst v1  }
0x1a: {  	[tilespmem:s0+$0x2060] =	vst v1;
	s0 =	sshra.s32 s1, $0x2;
	s1 =	sadd.s32 $0x200, s1  }
0x1b: {  	[tilespmem:s0+$0x2070] =	vst v1  }
0x1c: {  	[tilespmem:s0+$0x2000] =	vst v1  }
0x1d: {  	[tilespmem:s0+$0x2010] =	vst v1  }
0x1e: {  	[tilespmem:s0+$0x2020] =	vst v1  }
0x1f: {  	[tilespmem:s0+$0x2030] =	vst v1  }
0x20: {  	[tilespmem:s0+$0x2040] =	vst v1  }
0x21: {  	[tilespmem:s0+$0x2050] =	vst v1  }
0x22: {  	[tilespmem:s0+$0x2060] =	vst v1  }
0x23: {  	[spmem:s7] =	stream.linear.scatter [tilespmem:s15], [sflag:$0x5], $0x4000, $0x38;
	[tilespmem:$0x1E000] =	vst v63  }
0x24: {  	_ =	swait.ge [sflag:s16], $0x4000  }
0x25: {  	[sflag:s16] =	ssyncset.done $0x0  }
0x26: {  	s8 =	rddreg [dreg:$0x4];
	[sflag:s16] =	ssyncadd.s32 $0xFFFFC000  }
0x27: {  	[spmem:s8] =	stream.linear.scatter [tilespmem:s15], [sflag:$0x5], $0x4000, $0x38;
	[tilespmem:$0x1E000] =	vst v63  }
0x28: {  	_ =	swait.ge [sflag:s16], $0x4000  }
0x29: {  	[sflag:s16] =	ssyncset.done $0x0  }
0x2a: {  	s9 =	rddreg [dreg:$0x5];
	[sflag:s16] =	ssyncadd.s32 $0xFFFFC000  }
0x2b: {  	[spmem:s9] =	stream.linear.scatter [tilespmem:s15], [sflag:$0x5], $0x4000, $0x38;
	[tilespmem:$0x1E000] =	vst v63  }
0x2c: {  	_ =	swait.ge [sflag:s16], $0x4000  }
0x2d: {  	[sflag:s16] =	ssyncset.done $0x0  }
0x2e: {  	[sflag:s16] =	ssyncadd.s32 $0xFFFFC000  }
0x2f: {  	[spmem:s10] =	stream.linear.scatter [tilespmem:s15], [sflag:$0x5], $0x4000, $0x38;
	[tilespmem:$0x1E000] =	vst v63  }
0x30: {  	_ =	swait.ge [sflag:s16], $0x4000  }
0x31: {  	[sflag:s16] =	ssyncset.done $0x0  }
0x32: {  	[sflag:s16] =	ssyncadd.s32 $0xFFFFC000  }
0x33: {  	[spmem:s11] =	stream.linear.scatter [tilespmem:s15], [sflag:$0x5], $0x4000, $0x38;
	[tilespmem:$0x1E000] =	vst v63  }
0x34: {  	_ =	swait.ge [sflag:s16], $0x4000  }
0x35: {  	[sflag:s16] =	ssyncset.done $0x0  }
0x36: {  	[sflag:s16] =	ssyncadd.s32 $0xFFFFC000  }
0x37: {  	s1 =	simm.s32 $0x0;
	[bflag:$0x0] =	sbarrier.arrive $0xFFFF  }
.LBB2_4:
0x38: {  	s0 =	sshll.u32 s1, $0xC  }
0x39: {  	s0 =	sadd.s32 s12, s0  }
0x3a: {  	s0 =	sshrl.u32 s0, $0x3  }
0x3b: {  	s8 =	sadd.s32 s5, s0  }
0x3c: {  	[tilespmem:s31], [sflag:$0x5] =	stream.linear.gather [hbm4b:s8+s31], $0x1000, $0x38;
	[tilespmem:$0x1E000] =	vst v63  }
0x3d: {  	_ =	swait.ge [sflag:s16], $0x1000  }
0x3e: {  	[sflag:s16] =	ssyncset.done $0x0  }
0x3f: {  	s0 =	sadd.s32 s2, s0;
	[sflag:s16] =	ssyncadd.s32 $0xFFFFF000  }
0x40: {  	[tilespmem:s17], [sflag:$0x5] =	stream.linear.gather [hbm4b:s0+s31], $0x1000, $0x38;
	[tilespmem:$0x1E000] =	vst v63  }
0x41: {  	_ =	swait.ge [sflag:s16], $0x1000  }
0x42: {  	[sflag:s16] =	ssyncset.done $0x0  }
0x43: {  	s0 =	simm.s32 $0x0;
	[sflag:s16] =	ssyncadd.s32 $0xFFFFF000  }
0x44: {  	v4 =	vld [tilespmem:s0+$0x0]  }
0x45: {  	v6 =	vld [tilespmem:s0+$0x10]  }
0x46: {  	v5 =	vld [tilespmem:s0+$0x20]  }
0x47: {  	v3 =	vld [tilespmem:s0+$0x30]  }
0x48: {  	v2 =	vld [tilespmem:s0+$0x40]  }
0x49: {  	v7 =	vadd.s32 v0, v4;
	v4 =	vld [tilespmem:s0+$0x50]  }
0x4a: {  	s8 =	simm.s32 $0x200;
	[tilespmem:s0+$0x0] =	vst v7;
	v7 =	vadd.s32 v0, v6;
	v6 =	vld [tilespmem:s0+$0x60]  }
.LBB2_5:
0x4b: {  	s9 =	sshra.s32 s8, $0x2;
	p0 =	sne.s32 s8, $0x3E00;
	[tilespmem:s0+$0x10] =	vst v7;
	v5 =	vadd.s32 v0, v5;
	v7 =	vld [tilespmem:s0+$0x70]  }
0x4c: {  	v8 =	vld [tilespmem:s9+$0x0];
	[tilespmem:s0+$0x20] =	vst v5;
	v3 =	vadd.s32 v0, v3  }
0x4d: {  	v9 =	vld [tilespmem:s9+$0x10];
	[tilespmem:s0+$0x30] =	vst v3;
	v2 =	vadd.s32 v0, v2  }
.Ltmp1:
0x4e: {  	v5 =	vld [tilespmem:s9+$0x20];
	[tilespmem:s0+$0x40] =	vst v2;
	v2 =	vadd.s32 v0, v4;
	(pc) =	sbr.rel @p0 .LBB2_5-.Ltmp1, $4  }
0x4f: {  	v3 =	vld [tilespmem:s9+$0x30];
	[tilespmem:s0+$0x50] =	vst v2;
	v4 =	vadd.s32 v0, v6  }
0x50: {  	v2 =	vld [tilespmem:s9+$0x40];
	[tilespmem:s0+$0x60] =	vst v4;
	v6 =	vadd.s32 v0, v7  }
0x51: {  	v7 =	vadd.s32 v0, v8;
	v4 =	vld [tilespmem:s9+$0x50];
	[tilespmem:s0+$0x70] =	vst v6;
	s0 =	smov.u32 s9  }
0x52: {  	s8 =	sadd.s32 $0x200, s8;
	[tilespmem:s0+$0x0] =	vst v7;
	v7 =	vadd.s32 v0, v9;
	v6 =	vld [tilespmem:s0+$0x60]  }
0x53: {  	[tilespmem:s0+$0x10] =	vst v7;
	v5 =	vadd.s32 v0, v5;
	v63 =	vld [tilespmem:s0+$0x70]  }
0x54: {  	[tilespmem:s0+$0x20] =	vst v5;
	v3 =	vadd.s32 v0, v3  }
0x55: {  	[tilespmem:s0+$0x30] =	vst v3;
	v2 =	vadd.s32 v0, v2  }
0x56: {  	[tilespmem:s0+$0x40] =	vst v2;
	v2 =	vadd.s32 v0, v4  }
0x57: {  	[tilespmem:s0+$0x50] =	vst v2;
	v2 =	vadd.s32 v0, v6  }
0x58: {  	[tilespmem:s0+$0x60] =	vst v2;
	v2 =	vadd.s32 v0, v63  }
0x59: {  	s8 =	simm.s32 $0x0;
	[tilespmem:s0+$0x70] =	vst v2  }
0x5a: {  	[tilespmem:s15], [sflag:$0x1] =	stream.indirect.gather [hbm4b:s6+s18], $0x80, s8, s18, $0xb8;
	[tilespmem:$0x1E000] =	vst v63  }
0x5b: {  	_ = 	snop  }
0x5c: {  	[tilespmem:s19], [sflag:$0x2] =	stream.indirect.gather [hbm4b:s6+s18], $0x80, s18, s18, $0xb8;
	[tilespmem:$0x1E000] =	vst v63  }
0x5d: {  	_ =	swait.ge [sflag:s20], $0x4000  }
0x5e: {  	[sflag:s20] =	ssyncset.done $0x0  }
0x5f: {  	s9 =	simm.s32 $0x1000;
	[sflag:s20] =	ssyncadd.s32 $0xFFFFC000  }
0x60: {  	[spmem:s3] =	stream.indirect.scatter.add.f32 [tilespmem:s15], [sflag:$0x3], $0x80, s9, s18, $0xb8;
	[tilespmem:$0x1E000] =	vst v63  }
0x61: {  	_ =	swait.ge [sflag:s21], $0x4000  }
0x62: {  	[sflag:s21] =	ssyncset.done $0x0  }
0x63: {  	s8 =	simm.s32 $0x1080;
	[sflag:s21] =	ssyncadd.s32 $0xFFFFC000  }
0x64: {  	[spmem:s3] =	stream.indirect.scatter.add.f32 [tilespmem:s19], [sflag:$0x4], $0x80, s8, s18, $0xb8;
	[tilespmem:$0x1E000] =	vst v63  }
0x65: {  	_ =	swait.ge [sflag:s22], $0x4000  }
0x66: {  	[sflag:s22] =	ssyncset.done $0x0  }
0x67: {  	s9 =	simm.s32 $0x100;
	[sflag:s22] =	ssyncadd.s32 $0xFFFFC000  }
0x68: {  	[tilespmem:s15], [sflag:$0x1] =	stream.indirect.gather [hbm4b:s6+s18], $0x80, s9, s18, $0xb8;
	[tilespmem:$0x1E000] =	vst v63  }
0x69: {  	_ =	swait.ge [sflag:s23], $0x4000  }
0x6a: {  	[sflag:s23] =	ssyncset.done $0x0  }
0x6b: {  	s0 =	simm.s32 $0x400;
	s8 =	simm.s32 $0x180;
	[sflag:s23] =	ssyncadd.s32 $0xFFFFC000  }
.LBB2_7:
0x6c: {  	[tilespmem:s19], [sflag:$0x2] =	stream.indirect.gather [hbm4b:s6+s18], $0x80, s8, s18, $0xb8;
	[tilespmem:$0x1E000] =	vst v63  }
0x6d: {  	s8 =	smov.u32 s0  }
0x6e: {  	p0 =	sne.s32 s0, $0x3400;
	s0 =	sadd.s32 $0x400, s0;
	_ =	swait.ge [sflag:s20], $0x4000  }
0x6f: {  	s8 =	sshra.s32 s8, $0x2;
	[sflag:s20] =	ssyncset.done $0x0  }
0x70: {  	s9 =	sadd.s32 $0x1000, s8;
	[sflag:s20] =	ssyncadd.s32 $0xFFFFC000  }
0x71: {  	[spmem:s3] =	stream.indirect.scatter.add.f32 [tilespmem:s15], [sflag:$0x3], $0x80, s9, s18, $0xb8;
	[tilespmem:$0x1E000] =	vst v63  }
0x72: {  	_ =	swait.ge [sflag:s21], $0x4000  }
0x73: {  	[sflag:s21] =	ssyncset.done $0x0  }
0x74: {  	s9 =	sadd.s32 $0x1080, s8;
	[sflag:s21] =	ssyncadd.s32 $0xFFFFC000  }
0x75: {  	[spmem:s3] =	stream.indirect.scatter.add.f32 [tilespmem:s19], [sflag:$0x4], $0x80, s9, s18, $0xb8;
	[tilespmem:$0x1E000] =	vst v63  }
0x76: {  	_ =	swait.ge [sflag:s22], $0x4000  }
0x77: {  	[sflag:s22] =	ssyncset.done $0x0  }
.Ltmp2:
0x78: {  	s9 =	sadd.s32 $0x100, s8;
	[sflag:s22] =	ssyncadd.s32 $0xFFFFC000;
	(pc) =	sbr.rel @p0 .LBB2_7-.Ltmp2, $4  }
0x79: {  	[tilespmem:s15], [sflag:$0x1] =	stream.indirect.gather [hbm4b:s6+s18], $0x80, s9, s18, $0xb8;
	[tilespmem:$0x1E000] =	vst v63  }
0x7a: {  	_ =	swait.ge [sflag:s23], $0x4000  }
0x7b: {  	[sflag:s23] =	ssyncset.done $0x0  }
0x7c: {  	s8 =	sadd.s32 $0x180, s8;
	[sflag:s23] =	ssyncadd.s32 $0xFFFFC000  }
0x7d: {  	[tilespmem:s19], [sflag:$0x2] =	stream.indirect.gather [hbm4b:s6+s18], $0x80, s8, s18, $0xb8;
	[tilespmem:$0x1E000] =	vst v63  }
0x7e: {  	_ =	swait.ge [sflag:s20], $0x4000  }
0x7f: {  	[sflag:s20] =	ssyncset.done $0x0  }
0x80: {  	[sflag:s20] =	ssyncadd.s32 $0xFFFFC000  }
0x81: {  	[spmem:s3] =	stream.indirect.scatter.add.f32 [tilespmem:s15], [sflag:$0x3], $0x80, s24, s18, $0xb8;
	[tilespmem:$0x1E000] =	vst v63  }
0x82: {  	_ =	swait.ge [sflag:s21], $0x4000  }
0x83: {  	[sflag:s21] =	ssyncset.done $0x0  }
0x84: {  	[sflag:s21] =	ssyncadd.s32 $0xFFFFC000  }
0x85: {  	[spmem:s3] =	stream.indirect.scatter.add.f32 [tilespmem:s19], [sflag:$0x4], $0x80, s25, s18, $0xb8;
	[tilespmem:$0x1E000] =	vst v63  }
0x86: {  	_ =	swait.ge [sflag:s22], $0x4000  }
0x87: {  	[sflag:s22] =	ssyncset.done $0x0  }
0x88: {  	[sflag:s22] =	ssyncadd.s32 $0xFFFFC000  }
0x89: {  	[tilespmem:s15], [sflag:$0x1] =	stream.indirect.gather [hbm4b:s6+s18], $0x80, s26, s18, $0xb8;
	[tilespmem:$0x1E000] =	vst v63  }
0x8a: {  	_ =	swait.ge [sflag:s23], $0x4000  }
0x8b: {  	[sflag:s23] =	ssyncset.done $0x0  }
0x8c: {  	[sflag:s23] =	ssyncadd.s32 $0xFFFFC000  }
0x8d: {  	[tilespmem:s19], [sflag:$0x2] =	stream.indirect.gather [hbm4b:s6+s18], $0x80, s28, s18, $0xb8;
	[tilespmem:$0x1E000] =	vst v63  }
0x8e: {  	_ =	swait.ge [sflag:s20], $0x4000  }
0x8f: {  	[sflag:s20] =	ssyncset.done $0x0  }
0x90: {  	[sflag:s20] =	ssyncadd.s32 $0xFFFFC000  }
0x91: {  	[spmem:s3] =	stream.indirect.scatter.add.f32 [tilespmem:s15], [sflag:$0x3], $0x80, s29, s18, $0xb8;
	[tilespmem:$0x1E000] =	vst v63  }
0x92: {  	_ =	swait.ge [sflag:s21], $0x4000  }
0x93: {  	[sflag:s21] =	ssyncset.done $0x0  }
0x94: {  	[sflag:s21] =	ssyncadd.s32 $0xFFFFC000  }
0x95: {  	[spmem:s3] =	stream.indirect.scatter.add.f32 [tilespmem:s19], [sflag:$0x4], $0x80, s30, s18, $0xb8;
	[tilespmem:$0x1E000] =	vst v63  }
0x96: {  	_ =	swait.ge [sflag:s22], $0x4000  }
0x97: {  	[sflag:s22] =	ssyncset.done $0x0  }
0x98: {  	[sflag:s22] =	ssyncadd.s32 $0xFFFFC000  }
0x99: {  	[tilespmem:s15], [sflag:$0x1] =	stream.indirect.gather [hbm4b:s6+s18], $0x80, s28, s18, $0xb8;
	[tilespmem:$0x1E000] =	vst v63  }
0x9a: {  	_ =	swait.ge [sflag:s23], $0x4000  }
0x9b: {  	[sflag:s23] =	ssyncset.done $0x0  }
0x9c: {  	s1 =	sadd.s32 $0x1, s1;
	[sflag:s23] =	ssyncadd.s32 $0xFFFFC000  }
0x9d: {  	[tilespmem:s19], [sflag:$0x2] =	stream.indirect.gather [hbm4b:s6+s18], $0x80, s28, s18, $0xb8;
	[tilespmem:$0x1E000] =	vst v63  }
0x9e: {  	p0 =	sne.s32 s1, $0x5;
	_ =	swait.ge [sflag:s20], $0x4000  }
.Ltmp3:
0x9f: {  	[sflag:s20] =	ssyncset.done $0x0;
	(pc) =	sbr.rel @p0 .LBB2_4-.Ltmp3, $4  }
0xa0: {  	[sflag:s20] =	ssyncadd.s32 $0xFFFFC000  }
0xa1: {  	_ =	swait.ge [sflag:s21], $0x4000  }
0xa2: {  	[sflag:s21] =	ssyncset.done $0x0  }
0xa3: {  	[sflag:s21] =	ssyncadd.s32 $0xFFFFC000  }
0xa4: {  	s0 =	stileid.u32;
	s4 =	sadd.s32 $0x1, s4  }
0xa5: {  	[bflag:$0x0] =	sbarrier.arrive $0xFFFF;
	s0 =	sshll.u32 s0, $0x6;
	p0 =	sne.s32 s4, s14  }
.Ltmp4:
0xa6: {  	s1 =	sshrl.u32 s7, $0x3;
	s0 =	sor.u32 $0x1C05, s0;
	(pc) =	sbr.rel @p0 .LBB2_1-.Ltmp4, $4  }
0xa7: {  	[hbm:s13], [sflag:s0] =	dma.local [spmem:s1], $0x2800  }
0xa8: {  	_ =	swait.ge [sflag:s16], $0x2800  }
0xa9: {  	[sflag:s16] =	ssyncset.done $0x0  }
0xaa: {  	[sflag:s16] =	ssyncadd.s32 $0xFFFFD800  }
0xab: {  	_ =	sfence.sel $0x180000  }
0xac: {  	[bflag:$0x0] =	sbarrier.arrive $0xFFFF  }
0xad: {  	_ =	strace $0x90000050  }
0xae: {  	s0 =	stileid.u32;
	[bflag:$0x2] =	sbarrier.arrive $0xFFFF  }
0xaf: {  	p0 =	sne.s32 s0, $0x0;
	s0 =	rddreg [dreg:$0x3]  }
0xb0: {  	s0 =	sadd.s32 @!p0 $0x100000, s0  }
0xb1: {  	[sflag:s0] =	ssyncadd.tile.s32 @!p0 $0x1;
	_ =	shalt  }
.Lfunc_end2:
_tile_overlayer_lowered:
.L_overlay_start_2:
0xb2: {  	(tag) =	ssettag $0x2  }
0xb3: {  	s0 =	rddreg [dreg:$0x0];
	s2 =	stileid.u32  }
0xb4: {  	s1 =	rddreg [dreg:$0x1];
	p0 =	sne.s32 s2, $0x0  }
0xb5: {  	s3 =	rddreg [dreg:$0x2];
	[bflag:$0x3] =	sbarrier.arrive $0xFFFF;
	s2 =	simm.s32 @!p0 $0x1C05  }
0xb6: {  	[timem:s3], [sflag:s2] =	dma.local @!p0 [hbm:s0], s1  }
0xb7: {  	s0 =	simm.s32 @!p0 $0x5  }
0xb8: {  	_ =	swait.ge @!p0 [sflag:s0], s1  }
0xb9: {  	s1 =	ssub.s32 @!p0 $0x0, s1;
	[sflag:s0] =	ssyncset.done @!p0 $0x0  }
0xba: {  	[sflag:s0] =	ssyncadd.s32 @!p0 s1  }
0xbb: {  	[bflag:$0x3] =	sbarrier.arrive $0xFFFF  }
0xbc: {  	_ =	shalt  }

</sc_bundles>
